<compile_context>
chip_gen: v7x
topology: tpu7x:2x2x1
jax: 0.10.2.dev20260603
libtpu: 0.0.44.dev20260713+nightly
codegen_flags: <defaults>
</compile_context>

<pallas_src>
import functools

import jax
import jax.numpy as jnp
from jax import lax
from jax.experimental import pallas as pl
from jax.experimental.pallas import tpu as pltpu
from jax.experimental.pallas import tpu_sc as plsc

_N = 10000
_D = 128
_E = 320000
_EPS = 1e-5

_NC = 2
_NS = 16
_NW = _NC * _NS
_EPT = _E // _NW
_CH = 125
_NCHUNK = _EPT // _CH
_NPASS = 10
_CPP = _NCHUNK // _NPASS
_RPT = 624
_TAIL0 = _RPT * _NS
_TAILN = _N - _TAIL0

_mesh = plsc.VectorSubcoreMesh(core_axis_name="c", subcore_axis_name="s")


def _init_zero(z_hbm, dst_s, s):
  row0 = s * _RPT
  pltpu.sync_copy(z_hbm.at[pl.ds(row0, _RPT)], dst_s.at[pl.ds(row0, _RPT)])

  @pl.when(s == _NS - 1)
  def _():
    pltpu.sync_copy(z_hbm.at[pl.ds(_TAIL0, _TAILN)],
                    dst_s.at[pl.ds(_TAIL0, _TAILN)])


def _write_out(src_s, out_hbm, c, s):
  row0 = s * _RPT
  pltpu.sync_copy(src_s.at[pl.ds(row0, _RPT)],
                  out_hbm.at[c, pl.ds(row0, _RPT)])

  @pl.when(s == _NS - 1)
  def _():
    pltpu.sync_copy(src_s.at[pl.ds(_TAIL0, _TAILN)],
                    out_hbm.at[c, pl.ds(_TAIL0, _TAILN)])


@functools.partial(
    pl.kernel,
    out_type=(jax.ShapeDtypeStruct((_NC, _N, _D), jnp.float32),),
    mesh=_mesh,
    scratch_types=[
        pltpu.VMEM((2 * _CPP, _CH), jnp.int32),
        pltpu.VMEM((2 * _CPP, _CH), jnp.int32),
        pltpu.VMEM((_CH, _D), jnp.float32),
        pltpu.VMEM((_CH, _D), jnp.float32),
        pltpu.VMEM_SHARED((_N, _D), jnp.float32),
        pltpu.SemaphoreType.DMA,
        pltpu.SemaphoreType.DMA,
        pltpu.SemaphoreType.DMA,
        pltpu.SemaphoreType.DMA,
        pltpu.SemaphoreType.DMA,
        pltpu.SemaphoreType.DMA,
    ],
)
def _sc_agg(ei_hbm, x_hbm, z_hbm, agg_out,
            idx_a, idx_b, rows_a, rows_b, agg_s,
            sem_ga, sem_gb, sem_sa, sem_sb, sem_ia, sem_ib):
  c = lax.axis_index("c")
  s = lax.axis_index("s")
  wid = c * _NS + s
  _init_zero(z_hbm, agg_s, s)

  bufs = ((rows_a, sem_ga, sem_sa), (rows_b, sem_gb, sem_sb))

  def ring(idx_ref):
    gd = {0: pltpu.async_copy(x_hbm.at[idx_ref.at[0]], rows_a, sem_ga)}
    sd = {}
    for k in range(_CPP):
      buf, _, ssem = bufs[k % 2]
      nbuf, gsem_n, _ = bufs[(k + 1) % 2]
      if k + 1 < _CPP:
        if k - 1 >= 0:
          sd[k - 1].wait()
        gd[k + 1] = pltpu.async_copy(
            x_hbm.at[idx_ref.at[2 * (k + 1)]], nbuf, gsem_n)
      gd[k].wait()
      sd[k] = pltpu.async_copy(
          buf, agg_s.at[idx_ref.at[2 * k + 1]], ssem, add=True)
    sd[_CPP - 2].wait()
    sd[_CPP - 1].wait()

  pltpu.sync_copy(ei_hbm.at[wid, pl.ds(0, 2 * _CPP)], idx_a)
  plsc.subcore_barrier()

  def dbl_pass(q, carry):
    off_b = pl.multiple_of((2 * q + 1) * (2 * _CPP), 2 * _CPP)
    pfb = pltpu.async_copy(ei_hbm.at[wid, pl.ds(off_b, 2 * _CPP)],
                           idx_b, sem_ib)
    ring(idx_a)
    pfb.wait()
    off_a = pl.multiple_of(
        jnp.minimum(2 * q + 2, _NPASS - 1) * (2 * _CPP), 2 * _CPP)
    pfa = pltpu.async_copy(ei_hbm.at[wid, pl.ds(off_a, 2 * _CPP)],
                           idx_a, sem_ia)
    ring(idx_b)
    pfa.wait()
    return carry

  lax.fori_loop(0, _NPASS // 2, dbl_pass, 0)
  plsc.subcore_barrier()
  _write_out(agg_s, agg_out, c, s)


@functools.partial(
    pl.kernel,
    out_type=(jax.ShapeDtypeStruct((_NC, _N, _D), jnp.float32),),
    mesh=_mesh,
    scratch_types=[
        pltpu.VMEM((_CPP, _CH), jnp.int32),
        pltpu.VMEM((_CPP, _CH), jnp.int32),
        pltpu.VMEM((_CH, _D), jnp.float32),
        pltpu.VMEM_SHARED((_N, _D), jnp.float32),
        pltpu.SemaphoreType.DMA,
        pltpu.SemaphoreType.DMA,
        pltpu.SemaphoreType.DMA,
    ],
)
def _sc_deg(dst_hbm, z_hbm, ones_hbm, deg_out,
            dst_a, dst_b, ones_v, deg_s, sem, sem_ia, sem_ib):
  c = lax.axis_index("c")
  s = lax.axis_index("s")
  wid = c * _NS + s
  _init_zero(z_hbm, deg_s, s)
  pltpu.sync_copy(ones_hbm, ones_v)

  def burst(dst_ref):
    sd = [pltpu.async_copy(ones_v, deg_s.at[dst_ref.at[j]], sem, add=True)
          for j in range(_CPP)]
    for d in sd:
      d.wait()

  pltpu.sync_copy(dst_hbm.at[wid, pl.ds(0, _CPP)], dst_a)
  plsc.subcore_barrier()

  def dbl_pass(q, carry):
    off_b = pl.multiple_of((2 * q + 1) * _CPP, _CPP)
    pfb = pltpu.async_copy(dst_hbm.at[wid, pl.ds(off_b, _CPP)], dst_b, sem_ib)
    burst(dst_a)
    pfb.wait()
    off_a = pl.multiple_of(
        jnp.minimum(2 * q + 2, _NPASS - 1) * _CPP, _CPP)
    pfa = pltpu.async_copy(dst_hbm.at[wid, pl.ds(off_a, _CPP)], dst_a, sem_ia)
    burst(dst_b)
    pfa.wait()
    return carry

  lax.fori_loop(0, _NPASS // 2, dbl_pass, 0)
  plsc.subcore_barrier()
  _write_out(deg_s, deg_out, c, s)


_NB = 2
_BR = _N // _NB


def _mm2(a, wa, b, wb, bias):
  return (jnp.dot(a, wa, preferred_element_type=jnp.float32)
          + jnp.dot(b, wb, preferred_element_type=jnp.float32)
          + bias)


def _mean_agg(agg_ref, deg_ref):
  agg = agg_ref[0] + agg_ref[1]
  deg = deg_ref[0][:, 0] + deg_ref[1][:, 0]
  return agg / jnp.clip(deg, 1.0, None)[:, None]


def _tc1_body(agg_ref, deg_ref, x_ref, wl_ref, wr_ref, b_ref, g_ref,
              beta_ref, h_ref, hpre_s, sum_s, sq_s):
  i = pl.program_id(0)

  @pl.when(i < _NB)
  def _():
    mean = _mean_agg(agg_ref, deg_ref)
    h = _mm2(mean, wl_ref[...], x_ref[...], wr_ref[...], b_ref[...])
    hpre_s[i] = h

    @pl.when(i == 0)
    def _():
      sum_s[...] = jnp.zeros_like(sum_s)
      sq_s[...] = jnp.zeros_like(sq_s)

    sum_s[0, :] += jnp.sum(h, axis=0)
    sq_s[0, :] += jnp.sum(jnp.square(h), axis=0)

  @pl.when(i >= _NB)
  def _():
    mu = sum_s[0, :] * (1.0 / _N)
    var = sq_s[0, :] * (1.0 / _N) - jnp.square(mu)
    scale = g_ref[...] * lax.rsqrt(var + _EPS)
    hp = hpre_s[i - _NB]
    h_ref[...] = jnp.maximum((hp - mu) * scale + beta_ref[...], 0.0)


def _tc2_body(agg_ref, deg_ref, h_ref, wl_ref, wr_ref, b_ref, out_ref):
  mean = _mean_agg(agg_ref, deg_ref)
  out_ref[...] = _mm2(mean, wl_ref[...], h_ref[...], wr_ref[...], b_ref[...])


def _phase1_blk(i):
  return (jnp.where(i < _NB, i, 0), 0)


_blk_agg1 = pl.BlockSpec((_NC, _BR, _D), lambda i: (0,) + _phase1_blk(i))
_blk_row1 = pl.BlockSpec((_BR, _D), _phase1_blk)
_blk_vec1 = pl.BlockSpec((_D,), lambda i: (0,))
_blk_mat1 = pl.BlockSpec((_D, _D), lambda i: (0, 0))
_blk_out1 = pl.BlockSpec((_BR, _D), lambda i: (jnp.where(i < _NB, 0, i - _NB), 0))

_tc1 = pl.pallas_call(
    _tc1_body,
    grid=(2 * _NB,),
    in_specs=[_blk_agg1, _blk_agg1, _blk_row1, _blk_mat1, _blk_mat1,
              _blk_vec1, _blk_vec1, _blk_vec1],
    out_specs=_blk_out1,
    out_shape=jax.ShapeDtypeStruct((_N, _D), jnp.float32),
    scratch_shapes=[pltpu.VMEM((_NB, _BR, _D), jnp.float32),
                    pltpu.VMEM((1, _D), jnp.float32),
                    pltpu.VMEM((1, _D), jnp.float32)])

_blk_agg = pl.BlockSpec((_NC, _BR, _D), lambda i: (0, i, 0))
_blk_row = pl.BlockSpec((_BR, _D), lambda i: (i, 0))
_blk_vec = pl.BlockSpec((_D,), lambda i: (0,))
_blk_mat = pl.BlockSpec((_D, _D), lambda i: (0, 0))

_tc2 = pl.pallas_call(
    _tc2_body,
    grid=(_NB,),
    in_specs=[_blk_agg, _blk_agg, _blk_row, _blk_mat, _blk_mat, _blk_vec],
    out_specs=_blk_row,
    out_shape=jax.ShapeDtypeStruct((_N, _D), jnp.float32))


def kernel(x, edge_index, W1_l, W1_r, b1, gamma, beta, W2_l, W2_r, b2):
  src = edge_index[0].astype(jnp.int32).reshape(_NW, _NCHUNK, _CH)
  dst = edge_index[1].astype(jnp.int32).reshape(_NW, _NCHUNK, _CH)
  ei = jnp.stack([src, dst], axis=2).reshape(_NW, 2 * _NCHUNK, _CH)
  z = jnp.zeros((_N, _D), jnp.float32)
  ones = jnp.ones((_CH, _D), jnp.float32)

  (deg,) = _sc_deg(dst, z, ones)
  (agg1,) = _sc_agg(ei, x, z)
  h = _tc1(agg1, deg, x, W1_l, W1_r, b1, gamma, beta)
  (agg2,) = _sc_agg(ei, h, z)
  out = _tc2(agg2, deg, h, W2_l, W2_r, b2)
  return out

# --- scband reference (transcript-rebuilt; emitter-appended) ---
"""Pipeline reference for scband-graph-sage-80676665688558 (READ-ONLY COPY).

The authoritative reference and input builder live on the scoring server;
editing this copy changes nothing except your own understanding.
"""

import jax, jax.numpy as jnp
import numpy as np

N_NODES = 10000
D_IN = 128
D_HID = 128
D_OUT = 128
N_EDGES = 320000
EPS = 1e-5


def sage_conv(x, edge_index, W_l, W_r, b, num_nodes):
    src = edge_index[0]
    dst = edge_index[1]
    msgs = jnp.take(x, src, axis=0)
    agg = jax.ops.segment_sum(msgs, dst, num_segments=num_nodes)
    deg = jax.ops.segment_sum(jnp.ones((msgs.shape[0],), dtype=x.dtype), dst, num_segments=num_nodes)
    mean = agg / jnp.clip(deg, 1.0, None)[:, None]
    return mean @ W_l + x @ W_r + b


def setup_inputs(seed: int = 0) -> dict:
    key = jax.random.key(seed)
    ks = jax.random.split(key, 10)
    x = jax.random.normal(ks[0], (N_NODES, D_IN), dtype=jnp.float32)
    edge_index = jax.random.randint(ks[1], (2, N_EDGES), 0, N_NODES, dtype=jnp.int64)
    s1 = 1.0 / np.sqrt(D_IN)
    s2 = 1.0 / np.sqrt(D_HID)
    W1_l = jax.random.uniform(ks[2], (D_IN, D_HID), minval=-s1, maxval=s1, dtype=jnp.float32)
    W1_r = jax.random.uniform(ks[3], (D_IN, D_HID), minval=-s1, maxval=s1, dtype=jnp.float32)
    b1 = jnp.zeros((D_HID,), dtype=jnp.float32)
    gamma = jnp.ones((D_HID,), dtype=jnp.float32)
    beta = jnp.zeros((D_HID,), dtype=jnp.float32)
    W2_l = jax.random.uniform(ks[4], (D_HID, D_OUT), minval=-s2, maxval=s2, dtype=jnp.float32)
    W2_r = jax.random.uniform(ks[5], (D_HID, D_OUT), minval=-s2, maxval=s2, dtype=jnp.float32)
    b2 = jnp.zeros((D_OUT,), dtype=jnp.float32)
    return {"x": x, "edge_index": edge_index, "W1_l": W1_l, "W1_r": W1_r, "b1": b1,
            "gamma": gamma, "beta": beta, "W2_l": W2_l, "W2_r": W2_r, "b2": b2}


def reference(x, edge_index, W1_l, W1_r, b1, gamma, beta, W2_l, W2_r, b2):
    h = sage_conv(x, edge_index, W1_l, W1_r, b1, N_NODES)
    mu = jnp.mean(h, axis=0)
    var = jnp.var(h, axis=0)
    h = gamma * (h - mu) / jnp.sqrt(var + EPS) + beta
    h = jax.nn.relu(h)
    # dropout is identity in eval mode
    out = sage_conv(h, edge_index, W2_l, W2_r, b2, N_NODES)
    return out

if __name__ == "__main__":
    import jax
    _d = setup_inputs()
    print(jax.jit(kernel)(*tuple(_d.values())))

</pallas_src>

<mosaic_0001>
#map = affine_map<(d0, d1) -> (0, 0, 0)>
#map1 = affine_map<(d0, d1) -> (0, 0)>
module attributes {stable_mosaic.version = 14 : i64} {
  func.func @_sc_agg(%arg0: i32, %arg1: i32, %arg2: memref<32x160x125xi32, #tpu.memory_space<hbm>>, %arg3: memref<10000x128xf32, #tpu.memory_space<hbm>>, %arg4: memref<10000x128xf32, #tpu.memory_space<hbm>>, %arg5: memref<2x10000x128xf32, #tpu.memory_space<hbm>>, %arg6: memref<16x125xi32, #tpu.memory_space<vmem>>, %arg7: memref<16x125xi32, #tpu.memory_space<vmem>>, %arg8: memref<125x128xf32, #tpu.memory_space<vmem>>, %arg9: memref<125x128xf32, #tpu.memory_space<vmem>>, %arg10: memref<10000x128xf32, #tpu.memory_space<vmem_shared>>, %arg11: memref<!tpu.dma_semaphore, #tpu.memory_space<semaphore_mem>>, %arg12: memref<!tpu.dma_semaphore, #tpu.memory_space<semaphore_mem>>, %arg13: memref<!tpu.dma_semaphore, #tpu.memory_space<semaphore_mem>>, %arg14: memref<!tpu.dma_semaphore, #tpu.memory_space<semaphore_mem>>, %arg15: memref<!tpu.dma_semaphore, #tpu.memory_space<semaphore_mem>>, %arg16: memref<!tpu.dma_semaphore, #tpu.memory_space<semaphore_mem>>) attributes {dimension_semantics = [#tpu.dimension_semantics<core_parallel>, #tpu.dimension_semantics<subcore_parallel>], iteration_bounds = array<i64: 2, 16>, scalar_prefetch = 0 : i64, scratch_operands = 11 : i64, tpu.core_type = #tpu.core_type<sc_vector_subcore>, window_params = [{transform_indices = #map}, {transform_indices = #map1}, {transform_indices = #map1}, {transform_indices = #map}]} {
    %mul3A = arith.constant 16 : i32
    %mul3A_0 = arith.muli %arg0, %mul3A : i32
    %add3A = arith.addi %mul3A_0, %arg1 : i32
    %mul3A_1 = arith.constant 624 : i32
    %mul3A_2 = arith.muli %arg1, %mul3A_1 : i32
    "tpu.region"() ({
      %run_scoped3A = tpu.sem_alloc : memref<!tpu.dma_semaphore, #tpu.memory_space<semaphore_mem>>
      %dma_start3A = arith.constant 0 : i32
      %dma_start3A_18 = tpu.memref_slice %arg10[%mul3A_2, %dma_start3A] : memref<10000x128xf32, #tpu.memory_space<vmem_shared>> -> memref<624x128xf32, #tpu.memory_space<vmem_shared>>
      %dma_start3A_19 = arith.constant 0 : i32
      %dma_start3A_20 = tpu.memref_slice %arg4[%mul3A_2, %dma_start3A_19] : memref<10000x128xf32, #tpu.memory_space<hbm>> -> memref<624x128xf32, #tpu.memory_space<hbm>>
      tpu.enqueue_dma source(%dma_start3A_20 : memref<624x128xf32, #tpu.memory_space<hbm>>) target(%dma_start3A_18 : memref<624x128xf32, #tpu.memory_space<vmem_shared>>) target_semaphore(%run_scoped3A : memref<!tpu.dma_semaphore, #tpu.memory_space<semaphore_mem>>)
      %dma_wait3A = arith.constant 0 : i32
      %dma_wait3A_21 = tpu.memref_slice %arg10[%mul3A_2, %dma_wait3A] : memref<10000x128xf32, #tpu.memory_space<vmem_shared>> -> memref<624x128xf32, #tpu.memory_space<vmem_shared>>
      %dma_wait3A_22 = arith.constant 0 : i32
      %dma_wait3A_23 = tpu.memref_slice %arg4[%mul3A_2, %dma_wait3A_22] : memref<10000x128xf32, #tpu.memory_space<hbm>> -> memref<624x128xf32, #tpu.memory_space<hbm>>
      tpu.wait_dma2 semaphore(%run_scoped3A : memref<!tpu.dma_semaphore, #tpu.memory_space<semaphore_mem>>) src(%dma_wait3A_23 : memref<624x128xf32, #tpu.memory_space<hbm>>) dst(%dma_wait3A_21 : memref<624x128xf32, #tpu.memory_space<vmem_shared>>)
      tpu.yield
    }) : () -> ()
    %eq3A = arith.constant 15 : i32
    %eq3A_3 = arith.cmpi eq, %arg1, %eq3A : i32
    %convert_element_type3A = arith.extui %eq3A_3 : i1 to i32
    %cond3A = arith.constant 0 : i32
    %cond3A_4 = arith.cmpi ne, %convert_element_type3A, %cond3A : i32
    scf.if %cond3A_4 {
      "tpu.region"() ({
        %run_scoped3A = tpu.sem_alloc : memref<!tpu.dma_semaphore, #tpu.memory_space<semaphore_mem>>
        %dma_start3A = arith.constant 9984 : i32
        %dma_start3A_18 = arith.constant 0 : i32
        %dma_start3A_19 = tpu.memref_slice %arg10[%dma_start3A, %dma_start3A_18] : memref<10000x128xf32, #tpu.memory_space<vmem_shared>> -> memref<16x128xf32, #tpu.memory_space<vmem_shared>>
        %dma_start3A_20 = arith.constant 9984 : i32
        %dma_start3A_21 = arith.constant 0 : i32
        %dma_start3A_22 = tpu.memref_slice %arg4[%dma_start3A_20, %dma_start3A_21] : memref<10000x128xf32, #tpu.memory_space<hbm>> -> memref<16x128xf32, #tpu.memory_space<hbm>>
        tpu.enqueue_dma source(%dma_start3A_22 : memref<16x128xf32, #tpu.memory_space<hbm>>) target(%dma_start3A_19 : memref<16x128xf32, #tpu.memory_space<vmem_shared>>) target_semaphore(%run_scoped3A : memref<!tpu.dma_semaphore, #tpu.memory_space<semaphore_mem>>)
        %dma_wait3A = arith.constant 9984 : i32
        %dma_wait3A_23 = arith.constant 0 : i32
        %dma_wait3A_24 = tpu.memref_slice %arg10[%dma_wait3A, %dma_wait3A_23] : memref<10000x128xf32, #tpu.memory_space<vmem_shared>> -> memref<16x128xf32, #tpu.memory_space<vmem_shared>>
        %dma_wait3A_25 = arith.constant 9984 : i32
        %dma_wait3A_26 = arith.constant 0 : i32
        %dma_wait3A_27 = tpu.memref_slice %arg4[%dma_wait3A_25, %dma_wait3A_26] : memref<10000x128xf32, #tpu.memory_space<hbm>> -> memref<16x128xf32, #tpu.memory_space<hbm>>
        tpu.wait_dma2 semaphore(%run_scoped3A : memref<!tpu.dma_semaphore, #tpu.memory_space<semaphore_mem>>) src(%dma_wait3A_27 : memref<16x128xf32, #tpu.memory_space<hbm>>) dst(%dma_wait3A_24 : memref<16x128xf32, #tpu.memory_space<vmem_shared>>)
        tpu.yield
      }) : () -> ()
    } else {
    }
    "tpu.region"() ({
      %run_scoped3A = tpu.sem_alloc : memref<!tpu.dma_semaphore, #tpu.memory_space<semaphore_mem>>
      %dma_start3A = arith.constant 0 : i32
      %dma_start3A_18 = arith.constant 0 : i32
      %dma_start3A_19 = tpu.memref_slice %arg2[%add3A, %dma_start3A, %dma_start3A_18] : memref<32x160x125xi32, #tpu.memory_space<hbm>> -> memref<1x16x125xi32, #tpu.memory_space<hbm>>
      %dma_start3A_20 = tpu.memref_squeeze %dma_start3A_19 : memref<1x16x125xi32, #tpu.memory_space<hbm>> -> memref<16x125xi32, #tpu.memory_space<hbm>>
      %dma_start3A_21 = arith.constant 0 : i32
      %dma_start3A_22 = arith.constant 0 : i32
      %dma_start3A_23 = tpu.memref_slice %arg2[%add3A, %dma_start3A_21, %dma_start3A_22] : memref<32x160x125xi32, #tpu.memory_space<hbm>> -> memref<1x16x125xi32, #tpu.memory_space<hbm>>
      %dma_start3A_24 = tpu.memref_squeeze %dma_start3A_23 : memref<1x16x125xi32, #tpu.memory_space<hbm>> -> memref<16x125xi32, #tpu.memory_space<hbm>>
      tpu.enqueue_dma source(%dma_start3A_24 : memref<16x125xi32, #tpu.memory_space<hbm>>) target(%arg6 : memref<16x125xi32, #tpu.memory_space<vmem>>) target_semaphore(%run_scoped3A : memref<!tpu.dma_semaphore, #tpu.memory_space<semaphore_mem>>)
      %dma_wait3A = arith.constant 0 : i32
      %dma_wait3A_25 = arith.constant 0 : i32
      %dma_wait3A_26 = tpu.memref_slice %arg2[%add3A, %dma_wait3A, %dma_wait3A_25] : memref<32x160x125xi32, #tpu.memory_space<hbm>> -> memref<1x16x125xi32, #tpu.memory_space<hbm>>
      %dma_wait3A_27 = tpu.memref_squeeze %dma_wait3A_26 : memref<1x16x125xi32, #tpu.memory_space<hbm>> -> memref<16x125xi32, #tpu.memory_space<hbm>>
      %dma_wait3A_28 = arith.constant 0 : i32
      %dma_wait3A_29 = arith.constant 0 : i32
      %dma_wait3A_30 = tpu.memref_slice %arg2[%add3A, %dma_wait3A_28, %dma_wait3A_29] : memref<32x160x125xi32, #tpu.memory_space<hbm>> -> memref<1x16x125xi32, #tpu.memory_space<hbm>>
      %dma_wait3A_31 = tpu.memref_squeeze %dma_wait3A_30 : memref<1x16x125xi32, #tpu.memory_space<hbm>> -> memref<16x125xi32, #tpu.memory_space<hbm>>
      tpu.wait_dma2 semaphore(%run_scoped3A : memref<!tpu.dma_semaphore, #tpu.memory_space<semaphore_mem>>) src(%dma_wait3A_31 : memref<16x125xi32, #tpu.memory_space<hbm>>) dst(%arg6 : memref<16x125xi32, #tpu.memory_space<vmem>>)
      tpu.yield
    }) : () -> ()
    %barrier3A = arith.constant 0 : index
    tpu.barrier barrier_id(%barrier3A)
    %scan3A = arith.constant 0 : i32
    %scan3A_5 = arith.constant 0 : i32
    %scan3A_6 = arith.constant 5 : i32
    %scan3A_7 = arith.addi %scan3A_5, %scan3A_6 : i32
    %scan3A_8 = arith.constant 1 : i32
    scf.for %scan3A_18 = %scan3A_5 to %scan3A_7 step %scan3A_8  : i32 {
      %mul3A_19 = arith.constant 2 : i32
      %mul3A_20 = arith.muli %mul3A_19, %scan3A_18 : i32
      %add3A_21 = arith.constant 1 : i32
      %add3A_22 = arith.addi %mul3A_20, %add3A_21 : i32
      %mul3A_23 = arith.constant 16 : i32
      %mul3A_24 = arith.muli %add3A_22, %mul3A_23 : i32
      %multiple_of3A = tpu.assume_multiple %mul3A_24, 16 : i32
      %dma_start3A = arith.constant 0 : i32
      %dma_start3A_25 = tpu.memref_slice %arg2[%add3A, %multiple_of3A, %dma_start3A] : memref<32x160x125xi32, #tpu.memory_space<hbm>> -> memref<1x16x125xi32, #tpu.memory_space<hbm>>
      %dma_start3A_26 = tpu.memref_squeeze %dma_start3A_25 : memref<1x16x125xi32, #tpu.memory_space<hbm>> -> memref<16x125xi32, #tpu.memory_space<hbm>>
      %dma_start3A_27 = arith.constant 0 : i32
      %dma_start3A_28 = tpu.memref_slice %arg2[%add3A, %multiple_of3A, %dma_start3A_27] : memref<32x160x125xi32, #tpu.memory_space<hbm>> -> memref<1x16x125xi32, #tpu.memory_space<hbm>>
      %dma_start3A_29 = tpu.memref_squeeze %dma_start3A_28 : memref<1x16x125xi32, #tpu.memory_space<hbm>> -> memref<16x125xi32, #tpu.memory_space<hbm>>
      tpu.enqueue_dma source(%dma_start3A_29 : memref<16x125xi32, #tpu.memory_space<hbm>>) target(%arg7 : memref<16x125xi32, #tpu.memory_space<vmem>>) target_semaphore(%arg16 : memref<!tpu.dma_semaphore, #tpu.memory_space<semaphore_mem>>)
      %dma_start3A_30 = arith.constant 0 : i32
      %dma_start3A_31 = arith.constant 0 : i32
      %dma_start3A_32 = tpu.memref_slice %arg6[%dma_start3A_30, %dma_start3A_31] : memref<16x125xi32, #tpu.memory_space<vmem>> -> memref<1x125xi32, #tpu.memory_space<vmem>>
      %dma_start3A_33 = tpu.memref_squeeze %dma_start3A_32 : memref<1x125xi32, #tpu.memory_space<vmem>> -> memref<125xi32, #tpu.memory_space<vmem>>
      %dma_start3A_34 = arith.constant 0 : i32
      %dma_start3A_35 = arith.constant 0 : i32
      %dma_start3A_36 = tpu.memref_slice %arg3[%dma_start3A_34, %dma_start3A_35] : memref<10000x128xf32, #tpu.memory_space<hbm>> -> memref<10000x128xf32, #tpu.memory_space<hbm>>
      tpu.enqueue_indirect_dma source(%dma_start3A_36 : memref<10000x128xf32, #tpu.memory_space<hbm>>) target(%arg8 : memref<125x128xf32, #tpu.memory_space<vmem>>) offsets(%dma_start3A_33 : memref<125xi32, #tpu.memory_space<vmem>>) semaphore(%arg11 : memref<!tpu.dma_semaphore, #tpu.memory_space<semaphore_mem>>)
      %dma_start3A_37 = arith.constant 2 : i32
      %dma_start3A_38 = arith.constant 0 : i32
      %dma_start3A_39 = tpu.memref_slice %arg6[%dma_start3A_37, %dma_start3A_38] : memref<16x125xi32, #tpu.memory_space<vmem>> -> memref<1x125xi32, #tpu.memory_space<vmem>>
      %dma_start3A_40 = tpu.memref_squeeze %dma_start3A_39 : memref<1x125xi32, #tpu.memory_space<vmem>> -> memref<125xi32, #tpu.memory_space<vmem>>
      %dma_start3A_41 = arith.constant 0 : i32
      %dma_start3A_42 = arith.constant 0 : i32
      %dma_start3A_43 = tpu.memref_slice %arg3[%dma_start3A_41, %dma_start3A_42] : memref<10000x128xf32, #tpu.memory_space<hbm>> -> memref<10000x128xf32, #tpu.memory_space<hbm>>
      tpu.enqueue_indirect_dma source(%dma_start3A_43 : memref<10000x128xf32, #tpu.memory_space<hbm>>) target(%arg9 : memref<125x128xf32, #tpu.memory_space<vmem>>) offsets(%dma_start3A_40 : memref<125xi32, #tpu.memory_space<vmem>>) semaphore(%arg12 : memref<!tpu.dma_semaphore, #tpu.memory_space<semaphore_mem>>)
      %dma_wait3A = arith.constant 0 : i32
      %dma_wait3A_44 = arith.constant 0 : i32
      %dma_wait3A_45 = tpu.memref_slice %arg6[%dma_wait3A, %dma_wait3A_44] : memref<16x125xi32, #tpu.memory_space<vmem>> -> memref<1x125xi32, #tpu.memory_space<vmem>>
      %dma_wait3A_46 = tpu.memref_squeeze %dma_wait3A_45 : memref<1x125xi32, #tpu.memory_space<vmem>> -> memref<125xi32, #tpu.memory_space<vmem>>
      %dma_wait3A_47 = arith.constant 0 : i32
      %dma_wait3A_48 = arith.constant 0 : i32
      %dma_wait3A_49 = tpu.memref_slice %arg3[%dma_wait3A_47, %dma_wait3A_48] : memref<10000x128xf32, #tpu.memory_space<hbm>> -> memref<10000x128xf32, #tpu.memory_space<hbm>>
      tpu.wait_indirect_dma semaphore(%arg11 : memref<!tpu.dma_semaphore, #tpu.memory_space<semaphore_mem>>) src(%dma_wait3A_49 : memref<10000x128xf32, #tpu.memory_space<hbm>>) dst(%arg8 : memref<125x128xf32, #tpu.memory_space<vmem>>)
      %dma_start3A_50 = arith.constant 1 : i32
      %dma_start3A_51 = arith.constant 0 : i32
      %dma_start3A_52 = tpu.memref_slice %arg6[%dma_start3A_50, %dma_start3A_51] : memref<16x125xi32, #tpu.memory_space<vmem>> -> memref<1x125xi32, #tpu.memory_space<vmem>>
      %dma_start3A_53 = tpu.memref_squeeze %dma_start3A_52 : memref<1x125xi32, #tpu.memory_space<vmem>> -> memref<125xi32, #tpu.memory_space<vmem>>
      %dma_start3A_54 = arith.constant 0 : i32
      %dma_start3A_55 = arith.constant 0 : i32
      %dma_start3A_56 = tpu.memref_slice %arg10[%dma_start3A_54, %dma_start3A_55] : memref<10000x128xf32, #tpu.memory_space<vmem_shared>> -> memref<10000x128xf32, #tpu.memory_space<vmem_shared>>
      tpu.enqueue_indirect_dma source(%arg8 : memref<125x128xf32, #tpu.memory_space<vmem>>) target(%dma_start3A_56 : memref<10000x128xf32, #tpu.memory_space<vmem_shared>>) offsets(%dma_start3A_53 : memref<125xi32, #tpu.memory_space<vmem>>) semaphore(%arg13 : memref<!tpu.dma_semaphore, #tpu.memory_space<semaphore_mem>>) {add = true}
      %dma_wait3A_57 = arith.constant 1 : i32
      %dma_wait3A_58 = arith.constant 0 : i32
      %dma_wait3A_59 = tpu.memref_slice %arg6[%dma_wait3A_57, %dma_wait3A_58] : memref<16x125xi32, #tpu.memory_space<vmem>> -> memref<1x125xi32, #tpu.memory_space<vmem>>
      %dma_wait3A_60 = tpu.memref_squeeze %dma_wait3A_59 : memref<1x125xi32, #tpu.memory_space<vmem>> -> memref<125xi32, #tpu.memory_space<vmem>>
      %dma_wait3A_61 = arith.constant 0 : i32
      %dma_wait3A_62 = arith.constant 0 : i32
      %dma_wait3A_63 = tpu.memref_slice %arg10[%dma_wait3A_61, %dma_wait3A_62] : memref<10000x128xf32, #tpu.memory_space<vmem_shared>> -> memref<10000x128xf32, #tpu.memory_space<vmem_shared>>
      tpu.wait_indirect_dma semaphore(%arg13 : memref<!tpu.dma_semaphore, #tpu.memory_space<semaphore_mem>>) src(%arg8 : memref<125x128xf32, #tpu.memory_space<vmem>>) dst(%dma_wait3A_63 : memref<10000x128xf32, #tpu.memory_space<vmem_shared>>)
      %dma_start3A_64 = arith.constant 4 : i32
      %dma_start3A_65 = arith.constant 0 : i32
      %dma_start3A_66 = tpu.memref_slice %arg6[%dma_start3A_64, %dma_start3A_65] : memref<16x125xi32, #tpu.memory_space<vmem>> -> memref<1x125xi32, #tpu.memory_space<vmem>>
      %dma_start3A_67 = tpu.memref_squeeze %dma_start3A_66 : memref<1x125xi32, #tpu.memory_space<vmem>> -> memref<125xi32, #tpu.memory_space<vmem>>
      %dma_start3A_68 = arith.constant 0 : i32
      %dma_start3A_69 = arith.constant 0 : i32
      %dma_start3A_70 = tpu.memref_slice %arg3[%dma_start3A_68, %dma_start3A_69] : memref<10000x128xf32, #tpu.memory_space<hbm>> -> memref<10000x128xf32, #tpu.memory_space<hbm>>
      tpu.enqueue_indirect_dma source(%dma_start3A_70 : memref<10000x128xf32, #tpu.memory_space<hbm>>) target(%arg8 : memref<125x128xf32, #tpu.memory_space<vmem>>) offsets(%dma_start3A_67 : memref<125xi32, #tpu.memory_space<vmem>>) semaphore(%arg11 : memref<!tpu.dma_semaphore, #tpu.memory_space<semaphore_mem>>)
      %dma_wait3A_71 = arith.constant 2 : i32
      %dma_wait3A_72 = arith.constant 0 : i32
      %dma_wait3A_73 = tpu.memref_slice %arg6[%dma_wait3A_71, %dma_wait3A_72] : memref<16x125xi32, #tpu.memory_space<vmem>> -> memref<1x125xi32, #tpu.memory_space<vmem>>
      %dma_wait3A_74 = tpu.memref_squeeze %dma_wait3A_73 : memref<1x125xi32, #tpu.memory_space<vmem>> -> memref<125xi32, #tpu.memory_space<vmem>>
      %dma_wait3A_75 = arith.constant 0 : i32
      %dma_wait3A_76 = arith.constant 0 : i32
      %dma_wait3A_77 = tpu.memref_slice %arg3[%dma_wait3A_75, %dma_wait3A_76] : memref<10000x128xf32, #tpu.memory_space<hbm>> -> memref<10000x128xf32, #tpu.memory_space<hbm>>
      tpu.wait_indirect_dma semaphore(%arg12 : memref<!tpu.dma_semaphore, #tpu.memory_space<semaphore_mem>>) src(%dma_wait3A_77 : memref<10000x128xf32, #tpu.memory_space<hbm>>) dst(%arg9 : memref<125x128xf32, #tpu.memory_space<vmem>>)
      %dma_start3A_78 = arith.constant 3 : i32
      %dma_start3A_79 = arith.constant 0 : i32
      %dma_start3A_80 = tpu.memref_slice %arg6[%dma_start3A_78, %dma_start3A_79] : memref<16x125xi32, #tpu.memory_space<vmem>> -> memref<1x125xi32, #tpu.memory_space<vmem>>
      %dma_start3A_81 = tpu.memref_squeeze %dma_start3A_80 : memref<1x125xi32, #tpu.memory_space<vmem>> -> memref<125xi32, #tpu.memory_space<vmem>>
      %dma_start3A_82 = arith.constant 0 : i32
      %dma_start3A_83 = arith.constant 0 : i32
      %dma_start3A_84 = tpu.memref_slice %arg10[%dma_start3A_82, %dma_start3A_83] : memref<10000x128xf32, #tpu.memory_space<vmem_shared>> -> memref<10000x128xf32, #tpu.memory_space<vmem_shared>>
      tpu.enqueue_indirect_dma source(%arg9 : memref<125x128xf32, #tpu.memory_space<vmem>>) target(%dma_start3A_84 : memref<10000x128xf32, #tpu.memory_space<vmem_shared>>) offsets(%dma_start3A_81 : memref<125xi32, #tpu.memory_space<vmem>>) semaphore(%arg14 : memref<!tpu.dma_semaphore, #tpu.memory_space<semaphore_mem>>) {add = true}
      %dma_wait3A_85 = arith.constant 3 : i32
      %dma_wait3A_86 = arith.constant 0 : i32
      %dma_wait3A_87 = tpu.memref_slice %arg6[%dma_wait3A_85, %dma_wait3A_86] : memref<16x125xi32, #tpu.memory_space<vmem>> -> memref<1x125xi32, #tpu.memory_space<vmem>>
      %dma_wait3A_88 = tpu.memref_squeeze %dma_wait3A_87 : memref<1x125xi32, #tpu.memory_space<vmem>> -> memref<125xi32, #tpu.memory_space<vmem>>
      %dma_wait3A_89 = arith.constant 0 : i32
      %dma_wait3A_90 = arith.constant 0 : i32
      %dma_wait3A_91 = tpu.memref_slice %arg10[%dma_wait3A_89, %dma_wait3A_90] : memref<10000x128xf32, #tpu.memory_space<vmem_shared>> -> memref<10000x128xf32, #tpu.memory_space<vmem_shared>>
      tpu.wait_indirect_dma semaphore(%arg14 : memref<!tpu.dma_semaphore, #tpu.memory_space<semaphore_mem>>) src(%arg9 : memref<125x128xf32, #tpu.memory_space<vmem>>) dst(%dma_wait3A_91 : memref<10000x128xf32, #tpu.memory_space<vmem_shared>>)
      %dma_start3A_92 = arith.constant 6 : i32
      %dma_start3A_93 = arith.constant 0 : i32
      %dma_start3A_94 = tpu.memref_slice %arg6[%dma_start3A_92, %dma_start3A_93] : memref<16x125xi32, #tpu.memory_space<vmem>> -> memref<1x125xi32, #tpu.memory_space<vmem>>
      %dma_start3A_95 = tpu.memref_squeeze %dma_start3A_94 : memref<1x125xi32, #tpu.memory_space<vmem>> -> memref<125xi32, #tpu.memory_space<vmem>>
      %dma_start3A_96 = arith.constant 0 : i32
      %dma_start3A_97 = arith.constant 0 : i32
      %dma_start3A_98 = tpu.memref_slice %arg3[%dma_start3A_96, %dma_start3A_97] : memref<10000x128xf32, #tpu.memory_space<hbm>> -> memref<10000x128xf32, #tpu.memory_space<hbm>>
      tpu.enqueue_indirect_dma source(%dma_start3A_98 : memref<10000x128xf32, #tpu.memory_space<hbm>>) target(%arg9 : memref<125x128xf32, #tpu.memory_space<vmem>>) offsets(%dma_start3A_95 : memref<125xi32, #tpu.memory_space<vmem>>) semaphore(%arg12 : memref<!tpu.dma_semaphore, #tpu.memory_space<semaphore_mem>>)
      %dma_wait3A_99 = arith.constant 4 : i32
      %dma_wait3A_100 = arith.constant 0 : i32
      %dma_wait3A_101 = tpu.memref_slice %arg6[%dma_wait3A_99, %dma_wait3A_100] : memref<16x125xi32, #tpu.memory_space<vmem>> -> memref<1x125xi32, #tpu.memory_space<vmem>>
      %dma_wait3A_102 = tpu.memref_squeeze %dma_wait3A_101 : memref<1x125xi32, #tpu.memory_space<vmem>> -> memref<125xi32, #tpu.memory_space<vmem>>
      %dma_wait3A_103 = arith.constant 0 : i32
      %dma_wait3A_104 = arith.constant 0 : i32
      %dma_wait3A_105 = tpu.memref_slice %arg3[%dma_wait3A_103, %dma_wait3A_104] : memref<10000x128xf32, #tpu.memory_space<hbm>> -> memref<10000x128xf32, #tpu.memory_space<hbm>>
      tpu.wait_indirect_dma semaphore(%arg11 : memref<!tpu.dma_semaphore, #tpu.memory_space<semaphore_mem>>) src(%dma_wait3A_105 : memref<10000x128xf32, #tpu.memory_space<hbm>>) dst(%arg8 : memref<125x128xf32, #tpu.memory_space<vmem>>)
      %dma_start3A_106 = arith.constant 5 : i32
      %dma_start3A_107 = arith.constant 0 : i32
      %dma_start3A_108 = tpu.memref_slice %arg6[%dma_start3A_106, %dma_start3A_107] : memref<16x125xi32, #tpu.memory_space<vmem>> -> memref<1x125xi32, #tpu.memory_space<vmem>>
      %dma_start3A_109 = tpu.memref_squeeze %dma_start3A_108 : memref<1x125xi32, #tpu.memory_space<vmem>> -> memref<125xi32, #tpu.memory_space<vmem>>
      %dma_start3A_110 = arith.constant 0 : i32
      %dma_start3A_111 = arith.constant 0 : i32
      %dma_start3A_112 = tpu.memref_slice %arg10[%dma_start3A_110, %dma_start3A_111] : memref<10000x128xf32, #tpu.memory_space<vmem_shared>> -> memref<10000x128xf32, #tpu.memory_space<vmem_shared>>
      tpu.enqueue_indirect_dma source(%arg8 : memref<125x128xf32, #tpu.memory_space<vmem>>) target(%dma_start3A_112 : memref<10000x128xf32, #tpu.memory_space<vmem_shared>>) offsets(%dma_start3A_109 : memref<125xi32, #tpu.memory_space<vmem>>) semaphore(%arg13 : memref<!tpu.dma_semaphore, #tpu.memory_space<semaphore_mem>>) {add = true}
      %dma_wait3A_113 = arith.constant 5 : i32
      %dma_wait3A_114 = arith.constant 0 : i32
      %dma_wait3A_115 = tpu.memref_slice %arg6[%dma_wait3A_113, %dma_wait3A_114] : memref<16x125xi32, #tpu.memory_space<vmem>> -> memref<1x125xi32, #tpu.memory_space<vmem>>
      %dma_wait3A_116 = tpu.memref_squeeze %dma_wait3A_115 : memref<1x125xi32, #tpu.memory_space<vmem>> -> memref<125xi32, #tpu.memory_space<vmem>>
      %dma_wait3A_117 = arith.constant 0 : i32
      %dma_wait3A_118 = arith.constant 0 : i32
      %dma_wait3A_119 = tpu.memref_slice %arg10[%dma_wait3A_117, %dma_wait3A_118] : memref<10000x128xf32, #tpu.memory_space<vmem_shared>> -> memref<10000x128xf32, #tpu.memory_space<vmem_shared>>
      tpu.wait_indirect_dma semaphore(%arg13 : memref<!tpu.dma_semaphore, #tpu.memory_space<semaphore_mem>>) src(%arg8 : memref<125x128xf32, #tpu.memory_space<vmem>>) dst(%dma_wait3A_119 : memref<10000x128xf32, #tpu.memory_space<vmem_shared>>)
      %dma_start3A_120 = arith.constant 8 : i32
      %dma_start3A_121 = arith.constant 0 : i32
      %dma_start3A_122 = tpu.memref_slice %arg6[%dma_start3A_120, %dma_start3A_121] : memref<16x125xi32, #tpu.memory_space<vmem>> -> memref<1x125xi32, #tpu.memory_space<vmem>>
      %dma_start3A_123 = tpu.memref_squeeze %dma_start3A_122 : memref<1x125xi32, #tpu.memory_space<vmem>> -> memref<125xi32, #tpu.memory_space<vmem>>
      %dma_start3A_124 = arith.constant 0 : i32
      %dma_start3A_125 = arith.constant 0 : i32
      %dma_start3A_126 = tpu.memref_slice %arg3[%dma_start3A_124, %dma_start3A_125] : memref<10000x128xf32, #tpu.memory_space<hbm>> -> memref<10000x128xf32, #tpu.memory_space<hbm>>
      tpu.enqueue_indirect_dma source(%dma_start3A_126 : memref<10000x128xf32, #tpu.memory_space<hbm>>) target(%arg8 : memref<125x128xf32, #tpu.memory_space<vmem>>) offsets(%dma_start3A_123 : memref<125xi32, #tpu.memory_space<vmem>>) semaphore(%arg11 : memref<!tpu.dma_semaphore, #tpu.memory_space<semaphore_mem>>)
      %dma_wait3A_127 = arith.constant 6 : i32
      %dma_wait3A_128 = arith.constant 0 : i32
      %dma_wait3A_129 = tpu.memref_slice %arg6[%dma_wait3A_127, %dma_wait3A_128] : memref<16x125xi32, #tpu.memory_space<vmem>> -> memref<1x125xi32, #tpu.memory_space<vmem>>
      %dma_wait3A_130 = tpu.memref_squeeze %dma_wait3A_129 : memref<1x125xi32, #tpu.memory_space<vmem>> -> memref<125xi32, #tpu.memory_space<vmem>>
      %dma_wait3A_131 = arith.constant 0 : i32
      %dma_wait3A_132 = arith.constant 0 : i32
      %dma_wait3A_133 = tpu.memref_slice %arg3[%dma_wait3A_131, %dma_wait3A_132] : memref<10000x128xf32, #tpu.memory_space<hbm>> -> memref<10000x128xf32, #tpu.memory_space<hbm>>
      tpu.wait_indirect_dma semaphore(%arg12 : memref<!tpu.dma_semaphore, #tpu.memory_space<semaphore_mem>>) src(%dma_wait3A_133 : memref<10000x128xf32, #tpu.memory_space<hbm>>) dst(%arg9 : memref<125x128xf32, #tpu.memory_space<vmem>>)
      %dma_start3A_134 = arith.constant 7 : i32
      %dma_start3A_135 = arith.constant 0 : i32
      %dma_start3A_136 = tpu.memref_slice %arg6[%dma_start3A_134, %dma_start3A_135] : memref<16x125xi32, #tpu.memory_space<vmem>> -> memref<1x125xi32, #tpu.memory_space<vmem>>
      %dma_start3A_137 = tpu.memref_squeeze %dma_start3A_136 : memref<1x125xi32, #tpu.memory_space<vmem>> -> memref<125xi32, #tpu.memory_space<vmem>>
      %dma_start3A_138 = arith.constant 0 : i32
      %dma_start3A_139 = arith.constant 0 : i32
      %dma_start3A_140 = tpu.memref_slice %arg10[%dma_start3A_138, %dma_start3A_139] : memref<10000x128xf32, #tpu.memory_space<vmem_shared>> -> memref<10000x128xf32, #tpu.memory_space<vmem_shared>>
      tpu.enqueue_indirect_dma source(%arg9 : memref<125x128xf32, #tpu.memory_space<vmem>>) target(%dma_start3A_140 : memref<10000x128xf32, #tpu.memory_space<vmem_shared>>) offsets(%dma_start3A_137 : memref<125xi32, #tpu.memory_space<vmem>>) semaphore(%arg14 : memref<!tpu.dma_semaphore, #tpu.memory_space<semaphore_mem>>) {add = true}
      %dma_wait3A_141 = arith.constant 7 : i32
      %dma_wait3A_142 = arith.constant 0 : i32
      %dma_wait3A_143 = tpu.memref_slice %arg6[%dma_wait3A_141, %dma_wait3A_142] : memref<16x125xi32, #tpu.memory_space<vmem>> -> memref<1x125xi32, #tpu.memory_space<vmem>>
      %dma_wait3A_144 = tpu.memref_squeeze %dma_wait3A_143 : memref<1x125xi32, #tpu.memory_space<vmem>> -> memref<125xi32, #tpu.memory_space<vmem>>
      %dma_wait3A_145 = arith.constant 0 : i32
      %dma_wait3A_146 = arith.constant 0 : i32
      %dma_wait3A_147 = tpu.memref_slice %arg10[%dma_wait3A_145, %dma_wait3A_146] : memref<10000x128xf32, #tpu.memory_space<vmem_shared>> -> memref<10000x128xf32, #tpu.memory_space<vmem_shared>>
      tpu.wait_indirect_dma semaphore(%arg14 : memref<!tpu.dma_semaphore, #tpu.memory_space<semaphore_mem>>) src(%arg9 : memref<125x128xf32, #tpu.memory_space<vmem>>) dst(%dma_wait3A_147 : memref<10000x128xf32, #tpu.memory_space<vmem_shared>>)
      %dma_start3A_148 = arith.constant 10 : i32
      %dma_start3A_149 = arith.constant 0 : i32
      %dma_start3A_150 = tpu.memref_slice %arg6[%dma_start3A_148, %dma_start3A_149] : memref<16x125xi32, #tpu.memory_space<vmem>> -> memref<1x125xi32, #tpu.memory_space<vmem>>
      %dma_start3A_151 = tpu.memref_squeeze %dma_start3A_150 : memref<1x125xi32, #tpu.memory_space<vmem>> -> memref<125xi32, #tpu.memory_space<vmem>>
      %dma_start3A_152 = arith.constant 0 : i32
      %dma_start3A_153 = arith.constant 0 : i32
      %dma_start3A_154 = tpu.memref_slice %arg3[%dma_start3A_152, %dma_start3A_153] : memref<10000x128xf32, #tpu.memory_space<hbm>> -> memref<10000x128xf32, #tpu.memory_space<hbm>>
      tpu.enqueue_indirect_dma source(%dma_start3A_154 : memref<10000x128xf32, #tpu.memory_space<hbm>>) target(%arg9 : memref<125x128xf32, #tpu.memory_space<vmem>>) offsets(%dma_start3A_151 : memref<125xi32, #tpu.memory_space<vmem>>) semaphore(%arg12 : memref<!tpu.dma_semaphore, #tpu.memory_space<semaphore_mem>>)
      %dma_wait3A_155 = arith.constant 8 : i32
      %dma_wait3A_156 = arith.constant 0 : i32
      %dma_wait3A_157 = tpu.memref_slice %arg6[%dma_wait3A_155, %dma_wait3A_156] : memref<16x125xi32, #tpu.memory_space<vmem>> -> memref<1x125xi32, #tpu.memory_space<vmem>>
      %dma_wait3A_158 = tpu.memref_squeeze %dma_wait3A_157 : memref<1x125xi32, #tpu.memory_space<vmem>> -> memref<125xi32, #tpu.memory_space<vmem>>
      %dma_wait3A_159 = arith.constant 0 : i32
      %dma_wait3A_160 = arith.constant 0 : i32
      %dma_wait3A_161 = tpu.memref_slice %arg3[%dma_wait3A_159, %dma_wait3A_160] : memref<10000x128xf32, #tpu.memory_space<hbm>> -> memref<10000x128xf32, #tpu.memory_space<hbm>>
      tpu.wait_indirect_dma semaphore(%arg11 : memref<!tpu.dma_semaphore, #tpu.memory_space<semaphore_mem>>) src(%dma_wait3A_161 : memref<10000x128xf32, #tpu.memory_space<hbm>>) dst(%arg8 : memref<125x128xf32, #tpu.memory_space<vmem>>)
      %dma_start3A_162 = arith.constant 9 : i32
      %dma_start3A_163 = arith.constant 0 : i32
      %dma_start3A_164 = tpu.memref_slice %arg6[%dma_start3A_162, %dma_start3A_163] : memref<16x125xi32, #tpu.memory_space<vmem>> -> memref<1x125xi32, #tpu.memory_space<vmem>>
      %dma_start3A_165 = tpu.memref_squeeze %dma_start3A_164 : memref<1x125xi32, #tpu.memory_space<vmem>> -> memref<125xi32, #tpu.memory_space<vmem>>
      %dma_start3A_166 = arith.constant 0 : i32
      %dma_start3A_167 = arith.constant 0 : i32
      %dma_start3A_168 = tpu.memref_slice %arg10[%dma_start3A_166, %dma_start3A_167] : memref<10000x128xf32, #tpu.memory_space<vmem_shared>> -> memref<10000x128xf32, #tpu.memory_space<vmem_shared>>
      tpu.enqueue_indirect_dma source(%arg8 : memref<125x128xf32, #tpu.memory_space<vmem>>) target(%dma_start3A_168 : memref<10000x128xf32, #tpu.memory_space<vmem_shared>>) offsets(%dma_start3A_165 : memref<125xi32, #tpu.memory_space<vmem>>) semaphore(%arg13 : memref<!tpu.dma_semaphore, #tpu.memory_space<semaphore_mem>>) {add = true}
      %dma_wait3A_169 = arith.constant 9 : i32
      %dma_wait3A_170 = arith.constant 0 : i32
      %dma_wait3A_171 = tpu.memref_slice %arg6[%dma_wait3A_169, %dma_wait3A_170] : memref<16x125xi32, #tpu.memory_space<vmem>> -> memref<1x125xi32, #tpu.memory_space<vmem>>
      %dma_wait3A_172 = tpu.memref_squeeze %dma_wait3A_171 : memref<1x125xi32, #tpu.memory_space<vmem>> -> memref<125xi32, #tpu.memory_space<vmem>>
      %dma_wait3A_173 = arith.constant 0 : i32
      %dma_wait3A_174 = arith.constant 0 : i32
      %dma_wait3A_175 = tpu.memref_slice %arg10[%dma_wait3A_173, %dma_wait3A_174] : memref<10000x128xf32, #tpu.memory_space<vmem_shared>> -> memref<10000x128xf32, #tpu.memory_space<vmem_shared>>
      tpu.wait_indirect_dma semaphore(%arg13 : memref<!tpu.dma_semaphore, #tpu.memory_space<semaphore_mem>>) src(%arg8 : memref<125x128xf32, #tpu.memory_space<vmem>>) dst(%dma_wait3A_175 : memref<10000x128xf32, #tpu.memory_space<vmem_shared>>)
      %dma_start3A_176 = arith.constant 12 : i32
      %dma_start3A_177 = arith.constant 0 : i32
      %dma_start3A_178 = tpu.memref_slice %arg6[%dma_start3A_176, %dma_start3A_177] : memref<16x125xi32, #tpu.memory_space<vmem>> -> memref<1x125xi32, #tpu.memory_space<vmem>>
      %dma_start3A_179 = tpu.memref_squeeze %dma_start3A_178 : memref<1x125xi32, #tpu.memory_space<vmem>> -> memref<125xi32, #tpu.memory_space<vmem>>
      %dma_start3A_180 = arith.constant 0 : i32
      %dma_start3A_181 = arith.constant 0 : i32
      %dma_start3A_182 = tpu.memref_slice %arg3[%dma_start3A_180, %dma_start3A_181] : memref<10000x128xf32, #tpu.memory_space<hbm>> -> memref<10000x128xf32, #tpu.memory_space<hbm>>
      tpu.enqueue_indirect_dma source(%dma_start3A_182 : memref<10000x128xf32, #tpu.memory_space<hbm>>) target(%arg8 : memref<125x128xf32, #tpu.memory_space<vmem>>) offsets(%dma_start3A_179 : memref<125xi32, #tpu.memory_space<vmem>>) semaphore(%arg11 : memref<!tpu.dma_semaphore, #tpu.memory_space<semaphore_mem>>)
      %dma_wait3A_183 = arith.constant 10 : i32
      %dma_wait3A_184 = arith.constant 0 : i32
      %dma_wait3A_185 = tpu.memref_slice %arg6[%dma_wait3A_183, %dma_wait3A_184] : memref<16x125xi32, #tpu.memory_space<vmem>> -> memref<1x125xi32, #tpu.memory_space<vmem>>
      %dma_wait3A_186 = tpu.memref_squeeze %dma_wait3A_185 : memref<1x125xi32, #tpu.memory_space<vmem>> -> memref<125xi32, #tpu.memory_space<vmem>>
      %dma_wait3A_187 = arith.constant 0 : i32
      %dma_wait3A_188 = arith.constant 0 : i32
      %dma_wait3A_189 = tpu.memref_slice %arg3[%dma_wait3A_187, %dma_wait3A_188] : memref<10000x128xf32, #tpu.memory_space<hbm>> -> memref<10000x128xf32, #tpu.memory_space<hbm>>
      tpu.wait_indirect_dma semaphore(%arg12 : memref<!tpu.dma_semaphore, #tpu.memory_space<semaphore_mem>>) src(%dma_wait3A_189 : memref<10000x128xf32, #tpu.memory_space<hbm>>) dst(%arg9 : memref<125x128xf32, #tpu.memory_space<vmem>>)
      %dma_start3A_190 = arith.constant 11 : i32
      %dma_start3A_191 = arith.constant 0 : i32
      %dma_start3A_192 = tpu.memref_slice %arg6[%dma_start3A_190, %dma_start3A_191] : memref<16x125xi32, #tpu.memory_space<vmem>> -> memref<1x125xi32, #tpu.memory_space<vmem>>
      %dma_start3A_193 = tpu.memref_squeeze %dma_start3A_192 : memref<1x125xi32, #tpu.memory_space<vmem>> -> memref<125xi32, #tpu.memory_space<vmem>>
      %dma_start3A_194 = arith.constant 0 : i32
      %dma_start3A_195 = arith.constant 0 : i32
      %dma_start3A_196 = tpu.memref_slice %arg10[%dma_start3A_194, %dma_start3A_195] : memref<10000x128xf32, #tpu.memory_space<vmem_shared>> -> memref<10000x128xf32, #tpu.memory_space<vmem_shared>>
      tpu.enqueue_indirect_dma source(%arg9 : memref<125x128xf32, #tpu.memory_space<vmem>>) target(%dma_start3A_196 : memref<10000x128xf32, #tpu.memory_space<vmem_shared>>) offsets(%dma_start3A_193 : memref<125xi32, #tpu.memory_space<vmem>>) semaphore(%arg14 : memref<!tpu.dma_semaphore, #tpu.memory_space<semaphore_mem>>) {add = true}
      %dma_wait3A_197 = arith.constant 11 : i32
      %dma_wait3A_198 = arith.constant 0 : i32
      %dma_wait3A_199 = tpu.memref_slice %arg6[%dma_wait3A_197, %dma_wait3A_198] : memref<16x125xi32, #tpu.memory_space<vmem>> -> memref<1x125xi32, #tpu.memory_space<vmem>>
      %dma_wait3A_200 = tpu.memref_squeeze %dma_wait3A_199 : memref<1x125xi32, #tpu.memory_space<vmem>> -> memref<125xi32, #tpu.memory_space<vmem>>
      %dma_wait3A_201 = arith.constant 0 : i32
      %dma_wait3A_202 = arith.constant 0 : i32
      %dma_wait3A_203 = tpu.memref_slice %arg10[%dma_wait3A_201, %dma_wait3A_202] : memref<10000x128xf32, #tpu.memory_space<vmem_shared>> -> memref<10000x128xf32, #tpu.memory_space<vmem_shared>>
      tpu.wait_indirect_dma semaphore(%arg14 : memref<!tpu.dma_semaphore, #tpu.memory_space<semaphore_mem>>) src(%arg9 : memref<125x128xf32, #tpu.memory_space<vmem>>) dst(%dma_wait3A_203 : memref<10000x128xf32, #tpu.memory_space<vmem_shared>>)
      %dma_start3A_204 = arith.constant 14 : i32
      %dma_start3A_205 = arith.constant 0 : i32
      %dma_start3A_206 = tpu.memref_slice %arg6[%dma_start3A_204, %dma_start3A_205] : memref<16x125xi32, #tpu.memory_space<vmem>> -> memref<1x125xi32, #tpu.memory_space<vmem>>
      %dma_start3A_207 = tpu.memref_squeeze %dma_start3A_206 : memref<1x125xi32, #tpu.memory_space<vmem>> -> memref<125xi32, #tpu.memory_space<vmem>>
      %dma_start3A_208 = arith.constant 0 : i32
      %dma_start3A_209 = arith.constant 0 : i32
      %dma_start3A_210 = tpu.memref_slice %arg3[%dma_start3A_208, %dma_start3A_209] : memref<10000x128xf32, #tpu.memory_space<hbm>> -> memref<10000x128xf32, #tpu.memory_space<hbm>>
      tpu.enqueue_indirect_dma source(%dma_start3A_210 : memref<10000x128xf32, #tpu.memory_space<hbm>>) target(%arg9 : memref<125x128xf32, #tpu.memory_space<vmem>>) offsets(%dma_start3A_207 : memref<125xi32, #tpu.memory_space<vmem>>) semaphore(%arg12 : memref<!tpu.dma_semaphore, #tpu.memory_space<semaphore_mem>>)
      %dma_wait3A_211 = arith.constant 12 : i32
      %dma_wait3A_212 = arith.constant 0 : i32
      %dma_wait3A_213 = tpu.memref_slice %arg6[%dma_wait3A_211, %dma_wait3A_212] : memref<16x125xi32, #tpu.memory_space<vmem>> -> memref<1x125xi32, #tpu.memory_space<vmem>>
      %dma_wait3A_214 = tpu.memref_squeeze %dma_wait3A_213 : memref<1x125xi32, #tpu.memory_space<vmem>> -> memref<125xi32, #tpu.memory_space<vmem>>
      %dma_wait3A_215 = arith.constant 0 : i32
      %dma_wait3A_216 = arith.constant 0 : i32
      %dma_wait3A_217 = tpu.memref_slice %arg3[%dma_wait3A_215, %dma_wait3A_216] : memref<10000x128xf32, #tpu.memory_space<hbm>> -> memref<10000x128xf32, #tpu.memory_space<hbm>>
      tpu.wait_indirect_dma semaphore(%arg11 : memref<!tpu.dma_semaphore, #tpu.memory_space<semaphore_mem>>) src(%dma_wait3A_217 : memref<10000x128xf32, #tpu.memory_space<hbm>>) dst(%arg8 : memref<125x128xf32, #tpu.memory_space<vmem>>)
      %dma_start3A_218 = arith.constant 13 : i32
      %dma_start3A_219 = arith.constant 0 : i32
      %dma_start3A_220 = tpu.memref_slice %arg6[%dma_start3A_218, %dma_start3A_219] : memref<16x125xi32, #tpu.memory_space<vmem>> -> memref<1x125xi32, #tpu.memory_space<vmem>>
      %dma_start3A_221 = tpu.memref_squeeze %dma_start3A_220 : memref<1x125xi32, #tpu.memory_space<vmem>> -> memref<125xi32, #tpu.memory_space<vmem>>
      %dma_start3A_222 = arith.constant 0 : i32
      %dma_start3A_223 = arith.constant 0 : i32
      %dma_start3A_224 = tpu.memref_slice %arg10[%dma_start3A_222, %dma_start3A_223] : memref<10000x128xf32, #tpu.memory_space<vmem_shared>> -> memref<10000x128xf32, #tpu.memory_space<vmem_shared>>
      tpu.enqueue_indirect_dma source(%arg8 : memref<125x128xf32, #tpu.memory_space<vmem>>) target(%dma_start3A_224 : memref<10000x128xf32, #tpu.memory_space<vmem_shared>>) offsets(%dma_start3A_221 : memref<125xi32, #tpu.memory_space<vmem>>) semaphore(%arg13 : memref<!tpu.dma_semaphore, #tpu.memory_space<semaphore_mem>>) {add = true}
      %dma_wait3A_225 = arith.constant 14 : i32
      %dma_wait3A_226 = arith.constant 0 : i32
      %dma_wait3A_227 = tpu.memref_slice %arg6[%dma_wait3A_225, %dma_wait3A_226] : memref<16x125xi32, #tpu.memory_space<vmem>> -> memref<1x125xi32, #tpu.memory_space<vmem>>
      %dma_wait3A_228 = tpu.memref_squeeze %dma_wait3A_227 : memref<1x125xi32, #tpu.memory_space<vmem>> -> memref<125xi32, #tpu.memory_space<vmem>>
      %dma_wait3A_229 = arith.constant 0 : i32
      %dma_wait3A_230 = arith.constant 0 : i32
      %dma_wait3A_231 = tpu.memref_slice %arg3[%dma_wait3A_229, %dma_wait3A_230] : memref<10000x128xf32, #tpu.memory_space<hbm>> -> memref<10000x128xf32, #tpu.memory_space<hbm>>
      tpu.wait_indirect_dma semaphore(%arg12 : memref<!tpu.dma_semaphore, #tpu.memory_space<semaphore_mem>>) src(%dma_wait3A_231 : memref<10000x128xf32, #tpu.memory_space<hbm>>) dst(%arg9 : memref<125x128xf32, #tpu.memory_space<vmem>>)
      %dma_start3A_232 = arith.constant 15 : i32
      %dma_start3A_233 = arith.constant 0 : i32
      %dma_start3A_234 = tpu.memref_slice %arg6[%dma_start3A_232, %dma_start3A_233] : memref<16x125xi32, #tpu.memory_space<vmem>> -> memref<1x125xi32, #tpu.memory_space<vmem>>
      %dma_start3A_235 = tpu.memref_squeeze %dma_start3A_234 : memref<1x125xi32, #tpu.memory_space<vmem>> -> memref<125xi32, #tpu.memory_space<vmem>>
      %dma_start3A_236 = arith.constant 0 : i32
      %dma_start3A_237 = arith.constant 0 : i32
      %dma_start3A_238 = tpu.memref_slice %arg10[%dma_start3A_236, %dma_start3A_237] : memref<10000x128xf32, #tpu.memory_space<vmem_shared>> -> memref<10000x128xf32, #tpu.memory_space<vmem_shared>>
      tpu.enqueue_indirect_dma source(%arg9 : memref<125x128xf32, #tpu.memory_space<vmem>>) target(%dma_start3A_238 : memref<10000x128xf32, #tpu.memory_space<vmem_shared>>) offsets(%dma_start3A_235 : memref<125xi32, #tpu.memory_space<vmem>>) semaphore(%arg14 : memref<!tpu.dma_semaphore, #tpu.memory_space<semaphore_mem>>) {add = true}
      %dma_wait3A_239 = arith.constant 13 : i32
      %dma_wait3A_240 = arith.constant 0 : i32
      %dma_wait3A_241 = tpu.memref_slice %arg6[%dma_wait3A_239, %dma_wait3A_240] : memref<16x125xi32, #tpu.memory_space<vmem>> -> memref<1x125xi32, #tpu.memory_space<vmem>>
      %dma_wait3A_242 = tpu.memref_squeeze %dma_wait3A_241 : memref<1x125xi32, #tpu.memory_space<vmem>> -> memref<125xi32, #tpu.memory_space<vmem>>
      %dma_wait3A_243 = arith.constant 0 : i32
      %dma_wait3A_244 = arith.constant 0 : i32
      %dma_wait3A_245 = tpu.memref_slice %arg10[%dma_wait3A_243, %dma_wait3A_244] : memref<10000x128xf32, #tpu.memory_space<vmem_shared>> -> memref<10000x128xf32, #tpu.memory_space<vmem_shared>>
      tpu.wait_indirect_dma semaphore(%arg13 : memref<!tpu.dma_semaphore, #tpu.memory_space<semaphore_mem>>) src(%arg8 : memref<125x128xf32, #tpu.memory_space<vmem>>) dst(%dma_wait3A_245 : memref<10000x128xf32, #tpu.memory_space<vmem_shared>>)
      %dma_wait3A_246 = arith.constant 15 : i32
      %dma_wait3A_247 = arith.constant 0 : i32
      %dma_wait3A_248 = tpu.memref_slice %arg6[%dma_wait3A_246, %dma_wait3A_247] : memref<16x125xi32, #tpu.memory_space<vmem>> -> memref<1x125xi32, #tpu.memory_space<vmem>>
      %dma_wait3A_249 = tpu.memref_squeeze %dma_wait3A_248 : memref<1x125xi32, #tpu.memory_space<vmem>> -> memref<125xi32, #tpu.memory_space<vmem>>
      %dma_wait3A_250 = arith.constant 0 : i32
      %dma_wait3A_251 = arith.constant 0 : i32
      %dma_wait3A_252 = tpu.memref_slice %arg10[%dma_wait3A_250, %dma_wait3A_251] : memref<10000x128xf32, #tpu.memory_space<vmem_shared>> -> memref<10000x128xf32, #tpu.memory_space<vmem_shared>>
      tpu.wait_indirect_dma semaphore(%arg14 : memref<!tpu.dma_semaphore, #tpu.memory_space<semaphore_mem>>) src(%arg9 : memref<125x128xf32, #tpu.memory_space<vmem>>) dst(%dma_wait3A_252 : memref<10000x128xf32, #tpu.memory_space<vmem_shared>>)
      %dma_wait3A_253 = arith.constant 0 : i32
      %dma_wait3A_254 = tpu.memref_slice %arg2[%add3A, %multiple_of3A, %dma_wait3A_253] : memref<32x160x125xi32, #tpu.memory_space<hbm>> -> memref<1x16x125xi32, #tpu.memory_space<hbm>>
      %dma_wait3A_255 = tpu.memref_squeeze %dma_wait3A_254 : memref<1x16x125xi32, #tpu.memory_space<hbm>> -> memref<16x125xi32, #tpu.memory_space<hbm>>
      %dma_wait3A_256 = arith.constant 0 : i32
      %dma_wait3A_257 = tpu.memref_slice %arg2[%add3A, %multiple_of3A, %dma_wait3A_256] : memref<32x160x125xi32, #tpu.memory_space<hbm>> -> memref<1x16x125xi32, #tpu.memory_space<hbm>>
      %dma_wait3A_258 = tpu.memref_squeeze %dma_wait3A_257 : memref<1x16x125xi32, #tpu.memory_space<hbm>> -> memref<16x125xi32, #tpu.memory_space<hbm>>
      tpu.wait_dma2 semaphore(%arg16 : memref<!tpu.dma_semaphore, #tpu.memory_space<semaphore_mem>>) src(%dma_wait3A_258 : memref<16x125xi32, #tpu.memory_space<hbm>>) dst(%arg7 : memref<16x125xi32, #tpu.memory_space<vmem>>)
      %mul3A_259 = arith.constant 2 : i32
      %mul3A_260 = arith.muli %mul3A_259, %scan3A_18 : i32
      %add3A_261 = arith.constant 2 : i32
      %add3A_262 = arith.addi %mul3A_260, %add3A_261 : i32
      %min3A = arith.constant 9 : i32
      %min3A_263 = arith.minsi %add3A_262, %min3A : i32
      %mul3A_264 = arith.constant 16 : i32
      %mul3A_265 = arith.muli %min3A_263, %mul3A_264 : i32
      %multiple_of3A_266 = tpu.assume_multiple %mul3A_265, 16 : i32
      %dma_start3A_267 = arith.constant 0 : i32
      %dma_start3A_268 = tpu.memref_slice %arg2[%add3A, %multiple_of3A_266, %dma_start3A_267] : memref<32x160x125xi32, #tpu.memory_space<hbm>> -> memref<1x16x125xi32, #tpu.memory_space<hbm>>
      %dma_start3A_269 = tpu.memref_squeeze %dma_start3A_268 : memref<1x16x125xi32, #tpu.memory_space<hbm>> -> memref<16x125xi32, #tpu.memory_space<hbm>>
      %dma_start3A_270 = arith.constant 0 : i32
      %dma_start3A_271 = tpu.memref_slice %arg2[%add3A, %multiple_of3A_266, %dma_start3A_270] : memref<32x160x125xi32, #tpu.memory_space<hbm>> -> memref<1x16x125xi32, #tpu.memory_space<hbm>>
      %dma_start3A_272 = tpu.memref_squeeze %dma_start3A_271 : memref<1x16x125xi32, #tpu.memory_space<hbm>> -> memref<16x125xi32, #tpu.memory_space<hbm>>
      tpu.enqueue_dma source(%dma_start3A_272 : memref<16x125xi32, #tpu.memory_space<hbm>>) target(%arg6 : memref<16x125xi32, #tpu.memory_space<vmem>>) target_semaphore(%arg15 : memref<!tpu.dma_semaphore, #tpu.memory_space<semaphore_mem>>)
      %dma_start3A_273 = arith.constant 0 : i32
      %dma_start3A_274 = arith.constant 0 : i32
      %dma_start3A_275 = tpu.memref_slice %arg7[%dma_start3A_273, %dma_start3A_274] : memref<16x125xi32, #tpu.memory_space<vmem>> -> memref<1x125xi32, #tpu.memory_space<vmem>>
      %dma_start3A_276 = tpu.memref_squeeze %dma_start3A_275 : memref<1x125xi32, #tpu.memory_space<vmem>> -> memref<125xi32, #tpu.memory_space<vmem>>
      %dma_start3A_277 = arith.constant 0 : i32
      %dma_start3A_278 = arith.constant 0 : i32
      %dma_start3A_279 = tpu.memref_slice %arg3[%dma_start3A_277, %dma_start3A_278] : memref<10000x128xf32, #tpu.memory_space<hbm>> -> memref<10000x128xf32, #tpu.memory_space<hbm>>
      tpu.enqueue_indirect_dma source(%dma_start3A_279 : memref<10000x128xf32, #tpu.memory_space<hbm>>) target(%arg8 : memref<125x128xf32, #tpu.memory_space<vmem>>) offsets(%dma_start3A_276 : memref<125xi32, #tpu.memory_space<vmem>>) semaphore(%arg11 : memref<!tpu.dma_semaphore, #tpu.memory_space<semaphore_mem>>)
      %dma_start3A_280 = arith.constant 2 : i32
      %dma_start3A_281 = arith.constant 0 : i32
      %dma_start3A_282 = tpu.memref_slice %arg7[%dma_start3A_280, %dma_start3A_281] : memref<16x125xi32, #tpu.memory_space<vmem>> -> memref<1x125xi32, #tpu.memory_space<vmem>>
      %dma_start3A_283 = tpu.memref_squeeze %dma_start3A_282 : memref<1x125xi32, #tpu.memory_space<vmem>> -> memref<125xi32, #tpu.memory_space<vmem>>
      %dma_start3A_284 = arith.constant 0 : i32
      %dma_start3A_285 = arith.constant 0 : i32
      %dma_start3A_286 = tpu.memref_slice %arg3[%dma_start3A_284, %dma_start3A_285] : memref<10000x128xf32, #tpu.memory_space<hbm>> -> memref<10000x128xf32, #tpu.memory_space<hbm>>
      tpu.enqueue_indirect_dma source(%dma_start3A_286 : memref<10000x128xf32, #tpu.memory_space<hbm>>) target(%arg9 : memref<125x128xf32, #tpu.memory_space<vmem>>) offsets(%dma_start3A_283 : memref<125xi32, #tpu.memory_space<vmem>>) semaphore(%arg12 : memref<!tpu.dma_semaphore, #tpu.memory_space<semaphore_mem>>)
      %dma_wait3A_287 = arith.constant 0 : i32
      %dma_wait3A_288 = arith.constant 0 : i32
      %dma_wait3A_289 = tpu.memref_slice %arg7[%dma_wait3A_287, %dma_wait3A_288] : memref<16x125xi32, #tpu.memory_space<vmem>> -> memref<1x125xi32, #tpu.memory_space<vmem>>
      %dma_wait3A_290 = tpu.memref_squeeze %dma_wait3A_289 : memref<1x125xi32, #tpu.memory_space<vmem>> -> memref<125xi32, #tpu.memory_space<vmem>>
      %dma_wait3A_291 = arith.constant 0 : i32
      %dma_wait3A_292 = arith.constant 0 : i32
      %dma_wait3A_293 = tpu.memref_slice %arg3[%dma_wait3A_291, %dma_wait3A_292] : memref<10000x128xf32, #tpu.memory_space<hbm>> -> memref<10000x128xf32, #tpu.memory_space<hbm>>
      tpu.wait_indirect_dma semaphore(%arg11 : memref<!tpu.dma_semaphore, #tpu.memory_space<semaphore_mem>>) src(%dma_wait3A_293 : memref<10000x128xf32, #tpu.memory_space<hbm>>) dst(%arg8 : memref<125x128xf32, #tpu.memory_space<vmem>>)
      %dma_start3A_294 = arith.constant 1 : i32
      %dma_start3A_295 = arith.constant 0 : i32
      %dma_start3A_296 = tpu.memref_slice %arg7[%dma_start3A_294, %dma_start3A_295] : memref<16x125xi32, #tpu.memory_space<vmem>> -> memref<1x125xi32, #tpu.memory_space<vmem>>
      %dma_start3A_297 = tpu.memref_squeeze %dma_start3A_296 : memref<1x125xi32, #tpu.memory_space<vmem>> -> memref<125xi32, #tpu.memory_space<vmem>>
      %dma_start3A_298 = arith.constant 0 : i32
      %dma_start3A_299 = arith.constant 0 : i32
      %dma_start3A_300 = tpu.memref_slice %arg10[%dma_start3A_298, %dma_start3A_299] : memref<10000x128xf32, #tpu.memory_space<vmem_shared>> -> memref<10000x128xf32, #tpu.memory_space<vmem_shared>>
      tpu.enqueue_indirect_dma source(%arg8 : memref<125x128xf32, #tpu.memory_space<vmem>>) target(%dma_start3A_300 : memref<10000x128xf32, #tpu.memory_space<vmem_shared>>) offsets(%dma_start3A_297 : memref<125xi32, #tpu.memory_space<vmem>>) semaphore(%arg13 : memref<!tpu.dma_semaphore, #tpu.memory_space<semaphore_mem>>) {add = true}
      %dma_wait3A_301 = arith.constant 1 : i32
      %dma_wait3A_302 = arith.constant 0 : i32
      %dma_wait3A_303 = tpu.memref_slice %arg7[%dma_wait3A_301, %dma_wait3A_302] : memref<16x125xi32, #tpu.memory_space<vmem>> -> memref<1x125xi32, #tpu.memory_space<vmem>>
      %dma_wait3A_304 = tpu.memref_squeeze %dma_wait3A_303 : memref<1x125xi32, #tpu.memory_space<vmem>> -> memref<125xi32, #tpu.memory_space<vmem>>
      %dma_wait3A_305 = arith.constant 0 : i32
      %dma_wait3A_306 = arith.constant 0 : i32
      %dma_wait3A_307 = tpu.memref_slice %arg10[%dma_wait3A_305, %dma_wait3A_306] : memref<10000x128xf32, #tpu.memory_space<vmem_shared>> -> memref<10000x128xf32, #tpu.memory_space<vmem_shared>>
      tpu.wait_indirect_dma semaphore(%arg13 : memref<!tpu.dma_semaphore, #tpu.memory_space<semaphore_mem>>) src(%arg8 : memref<125x128xf32, #tpu.memory_space<vmem>>) dst(%dma_wait3A_307 : memref<10000x128xf32, #tpu.memory_space<vmem_shared>>)
      %dma_start3A_308 = arith.constant 4 : i32
      %dma_start3A_309 = arith.constant 0 : i32
      %dma_start3A_310 = tpu.memref_slice %arg7[%dma_start3A_308, %dma_start3A_309] : memref<16x125xi32, #tpu.memory_space<vmem>> -> memref<1x125xi32, #tpu.memory_space<vmem>>
      %dma_start3A_311 = tpu.memref_squeeze %dma_start3A_310 : memref<1x125xi32, #tpu.memory_space<vmem>> -> memref<125xi32, #tpu.memory_space<vmem>>
      %dma_start3A_312 = arith.constant 0 : i32
      %dma_start3A_313 = arith.constant 0 : i32
      %dma_start3A_314 = tpu.memref_slice %arg3[%dma_start3A_312, %dma_start3A_313] : memref<10000x128xf32, #tpu.memory_space<hbm>> -> memref<10000x128xf32, #tpu.memory_space<hbm>>
      tpu.enqueue_indirect_dma source(%dma_start3A_314 : memref<10000x128xf32, #tpu.memory_space<hbm>>) target(%arg8 : memref<125x128xf32, #tpu.memory_space<vmem>>) offsets(%dma_start3A_311 : memref<125xi32, #tpu.memory_space<vmem>>) semaphore(%arg11 : memref<!tpu.dma_semaphore, #tpu.memory_space<semaphore_mem>>)
      %dma_wait3A_315 = arith.constant 2 : i32
      %dma_wait3A_316 = arith.constant 0 : i32
      %dma_wait3A_317 = tpu.memref_slice %arg7[%dma_wait3A_315, %dma_wait3A_316] : memref<16x125xi32, #tpu.memory_space<vmem>> -> memref<1x125xi32, #tpu.memory_space<vmem>>
      %dma_wait3A_318 = tpu.memref_squeeze %dma_wait3A_317 : memref<1x125xi32, #tpu.memory_space<vmem>> -> memref<125xi32, #tpu.memory_space<vmem>>
      %dma_wait3A_319 = arith.constant 0 : i32
      %dma_wait3A_320 = arith.constant 0 : i32
      %dma_wait3A_321 = tpu.memref_slice %arg3[%dma_wait3A_319, %dma_wait3A_320] : memref<10000x128xf32, #tpu.memory_space<hbm>> -> memref<10000x128xf32, #tpu.memory_space<hbm>>
      tpu.wait_indirect_dma semaphore(%arg12 : memref<!tpu.dma_semaphore, #tpu.memory_space<semaphore_mem>>) src(%dma_wait3A_321 : memref<10000x128xf32, #tpu.memory_space<hbm>>) dst(%arg9 : memref<125x128xf32, #tpu.memory_space<vmem>>)
      %dma_start3A_322 = arith.constant 3 : i32
      %dma_start3A_323 = arith.constant 0 : i32
      %dma_start3A_324 = tpu.memref_slice %arg7[%dma_start3A_322, %dma_start3A_323] : memref<16x125xi32, #tpu.memory_space<vmem>> -> memref<1x125xi32, #tpu.memory_space<vmem>>
      %dma_start3A_325 = tpu.memref_squeeze %dma_start3A_324 : memref<1x125xi32, #tpu.memory_space<vmem>> -> memref<125xi32, #tpu.memory_space<vmem>>
      %dma_start3A_326 = arith.constant 0 : i32
      %dma_start3A_327 = arith.constant 0 : i32
      %dma_start3A_328 = tpu.memref_slice %arg10[%dma_start3A_326, %dma_start3A_327] : memref<10000x128xf32, #tpu.memory_space<vmem_shared>> -> memref<10000x128xf32, #tpu.memory_space<vmem_shared>>
      tpu.enqueue_indirect_dma source(%arg9 : memref<125x128xf32, #tpu.memory_space<vmem>>) target(%dma_start3A_328 : memref<10000x128xf32, #tpu.memory_space<vmem_shared>>) offsets(%dma_start3A_325 : memref<125xi32, #tpu.memory_space<vmem>>) semaphore(%arg14 : memref<!tpu.dma_semaphore, #tpu.memory_space<semaphore_mem>>) {add = true}
      %dma_wait3A_329 = arith.constant 3 : i32
      %dma_wait3A_330 = arith.constant 0 : i32
      %dma_wait3A_331 = tpu.memref_slice %arg7[%dma_wait3A_329, %dma_wait3A_330] : memref<16x125xi32, #tpu.memory_space<vmem>> -> memref<1x125xi32, #tpu.memory_space<vmem>>
      %dma_wait3A_332 = tpu.memref_squeeze %dma_wait3A_331 : memref<1x125xi32, #tpu.memory_space<vmem>> -> memref<125xi32, #tpu.memory_space<vmem>>
      %dma_wait3A_333 = arith.constant 0 : i32
      %dma_wait3A_334 = arith.constant 0 : i32
      %dma_wait3A_335 = tpu.memref_slice %arg10[%dma_wait3A_333, %dma_wait3A_334] : memref<10000x128xf32, #tpu.memory_space<vmem_shared>> -> memref<10000x128xf32, #tpu.memory_space<vmem_shared>>
      tpu.wait_indirect_dma semaphore(%arg14 : memref<!tpu.dma_semaphore, #tpu.memory_space<semaphore_mem>>) src(%arg9 : memref<125x128xf32, #tpu.memory_space<vmem>>) dst(%dma_wait3A_335 : memref<10000x128xf32, #tpu.memory_space<vmem_shared>>)
      %dma_start3A_336 = arith.constant 6 : i32
      %dma_start3A_337 = arith.constant 0 : i32
      %dma_start3A_338 = tpu.memref_slice %arg7[%dma_start3A_336, %dma_start3A_337] : memref<16x125xi32, #tpu.memory_space<vmem>> -> memref<1x125xi32, #tpu.memory_space<vmem>>
      %dma_start3A_339 = tpu.memref_squeeze %dma_start3A_338 : memref<1x125xi32, #tpu.memory_space<vmem>> -> memref<125xi32, #tpu.memory_space<vmem>>
      %dma_start3A_340 = arith.constant 0 : i32
      %dma_start3A_341 = arith.constant 0 : i32
      %dma_start3A_342 = tpu.memref_slice %arg3[%dma_start3A_340, %dma_start3A_341] : memref<10000x128xf32, #tpu.memory_space<hbm>> -> memref<10000x128xf32, #tpu.memory_space<hbm>>
      tpu.enqueue_indirect_dma source(%dma_start3A_342 : memref<10000x128xf32, #tpu.memory_space<hbm>>) target(%arg9 : memref<125x128xf32, #tpu.memory_space<vmem>>) offsets(%dma_start3A_339 : memref<125xi32, #tpu.memory_space<vmem>>) semaphore(%arg12 : memref<!tpu.dma_semaphore, #tpu.memory_space<semaphore_mem>>)
      %dma_wait3A_343 = arith.constant 4 : i32
      %dma_wait3A_344 = arith.constant 0 : i32
      %dma_wait3A_345 = tpu.memref_slice %arg7[%dma_wait3A_343, %dma_wait3A_344] : memref<16x125xi32, #tpu.memory_space<vmem>> -> memref<1x125xi32, #tpu.memory_space<vmem>>
      %dma_wait3A_346 = tpu.memref_squeeze %dma_wait3A_345 : memref<1x125xi32, #tpu.memory_space<vmem>> -> memref<125xi32, #tpu.memory_space<vmem>>
      %dma_wait3A_347 = arith.constant 0 : i32
      %dma_wait3A_348 = arith.constant 0 : i32
      %dma_wait3A_349 = tpu.memref_slice %arg3[%dma_wait3A_347, %dma_wait3A_348] : memref<10000x128xf32, #tpu.memory_space<hbm>> -> memref<10000x128xf32, #tpu.memory_space<hbm>>
      tpu.wait_indirect_dma semaphore(%arg11 : memref<!tpu.dma_semaphore, #tpu.memory_space<semaphore_mem>>) src(%dma_wait3A_349 : memref<10000x128xf32, #tpu.memory_space<hbm>>) dst(%arg8 : memref<125x128xf32, #tpu.memory_space<vmem>>)
      %dma_start3A_350 = arith.constant 5 : i32
      %dma_start3A_351 = arith.constant 0 : i32
      %dma_start3A_352 = tpu.memref_slice %arg7[%dma_start3A_350, %dma_start3A_351] : memref<16x125xi32, #tpu.memory_space<vmem>> -> memref<1x125xi32, #tpu.memory_space<vmem>>
      %dma_start3A_353 = tpu.memref_squeeze %dma_start3A_352 : memref<1x125xi32, #tpu.memory_space<vmem>> -> memref<125xi32, #tpu.memory_space<vmem>>
      %dma_start3A_354 = arith.constant 0 : i32
      %dma_start3A_355 = arith.constant 0 : i32
      %dma_start3A_356 = tpu.memref_slice %arg10[%dma_start3A_354, %dma_start3A_355] : memref<10000x128xf32, #tpu.memory_space<vmem_shared>> -> memref<10000x128xf32, #tpu.memory_space<vmem_shared>>
      tpu.enqueue_indirect_dma source(%arg8 : memref<125x128xf32, #tpu.memory_space<vmem>>) target(%dma_start3A_356 : memref<10000x128xf32, #tpu.memory_space<vmem_shared>>) offsets(%dma_start3A_353 : memref<125xi32, #tpu.memory_space<vmem>>) semaphore(%arg13 : memref<!tpu.dma_semaphore, #tpu.memory_space<semaphore_mem>>) {add = true}
      %dma_wait3A_357 = arith.constant 5 : i32
      %dma_wait3A_358 = arith.constant 0 : i32
      %dma_wait3A_359 = tpu.memref_slice %arg7[%dma_wait3A_357, %dma_wait3A_358] : memref<16x125xi32, #tpu.memory_space<vmem>> -> memref<1x125xi32, #tpu.memory_space<vmem>>
      %dma_wait3A_360 = tpu.memref_squeeze %dma_wait3A_359 : memref<1x125xi32, #tpu.memory_space<vmem>> -> memref<125xi32, #tpu.memory_space<vmem>>
      %dma_wait3A_361 = arith.constant 0 : i32
      %dma_wait3A_362 = arith.constant 0 : i32
      %dma_wait3A_363 = tpu.memref_slice %arg10[%dma_wait3A_361, %dma_wait3A_362] : memref<10000x128xf32, #tpu.memory_space<vmem_shared>> -> memref<10000x128xf32, #tpu.memory_space<vmem_shared>>
      tpu.wait_indirect_dma semaphore(%arg13 : memref<!tpu.dma_semaphore, #tpu.memory_space<semaphore_mem>>) src(%arg8 : memref<125x128xf32, #tpu.memory_space<vmem>>) dst(%dma_wait3A_363 : memref<10000x128xf32, #tpu.memory_space<vmem_shared>>)
      %dma_start3A_364 = arith.constant 8 : i32
      %dma_start3A_365 = arith.constant 0 : i32
      %dma_start3A_366 = tpu.memref_slice %arg7[%dma_start3A_364, %dma_start3A_365] : memref<16x125xi32, #tpu.memory_space<vmem>> -> memref<1x125xi32, #tpu.memory_space<vmem>>
      %dma_start3A_367 = tpu.memref_squeeze %dma_start3A_366 : memref<1x125xi32, #tpu.memory_space<vmem>> -> memref<125xi32, #tpu.memory_space<vmem>>
      %dma_start3A_368 = arith.constant 0 : i32
      %dma_start3A_369 = arith.constant 0 : i32
      %dma_start3A_370 = tpu.memref_slice %arg3[%dma_start3A_368, %dma_start3A_369] : memref<10000x128xf32, #tpu.memory_space<hbm>> -> memref<10000x128xf32, #tpu.memory_space<hbm>>
      tpu.enqueue_indirect_dma source(%dma_start3A_370 : memref<10000x128xf32, #tpu.memory_space<hbm>>) target(%arg8 : memref<125x128xf32, #tpu.memory_space<vmem>>) offsets(%dma_start3A_367 : memref<125xi32, #tpu.memory_space<vmem>>) semaphore(%arg11 : memref<!tpu.dma_semaphore, #tpu.memory_space<semaphore_mem>>)
      %dma_wait3A_371 = arith.constant 6 : i32
      %dma_wait3A_372 = arith.constant 0 : i32
      %dma_wait3A_373 = tpu.memref_slice %arg7[%dma_wait3A_371, %dma_wait3A_372] : memref<16x125xi32, #tpu.memory_space<vmem>> -> memref<1x125xi32, #tpu.memory_space<vmem>>
      %dma_wait3A_374 = tpu.memref_squeeze %dma_wait3A_373 : memref<1x125xi32, #tpu.memory_space<vmem>> -> memref<125xi32, #tpu.memory_space<vmem>>
      %dma_wait3A_375 = arith.constant 0 : i32
      %dma_wait3A_376 = arith.constant 0 : i32
      %dma_wait3A_377 = tpu.memref_slice %arg3[%dma_wait3A_375, %dma_wait3A_376] : memref<10000x128xf32, #tpu.memory_space<hbm>> -> memref<10000x128xf32, #tpu.memory_space<hbm>>
      tpu.wait_indirect_dma semaphore(%arg12 : memref<!tpu.dma_semaphore, #tpu.memory_space<semaphore_mem>>) src(%dma_wait3A_377 : memref<10000x128xf32, #tpu.memory_space<hbm>>) dst(%arg9 : memref<125x128xf32, #tpu.memory_space<vmem>>)
      %dma_start3A_378 = arith.constant 7 : i32
      %dma_start3A_379 = arith.constant 0 : i32
      %dma_start3A_380 = tpu.memref_slice %arg7[%dma_start3A_378, %dma_start3A_379] : memref<16x125xi32, #tpu.memory_space<vmem>> -> memref<1x125xi32, #tpu.memory_space<vmem>>
      %dma_start3A_381 = tpu.memref_squeeze %dma_start3A_380 : memref<1x125xi32, #tpu.memory_space<vmem>> -> memref<125xi32, #tpu.memory_space<vmem>>
      %dma_start3A_382 = arith.constant 0 : i32
      %dma_start3A_383 = arith.constant 0 : i32
      %dma_start3A_384 = tpu.memref_slice %arg10[%dma_start3A_382, %dma_start3A_383] : memref<10000x128xf32, #tpu.memory_space<vmem_shared>> -> memref<10000x128xf32, #tpu.memory_space<vmem_shared>>
      tpu.enqueue_indirect_dma source(%arg9 : memref<125x128xf32, #tpu.memory_space<vmem>>) target(%dma_start3A_384 : memref<10000x128xf32, #tpu.memory_space<vmem_shared>>) offsets(%dma_start3A_381 : memref<125xi32, #tpu.memory_space<vmem>>) semaphore(%arg14 : memref<!tpu.dma_semaphore, #tpu.memory_space<semaphore_mem>>) {add = true}
      %dma_wait3A_385 = arith.constant 7 : i32
      %dma_wait3A_386 = arith.constant 0 : i32
      %dma_wait3A_387 = tpu.memref_slice %arg7[%dma_wait3A_385, %dma_wait3A_386] : memref<16x125xi32, #tpu.memory_space<vmem>> -> memref<1x125xi32, #tpu.memory_space<vmem>>
      %dma_wait3A_388 = tpu.memref_squeeze %dma_wait3A_387 : memref<1x125xi32, #tpu.memory_space<vmem>> -> memref<125xi32, #tpu.memory_space<vmem>>
      %dma_wait3A_389 = arith.constant 0 : i32
      %dma_wait3A_390 = arith.constant 0 : i32
      %dma_wait3A_391 = tpu.memref_slice %arg10[%dma_wait3A_389, %dma_wait3A_390] : memref<10000x128xf32, #tpu.memory_space<vmem_shared>> -> memref<10000x128xf32, #tpu.memory_space<vmem_shared>>
      tpu.wait_indirect_dma semaphore(%arg14 : memref<!tpu.dma_semaphore, #tpu.memory_space<semaphore_mem>>) src(%arg9 : memref<125x128xf32, #tpu.memory_space<vmem>>) dst(%dma_wait3A_391 : memref<10000x128xf32, #tpu.memory_space<vmem_shared>>)
      %dma_start3A_392 = arith.constant 10 : i32
      %dma_start3A_393 = arith.constant 0 : i32
      %dma_start3A_394 = tpu.memref_slice %arg7[%dma_start3A_392, %dma_start3A_393] : memref<16x125xi32, #tpu.memory_space<vmem>> -> memref<1x125xi32, #tpu.memory_space<vmem>>
      %dma_start3A_395 = tpu.memref_squeeze %dma_start3A_394 : memref<1x125xi32, #tpu.memory_space<vmem>> -> memref<125xi32, #tpu.memory_space<vmem>>
      %dma_start3A_396 = arith.constant 0 : i32
      %dma_start3A_397 = arith.constant 0 : i32
      %dma_start3A_398 = tpu.memref_slice %arg3[%dma_start3A_396, %dma_start3A_397] : memref<10000x128xf32, #tpu.memory_space<hbm>> -> memref<10000x128xf32, #tpu.memory_space<hbm>>
      tpu.enqueue_indirect_dma source(%dma_start3A_398 : memref<10000x128xf32, #tpu.memory_space<hbm>>) target(%arg9 : memref<125x128xf32, #tpu.memory_space<vmem>>) offsets(%dma_start3A_395 : memref<125xi32, #tpu.memory_space<vmem>>) semaphore(%arg12 : memref<!tpu.dma_semaphore, #tpu.memory_space<semaphore_mem>>)
      %dma_wait3A_399 = arith.constant 8 : i32
      %dma_wait3A_400 = arith.constant 0 : i32
      %dma_wait3A_401 = tpu.memref_slice %arg7[%dma_wait3A_399, %dma_wait3A_400] : memref<16x125xi32, #tpu.memory_space<vmem>> -> memref<1x125xi32, #tpu.memory_space<vmem>>
      %dma_wait3A_402 = tpu.memref_squeeze %dma_wait3A_401 : memref<1x125xi32, #tpu.memory_space<vmem>> -> memref<125xi32, #tpu.memory_space<vmem>>
      %dma_wait3A_403 = arith.constant 0 : i32
      %dma_wait3A_404 = arith.constant 0 : i32
      %dma_wait3A_405 = tpu.memref_slice %arg3[%dma_wait3A_403, %dma_wait3A_404] : memref<10000x128xf32, #tpu.memory_space<hbm>> -> memref<10000x128xf32, #tpu.memory_space<hbm>>
      tpu.wait_indirect_dma semaphore(%arg11 : memref<!tpu.dma_semaphore, #tpu.memory_space<semaphore_mem>>) src(%dma_wait3A_405 : memref<10000x128xf32, #tpu.memory_space<hbm>>) dst(%arg8 : memref<125x128xf32, #tpu.memory_space<vmem>>)
      %dma_start3A_406 = arith.constant 9 : i32
      %dma_start3A_407 = arith.constant 0 : i32
      %dma_start3A_408 = tpu.memref_slice %arg7[%dma_start3A_406, %dma_start3A_407] : memref<16x125xi32, #tpu.memory_space<vmem>> -> memref<1x125xi32, #tpu.memory_space<vmem>>
      %dma_start3A_409 = tpu.memref_squeeze %dma_start3A_408 : memref<1x125xi32, #tpu.memory_space<vmem>> -> memref<125xi32, #tpu.memory_space<vmem>>
      %dma_start3A_410 = arith.constant 0 : i32
      %dma_start3A_411 = arith.constant 0 : i32
      %dma_start3A_412 = tpu.memref_slice %arg10[%dma_start3A_410, %dma_start3A_411] : memref<10000x128xf32, #tpu.memory_space<vmem_shared>> -> memref<10000x128xf32, #tpu.memory_space<vmem_shared>>
      tpu.enqueue_indirect_dma source(%arg8 : memref<125x128xf32, #tpu.memory_space<vmem>>) target(%dma_start3A_412 : memref<10000x128xf32, #tpu.memory_space<vmem_shared>>) offsets(%dma_start3A_409 : memref<125xi32, #tpu.memory_space<vmem>>) semaphore(%arg13 : memref<!tpu.dma_semaphore, #tpu.memory_space<semaphore_mem>>) {add = true}
      %dma_wait3A_413 = arith.constant 9 : i32
      %dma_wait3A_414 = arith.constant 0 : i32
      %dma_wait3A_415 = tpu.memref_slice %arg7[%dma_wait3A_413, %dma_wait3A_414] : memref<16x125xi32, #tpu.memory_space<vmem>> -> memref<1x125xi32, #tpu.memory_space<vmem>>
      %dma_wait3A_416 = tpu.memref_squeeze %dma_wait3A_415 : memref<1x125xi32, #tpu.memory_space<vmem>> -> memref<125xi32, #tpu.memory_space<vmem>>
      %dma_wait3A_417 = arith.constant 0 : i32
      %dma_wait3A_418 = arith.constant 0 : i32
      %dma_wait3A_419 = tpu.memref_slice %arg10[%dma_wait3A_417, %dma_wait3A_418] : memref<10000x128xf32, #tpu.memory_space<vmem_shared>> -> memref<10000x128xf32, #tpu.memory_space<vmem_shared>>
      tpu.wait_indirect_dma semaphore(%arg13 : memref<!tpu.dma_semaphore, #tpu.memory_space<semaphore_mem>>) src(%arg8 : memref<125x128xf32, #tpu.memory_space<vmem>>) dst(%dma_wait3A_419 : memref<10000x128xf32, #tpu.memory_space<vmem_shared>>)
      %dma_start3A_420 = arith.constant 12 : i32
      %dma_start3A_421 = arith.constant 0 : i32
      %dma_start3A_422 = tpu.memref_slice %arg7[%dma_start3A_420, %dma_start3A_421] : memref<16x125xi32, #tpu.memory_space<vmem>> -> memref<1x125xi32, #tpu.memory_space<vmem>>
      %dma_start3A_423 = tpu.memref_squeeze %dma_start3A_422 : memref<1x125xi32, #tpu.memory_space<vmem>> -> memref<125xi32, #tpu.memory_space<vmem>>
      %dma_start3A_424 = arith.constant 0 : i32
      %dma_start3A_425 = arith.constant 0 : i32
      %dma_start3A_426 = tpu.memref_slice %arg3[%dma_start3A_424, %dma_start3A_425] : memref<10000x128xf32, #tpu.memory_space<hbm>> -> memref<10000x128xf32, #tpu.memory_space<hbm>>
      tpu.enqueue_indirect_dma source(%dma_start3A_426 : memref<10000x128xf32, #tpu.memory_space<hbm>>) target(%arg8 : memref<125x128xf32, #tpu.memory_space<vmem>>) offsets(%dma_start3A_423 : memref<125xi32, #tpu.memory_space<vmem>>) semaphore(%arg11 : memref<!tpu.dma_semaphore, #tpu.memory_space<semaphore_mem>>)
      %dma_wait3A_427 = arith.constant 10 : i32
      %dma_wait3A_428 = arith.constant 0 : i32
      %dma_wait3A_429 = tpu.memref_slice %arg7[%dma_wait3A_427, %dma_wait3A_428] : memref<16x125xi32, #tpu.memory_space<vmem>> -> memref<1x125xi32, #tpu.memory_space<vmem>>
      %dma_wait3A_430 = tpu.memref_squeeze %dma_wait3A_429 : memref<1x125xi32, #tpu.memory_space<vmem>> -> memref<125xi32, #tpu.memory_space<vmem>>
      %dma_wait3A_431 = arith.constant 0 : i32
      %dma_wait3A_432 = arith.constant 0 : i32
      %dma_wait3A_433 = tpu.memref_slice %arg3[%dma_wait3A_431, %dma_wait3A_432] : memref<10000x128xf32, #tpu.memory_space<hbm>> -> memref<10000x128xf32, #tpu.memory_space<hbm>>
      tpu.wait_indirect_dma semaphore(%arg12 : memref<!tpu.dma_semaphore, #tpu.memory_space<semaphore_mem>>) src(%dma_wait3A_433 : memref<10000x128xf32, #tpu.memory_space<hbm>>) dst(%arg9 : memref<125x128xf32, #tpu.memory_space<vmem>>)
      %dma_start3A_434 = arith.constant 11 : i32
      %dma_start3A_435 = arith.constant 0 : i32
      %dma_start3A_436 = tpu.memref_slice %arg7[%dma_start3A_434, %dma_start3A_435] : memref<16x125xi32, #tpu.memory_space<vmem>> -> memref<1x125xi32, #tpu.memory_space<vmem>>
      %dma_start3A_437 = tpu.memref_squeeze %dma_start3A_436 : memref<1x125xi32, #tpu.memory_space<vmem>> -> memref<125xi32, #tpu.memory_space<vmem>>
      %dma_start3A_438 = arith.constant 0 : i32
      %dma_start3A_439 = arith.constant 0 : i32
      %dma_start3A_440 = tpu.memref_slice %arg10[%dma_start3A_438, %dma_start3A_439] : memref<10000x128xf32, #tpu.memory_space<vmem_shared>> -> memref<10000x128xf32, #tpu.memory_space<vmem_shared>>
      tpu.enqueue_indirect_dma source(%arg9 : memref<125x128xf32, #tpu.memory_space<vmem>>) target(%dma_start3A_440 : memref<10000x128xf32, #tpu.memory_space<vmem_shared>>) offsets(%dma_start3A_437 : memref<125xi32, #tpu.memory_space<vmem>>) semaphore(%arg14 : memref<!tpu.dma_semaphore, #tpu.memory_space<semaphore_mem>>) {add = true}
      %dma_wait3A_441 = arith.constant 11 : i32
      %dma_wait3A_442 = arith.constant 0 : i32
      %dma_wait3A_443 = tpu.memref_slice %arg7[%dma_wait3A_441, %dma_wait3A_442] : memref<16x125xi32, #tpu.memory_space<vmem>> -> memref<1x125xi32, #tpu.memory_space<vmem>>
      %dma_wait3A_444 = tpu.memref_squeeze %dma_wait3A_443 : memref<1x125xi32, #tpu.memory_space<vmem>> -> memref<125xi32, #tpu.memory_space<vmem>>
      %dma_wait3A_445 = arith.constant 0 : i32
      %dma_wait3A_446 = arith.constant 0 : i32
      %dma_wait3A_447 = tpu.memref_slice %arg10[%dma_wait3A_445, %dma_wait3A_446] : memref<10000x128xf32, #tpu.memory_space<vmem_shared>> -> memref<10000x128xf32, #tpu.memory_space<vmem_shared>>
      tpu.wait_indirect_dma semaphore(%arg14 : memref<!tpu.dma_semaphore, #tpu.memory_space<semaphore_mem>>) src(%arg9 : memref<125x128xf32, #tpu.memory_space<vmem>>) dst(%dma_wait3A_447 : memref<10000x128xf32, #tpu.memory_space<vmem_shared>>)
      %dma_start3A_448 = arith.constant 14 : i32
      %dma_start3A_449 = arith.constant 0 : i32
      %dma_start3A_450 = tpu.memref_slice %arg7[%dma_start3A_448, %dma_start3A_449] : memref<16x125xi32, #tpu.memory_space<vmem>> -> memref<1x125xi32, #tpu.memory_space<vmem>>
      %dma_start3A_451 = tpu.memref_squeeze %dma_start3A_450 : memref<1x125xi32, #tpu.memory_space<vmem>> -> memref<125xi32, #tpu.memory_space<vmem>>
      %dma_start3A_452 = arith.constant 0 : i32
      %dma_start3A_453 = arith.constant 0 : i32
      %dma_start3A_454 = tpu.memref_slice %arg3[%dma_start3A_452, %dma_start3A_453] : memref<10000x128xf32, #tpu.memory_space<hbm>> -> memref<10000x128xf32, #tpu.memory_space<hbm>>
      tpu.enqueue_indirect_dma source(%dma_start3A_454 : memref<10000x128xf32, #tpu.memory_space<hbm>>) target(%arg9 : memref<125x128xf32, #tpu.memory_space<vmem>>) offsets(%dma_start3A_451 : memref<125xi32, #tpu.memory_space<vmem>>) semaphore(%arg12 : memref<!tpu.dma_semaphore, #tpu.memory_space<semaphore_mem>>)
      %dma_wait3A_455 = arith.constant 12 : i32
      %dma_wait3A_456 = arith.constant 0 : i32
      %dma_wait3A_457 = tpu.memref_slice %arg7[%dma_wait3A_455, %dma_wait3A_456] : memref<16x125xi32, #tpu.memory_space<vmem>> -> memref<1x125xi32, #tpu.memory_space<vmem>>
      %dma_wait3A_458 = tpu.memref_squeeze %dma_wait3A_457 : memref<1x125xi32, #tpu.memory_space<vmem>> -> memref<125xi32, #tpu.memory_space<vmem>>
      %dma_wait3A_459 = arith.constant 0 : i32
      %dma_wait3A_460 = arith.constant 0 : i32
      %dma_wait3A_461 = tpu.memref_slice %arg3[%dma_wait3A_459, %dma_wait3A_460] : memref<10000x128xf32, #tpu.memory_space<hbm>> -> memref<10000x128xf32, #tpu.memory_space<hbm>>
      tpu.wait_indirect_dma semaphore(%arg11 : memref<!tpu.dma_semaphore, #tpu.memory_space<semaphore_mem>>) src(%dma_wait3A_461 : memref<10000x128xf32, #tpu.memory_space<hbm>>) dst(%arg8 : memref<125x128xf32, #tpu.memory_space<vmem>>)
      %dma_start3A_462 = arith.constant 13 : i32
      %dma_start3A_463 = arith.constant 0 : i32
      %dma_start3A_464 = tpu.memref_slice %arg7[%dma_start3A_462, %dma_start3A_463] : memref<16x125xi32, #tpu.memory_space<vmem>> -> memref<1x125xi32, #tpu.memory_space<vmem>>
      %dma_start3A_465 = tpu.memref_squeeze %dma_start3A_464 : memref<1x125xi32, #tpu.memory_space<vmem>> -> memref<125xi32, #tpu.memory_space<vmem>>
      %dma_start3A_466 = arith.constant 0 : i32
      %dma_start3A_467 = arith.constant 0 : i32
      %dma_start3A_468 = tpu.memref_slice %arg10[%dma_start3A_466, %dma_start3A_467] : memref<10000x128xf32, #tpu.memory_space<vmem_shared>> -> memref<10000x128xf32, #tpu.memory_space<vmem_shared>>
      tpu.enqueue_indirect_dma source(%arg8 : memref<125x128xf32, #tpu.memory_space<vmem>>) target(%dma_start3A_468 : memref<10000x128xf32, #tpu.memory_space<vmem_shared>>) offsets(%dma_start3A_465 : memref<125xi32, #tpu.memory_space<vmem>>) semaphore(%arg13 : memref<!tpu.dma_semaphore, #tpu.memory_space<semaphore_mem>>) {add = true}
      %dma_wait3A_469 = arith.constant 14 : i32
      %dma_wait3A_470 = arith.constant 0 : i32
      %dma_wait3A_471 = tpu.memref_slice %arg7[%dma_wait3A_469, %dma_wait3A_470] : memref<16x125xi32, #tpu.memory_space<vmem>> -> memref<1x125xi32, #tpu.memory_space<vmem>>
      %dma_wait3A_472 = tpu.memref_squeeze %dma_wait3A_471 : memref<1x125xi32, #tpu.memory_space<vmem>> -> memref<125xi32, #tpu.memory_space<vmem>>
      %dma_wait3A_473 = arith.constant 0 : i32
      %dma_wait3A_474 = arith.constant 0 : i32
      %dma_wait3A_475 = tpu.memref_slice %arg3[%dma_wait3A_473, %dma_wait3A_474] : memref<10000x128xf32, #tpu.memory_space<hbm>> -> memref<10000x128xf32, #tpu.memory_space<hbm>>
      tpu.wait_indirect_dma semaphore(%arg12 : memref<!tpu.dma_semaphore, #tpu.memory_space<semaphore_mem>>) src(%dma_wait3A_475 : memref<10000x128xf32, #tpu.memory_space<hbm>>) dst(%arg9 : memref<125x128xf32, #tpu.memory_space<vmem>>)
      %dma_start3A_476 = arith.constant 15 : i32
      %dma_start3A_477 = arith.constant 0 : i32
      %dma_start3A_478 = tpu.memref_slice %arg7[%dma_start3A_476, %dma_start3A_477] : memref<16x125xi32, #tpu.memory_space<vmem>> -> memref<1x125xi32, #tpu.memory_space<vmem>>
      %dma_start3A_479 = tpu.memref_squeeze %dma_start3A_478 : memref<1x125xi32, #tpu.memory_space<vmem>> -> memref<125xi32, #tpu.memory_space<vmem>>
      %dma_start3A_480 = arith.constant 0 : i32
      %dma_start3A_481 = arith.constant 0 : i32
      %dma_start3A_482 = tpu.memref_slice %arg10[%dma_start3A_480, %dma_start3A_481] : memref<10000x128xf32, #tpu.memory_space<vmem_shared>> -> memref<10000x128xf32, #tpu.memory_space<vmem_shared>>
      tpu.enqueue_indirect_dma source(%arg9 : memref<125x128xf32, #tpu.memory_space<vmem>>) target(%dma_start3A_482 : memref<10000x128xf32, #tpu.memory_space<vmem_shared>>) offsets(%dma_start3A_479 : memref<125xi32, #tpu.memory_space<vmem>>) semaphore(%arg14 : memref<!tpu.dma_semaphore, #tpu.memory_space<semaphore_mem>>) {add = true}
      %dma_wait3A_483 = arith.constant 13 : i32
      %dma_wait3A_484 = arith.constant 0 : i32
      %dma_wait3A_485 = tpu.memref_slice %arg7[%dma_wait3A_483, %dma_wait3A_484] : memref<16x125xi32, #tpu.memory_space<vmem>> -> memref<1x125xi32, #tpu.memory_space<vmem>>
      %dma_wait3A_486 = tpu.memref_squeeze %dma_wait3A_485 : memref<1x125xi32, #tpu.memory_space<vmem>> -> memref<125xi32, #tpu.memory_space<vmem>>
      %dma_wait3A_487 = arith.constant 0 : i32
      %dma_wait3A_488 = arith.constant 0 : i32
      %dma_wait3A_489 = tpu.memref_slice %arg10[%dma_wait3A_487, %dma_wait3A_488] : memref<10000x128xf32, #tpu.memory_space<vmem_shared>> -> memref<10000x128xf32, #tpu.memory_space<vmem_shared>>
      tpu.wait_indirect_dma semaphore(%arg13 : memref<!tpu.dma_semaphore, #tpu.memory_space<semaphore_mem>>) src(%arg8 : memref<125x128xf32, #tpu.memory_space<vmem>>) dst(%dma_wait3A_489 : memref<10000x128xf32, #tpu.memory_space<vmem_shared>>)
      %dma_wait3A_490 = arith.constant 15 : i32
      %dma_wait3A_491 = arith.constant 0 : i32
      %dma_wait3A_492 = tpu.memref_slice %arg7[%dma_wait3A_490, %dma_wait3A_491] : memref<16x125xi32, #tpu.memory_space<vmem>> -> memref<1x125xi32, #tpu.memory_space<vmem>>
      %dma_wait3A_493 = tpu.memref_squeeze %dma_wait3A_492 : memref<1x125xi32, #tpu.memory_space<vmem>> -> memref<125xi32, #tpu.memory_space<vmem>>
      %dma_wait3A_494 = arith.constant 0 : i32
      %dma_wait3A_495 = arith.constant 0 : i32
      %dma_wait3A_496 = tpu.memref_slice %arg10[%dma_wait3A_494, %dma_wait3A_495] : memref<10000x128xf32, #tpu.memory_space<vmem_shared>> -> memref<10000x128xf32, #tpu.memory_space<vmem_shared>>
      tpu.wait_indirect_dma semaphore(%arg14 : memref<!tpu.dma_semaphore, #tpu.memory_space<semaphore_mem>>) src(%arg9 : memref<125x128xf32, #tpu.memory_space<vmem>>) dst(%dma_wait3A_496 : memref<10000x128xf32, #tpu.memory_space<vmem_shared>>)
      %dma_wait3A_497 = arith.constant 0 : i32
      %dma_wait3A_498 = tpu.memref_slice %arg2[%add3A, %multiple_of3A_266, %dma_wait3A_497] : memref<32x160x125xi32, #tpu.memory_space<hbm>> -> memref<1x16x125xi32, #tpu.memory_space<hbm>>
      %dma_wait3A_499 = tpu.memref_squeeze %dma_wait3A_498 : memref<1x16x125xi32, #tpu.memory_space<hbm>> -> memref<16x125xi32, #tpu.memory_space<hbm>>
      %dma_wait3A_500 = arith.constant 0 : i32
      %dma_wait3A_501 = tpu.memref_slice %arg2[%add3A, %multiple_of3A_266, %dma_wait3A_500] : memref<32x160x125xi32, #tpu.memory_space<hbm>> -> memref<1x16x125xi32, #tpu.memory_space<hbm>>
      %dma_wait3A_502 = tpu.memref_squeeze %dma_wait3A_501 : memref<1x16x125xi32, #tpu.memory_space<hbm>> -> memref<16x125xi32, #tpu.memory_space<hbm>>
      tpu.wait_dma2 semaphore(%arg15 : memref<!tpu.dma_semaphore, #tpu.memory_space<semaphore_mem>>) src(%dma_wait3A_502 : memref<16x125xi32, #tpu.memory_space<hbm>>) dst(%arg6 : memref<16x125xi32, #tpu.memory_space<vmem>>)
    }
    %scan3A_9 = arith.constant 5 : i32
    %barrier3A_10 = arith.constant 0 : index
    tpu.barrier barrier_id(%barrier3A_10)
    %mul3A_11 = arith.constant 624 : i32
    %mul3A_12 = arith.muli %arg1, %mul3A_11 : i32
    "tpu.region"() ({
      %run_scoped3A = tpu.sem_alloc : memref<!tpu.dma_semaphore, #tpu.memory_space<semaphore_mem>>
      %dma_start3A = arith.constant 0 : i32
      %dma_start3A_18 = tpu.memref_slice %arg5[%arg0, %mul3A_12, %dma_start3A] : memref<2x10000x128xf32, #tpu.memory_space<hbm>> -> memref<1x624x128xf32, #tpu.memory_space<hbm>>
      %dma_start3A_19 = tpu.memref_squeeze %dma_start3A_18 : memref<1x624x128xf32, #tpu.memory_space<hbm>> -> memref<624x128xf32, #tpu.memory_space<hbm>>
      %dma_start3A_20 = arith.constant 0 : i32
      %dma_start3A_21 = tpu.memref_slice %arg10[%mul3A_12, %dma_start3A_20] : memref<10000x128xf32, #tpu.memory_space<vmem_shared>> -> memref<624x128xf32, #tpu.memory_space<vmem_shared>>
      tpu.enqueue_dma source(%dma_start3A_21 : memref<624x128xf32, #tpu.memory_space<vmem_shared>>) target(%dma_start3A_19 : memref<624x128xf32, #tpu.memory_space<hbm>>) target_semaphore(%run_scoped3A : memref<!tpu.dma_semaphore, #tpu.memory_space<semaphore_mem>>)
      %dma_wait3A = arith.constant 0 : i32
      %dma_wait3A_22 = tpu.memref_slice %arg5[%arg0, %mul3A_12, %dma_wait3A] : memref<2x10000x128xf32, #tpu.memory_space<hbm>> -> memref<1x624x128xf32, #tpu.memory_space<hbm>>
      %dma_wait3A_23 = tpu.memref_squeeze %dma_wait3A_22 : memref<1x624x128xf32, #tpu.memory_space<hbm>> -> memref<624x128xf32, #tpu.memory_space<hbm>>
      %dma_wait3A_24 = arith.constant 0 : i32
      %dma_wait3A_25 = tpu.memref_slice %arg10[%mul3A_12, %dma_wait3A_24] : memref<10000x128xf32, #tpu.memory_space<vmem_shared>> -> memref<624x128xf32, #tpu.memory_space<vmem_shared>>
      tpu.wait_dma2 semaphore(%run_scoped3A : memref<!tpu.dma_semaphore, #tpu.memory_space<semaphore_mem>>) src(%dma_wait3A_25 : memref<624x128xf32, #tpu.memory_space<vmem_shared>>) dst(%dma_wait3A_23 : memref<624x128xf32, #tpu.memory_space<hbm>>)
      tpu.yield
    }) : () -> ()
    %eq3A_13 = arith.constant 15 : i32
    %eq3A_14 = arith.cmpi eq, %arg1, %eq3A_13 : i32
    %convert_element_type3A_15 = arith.extui %eq3A_14 : i1 to i32
    %cond3A_16 = arith.constant 0 : i32
    %cond3A_17 = arith.cmpi ne, %convert_element_type3A_15, %cond3A_16 : i32
    scf.if %cond3A_17 {
      "tpu.region"() ({
        %run_scoped3A = tpu.sem_alloc : memref<!tpu.dma_semaphore, #tpu.memory_space<semaphore_mem>>
        %dma_start3A = arith.constant 9984 : i32
        %dma_start3A_18 = arith.constant 0 : i32
        %dma_start3A_19 = tpu.memref_slice %arg5[%arg0, %dma_start3A, %dma_start3A_18] : memref<2x10000x128xf32, #tpu.memory_space<hbm>> -> memref<1x16x128xf32, #tpu.memory_space<hbm>>
        %dma_start3A_20 = tpu.memref_squeeze %dma_start3A_19 : memref<1x16x128xf32, #tpu.memory_space<hbm>> -> memref<16x128xf32, #tpu.memory_space<hbm>>
        %dma_start3A_21 = arith.constant 9984 : i32
        %dma_start3A_22 = arith.constant 0 : i32
        %dma_start3A_23 = tpu.memref_slice %arg10[%dma_start3A_21, %dma_start3A_22] : memref<10000x128xf32, #tpu.memory_space<vmem_shared>> -> memref<16x128xf32, #tpu.memory_space<vmem_shared>>
        tpu.enqueue_dma source(%dma_start3A_23 : memref<16x128xf32, #tpu.memory_space<vmem_shared>>) target(%dma_start3A_20 : memref<16x128xf32, #tpu.memory_space<hbm>>) target_semaphore(%run_scoped3A : memref<!tpu.dma_semaphore, #tpu.memory_space<semaphore_mem>>)
        %dma_wait3A = arith.constant 9984 : i32
        %dma_wait3A_24 = arith.constant 0 : i32
        %dma_wait3A_25 = tpu.memref_slice %arg5[%arg0, %dma_wait3A, %dma_wait3A_24] : memref<2x10000x128xf32, #tpu.memory_space<hbm>> -> memref<1x16x128xf32, #tpu.memory_space<hbm>>
        %dma_wait3A_26 = tpu.memref_squeeze %dma_wait3A_25 : memref<1x16x128xf32, #tpu.memory_space<hbm>> -> memref<16x128xf32, #tpu.memory_space<hbm>>
        %dma_wait3A_27 = arith.constant 9984 : i32
        %dma_wait3A_28 = arith.constant 0 : i32
        %dma_wait3A_29 = tpu.memref_slice %arg10[%dma_wait3A_27, %dma_wait3A_28] : memref<10000x128xf32, #tpu.memory_space<vmem_shared>> -> memref<16x128xf32, #tpu.memory_space<vmem_shared>>
        tpu.wait_dma2 semaphore(%run_scoped3A : memref<!tpu.dma_semaphore, #tpu.memory_space<semaphore_mem>>) src(%dma_wait3A_29 : memref<16x128xf32, #tpu.memory_space<vmem_shared>>) dst(%dma_wait3A_26 : memref<16x128xf32, #tpu.memory_space<hbm>>)
        tpu.yield
      }) : () -> ()
    } else {
    }
    return
  }
}

#map = affine_map<(d0, d1) -> (0, 0, 0)>
#map1 = affine_map<(d0, d1) -> (0, 0)>
module attributes {stable_mosaic.version = 14 : i64} {
  func.func @_sc_deg(%arg0: i32, %arg1: i32, %arg2: memref<32x80x125xi32, #tpu.memory_space<hbm>>, %arg3: memref<10000x128xf32, #tpu.memory_space<hbm>>, %arg4: memref<125x128xf32, #tpu.memory_space<hbm>>, %arg5: memref<2x10000x128xf32, #tpu.memory_space<hbm>>, %arg6: memref<8x125xi32, #tpu.memory_space<vmem>>, %arg7: memref<8x125xi32, #tpu.memory_space<vmem>>, %arg8: memref<125x128xf32, #tpu.memory_space<vmem>>, %arg9: memref<10000x128xf32, #tpu.memory_space<vmem_shared>>, %arg10: memref<!tpu.dma_semaphore, #tpu.memory_space<semaphore_mem>>, %arg11: memref<!tpu.dma_semaphore, #tpu.memory_space<semaphore_mem>>, %arg12: memref<!tpu.dma_semaphore, #tpu.memory_space<semaphore_mem>>) attributes {dimension_semantics = [#tpu.dimension_semantics<core_parallel>, #tpu.dimension_semantics<subcore_parallel>], iteration_bounds = array<i64: 2, 16>, scalar_prefetch = 0 : i64, scratch_operands = 7 : i64, tpu.core_type = #tpu.core_type<sc_vector_subcore>, window_params = [{transform_indices = #map}, {transform_indices = #map1}, {transform_indices = #map1}, {transform_indices = #map}]} {
    %mul3A = arith.constant 16 : i32
    %mul3A_0 = arith.muli %arg0, %mul3A : i32
    %add3A = arith.addi %mul3A_0, %arg1 : i32
    %mul3A_1 = arith.constant 624 : i32
    %mul3A_2 = arith.muli %arg1, %mul3A_1 : i32
    "tpu.region"() ({
      %run_scoped3A = tpu.sem_alloc : memref<!tpu.dma_semaphore, #tpu.memory_space<semaphore_mem>>
      %dma_start3A = arith.constant 0 : i32
      %dma_start3A_18 = tpu.memref_slice %arg9[%mul3A_2, %dma_start3A] : memref<10000x128xf32, #tpu.memory_space<vmem_shared>> -> memref<624x128xf32, #tpu.memory_space<vmem_shared>>
      %dma_start3A_19 = arith.constant 0 : i32
      %dma_start3A_20 = tpu.memref_slice %arg3[%mul3A_2, %dma_start3A_19] : memref<10000x128xf32, #tpu.memory_space<hbm>> -> memref<624x128xf32, #tpu.memory_space<hbm>>
      tpu.enqueue_dma source(%dma_start3A_20 : memref<624x128xf32, #tpu.memory_space<hbm>>) target(%dma_start3A_18 : memref<624x128xf32, #tpu.memory_space<vmem_shared>>) target_semaphore(%run_scoped3A : memref<!tpu.dma_semaphore, #tpu.memory_space<semaphore_mem>>)
      %dma_wait3A = arith.constant 0 : i32
      %dma_wait3A_21 = tpu.memref_slice %arg9[%mul3A_2, %dma_wait3A] : memref<10000x128xf32, #tpu.memory_space<vmem_shared>> -> memref<624x128xf32, #tpu.memory_space<vmem_shared>>
      %dma_wait3A_22 = arith.constant 0 : i32
      %dma_wait3A_23 = tpu.memref_slice %arg3[%mul3A_2, %dma_wait3A_22] : memref<10000x128xf32, #tpu.memory_space<hbm>> -> memref<624x128xf32, #tpu.memory_space<hbm>>
      tpu.wait_dma2 semaphore(%run_scoped3A : memref<!tpu.dma_semaphore, #tpu.memory_space<semaphore_mem>>) src(%dma_wait3A_23 : memref<624x128xf32, #tpu.memory_space<hbm>>) dst(%dma_wait3A_21 : memref<624x128xf32, #tpu.memory_space<vmem_shared>>)
      tpu.yield
    }) : () -> ()
    %eq3A = arith.constant 15 : i32
    %eq3A_3 = arith.cmpi eq, %arg1, %eq3A : i32
    %convert_element_type3A = arith.extui %eq3A_3 : i1 to i32
    %cond3A = arith.constant 0 : i32
    %cond3A_4 = arith.cmpi ne, %convert_element_type3A, %cond3A : i32
    scf.if %cond3A_4 {
      "tpu.region"() ({
        %run_scoped3A = tpu.sem_alloc : memref<!tpu.dma_semaphore, #tpu.memory_space<semaphore_mem>>
        %dma_start3A = arith.constant 9984 : i32
        %dma_start3A_18 = arith.constant 0 : i32
        %dma_start3A_19 = tpu.memref_slice %arg9[%dma_start3A, %dma_start3A_18] : memref<10000x128xf32, #tpu.memory_space<vmem_shared>> -> memref<16x128xf32, #tpu.memory_space<vmem_shared>>
        %dma_start3A_20 = arith.constant 9984 : i32
        %dma_start3A_21 = arith.constant 0 : i32
        %dma_start3A_22 = tpu.memref_slice %arg3[%dma_start3A_20, %dma_start3A_21] : memref<10000x128xf32, #tpu.memory_space<hbm>> -> memref<16x128xf32, #tpu.memory_space<hbm>>
        tpu.enqueue_dma source(%dma_start3A_22 : memref<16x128xf32, #tpu.memory_space<hbm>>) target(%dma_start3A_19 : memref<16x128xf32, #tpu.memory_space<vmem_shared>>) target_semaphore(%run_scoped3A : memref<!tpu.dma_semaphore, #tpu.memory_space<semaphore_mem>>)
        %dma_wait3A = arith.constant 9984 : i32
        %dma_wait3A_23 = arith.constant 0 : i32
        %dma_wait3A_24 = tpu.memref_slice %arg9[%dma_wait3A, %dma_wait3A_23] : memref<10000x128xf32, #tpu.memory_space<vmem_shared>> -> memref<16x128xf32, #tpu.memory_space<vmem_shared>>
        %dma_wait3A_25 = arith.constant 9984 : i32
        %dma_wait3A_26 = arith.constant 0 : i32
        %dma_wait3A_27 = tpu.memref_slice %arg3[%dma_wait3A_25, %dma_wait3A_26] : memref<10000x128xf32, #tpu.memory_space<hbm>> -> memref<16x128xf32, #tpu.memory_space<hbm>>
        tpu.wait_dma2 semaphore(%run_scoped3A : memref<!tpu.dma_semaphore, #tpu.memory_space<semaphore_mem>>) src(%dma_wait3A_27 : memref<16x128xf32, #tpu.memory_space<hbm>>) dst(%dma_wait3A_24 : memref<16x128xf32, #tpu.memory_space<vmem_shared>>)
        tpu.yield
      }) : () -> ()
    } else {
    }
    "tpu.region"() ({
      %run_scoped3A = tpu.sem_alloc : memref<!tpu.dma_semaphore, #tpu.memory_space<semaphore_mem>>
      tpu.enqueue_dma source(%arg4 : memref<125x128xf32, #tpu.memory_space<hbm>>) target(%arg8 : memref<125x128xf32, #tpu.memory_space<vmem>>) target_semaphore(%run_scoped3A : memref<!tpu.dma_semaphore, #tpu.memory_space<semaphore_mem>>)
      tpu.wait_dma2 semaphore(%run_scoped3A : memref<!tpu.dma_semaphore, #tpu.memory_space<semaphore_mem>>) src(%arg4 : memref<125x128xf32, #tpu.memory_space<hbm>>) dst(%arg8 : memref<125x128xf32, #tpu.memory_space<vmem>>)
      tpu.yield
    }) : () -> ()
    "tpu.region"() ({
      %run_scoped3A = tpu.sem_alloc : memref<!tpu.dma_semaphore, #tpu.memory_space<semaphore_mem>>
      %dma_start3A = arith.constant 0 : i32
      %dma_start3A_18 = arith.constant 0 : i32
      %dma_start3A_19 = tpu.memref_slice %arg2[%add3A, %dma_start3A, %dma_start3A_18] : memref<32x80x125xi32, #tpu.memory_space<hbm>> -> memref<1x8x125xi32, #tpu.memory_space<hbm>>
      %dma_start3A_20 = tpu.memref_squeeze %dma_start3A_19 : memref<1x8x125xi32, #tpu.memory_space<hbm>> -> memref<8x125xi32, #tpu.memory_space<hbm>>
      %dma_start3A_21 = arith.constant 0 : i32
      %dma_start3A_22 = arith.constant 0 : i32
      %dma_start3A_23 = tpu.memref_slice %arg2[%add3A, %dma_start3A_21, %dma_start3A_22] : memref<32x80x125xi32, #tpu.memory_space<hbm>> -> memref<1x8x125xi32, #tpu.memory_space<hbm>>
      %dma_start3A_24 = tpu.memref_squeeze %dma_start3A_23 : memref<1x8x125xi32, #tpu.memory_space<hbm>> -> memref<8x125xi32, #tpu.memory_space<hbm>>
      tpu.enqueue_dma source(%dma_start3A_24 : memref<8x125xi32, #tpu.memory_space<hbm>>) target(%arg6 : memref<8x125xi32, #tpu.memory_space<vmem>>) target_semaphore(%run_scoped3A : memref<!tpu.dma_semaphore, #tpu.memory_space<semaphore_mem>>)
      %dma_wait3A = arith.constant 0 : i32
      %dma_wait3A_25 = arith.constant 0 : i32
      %dma_wait3A_26 = tpu.memref_slice %arg2[%add3A, %dma_wait3A, %dma_wait3A_25] : memref<32x80x125xi32, #tpu.memory_space<hbm>> -> memref<1x8x125xi32, #tpu.memory_space<hbm>>
      %dma_wait3A_27 = tpu.memref_squeeze %dma_wait3A_26 : memref<1x8x125xi32, #tpu.memory_space<hbm>> -> memref<8x125xi32, #tpu.memory_space<hbm>>
      %dma_wait3A_28 = arith.constant 0 : i32
      %dma_wait3A_29 = arith.constant 0 : i32
      %dma_wait3A_30 = tpu.memref_slice %arg2[%add3A, %dma_wait3A_28, %dma_wait3A_29] : memref<32x80x125xi32, #tpu.memory_space<hbm>> -> memref<1x8x125xi32, #tpu.memory_space<hbm>>
      %dma_wait3A_31 = tpu.memref_squeeze %dma_wait3A_30 : memref<1x8x125xi32, #tpu.memory_space<hbm>> -> memref<8x125xi32, #tpu.memory_space<hbm>>
      tpu.wait_dma2 semaphore(%run_scoped3A : memref<!tpu.dma_semaphore, #tpu.memory_space<semaphore_mem>>) src(%dma_wait3A_31 : memref<8x125xi32, #tpu.memory_space<hbm>>) dst(%arg6 : memref<8x125xi32, #tpu.memory_space<vmem>>)
      tpu.yield
    }) : () -> ()
    %barrier3A = arith.constant 0 : index
    tpu.barrier barrier_id(%barrier3A)
    %scan3A = arith.constant 0 : i32
    %scan3A_5 = arith.constant 0 : i32
    %scan3A_6 = arith.constant 5 : i32
    %scan3A_7 = arith.addi %scan3A_5, %scan3A_6 : i32
    %scan3A_8 = arith.constant 1 : i32
    scf.for %scan3A_18 = %scan3A_5 to %scan3A_7 step %scan3A_8  : i32 {
      %mul3A_19 = arith.constant 2 : i32
      %mul3A_20 = arith.muli %mul3A_19, %scan3A_18 : i32
      %add3A_21 = arith.constant 1 : i32
      %add3A_22 = arith.addi %mul3A_20, %add3A_21 : i32
      %mul3A_23 = arith.constant 8 : i32
      %mul3A_24 = arith.muli %add3A_22, %mul3A_23 : i32
      %multiple_of3A = tpu.assume_multiple %mul3A_24, 8 : i32
      %dma_start3A = arith.constant 0 : i32
      %dma_start3A_25 = tpu.memref_slice %arg2[%add3A, %multiple_of3A, %dma_start3A] : memref<32x80x125xi32, #tpu.memory_space<hbm>> -> memref<1x8x125xi32, #tpu.memory_space<hbm>>
      %dma_start3A_26 = tpu.memref_squeeze %dma_start3A_25 : memref<1x8x125xi32, #tpu.memory_space<hbm>> -> memref<8x125xi32, #tpu.memory_space<hbm>>
      %dma_start3A_27 = arith.constant 0 : i32
      %dma_start3A_28 = tpu.memref_slice %arg2[%add3A, %multiple_of3A, %dma_start3A_27] : memref<32x80x125xi32, #tpu.memory_space<hbm>> -> memref<1x8x125xi32, #tpu.memory_space<hbm>>
      %dma_start3A_29 = tpu.memref_squeeze %dma_start3A_28 : memref<1x8x125xi32, #tpu.memory_space<hbm>> -> memref<8x125xi32, #tpu.memory_space<hbm>>
      tpu.enqueue_dma source(%dma_start3A_29 : memref<8x125xi32, #tpu.memory_space<hbm>>) target(%arg7 : memref<8x125xi32, #tpu.memory_space<vmem>>) target_semaphore(%arg12 : memref<!tpu.dma_semaphore, #tpu.memory_space<semaphore_mem>>)
      %dma_start3A_30 = arith.constant 0 : i32
      %dma_start3A_31 = arith.constant 0 : i32
      %dma_start3A_32 = tpu.memref_slice %arg6[%dma_start3A_30, %dma_start3A_31] : memref<8x125xi32, #tpu.memory_space<vmem>> -> memref<1x125xi32, #tpu.memory_space<vmem>>
      %dma_start3A_33 = tpu.memref_squeeze %dma_start3A_32 : memref<1x125xi32, #tpu.memory_space<vmem>> -> memref<125xi32, #tpu.memory_space<vmem>>
      %dma_start3A_34 = arith.constant 0 : i32
      %dma_start3A_35 = arith.constant 0 : i32
      %dma_start3A_36 = tpu.memref_slice %arg9[%dma_start3A_34, %dma_start3A_35] : memref<10000x128xf32, #tpu.memory_space<vmem_shared>> -> memref<10000x128xf32, #tpu.memory_space<vmem_shared>>
      tpu.enqueue_indirect_dma source(%arg8 : memref<125x128xf32, #tpu.memory_space<vmem>>) target(%dma_start3A_36 : memref<10000x128xf32, #tpu.memory_space<vmem_shared>>) offsets(%dma_start3A_33 : memref<125xi32, #tpu.memory_space<vmem>>) semaphore(%arg10 : memref<!tpu.dma_semaphore, #tpu.memory_space<semaphore_mem>>) {add = true}
      %dma_start3A_37 = arith.constant 1 : i32
      %dma_start3A_38 = arith.constant 0 : i32
      %dma_start3A_39 = tpu.memref_slice %arg6[%dma_start3A_37, %dma_start3A_38] : memref<8x125xi32, #tpu.memory_space<vmem>> -> memref<1x125xi32, #tpu.memory_space<vmem>>
      %dma_start3A_40 = tpu.memref_squeeze %dma_start3A_39 : memref<1x125xi32, #tpu.memory_space<vmem>> -> memref<125xi32, #tpu.memory_space<vmem>>
      %dma_start3A_41 = arith.constant 0 : i32
      %dma_start3A_42 = arith.constant 0 : i32
      %dma_start3A_43 = tpu.memref_slice %arg9[%dma_start3A_41, %dma_start3A_42] : memref<10000x128xf32, #tpu.memory_space<vmem_shared>> -> memref<10000x128xf32, #tpu.memory_space<vmem_shared>>
      tpu.enqueue_indirect_dma source(%arg8 : memref<125x128xf32, #tpu.memory_space<vmem>>) target(%dma_start3A_43 : memref<10000x128xf32, #tpu.memory_space<vmem_shared>>) offsets(%dma_start3A_40 : memref<125xi32, #tpu.memory_space<vmem>>) semaphore(%arg10 : memref<!tpu.dma_semaphore, #tpu.memory_space<semaphore_mem>>) {add = true}
      %dma_start3A_44 = arith.constant 2 : i32
      %dma_start3A_45 = arith.constant 0 : i32
      %dma_start3A_46 = tpu.memref_slice %arg6[%dma_start3A_44, %dma_start3A_45] : memref<8x125xi32, #tpu.memory_space<vmem>> -> memref<1x125xi32, #tpu.memory_space<vmem>>
      %dma_start3A_47 = tpu.memref_squeeze %dma_start3A_46 : memref<1x125xi32, #tpu.memory_space<vmem>> -> memref<125xi32, #tpu.memory_space<vmem>>
      %dma_start3A_48 = arith.constant 0 : i32
      %dma_start3A_49 = arith.constant 0 : i32
      %dma_start3A_50 = tpu.memref_slice %arg9[%dma_start3A_48, %dma_start3A_49] : memref<10000x128xf32, #tpu.memory_space<vmem_shared>> -> memref<10000x128xf32, #tpu.memory_space<vmem_shared>>
      tpu.enqueue_indirect_dma source(%arg8 : memref<125x128xf32, #tpu.memory_space<vmem>>) target(%dma_start3A_50 : memref<10000x128xf32, #tpu.memory_space<vmem_shared>>) offsets(%dma_start3A_47 : memref<125xi32, #tpu.memory_space<vmem>>) semaphore(%arg10 : memref<!tpu.dma_semaphore, #tpu.memory_space<semaphore_mem>>) {add = true}
      %dma_start3A_51 = arith.constant 3 : i32
      %dma_start3A_52 = arith.constant 0 : i32
      %dma_start3A_53 = tpu.memref_slice %arg6[%dma_start3A_51, %dma_start3A_52] : memref<8x125xi32, #tpu.memory_space<vmem>> -> memref<1x125xi32, #tpu.memory_space<vmem>>
      %dma_start3A_54 = tpu.memref_squeeze %dma_start3A_53 : memref<1x125xi32, #tpu.memory_space<vmem>> -> memref<125xi32, #tpu.memory_space<vmem>>
      %dma_start3A_55 = arith.constant 0 : i32
      %dma_start3A_56 = arith.constant 0 : i32
      %dma_start3A_57 = tpu.memref_slice %arg9[%dma_start3A_55, %dma_start3A_56] : memref<10000x128xf32, #tpu.memory_space<vmem_shared>> -> memref<10000x128xf32, #tpu.memory_space<vmem_shared>>
      tpu.enqueue_indirect_dma source(%arg8 : memref<125x128xf32, #tpu.memory_space<vmem>>) target(%dma_start3A_57 : memref<10000x128xf32, #tpu.memory_space<vmem_shared>>) offsets(%dma_start3A_54 : memref<125xi32, #tpu.memory_space<vmem>>) semaphore(%arg10 : memref<!tpu.dma_semaphore, #tpu.memory_space<semaphore_mem>>) {add = true}
      %dma_start3A_58 = arith.constant 4 : i32
      %dma_start3A_59 = arith.constant 0 : i32
      %dma_start3A_60 = tpu.memref_slice %arg6[%dma_start3A_58, %dma_start3A_59] : memref<8x125xi32, #tpu.memory_space<vmem>> -> memref<1x125xi32, #tpu.memory_space<vmem>>
      %dma_start3A_61 = tpu.memref_squeeze %dma_start3A_60 : memref<1x125xi32, #tpu.memory_space<vmem>> -> memref<125xi32, #tpu.memory_space<vmem>>
      %dma_start3A_62 = arith.constant 0 : i32
      %dma_start3A_63 = arith.constant 0 : i32
      %dma_start3A_64 = tpu.memref_slice %arg9[%dma_start3A_62, %dma_start3A_63] : memref<10000x128xf32, #tpu.memory_space<vmem_shared>> -> memref<10000x128xf32, #tpu.memory_space<vmem_shared>>
      tpu.enqueue_indirect_dma source(%arg8 : memref<125x128xf32, #tpu.memory_space<vmem>>) target(%dma_start3A_64 : memref<10000x128xf32, #tpu.memory_space<vmem_shared>>) offsets(%dma_start3A_61 : memref<125xi32, #tpu.memory_space<vmem>>) semaphore(%arg10 : memref<!tpu.dma_semaphore, #tpu.memory_space<semaphore_mem>>) {add = true}
      %dma_start3A_65 = arith.constant 5 : i32
      %dma_start3A_66 = arith.constant 0 : i32
      %dma_start3A_67 = tpu.memref_slice %arg6[%dma_start3A_65, %dma_start3A_66] : memref<8x125xi32, #tpu.memory_space<vmem>> -> memref<1x125xi32, #tpu.memory_space<vmem>>
      %dma_start3A_68 = tpu.memref_squeeze %dma_start3A_67 : memref<1x125xi32, #tpu.memory_space<vmem>> -> memref<125xi32, #tpu.memory_space<vmem>>
      %dma_start3A_69 = arith.constant 0 : i32
      %dma_start3A_70 = arith.constant 0 : i32
      %dma_start3A_71 = tpu.memref_slice %arg9[%dma_start3A_69, %dma_start3A_70] : memref<10000x128xf32, #tpu.memory_space<vmem_shared>> -> memref<10000x128xf32, #tpu.memory_space<vmem_shared>>
      tpu.enqueue_indirect_dma source(%arg8 : memref<125x128xf32, #tpu.memory_space<vmem>>) target(%dma_start3A_71 : memref<10000x128xf32, #tpu.memory_space<vmem_shared>>) offsets(%dma_start3A_68 : memref<125xi32, #tpu.memory_space<vmem>>) semaphore(%arg10 : memref<!tpu.dma_semaphore, #tpu.memory_space<semaphore_mem>>) {add = true}
      %dma_start3A_72 = arith.constant 6 : i32
      %dma_start3A_73 = arith.constant 0 : i32
      %dma_start3A_74 = tpu.memref_slice %arg6[%dma_start3A_72, %dma_start3A_73] : memref<8x125xi32, #tpu.memory_space<vmem>> -> memref<1x125xi32, #tpu.memory_space<vmem>>
      %dma_start3A_75 = tpu.memref_squeeze %dma_start3A_74 : memref<1x125xi32, #tpu.memory_space<vmem>> -> memref<125xi32, #tpu.memory_space<vmem>>
      %dma_start3A_76 = arith.constant 0 : i32
      %dma_start3A_77 = arith.constant 0 : i32
      %dma_start3A_78 = tpu.memref_slice %arg9[%dma_start3A_76, %dma_start3A_77] : memref<10000x128xf32, #tpu.memory_space<vmem_shared>> -> memref<10000x128xf32, #tpu.memory_space<vmem_shared>>
      tpu.enqueue_indirect_dma source(%arg8 : memref<125x128xf32, #tpu.memory_space<vmem>>) target(%dma_start3A_78 : memref<10000x128xf32, #tpu.memory_space<vmem_shared>>) offsets(%dma_start3A_75 : memref<125xi32, #tpu.memory_space<vmem>>) semaphore(%arg10 : memref<!tpu.dma_semaphore, #tpu.memory_space<semaphore_mem>>) {add = true}
      %dma_start3A_79 = arith.constant 7 : i32
      %dma_start3A_80 = arith.constant 0 : i32
      %dma_start3A_81 = tpu.memref_slice %arg6[%dma_start3A_79, %dma_start3A_80] : memref<8x125xi32, #tpu.memory_space<vmem>> -> memref<1x125xi32, #tpu.memory_space<vmem>>
      %dma_start3A_82 = tpu.memref_squeeze %dma_start3A_81 : memref<1x125xi32, #tpu.memory_space<vmem>> -> memref<125xi32, #tpu.memory_space<vmem>>
      %dma_start3A_83 = arith.constant 0 : i32
      %dma_start3A_84 = arith.constant 0 : i32
      %dma_start3A_85 = tpu.memref_slice %arg9[%dma_start3A_83, %dma_start3A_84] : memref<10000x128xf32, #tpu.memory_space<vmem_shared>> -> memref<10000x128xf32, #tpu.memory_space<vmem_shared>>
      tpu.enqueue_indirect_dma source(%arg8 : memref<125x128xf32, #tpu.memory_space<vmem>>) target(%dma_start3A_85 : memref<10000x128xf32, #tpu.memory_space<vmem_shared>>) offsets(%dma_start3A_82 : memref<125xi32, #tpu.memory_space<vmem>>) semaphore(%arg10 : memref<!tpu.dma_semaphore, #tpu.memory_space<semaphore_mem>>) {add = true}
      %dma_wait3A = arith.constant 0 : i32
      %dma_wait3A_86 = arith.constant 0 : i32
      %dma_wait3A_87 = tpu.memref_slice %arg6[%dma_wait3A, %dma_wait3A_86] : memref<8x125xi32, #tpu.memory_space<vmem>> -> memref<1x125xi32, #tpu.memory_space<vmem>>
      %dma_wait3A_88 = tpu.memref_squeeze %dma_wait3A_87 : memref<1x125xi32, #tpu.memory_space<vmem>> -> memref<125xi32, #tpu.memory_space<vmem>>
      %dma_wait3A_89 = arith.constant 0 : i32
      %dma_wait3A_90 = arith.constant 0 : i32
      %dma_wait3A_91 = tpu.memref_slice %arg9[%dma_wait3A_89, %dma_wait3A_90] : memref<10000x128xf32, #tpu.memory_space<vmem_shared>> -> memref<10000x128xf32, #tpu.memory_space<vmem_shared>>
      tpu.wait_indirect_dma semaphore(%arg10 : memref<!tpu.dma_semaphore, #tpu.memory_space<semaphore_mem>>) src(%arg8 : memref<125x128xf32, #tpu.memory_space<vmem>>) dst(%dma_wait3A_91 : memref<10000x128xf32, #tpu.memory_space<vmem_shared>>)
      %dma_wait3A_92 = arith.constant 1 : i32
      %dma_wait3A_93 = arith.constant 0 : i32
      %dma_wait3A_94 = tpu.memref_slice %arg6[%dma_wait3A_92, %dma_wait3A_93] : memref<8x125xi32, #tpu.memory_space<vmem>> -> memref<1x125xi32, #tpu.memory_space<vmem>>
      %dma_wait3A_95 = tpu.memref_squeeze %dma_wait3A_94 : memref<1x125xi32, #tpu.memory_space<vmem>> -> memref<125xi32, #tpu.memory_space<vmem>>
      %dma_wait3A_96 = arith.constant 0 : i32
      %dma_wait3A_97 = arith.constant 0 : i32
      %dma_wait3A_98 = tpu.memref_slice %arg9[%dma_wait3A_96, %dma_wait3A_97] : memref<10000x128xf32, #tpu.memory_space<vmem_shared>> -> memref<10000x128xf32, #tpu.memory_space<vmem_shared>>
      tpu.wait_indirect_dma semaphore(%arg10 : memref<!tpu.dma_semaphore, #tpu.memory_space<semaphore_mem>>) src(%arg8 : memref<125x128xf32, #tpu.memory_space<vmem>>) dst(%dma_wait3A_98 : memref<10000x128xf32, #tpu.memory_space<vmem_shared>>)
      %dma_wait3A_99 = arith.constant 2 : i32
      %dma_wait3A_100 = arith.constant 0 : i32
      %dma_wait3A_101 = tpu.memref_slice %arg6[%dma_wait3A_99, %dma_wait3A_100] : memref<8x125xi32, #tpu.memory_space<vmem>> -> memref<1x125xi32, #tpu.memory_space<vmem>>
      %dma_wait3A_102 = tpu.memref_squeeze %dma_wait3A_101 : memref<1x125xi32, #tpu.memory_space<vmem>> -> memref<125xi32, #tpu.memory_space<vmem>>
      %dma_wait3A_103 = arith.constant 0 : i32
      %dma_wait3A_104 = arith.constant 0 : i32
      %dma_wait3A_105 = tpu.memref_slice %arg9[%dma_wait3A_103, %dma_wait3A_104] : memref<10000x128xf32, #tpu.memory_space<vmem_shared>> -> memref<10000x128xf32, #tpu.memory_space<vmem_shared>>
      tpu.wait_indirect_dma semaphore(%arg10 : memref<!tpu.dma_semaphore, #tpu.memory_space<semaphore_mem>>) src(%arg8 : memref<125x128xf32, #tpu.memory_space<vmem>>) dst(%dma_wait3A_105 : memref<10000x128xf32, #tpu.memory_space<vmem_shared>>)
      %dma_wait3A_106 = arith.constant 3 : i32
      %dma_wait3A_107 = arith.constant 0 : i32
      %dma_wait3A_108 = tpu.memref_slice %arg6[%dma_wait3A_106, %dma_wait3A_107] : memref<8x125xi32, #tpu.memory_space<vmem>> -> memref<1x125xi32, #tpu.memory_space<vmem>>
      %dma_wait3A_109 = tpu.memref_squeeze %dma_wait3A_108 : memref<1x125xi32, #tpu.memory_space<vmem>> -> memref<125xi32, #tpu.memory_space<vmem>>
      %dma_wait3A_110 = arith.constant 0 : i32
      %dma_wait3A_111 = arith.constant 0 : i32
      %dma_wait3A_112 = tpu.memref_slice %arg9[%dma_wait3A_110, %dma_wait3A_111] : memref<10000x128xf32, #tpu.memory_space<vmem_shared>> -> memref<10000x128xf32, #tpu.memory_space<vmem_shared>>
      tpu.wait_indirect_dma semaphore(%arg10 : memref<!tpu.dma_semaphore, #tpu.memory_space<semaphore_mem>>) src(%arg8 : memref<125x128xf32, #tpu.memory_space<vmem>>) dst(%dma_wait3A_112 : memref<10000x128xf32, #tpu.memory_space<vmem_shared>>)
      %dma_wait3A_113 = arith.constant 4 : i32
      %dma_wait3A_114 = arith.constant 0 : i32
      %dma_wait3A_115 = tpu.memref_slice %arg6[%dma_wait3A_113, %dma_wait3A_114] : memref<8x125xi32, #tpu.memory_space<vmem>> -> memref<1x125xi32, #tpu.memory_space<vmem>>
      %dma_wait3A_116 = tpu.memref_squeeze %dma_wait3A_115 : memref<1x125xi32, #tpu.memory_space<vmem>> -> memref<125xi32, #tpu.memory_space<vmem>>
      %dma_wait3A_117 = arith.constant 0 : i32
      %dma_wait3A_118 = arith.constant 0 : i32
      %dma_wait3A_119 = tpu.memref_slice %arg9[%dma_wait3A_117, %dma_wait3A_118] : memref<10000x128xf32, #tpu.memory_space<vmem_shared>> -> memref<10000x128xf32, #tpu.memory_space<vmem_shared>>
      tpu.wait_indirect_dma semaphore(%arg10 : memref<!tpu.dma_semaphore, #tpu.memory_space<semaphore_mem>>) src(%arg8 : memref<125x128xf32, #tpu.memory_space<vmem>>) dst(%dma_wait3A_119 : memref<10000x128xf32, #tpu.memory_space<vmem_shared>>)
      %dma_wait3A_120 = arith.constant 5 : i32
      %dma_wait3A_121 = arith.constant 0 : i32
      %dma_wait3A_122 = tpu.memref_slice %arg6[%dma_wait3A_120, %dma_wait3A_121] : memref<8x125xi32, #tpu.memory_space<vmem>> -> memref<1x125xi32, #tpu.memory_space<vmem>>
      %dma_wait3A_123 = tpu.memref_squeeze %dma_wait3A_122 : memref<1x125xi32, #tpu.memory_space<vmem>> -> memref<125xi32, #tpu.memory_space<vmem>>
      %dma_wait3A_124 = arith.constant 0 : i32
      %dma_wait3A_125 = arith.constant 0 : i32
      %dma_wait3A_126 = tpu.memref_slice %arg9[%dma_wait3A_124, %dma_wait3A_125] : memref<10000x128xf32, #tpu.memory_space<vmem_shared>> -> memref<10000x128xf32, #tpu.memory_space<vmem_shared>>
      tpu.wait_indirect_dma semaphore(%arg10 : memref<!tpu.dma_semaphore, #tpu.memory_space<semaphore_mem>>) src(%arg8 : memref<125x128xf32, #tpu.memory_space<vmem>>) dst(%dma_wait3A_126 : memref<10000x128xf32, #tpu.memory_space<vmem_shared>>)
      %dma_wait3A_127 = arith.constant 6 : i32
      %dma_wait3A_128 = arith.constant 0 : i32
      %dma_wait3A_129 = tpu.memref_slice %arg6[%dma_wait3A_127, %dma_wait3A_128] : memref<8x125xi32, #tpu.memory_space<vmem>> -> memref<1x125xi32, #tpu.memory_space<vmem>>
      %dma_wait3A_130 = tpu.memref_squeeze %dma_wait3A_129 : memref<1x125xi32, #tpu.memory_space<vmem>> -> memref<125xi32, #tpu.memory_space<vmem>>
      %dma_wait3A_131 = arith.constant 0 : i32
      %dma_wait3A_132 = arith.constant 0 : i32
      %dma_wait3A_133 = tpu.memref_slice %arg9[%dma_wait3A_131, %dma_wait3A_132] : memref<10000x128xf32, #tpu.memory_space<vmem_shared>> -> memref<10000x128xf32, #tpu.memory_space<vmem_shared>>
      tpu.wait_indirect_dma semaphore(%arg10 : memref<!tpu.dma_semaphore, #tpu.memory_space<semaphore_mem>>) src(%arg8 : memref<125x128xf32, #tpu.memory_space<vmem>>) dst(%dma_wait3A_133 : memref<10000x128xf32, #tpu.memory_space<vmem_shared>>)
      %dma_wait3A_134 = arith.constant 7 : i32
      %dma_wait3A_135 = arith.constant 0 : i32
      %dma_wait3A_136 = tpu.memref_slice %arg6[%dma_wait3A_134, %dma_wait3A_135] : memref<8x125xi32, #tpu.memory_space<vmem>> -> memref<1x125xi32, #tpu.memory_space<vmem>>
      %dma_wait3A_137 = tpu.memref_squeeze %dma_wait3A_136 : memref<1x125xi32, #tpu.memory_space<vmem>> -> memref<125xi32, #tpu.memory_space<vmem>>
      %dma_wait3A_138 = arith.constant 0 : i32
      %dma_wait3A_139 = arith.constant 0 : i32
      %dma_wait3A_140 = tpu.memref_slice %arg9[%dma_wait3A_138, %dma_wait3A_139] : memref<10000x128xf32, #tpu.memory_space<vmem_shared>> -> memref<10000x128xf32, #tpu.memory_space<vmem_shared>>
      tpu.wait_indirect_dma semaphore(%arg10 : memref<!tpu.dma_semaphore, #tpu.memory_space<semaphore_mem>>) src(%arg8 : memref<125x128xf32, #tpu.memory_space<vmem>>) dst(%dma_wait3A_140 : memref<10000x128xf32, #tpu.memory_space<vmem_shared>>)
      %dma_wait3A_141 = arith.constant 0 : i32
      %dma_wait3A_142 = tpu.memref_slice %arg2[%add3A, %multiple_of3A, %dma_wait3A_141] : memref<32x80x125xi32, #tpu.memory_space<hbm>> -> memref<1x8x125xi32, #tpu.memory_space<hbm>>
      %dma_wait3A_143 = tpu.memref_squeeze %dma_wait3A_142 : memref<1x8x125xi32, #tpu.memory_space<hbm>> -> memref<8x125xi32, #tpu.memory_space<hbm>>
      %dma_wait3A_144 = arith.constant 0 : i32
      %dma_wait3A_145 = tpu.memref_slice %arg2[%add3A, %multiple_of3A, %dma_wait3A_144] : memref<32x80x125xi32, #tpu.memory_space<hbm>> -> memref<1x8x125xi32, #tpu.memory_space<hbm>>
      %dma_wait3A_146 = tpu.memref_squeeze %dma_wait3A_145 : memref<1x8x125xi32, #tpu.memory_space<hbm>> -> memref<8x125xi32, #tpu.memory_space<hbm>>
      tpu.wait_dma2 semaphore(%arg12 : memref<!tpu.dma_semaphore, #tpu.memory_space<semaphore_mem>>) src(%dma_wait3A_146 : memref<8x125xi32, #tpu.memory_space<hbm>>) dst(%arg7 : memref<8x125xi32, #tpu.memory_space<vmem>>)
      %mul3A_147 = arith.constant 2 : i32
      %mul3A_148 = arith.muli %mul3A_147, %scan3A_18 : i32
      %add3A_149 = arith.constant 2 : i32
      %add3A_150 = arith.addi %mul3A_148, %add3A_149 : i32
      %min3A = arith.constant 9 : i32
      %min3A_151 = arith.minsi %add3A_150, %min3A : i32
      %mul3A_152 = arith.constant 8 : i32
      %mul3A_153 = arith.muli %min3A_151, %mul3A_152 : i32
      %multiple_of3A_154 = tpu.assume_multiple %mul3A_153, 8 : i32
      %dma_start3A_155 = arith.constant 0 : i32
      %dma_start3A_156 = tpu.memref_slice %arg2[%add3A, %multiple_of3A_154, %dma_start3A_155] : memref<32x80x125xi32, #tpu.memory_space<hbm>> -> memref<1x8x125xi32, #tpu.memory_space<hbm>>
      %dma_start3A_157 = tpu.memref_squeeze %dma_start3A_156 : memref<1x8x125xi32, #tpu.memory_space<hbm>> -> memref<8x125xi32, #tpu.memory_space<hbm>>
      %dma_start3A_158 = arith.constant 0 : i32
      %dma_start3A_159 = tpu.memref_slice %arg2[%add3A, %multiple_of3A_154, %dma_start3A_158] : memref<32x80x125xi32, #tpu.memory_space<hbm>> -> memref<1x8x125xi32, #tpu.memory_space<hbm>>
      %dma_start3A_160 = tpu.memref_squeeze %dma_start3A_159 : memref<1x8x125xi32, #tpu.memory_space<hbm>> -> memref<8x125xi32, #tpu.memory_space<hbm>>
      tpu.enqueue_dma source(%dma_start3A_160 : memref<8x125xi32, #tpu.memory_space<hbm>>) target(%arg6 : memref<8x125xi32, #tpu.memory_space<vmem>>) target_semaphore(%arg11 : memref<!tpu.dma_semaphore, #tpu.memory_space<semaphore_mem>>)
      %dma_start3A_161 = arith.constant 0 : i32
      %dma_start3A_162 = arith.constant 0 : i32
      %dma_start3A_163 = tpu.memref_slice %arg7[%dma_start3A_161, %dma_start3A_162] : memref<8x125xi32, #tpu.memory_space<vmem>> -> memref<1x125xi32, #tpu.memory_space<vmem>>
      %dma_start3A_164 = tpu.memref_squeeze %dma_start3A_163 : memref<1x125xi32, #tpu.memory_space<vmem>> -> memref<125xi32, #tpu.memory_space<vmem>>
      %dma_start3A_165 = arith.constant 0 : i32
      %dma_start3A_166 = arith.constant 0 : i32
      %dma_start3A_167 = tpu.memref_slice %arg9[%dma_start3A_165, %dma_start3A_166] : memref<10000x128xf32, #tpu.memory_space<vmem_shared>> -> memref<10000x128xf32, #tpu.memory_space<vmem_shared>>
      tpu.enqueue_indirect_dma source(%arg8 : memref<125x128xf32, #tpu.memory_space<vmem>>) target(%dma_start3A_167 : memref<10000x128xf32, #tpu.memory_space<vmem_shared>>) offsets(%dma_start3A_164 : memref<125xi32, #tpu.memory_space<vmem>>) semaphore(%arg10 : memref<!tpu.dma_semaphore, #tpu.memory_space<semaphore_mem>>) {add = true}
      %dma_start3A_168 = arith.constant 1 : i32
      %dma_start3A_169 = arith.constant 0 : i32
      %dma_start3A_170 = tpu.memref_slice %arg7[%dma_start3A_168, %dma_start3A_169] : memref<8x125xi32, #tpu.memory_space<vmem>> -> memref<1x125xi32, #tpu.memory_space<vmem>>
      %dma_start3A_171 = tpu.memref_squeeze %dma_start3A_170 : memref<1x125xi32, #tpu.memory_space<vmem>> -> memref<125xi32, #tpu.memory_space<vmem>>
      %dma_start3A_172 = arith.constant 0 : i32
      %dma_start3A_173 = arith.constant 0 : i32
      %dma_start3A_174 = tpu.memref_slice %arg9[%dma_start3A_172, %dma_start3A_173] : memref<10000x128xf32, #tpu.memory_space<vmem_shared>> -> memref<10000x128xf32, #tpu.memory_space<vmem_shared>>
      tpu.enqueue_indirect_dma source(%arg8 : memref<125x128xf32, #tpu.memory_space<vmem>>) target(%dma_start3A_174 : memref<10000x128xf32, #tpu.memory_space<vmem_shared>>) offsets(%dma_start3A_171 : memref<125xi32, #tpu.memory_space<vmem>>) semaphore(%arg10 : memref<!tpu.dma_semaphore, #tpu.memory_space<semaphore_mem>>) {add = true}
      %dma_start3A_175 = arith.constant 2 : i32
      %dma_start3A_176 = arith.constant 0 : i32
      %dma_start3A_177 = tpu.memref_slice %arg7[%dma_start3A_175, %dma_start3A_176] : memref<8x125xi32, #tpu.memory_space<vmem>> -> memref<1x125xi32, #tpu.memory_space<vmem>>
      %dma_start3A_178 = tpu.memref_squeeze %dma_start3A_177 : memref<1x125xi32, #tpu.memory_space<vmem>> -> memref<125xi32, #tpu.memory_space<vmem>>
      %dma_start3A_179 = arith.constant 0 : i32
      %dma_start3A_180 = arith.constant 0 : i32
      %dma_start3A_181 = tpu.memref_slice %arg9[%dma_start3A_179, %dma_start3A_180] : memref<10000x128xf32, #tpu.memory_space<vmem_shared>> -> memref<10000x128xf32, #tpu.memory_space<vmem_shared>>
      tpu.enqueue_indirect_dma source(%arg8 : memref<125x128xf32, #tpu.memory_space<vmem>>) target(%dma_start3A_181 : memref<10000x128xf32, #tpu.memory_space<vmem_shared>>) offsets(%dma_start3A_178 : memref<125xi32, #tpu.memory_space<vmem>>) semaphore(%arg10 : memref<!tpu.dma_semaphore, #tpu.memory_space<semaphore_mem>>) {add = true}
      %dma_start3A_182 = arith.constant 3 : i32
      %dma_start3A_183 = arith.constant 0 : i32
      %dma_start3A_184 = tpu.memref_slice %arg7[%dma_start3A_182, %dma_start3A_183] : memref<8x125xi32, #tpu.memory_space<vmem>> -> memref<1x125xi32, #tpu.memory_space<vmem>>
      %dma_start3A_185 = tpu.memref_squeeze %dma_start3A_184 : memref<1x125xi32, #tpu.memory_space<vmem>> -> memref<125xi32, #tpu.memory_space<vmem>>
      %dma_start3A_186 = arith.constant 0 : i32
      %dma_start3A_187 = arith.constant 0 : i32
      %dma_start3A_188 = tpu.memref_slice %arg9[%dma_start3A_186, %dma_start3A_187] : memref<10000x128xf32, #tpu.memory_space<vmem_shared>> -> memref<10000x128xf32, #tpu.memory_space<vmem_shared>>
      tpu.enqueue_indirect_dma source(%arg8 : memref<125x128xf32, #tpu.memory_space<vmem>>) target(%dma_start3A_188 : memref<10000x128xf32, #tpu.memory_space<vmem_shared>>) offsets(%dma_start3A_185 : memref<125xi32, #tpu.memory_space<vmem>>) semaphore(%arg10 : memref<!tpu.dma_semaphore, #tpu.memory_space<semaphore_mem>>) {add = true}
      %dma_start3A_189 = arith.constant 4 : i32
      %dma_start3A_190 = arith.constant 0 : i32
      %dma_start3A_191 = tpu.memref_slice %arg7[%dma_start3A_189, %dma_start3A_190] : memref<8x125xi32, #tpu.memory_space<vmem>> -> memref<1x125xi32, #tpu.memory_space<vmem>>
      %dma_start3A_192 = tpu.memref_squeeze %dma_start3A_191 : memref<1x125xi32, #tpu.memory_space<vmem>> -> memref<125xi32, #tpu.memory_space<vmem>>
      %dma_start3A_193 = arith.constant 0 : i32
      %dma_start3A_194 = arith.constant 0 : i32
      %dma_start3A_195 = tpu.memref_slice %arg9[%dma_start3A_193, %dma_start3A_194] : memref<10000x128xf32, #tpu.memory_space<vmem_shared>> -> memref<10000x128xf32, #tpu.memory_space<vmem_shared>>
      tpu.enqueue_indirect_dma source(%arg8 : memref<125x128xf32, #tpu.memory_space<vmem>>) target(%dma_start3A_195 : memref<10000x128xf32, #tpu.memory_space<vmem_shared>>) offsets(%dma_start3A_192 : memref<125xi32, #tpu.memory_space<vmem>>) semaphore(%arg10 : memref<!tpu.dma_semaphore, #tpu.memory_space<semaphore_mem>>) {add = true}
      %dma_start3A_196 = arith.constant 5 : i32
      %dma_start3A_197 = arith.constant 0 : i32
      %dma_start3A_198 = tpu.memref_slice %arg7[%dma_start3A_196, %dma_start3A_197] : memref<8x125xi32, #tpu.memory_space<vmem>> -> memref<1x125xi32, #tpu.memory_space<vmem>>
      %dma_start3A_199 = tpu.memref_squeeze %dma_start3A_198 : memref<1x125xi32, #tpu.memory_space<vmem>> -> memref<125xi32, #tpu.memory_space<vmem>>
      %dma_start3A_200 = arith.constant 0 : i32
      %dma_start3A_201 = arith.constant 0 : i32
      %dma_start3A_202 = tpu.memref_slice %arg9[%dma_start3A_200, %dma_start3A_201] : memref<10000x128xf32, #tpu.memory_space<vmem_shared>> -> memref<10000x128xf32, #tpu.memory_space<vmem_shared>>
      tpu.enqueue_indirect_dma source(%arg8 : memref<125x128xf32, #tpu.memory_space<vmem>>) target(%dma_start3A_202 : memref<10000x128xf32, #tpu.memory_space<vmem_shared>>) offsets(%dma_start3A_199 : memref<125xi32, #tpu.memory_space<vmem>>) semaphore(%arg10 : memref<!tpu.dma_semaphore, #tpu.memory_space<semaphore_mem>>) {add = true}
      %dma_start3A_203 = arith.constant 6 : i32
      %dma_start3A_204 = arith.constant 0 : i32
      %dma_start3A_205 = tpu.memref_slice %arg7[%dma_start3A_203, %dma_start3A_204] : memref<8x125xi32, #tpu.memory_space<vmem>> -> memref<1x125xi32, #tpu.memory_space<vmem>>
      %dma_start3A_206 = tpu.memref_squeeze %dma_start3A_205 : memref<1x125xi32, #tpu.memory_space<vmem>> -> memref<125xi32, #tpu.memory_space<vmem>>
      %dma_start3A_207 = arith.constant 0 : i32
      %dma_start3A_208 = arith.constant 0 : i32
      %dma_start3A_209 = tpu.memref_slice %arg9[%dma_start3A_207, %dma_start3A_208] : memref<10000x128xf32, #tpu.memory_space<vmem_shared>> -> memref<10000x128xf32, #tpu.memory_space<vmem_shared>>
      tpu.enqueue_indirect_dma source(%arg8 : memref<125x128xf32, #tpu.memory_space<vmem>>) target(%dma_start3A_209 : memref<10000x128xf32, #tpu.memory_space<vmem_shared>>) offsets(%dma_start3A_206 : memref<125xi32, #tpu.memory_space<vmem>>) semaphore(%arg10 : memref<!tpu.dma_semaphore, #tpu.memory_space<semaphore_mem>>) {add = true}
      %dma_start3A_210 = arith.constant 7 : i32
      %dma_start3A_211 = arith.constant 0 : i32
      %dma_start3A_212 = tpu.memref_slice %arg7[%dma_start3A_210, %dma_start3A_211] : memref<8x125xi32, #tpu.memory_space<vmem>> -> memref<1x125xi32, #tpu.memory_space<vmem>>
      %dma_start3A_213 = tpu.memref_squeeze %dma_start3A_212 : memref<1x125xi32, #tpu.memory_space<vmem>> -> memref<125xi32, #tpu.memory_space<vmem>>
      %dma_start3A_214 = arith.constant 0 : i32
      %dma_start3A_215 = arith.constant 0 : i32
      %dma_start3A_216 = tpu.memref_slice %arg9[%dma_start3A_214, %dma_start3A_215] : memref<10000x128xf32, #tpu.memory_space<vmem_shared>> -> memref<10000x128xf32, #tpu.memory_space<vmem_shared>>
      tpu.enqueue_indirect_dma source(%arg8 : memref<125x128xf32, #tpu.memory_space<vmem>>) target(%dma_start3A_216 : memref<10000x128xf32, #tpu.memory_space<vmem_shared>>) offsets(%dma_start3A_213 : memref<125xi32, #tpu.memory_space<vmem>>) semaphore(%arg10 : memref<!tpu.dma_semaphore, #tpu.memory_space<semaphore_mem>>) {add = true}
      %dma_wait3A_217 = arith.constant 0 : i32
      %dma_wait3A_218 = arith.constant 0 : i32
      %dma_wait3A_219 = tpu.memref_slice %arg7[%dma_wait3A_217, %dma_wait3A_218] : memref<8x125xi32, #tpu.memory_space<vmem>> -> memref<1x125xi32, #tpu.memory_space<vmem>>
      %dma_wait3A_220 = tpu.memref_squeeze %dma_wait3A_219 : memref<1x125xi32, #tpu.memory_space<vmem>> -> memref<125xi32, #tpu.memory_space<vmem>>
      %dma_wait3A_221 = arith.constant 0 : i32
      %dma_wait3A_222 = arith.constant 0 : i32
      %dma_wait3A_223 = tpu.memref_slice %arg9[%dma_wait3A_221, %dma_wait3A_222] : memref<10000x128xf32, #tpu.memory_space<vmem_shared>> -> memref<10000x128xf32, #tpu.memory_space<vmem_shared>>
      tpu.wait_indirect_dma semaphore(%arg10 : memref<!tpu.dma_semaphore, #tpu.memory_space<semaphore_mem>>) src(%arg8 : memref<125x128xf32, #tpu.memory_space<vmem>>) dst(%dma_wait3A_223 : memref<10000x128xf32, #tpu.memory_space<vmem_shared>>)
      %dma_wait3A_224 = arith.constant 1 : i32
      %dma_wait3A_225 = arith.constant 0 : i32
      %dma_wait3A_226 = tpu.memref_slice %arg7[%dma_wait3A_224, %dma_wait3A_225] : memref<8x125xi32, #tpu.memory_space<vmem>> -> memref<1x125xi32, #tpu.memory_space<vmem>>
      %dma_wait3A_227 = tpu.memref_squeeze %dma_wait3A_226 : memref<1x125xi32, #tpu.memory_space<vmem>> -> memref<125xi32, #tpu.memory_space<vmem>>
      %dma_wait3A_228 = arith.constant 0 : i32
      %dma_wait3A_229 = arith.constant 0 : i32
      %dma_wait3A_230 = tpu.memref_slice %arg9[%dma_wait3A_228, %dma_wait3A_229] : memref<10000x128xf32, #tpu.memory_space<vmem_shared>> -> memref<10000x128xf32, #tpu.memory_space<vmem_shared>>
      tpu.wait_indirect_dma semaphore(%arg10 : memref<!tpu.dma_semaphore, #tpu.memory_space<semaphore_mem>>) src(%arg8 : memref<125x128xf32, #tpu.memory_space<vmem>>) dst(%dma_wait3A_230 : memref<10000x128xf32, #tpu.memory_space<vmem_shared>>)
      %dma_wait3A_231 = arith.constant 2 : i32
      %dma_wait3A_232 = arith.constant 0 : i32
      %dma_wait3A_233 = tpu.memref_slice %arg7[%dma_wait3A_231, %dma_wait3A_232] : memref<8x125xi32, #tpu.memory_space<vmem>> -> memref<1x125xi32, #tpu.memory_space<vmem>>
      %dma_wait3A_234 = tpu.memref_squeeze %dma_wait3A_233 : memref<1x125xi32, #tpu.memory_space<vmem>> -> memref<125xi32, #tpu.memory_space<vmem>>
      %dma_wait3A_235 = arith.constant 0 : i32
      %dma_wait3A_236 = arith.constant 0 : i32
      %dma_wait3A_237 = tpu.memref_slice %arg9[%dma_wait3A_235, %dma_wait3A_236] : memref<10000x128xf32, #tpu.memory_space<vmem_shared>> -> memref<10000x128xf32, #tpu.memory_space<vmem_shared>>
      tpu.wait_indirect_dma semaphore(%arg10 : memref<!tpu.dma_semaphore, #tpu.memory_space<semaphore_mem>>) src(%arg8 : memref<125x128xf32, #tpu.memory_space<vmem>>) dst(%dma_wait3A_237 : memref<10000x128xf32, #tpu.memory_space<vmem_shared>>)
      %dma_wait3A_238 = arith.constant 3 : i32
      %dma_wait3A_239 = arith.constant 0 : i32
      %dma_wait3A_240 = tpu.memref_slice %arg7[%dma_wait3A_238, %dma_wait3A_239] : memref<8x125xi32, #tpu.memory_space<vmem>> -> memref<1x125xi32, #tpu.memory_space<vmem>>
      %dma_wait3A_241 = tpu.memref_squeeze %dma_wait3A_240 : memref<1x125xi32, #tpu.memory_space<vmem>> -> memref<125xi32, #tpu.memory_space<vmem>>
      %dma_wait3A_242 = arith.constant 0 : i32
      %dma_wait3A_243 = arith.constant 0 : i32
      %dma_wait3A_244 = tpu.memref_slice %arg9[%dma_wait3A_242, %dma_wait3A_243] : memref<10000x128xf32, #tpu.memory_space<vmem_shared>> -> memref<10000x128xf32, #tpu.memory_space<vmem_shared>>
      tpu.wait_indirect_dma semaphore(%arg10 : memref<!tpu.dma_semaphore, #tpu.memory_space<semaphore_mem>>) src(%arg8 : memref<125x128xf32, #tpu.memory_space<vmem>>) dst(%dma_wait3A_244 : memref<10000x128xf32, #tpu.memory_space<vmem_shared>>)
      %dma_wait3A_245 = arith.constant 4 : i32
      %dma_wait3A_246 = arith.constant 0 : i32
      %dma_wait3A_247 = tpu.memref_slice %arg7[%dma_wait3A_245, %dma_wait3A_246] : memref<8x125xi32, #tpu.memory_space<vmem>> -> memref<1x125xi32, #tpu.memory_space<vmem>>
      %dma_wait3A_248 = tpu.memref_squeeze %dma_wait3A_247 : memref<1x125xi32, #tpu.memory_space<vmem>> -> memref<125xi32, #tpu.memory_space<vmem>>
      %dma_wait3A_249 = arith.constant 0 : i32
      %dma_wait3A_250 = arith.constant 0 : i32
      %dma_wait3A_251 = tpu.memref_slice %arg9[%dma_wait3A_249, %dma_wait3A_250] : memref<10000x128xf32, #tpu.memory_space<vmem_shared>> -> memref<10000x128xf32, #tpu.memory_space<vmem_shared>>
      tpu.wait_indirect_dma semaphore(%arg10 : memref<!tpu.dma_semaphore, #tpu.memory_space<semaphore_mem>>) src(%arg8 : memref<125x128xf32, #tpu.memory_space<vmem>>) dst(%dma_wait3A_251 : memref<10000x128xf32, #tpu.memory_space<vmem_shared>>)
      %dma_wait3A_252 = arith.constant 5 : i32
      %dma_wait3A_253 = arith.constant 0 : i32
      %dma_wait3A_254 = tpu.memref_slice %arg7[%dma_wait3A_252, %dma_wait3A_253] : memref<8x125xi32, #tpu.memory_space<vmem>> -> memref<1x125xi32, #tpu.memory_space<vmem>>
      %dma_wait3A_255 = tpu.memref_squeeze %dma_wait3A_254 : memref<1x125xi32, #tpu.memory_space<vmem>> -> memref<125xi32, #tpu.memory_space<vmem>>
      %dma_wait3A_256 = arith.constant 0 : i32
      %dma_wait3A_257 = arith.constant 0 : i32
      %dma_wait3A_258 = tpu.memref_slice %arg9[%dma_wait3A_256, %dma_wait3A_257] : memref<10000x128xf32, #tpu.memory_space<vmem_shared>> -> memref<10000x128xf32, #tpu.memory_space<vmem_shared>>
      tpu.wait_indirect_dma semaphore(%arg10 : memref<!tpu.dma_semaphore, #tpu.memory_space<semaphore_mem>>) src(%arg8 : memref<125x128xf32, #tpu.memory_space<vmem>>) dst(%dma_wait3A_258 : memref<10000x128xf32, #tpu.memory_space<vmem_shared>>)
      %dma_wait3A_259 = arith.constant 6 : i32
      %dma_wait3A_260 = arith.constant 0 : i32
      %dma_wait3A_261 = tpu.memref_slice %arg7[%dma_wait3A_259, %dma_wait3A_260] : memref<8x125xi32, #tpu.memory_space<vmem>> -> memref<1x125xi32, #tpu.memory_space<vmem>>
      %dma_wait3A_262 = tpu.memref_squeeze %dma_wait3A_261 : memref<1x125xi32, #tpu.memory_space<vmem>> -> memref<125xi32, #tpu.memory_space<vmem>>
      %dma_wait3A_263 = arith.constant 0 : i32
      %dma_wait3A_264 = arith.constant 0 : i32
      %dma_wait3A_265 = tpu.memref_slice %arg9[%dma_wait3A_263, %dma_wait3A_264] : memref<10000x128xf32, #tpu.memory_space<vmem_shared>> -> memref<10000x128xf32, #tpu.memory_space<vmem_shared>>
      tpu.wait_indirect_dma semaphore(%arg10 : memref<!tpu.dma_semaphore, #tpu.memory_space<semaphore_mem>>) src(%arg8 : memref<125x128xf32, #tpu.memory_space<vmem>>) dst(%dma_wait3A_265 : memref<10000x128xf32, #tpu.memory_space<vmem_shared>>)
      %dma_wait3A_266 = arith.constant 7 : i32
      %dma_wait3A_267 = arith.constant 0 : i32
      %dma_wait3A_268 = tpu.memref_slice %arg7[%dma_wait3A_266, %dma_wait3A_267] : memref<8x125xi32, #tpu.memory_space<vmem>> -> memref<1x125xi32, #tpu.memory_space<vmem>>
      %dma_wait3A_269 = tpu.memref_squeeze %dma_wait3A_268 : memref<1x125xi32, #tpu.memory_space<vmem>> -> memref<125xi32, #tpu.memory_space<vmem>>
      %dma_wait3A_270 = arith.constant 0 : i32
      %dma_wait3A_271 = arith.constant 0 : i32
      %dma_wait3A_272 = tpu.memref_slice %arg9[%dma_wait3A_270, %dma_wait3A_271] : memref<10000x128xf32, #tpu.memory_space<vmem_shared>> -> memref<10000x128xf32, #tpu.memory_space<vmem_shared>>
      tpu.wait_indirect_dma semaphore(%arg10 : memref<!tpu.dma_semaphore, #tpu.memory_space<semaphore_mem>>) src(%arg8 : memref<125x128xf32, #tpu.memory_space<vmem>>) dst(%dma_wait3A_272 : memref<10000x128xf32, #tpu.memory_space<vmem_shared>>)
      %dma_wait3A_273 = arith.constant 0 : i32
      %dma_wait3A_274 = tpu.memref_slice %arg2[%add3A, %multiple_of3A_154, %dma_wait3A_273] : memref<32x80x125xi32, #tpu.memory_space<hbm>> -> memref<1x8x125xi32, #tpu.memory_space<hbm>>
      %dma_wait3A_275 = tpu.memref_squeeze %dma_wait3A_274 : memref<1x8x125xi32, #tpu.memory_space<hbm>> -> memref<8x125xi32, #tpu.memory_space<hbm>>
      %dma_wait3A_276 = arith.constant 0 : i32
      %dma_wait3A_277 = tpu.memref_slice %arg2[%add3A, %multiple_of3A_154, %dma_wait3A_276] : memref<32x80x125xi32, #tpu.memory_space<hbm>> -> memref<1x8x125xi32, #tpu.memory_space<hbm>>
      %dma_wait3A_278 = tpu.memref_squeeze %dma_wait3A_277 : memref<1x8x125xi32, #tpu.memory_space<hbm>> -> memref<8x125xi32, #tpu.memory_space<hbm>>
      tpu.wait_dma2 semaphore(%arg11 : memref<!tpu.dma_semaphore, #tpu.memory_space<semaphore_mem>>) src(%dma_wait3A_278 : memref<8x125xi32, #tpu.memory_space<hbm>>) dst(%arg6 : memref<8x125xi32, #tpu.memory_space<vmem>>)
    }
    %scan3A_9 = arith.constant 5 : i32
    %barrier3A_10 = arith.constant 0 : index
    tpu.barrier barrier_id(%barrier3A_10)
    %mul3A_11 = arith.constant 624 : i32
    %mul3A_12 = arith.muli %arg1, %mul3A_11 : i32
    "tpu.region"() ({
      %run_scoped3A = tpu.sem_alloc : memref<!tpu.dma_semaphore, #tpu.memory_space<semaphore_mem>>
      %dma_start3A = arith.constant 0 : i32
      %dma_start3A_18 = tpu.memref_slice %arg5[%arg0, %mul3A_12, %dma_start3A] : memref<2x10000x128xf32, #tpu.memory_space<hbm>> -> memref<1x624x128xf32, #tpu.memory_space<hbm>>
      %dma_start3A_19 = tpu.memref_squeeze %dma_start3A_18 : memref<1x624x128xf32, #tpu.memory_space<hbm>> -> memref<624x128xf32, #tpu.memory_space<hbm>>
      %dma_start3A_20 = arith.constant 0 : i32
      %dma_start3A_21 = tpu.memref_slice %arg9[%mul3A_12, %dma_start3A_20] : memref<10000x128xf32, #tpu.memory_space<vmem_shared>> -> memref<624x128xf32, #tpu.memory_space<vmem_shared>>
      tpu.enqueue_dma source(%dma_start3A_21 : memref<624x128xf32, #tpu.memory_space<vmem_shared>>) target(%dma_start3A_19 : memref<624x128xf32, #tpu.memory_space<hbm>>) target_semaphore(%run_scoped3A : memref<!tpu.dma_semaphore, #tpu.memory_space<semaphore_mem>>)
      %dma_wait3A = arith.constant 0 : i32
      %dma_wait3A_22 = tpu.memref_slice %arg5[%arg0, %mul3A_12, %dma_wait3A] : memref<2x10000x128xf32, #tpu.memory_space<hbm>> -> memref<1x624x128xf32, #tpu.memory_space<hbm>>
      %dma_wait3A_23 = tpu.memref_squeeze %dma_wait3A_22 : memref<1x624x128xf32, #tpu.memory_space<hbm>> -> memref<624x128xf32, #tpu.memory_space<hbm>>
      %dma_wait3A_24 = arith.constant 0 : i32
      %dma_wait3A_25 = tpu.memref_slice %arg9[%mul3A_12, %dma_wait3A_24] : memref<10000x128xf32, #tpu.memory_space<vmem_shared>> -> memref<624x128xf32, #tpu.memory_space<vmem_shared>>
      tpu.wait_dma2 semaphore(%run_scoped3A : memref<!tpu.dma_semaphore, #tpu.memory_space<semaphore_mem>>) src(%dma_wait3A_25 : memref<624x128xf32, #tpu.memory_space<vmem_shared>>) dst(%dma_wait3A_23 : memref<624x128xf32, #tpu.memory_space<hbm>>)
      tpu.yield
    }) : () -> ()
    %eq3A_13 = arith.constant 15 : i32
    %eq3A_14 = arith.cmpi eq, %arg1, %eq3A_13 : i32
    %convert_element_type3A_15 = arith.extui %eq3A_14 : i1 to i32
    %cond3A_16 = arith.constant 0 : i32
    %cond3A_17 = arith.cmpi ne, %convert_element_type3A_15, %cond3A_16 : i32
    scf.if %cond3A_17 {
      "tpu.region"() ({
        %run_scoped3A = tpu.sem_alloc : memref<!tpu.dma_semaphore, #tpu.memory_space<semaphore_mem>>
        %dma_start3A = arith.constant 9984 : i32
        %dma_start3A_18 = arith.constant 0 : i32
        %dma_start3A_19 = tpu.memref_slice %arg5[%arg0, %dma_start3A, %dma_start3A_18] : memref<2x10000x128xf32, #tpu.memory_space<hbm>> -> memref<1x16x128xf32, #tpu.memory_space<hbm>>
        %dma_start3A_20 = tpu.memref_squeeze %dma_start3A_19 : memref<1x16x128xf32, #tpu.memory_space<hbm>> -> memref<16x128xf32, #tpu.memory_space<hbm>>
        %dma_start3A_21 = arith.constant 9984 : i32
        %dma_start3A_22 = arith.constant 0 : i32
        %dma_start3A_23 = tpu.memref_slice %arg9[%dma_start3A_21, %dma_start3A_22] : memref<10000x128xf32, #tpu.memory_space<vmem_shared>> -> memref<16x128xf32, #tpu.memory_space<vmem_shared>>
        tpu.enqueue_dma source(%dma_start3A_23 : memref<16x128xf32, #tpu.memory_space<vmem_shared>>) target(%dma_start3A_20 : memref<16x128xf32, #tpu.memory_space<hbm>>) target_semaphore(%run_scoped3A : memref<!tpu.dma_semaphore, #tpu.memory_space<semaphore_mem>>)
        %dma_wait3A = arith.constant 9984 : i32
        %dma_wait3A_24 = arith.constant 0 : i32
        %dma_wait3A_25 = tpu.memref_slice %arg5[%arg0, %dma_wait3A, %dma_wait3A_24] : memref<2x10000x128xf32, #tpu.memory_space<hbm>> -> memref<1x16x128xf32, #tpu.memory_space<hbm>>
        %dma_wait3A_26 = tpu.memref_squeeze %dma_wait3A_25 : memref<1x16x128xf32, #tpu.memory_space<hbm>> -> memref<16x128xf32, #tpu.memory_space<hbm>>
        %dma_wait3A_27 = arith.constant 9984 : i32
        %dma_wait3A_28 = arith.constant 0 : i32
        %dma_wait3A_29 = tpu.memref_slice %arg9[%dma_wait3A_27, %dma_wait3A_28] : memref<10000x128xf32, #tpu.memory_space<vmem_shared>> -> memref<16x128xf32, #tpu.memory_space<vmem_shared>>
        tpu.wait_dma2 semaphore(%run_scoped3A : memref<!tpu.dma_semaphore, #tpu.memory_space<semaphore_mem>>) src(%dma_wait3A_29 : memref<16x128xf32, #tpu.memory_space<vmem_shared>>) dst(%dma_wait3A_26 : memref<16x128xf32, #tpu.memory_space<hbm>>)
        tpu.yield
      }) : () -> ()
    } else {
    }
    return
  }
}

#map = affine_map<(d0, d1) -> (0, 0, 0)>
#map1 = affine_map<(d0, d1) -> (0, 0)>
module attributes {stable_mosaic.version = 14 : i64} {
  func.func @_sc_agg(%arg0: i32, %arg1: i32, %arg2: memref<32x160x125xi32, #tpu.memory_space<hbm>>, %arg3: memref<10000x128xf32, #tpu.memory_space<hbm>>, %arg4: memref<10000x128xf32, #tpu.memory_space<hbm>>, %arg5: memref<2x10000x128xf32, #tpu.memory_space<hbm>>, %arg6: memref<16x125xi32, #tpu.memory_space<vmem>>, %arg7: memref<16x125xi32, #tpu.memory_space<vmem>>, %arg8: memref<125x128xf32, #tpu.memory_space<vmem>>, %arg9: memref<125x128xf32, #tpu.memory_space<vmem>>, %arg10: memref<10000x128xf32, #tpu.memory_space<vmem_shared>>, %arg11: memref<!tpu.dma_semaphore, #tpu.memory_space<semaphore_mem>>, %arg12: memref<!tpu.dma_semaphore, #tpu.memory_space<semaphore_mem>>, %arg13: memref<!tpu.dma_semaphore, #tpu.memory_space<semaphore_mem>>, %arg14: memref<!tpu.dma_semaphore, #tpu.memory_space<semaphore_mem>>, %arg15: memref<!tpu.dma_semaphore, #tpu.memory_space<semaphore_mem>>, %arg16: memref<!tpu.dma_semaphore, #tpu.memory_space<semaphore_mem>>) attributes {dimension_semantics = [#tpu.dimension_semantics<core_parallel>, #tpu.dimension_semantics<subcore_parallel>], iteration_bounds = array<i64: 2, 16>, scalar_prefetch = 0 : i64, scratch_operands = 11 : i64, tpu.core_type = #tpu.core_type<sc_vector_subcore>, window_params = [{transform_indices = #map}, {transform_indices = #map1}, {transform_indices = #map1}, {transform_indices = #map}]} {
    %mul3A = arith.constant 16 : i32
    %mul3A_0 = arith.muli %arg0, %mul3A : i32
    %add3A = arith.addi %mul3A_0, %arg1 : i32
    %mul3A_1 = arith.constant 624 : i32
    %mul3A_2 = arith.muli %arg1, %mul3A_1 : i32
    "tpu.region"() ({
      %run_scoped3A = tpu.sem_alloc : memref<!tpu.dma_semaphore, #tpu.memory_space<semaphore_mem>>
      %dma_start3A = arith.constant 0 : i32
      %dma_start3A_18 = tpu.memref_slice %arg10[%mul3A_2, %dma_start3A] : memref<10000x128xf32, #tpu.memory_space<vmem_shared>> -> memref<624x128xf32, #tpu.memory_space<vmem_shared>>
      %dma_start3A_19 = arith.constant 0 : i32
      %dma_start3A_20 = tpu.memref_slice %arg4[%mul3A_2, %dma_start3A_19] : memref<10000x128xf32, #tpu.memory_space<hbm>> -> memref<624x128xf32, #tpu.memory_space<hbm>>
      tpu.enqueue_dma source(%dma_start3A_20 : memref<624x128xf32, #tpu.memory_space<hbm>>) target(%dma_start3A_18 : memref<624x128xf32, #tpu.memory_space<vmem_shared>>) target_semaphore(%run_scoped3A : memref<!tpu.dma_semaphore, #tpu.memory_space<semaphore_mem>>)
      %dma_wait3A = arith.constant 0 : i32
      %dma_wait3A_21 = tpu.memref_slice %arg10[%mul3A_2, %dma_wait3A] : memref<10000x128xf32, #tpu.memory_space<vmem_shared>> -> memref<624x128xf32, #tpu.memory_space<vmem_shared>>
      %dma_wait3A_22 = arith.constant 0 : i32
      %dma_wait3A_23 = tpu.memref_slice %arg4[%mul3A_2, %dma_wait3A_22] : memref<10000x128xf32, #tpu.memory_space<hbm>> -> memref<624x128xf32, #tpu.memory_space<hbm>>
      tpu.wait_dma2 semaphore(%run_scoped3A : memref<!tpu.dma_semaphore, #tpu.memory_space<semaphore_mem>>) src(%dma_wait3A_23 : memref<624x128xf32, #tpu.memory_space<hbm>>) dst(%dma_wait3A_21 : memref<624x128xf32, #tpu.memory_space<vmem_shared>>)
      tpu.yield
    }) : () -> ()
    %eq3A = arith.constant 15 : i32
    %eq3A_3 = arith.cmpi eq, %arg1, %eq3A : i32
    %convert_element_type3A = arith.extui %eq3A_3 : i1 to i32
    %cond3A = arith.constant 0 : i32
    %cond3A_4 = arith.cmpi ne, %convert_element_type3A, %cond3A : i32
    scf.if %cond3A_4 {
      "tpu.region"() ({
        %run_scoped3A = tpu.sem_alloc : memref<!tpu.dma_semaphore, #tpu.memory_space<semaphore_mem>>
        %dma_start3A = arith.constant 9984 : i32
        %dma_start3A_18 = arith.constant 0 : i32
        %dma_start3A_19 = tpu.memref_slice %arg10[%dma_start3A, %dma_start3A_18] : memref<10000x128xf32, #tpu.memory_space<vmem_shared>> -> memref<16x128xf32, #tpu.memory_space<vmem_shared>>
        %dma_start3A_20 = arith.constant 9984 : i32
        %dma_start3A_21 = arith.constant 0 : i32
        %dma_start3A_22 = tpu.memref_slice %arg4[%dma_start3A_20, %dma_start3A_21] : memref<10000x128xf32, #tpu.memory_space<hbm>> -> memref<16x128xf32, #tpu.memory_space<hbm>>
        tpu.enqueue_dma source(%dma_start3A_22 : memref<16x128xf32, #tpu.memory_space<hbm>>) target(%dma_start3A_19 : memref<16x128xf32, #tpu.memory_space<vmem_shared>>) target_semaphore(%run_scoped3A : memref<!tpu.dma_semaphore, #tpu.memory_space<semaphore_mem>>)
        %dma_wait3A = arith.constant 9984 : i32
        %dma_wait3A_23 = arith.constant 0 : i32
        %dma_wait3A_24 = tpu.memref_slice %arg10[%dma_wait3A, %dma_wait3A_23] : memref<10000x128xf32, #tpu.memory_space<vmem_shared>> -> memref<16x128xf32, #tpu.memory_space<vmem_shared>>
        %dma_wait3A_25 = arith.constant 9984 : i32
        %dma_wait3A_26 = arith.constant 0 : i32
        %dma_wait3A_27 = tpu.memref_slice %arg4[%dma_wait3A_25, %dma_wait3A_26] : memref<10000x128xf32, #tpu.memory_space<hbm>> -> memref<16x128xf32, #tpu.memory_space<hbm>>
        tpu.wait_dma2 semaphore(%run_scoped3A : memref<!tpu.dma_semaphore, #tpu.memory_space<semaphore_mem>>) src(%dma_wait3A_27 : memref<16x128xf32, #tpu.memory_space<hbm>>) dst(%dma_wait3A_24 : memref<16x128xf32, #tpu.memory_space<vmem_shared>>)
        tpu.yield
      }) : () -> ()
    } else {
    }
    "tpu.region"() ({
      %run_scoped3A = tpu.sem_alloc : memref<!tpu.dma_semaphore, #tpu.memory_space<semaphore_mem>>
      %dma_start3A = arith.constant 0 : i32
      %dma_start3A_18 = arith.constant 0 : i32
      %dma_start3A_19 = tpu.memref_slice %arg2[%add3A, %dma_start3A, %dma_start3A_18] : memref<32x160x125xi32, #tpu.memory_space<hbm>> -> memref<1x16x125xi32, #tpu.memory_space<hbm>>
      %dma_start3A_20 = tpu.memref_squeeze %dma_start3A_19 : memref<1x16x125xi32, #tpu.memory_space<hbm>> -> memref<16x125xi32, #tpu.memory_space<hbm>>
      %dma_start3A_21 = arith.constant 0 : i32
      %dma_start3A_22 = arith.constant 0 : i32
      %dma_start3A_23 = tpu.memref_slice %arg2[%add3A, %dma_start3A_21, %dma_start3A_22] : memref<32x160x125xi32, #tpu.memory_space<hbm>> -> memref<1x16x125xi32, #tpu.memory_space<hbm>>
      %dma_start3A_24 = tpu.memref_squeeze %dma_start3A_23 : memref<1x16x125xi32, #tpu.memory_space<hbm>> -> memref<16x125xi32, #tpu.memory_space<hbm>>
      tpu.enqueue_dma source(%dma_start3A_24 : memref<16x125xi32, #tpu.memory_space<hbm>>) target(%arg6 : memref<16x125xi32, #tpu.memory_space<vmem>>) target_semaphore(%run_scoped3A : memref<!tpu.dma_semaphore, #tpu.memory_space<semaphore_mem>>)
      %dma_wait3A = arith.constant 0 : i32
      %dma_wait3A_25 = arith.constant 0 : i32
      %dma_wait3A_26 = tpu.memref_slice %arg2[%add3A, %dma_wait3A, %dma_wait3A_25] : memref<32x160x125xi32, #tpu.memory_space<hbm>> -> memref<1x16x125xi32, #tpu.memory_space<hbm>>
      %dma_wait3A_27 = tpu.memref_squeeze %dma_wait3A_26 : memref<1x16x125xi32, #tpu.memory_space<hbm>> -> memref<16x125xi32, #tpu.memory_space<hbm>>
      %dma_wait3A_28 = arith.constant 0 : i32
      %dma_wait3A_29 = arith.constant 0 : i32
      %dma_wait3A_30 = tpu.memref_slice %arg2[%add3A, %dma_wait3A_28, %dma_wait3A_29] : memref<32x160x125xi32, #tpu.memory_space<hbm>> -> memref<1x16x125xi32, #tpu.memory_space<hbm>>
      %dma_wait3A_31 = tpu.memref_squeeze %dma_wait3A_30 : memref<1x16x125xi32, #tpu.memory_space<hbm>> -> memref<16x125xi32, #tpu.memory_space<hbm>>
      tpu.wait_dma2 semaphore(%run_scoped3A : memref<!tpu.dma_semaphore, #tpu.memory_space<semaphore_mem>>) src(%dma_wait3A_31 : memref<16x125xi32, #tpu.memory_space<hbm>>) dst(%arg6 : memref<16x125xi32, #tpu.memory_space<vmem>>)
      tpu.yield
    }) : () -> ()
    %barrier3A = arith.constant 0 : index
    tpu.barrier barrier_id(%barrier3A)
    %scan3A = arith.constant 0 : i32
    %scan3A_5 = arith.constant 0 : i32
    %scan3A_6 = arith.constant 5 : i32
    %scan3A_7 = arith.addi %scan3A_5, %scan3A_6 : i32
    %scan3A_8 = arith.constant 1 : i32
    scf.for %scan3A_18 = %scan3A_5 to %scan3A_7 step %scan3A_8  : i32 {
      %mul3A_19 = arith.constant 2 : i32
      %mul3A_20 = arith.muli %mul3A_19, %scan3A_18 : i32
      %add3A_21 = arith.constant 1 : i32
      %add3A_22 = arith.addi %mul3A_20, %add3A_21 : i32
      %mul3A_23 = arith.constant 16 : i32
      %mul3A_24 = arith.muli %add3A_22, %mul3A_23 : i32
      %multiple_of3A = tpu.assume_multiple %mul3A_24, 16 : i32
      %dma_start3A = arith.constant 0 : i32
      %dma_start3A_25 = tpu.memref_slice %arg2[%add3A, %multiple_of3A, %dma_start3A] : memref<32x160x125xi32, #tpu.memory_space<hbm>> -> memref<1x16x125xi32, #tpu.memory_space<hbm>>
      %dma_start3A_26 = tpu.memref_squeeze %dma_start3A_25 : memref<1x16x125xi32, #tpu.memory_space<hbm>> -> memref<16x125xi32, #tpu.memory_space<hbm>>
      %dma_start3A_27 = arith.constant 0 : i32
      %dma_start3A_28 = tpu.memref_slice %arg2[%add3A, %multiple_of3A, %dma_start3A_27] : memref<32x160x125xi32, #tpu.memory_space<hbm>> -> memref<1x16x125xi32, #tpu.memory_space<hbm>>
      %dma_start3A_29 = tpu.memref_squeeze %dma_start3A_28 : memref<1x16x125xi32, #tpu.memory_space<hbm>> -> memref<16x125xi32, #tpu.memory_space<hbm>>
      tpu.enqueue_dma source(%dma_start3A_29 : memref<16x125xi32, #tpu.memory_space<hbm>>) target(%arg7 : memref<16x125xi32, #tpu.memory_space<vmem>>) target_semaphore(%arg16 : memref<!tpu.dma_semaphore, #tpu.memory_space<semaphore_mem>>)
      %dma_start3A_30 = arith.constant 0 : i32
      %dma_start3A_31 = arith.constant 0 : i32
      %dma_start3A_32 = tpu.memref_slice %arg6[%dma_start3A_30, %dma_start3A_31] : memref<16x125xi32, #tpu.memory_space<vmem>> -> memref<1x125xi32, #tpu.memory_space<vmem>>
      %dma_start3A_33 = tpu.memref_squeeze %dma_start3A_32 : memref<1x125xi32, #tpu.memory_space<vmem>> -> memref<125xi32, #tpu.memory_space<vmem>>
      %dma_start3A_34 = arith.constant 0 : i32
      %dma_start3A_35 = arith.constant 0 : i32
      %dma_start3A_36 = tpu.memref_slice %arg3[%dma_start3A_34, %dma_start3A_35] : memref<10000x128xf32, #tpu.memory_space<hbm>> -> memref<10000x128xf32, #tpu.memory_space<hbm>>
      tpu.enqueue_indirect_dma source(%dma_start3A_36 : memref<10000x128xf32, #tpu.memory_space<hbm>>) target(%arg8 : memref<125x128xf32, #tpu.memory_space<vmem>>) offsets(%dma_start3A_33 : memref<125xi32, #tpu.memory_space<vmem>>) semaphore(%arg11 : memref<!tpu.dma_semaphore, #tpu.memory_space<semaphore_mem>>)
      %dma_start3A_37 = arith.constant 2 : i32
      %dma_start3A_38 = arith.constant 0 : i32
      %dma_start3A_39 = tpu.memref_slice %arg6[%dma_start3A_37, %dma_start3A_38] : memref<16x125xi32, #tpu.memory_space<vmem>> -> memref<1x125xi32, #tpu.memory_space<vmem>>
      %dma_start3A_40 = tpu.memref_squeeze %dma_start3A_39 : memref<1x125xi32, #tpu.memory_space<vmem>> -> memref<125xi32, #tpu.memory_space<vmem>>
      %dma_start3A_41 = arith.constant 0 : i32
      %dma_start3A_42 = arith.constant 0 : i32
      %dma_start3A_43 = tpu.memref_slice %arg3[%dma_start3A_41, %dma_start3A_42] : memref<10000x128xf32, #tpu.memory_space<hbm>> -> memref<10000x128xf32, #tpu.memory_space<hbm>>
      tpu.enqueue_indirect_dma source(%dma_start3A_43 : memref<10000x128xf32, #tpu.memory_space<hbm>>) target(%arg9 : memref<125x128xf32, #tpu.memory_space<vmem>>) offsets(%dma_start3A_40 : memref<125xi32, #tpu.memory_space<vmem>>) semaphore(%arg12 : memref<!tpu.dma_semaphore, #tpu.memory_space<semaphore_mem>>)
      %dma_wait3A = arith.constant 0 : i32
      %dma_wait3A_44 = arith.constant 0 : i32
      %dma_wait3A_45 = tpu.memref_slice %arg6[%dma_wait3A, %dma_wait3A_44] : memref<16x125xi32, #tpu.memory_space<vmem>> -> memref<1x125xi32, #tpu.memory_space<vmem>>
      %dma_wait3A_46 = tpu.memref_squeeze %dma_wait3A_45 : memref<1x125xi32, #tpu.memory_space<vmem>> -> memref<125xi32, #tpu.memory_space<vmem>>
      %dma_wait3A_47 = arith.constant 0 : i32
      %dma_wait3A_48 = arith.constant 0 : i32
      %dma_wait3A_49 = tpu.memref_slice %arg3[%dma_wait3A_47, %dma_wait3A_48] : memref<10000x128xf32, #tpu.memory_space<hbm>> -> memref<10000x128xf32, #tpu.memory_space<hbm>>
      tpu.wait_indirect_dma semaphore(%arg11 : memref<!tpu.dma_semaphore, #tpu.memory_space<semaphore_mem>>) src(%dma_wait3A_49 : memref<10000x128xf32, #tpu.memory_space<hbm>>) dst(%arg8 : memref<125x128xf32, #tpu.memory_space<vmem>>)
      %dma_start3A_50 = arith.constant 1 : i32
      %dma_start3A_51 = arith.constant 0 : i32
      %dma_start3A_52 = tpu.memref_slice %arg6[%dma_start3A_50, %dma_start3A_51] : memref<16x125xi32, #tpu.memory_space<vmem>> -> memref<1x125xi32, #tpu.memory_space<vmem>>
      %dma_start3A_53 = tpu.memref_squeeze %dma_start3A_52 : memref<1x125xi32, #tpu.memory_space<vmem>> -> memref<125xi32, #tpu.memory_space<vmem>>
      %dma_start3A_54 = arith.constant 0 : i32
      %dma_start3A_55 = arith.constant 0 : i32
      %dma_start3A_56 = tpu.memref_slice %arg10[%dma_start3A_54, %dma_start3A_55] : memref<10000x128xf32, #tpu.memory_space<vmem_shared>> -> memref<10000x128xf32, #tpu.memory_space<vmem_shared>>
      tpu.enqueue_indirect_dma source(%arg8 : memref<125x128xf32, #tpu.memory_space<vmem>>) target(%dma_start3A_56 : memref<10000x128xf32, #tpu.memory_space<vmem_shared>>) offsets(%dma_start3A_53 : memref<125xi32, #tpu.memory_space<vmem>>) semaphore(%arg13 : memref<!tpu.dma_semaphore, #tpu.memory_space<semaphore_mem>>) {add = true}
      %dma_wait3A_57 = arith.constant 1 : i32
      %dma_wait3A_58 = arith.constant 0 : i32
      %dma_wait3A_59 = tpu.memref_slice %arg6[%dma_wait3A_57, %dma_wait3A_58] : memref<16x125xi32, #tpu.memory_space<vmem>> -> memref<1x125xi32, #tpu.memory_space<vmem>>
      %dma_wait3A_60 = tpu.memref_squeeze %dma_wait3A_59 : memref<1x125xi32, #tpu.memory_space<vmem>> -> memref<125xi32, #tpu.memory_space<vmem>>
      %dma_wait3A_61 = arith.constant 0 : i32
      %dma_wait3A_62 = arith.constant 0 : i32
      %dma_wait3A_63 = tpu.memref_slice %arg10[%dma_wait3A_61, %dma_wait3A_62] : memref<10000x128xf32, #tpu.memory_space<vmem_shared>> -> memref<10000x128xf32, #tpu.memory_space<vmem_shared>>
      tpu.wait_indirect_dma semaphore(%arg13 : memref<!tpu.dma_semaphore, #tpu.memory_space<semaphore_mem>>) src(%arg8 : memref<125x128xf32, #tpu.memory_space<vmem>>) dst(%dma_wait3A_63 : memref<10000x128xf32, #tpu.memory_space<vmem_shared>>)
      %dma_start3A_64 = arith.constant 4 : i32
      %dma_start3A_65 = arith.constant 0 : i32
      %dma_start3A_66 = tpu.memref_slice %arg6[%dma_start3A_64, %dma_start3A_65] : memref<16x125xi32, #tpu.memory_space<vmem>> -> memref<1x125xi32, #tpu.memory_space<vmem>>
      %dma_start3A_67 = tpu.memref_squeeze %dma_start3A_66 : memref<1x125xi32, #tpu.memory_space<vmem>> -> memref<125xi32, #tpu.memory_space<vmem>>
      %dma_start3A_68 = arith.constant 0 : i32
      %dma_start3A_69 = arith.constant 0 : i32
      %dma_start3A_70 = tpu.memref_slice %arg3[%dma_start3A_68, %dma_start3A_69] : memref<10000x128xf32, #tpu.memory_space<hbm>> -> memref<10000x128xf32, #tpu.memory_space<hbm>>
      tpu.enqueue_indirect_dma source(%dma_start3A_70 : memref<10000x128xf32, #tpu.memory_space<hbm>>) target(%arg8 : memref<125x128xf32, #tpu.memory_space<vmem>>) offsets(%dma_start3A_67 : memref<125xi32, #tpu.memory_space<vmem>>) semaphore(%arg11 : memref<!tpu.dma_semaphore, #tpu.memory_space<semaphore_mem>>)
      %dma_wait3A_71 = arith.constant 2 : i32
      %dma_wait3A_72 = arith.constant 0 : i32
      %dma_wait3A_73 = tpu.memref_slice %arg6[%dma_wait3A_71, %dma_wait3A_72] : memref<16x125xi32, #tpu.memory_space<vmem>> -> memref<1x125xi32, #tpu.memory_space<vmem>>
      %dma_wait3A_74 = tpu.memref_squeeze %dma_wait3A_73 : memref<1x125xi32, #tpu.memory_space<vmem>> -> memref<125xi32, #tpu.memory_space<vmem>>
      %dma_wait3A_75 = arith.constant 0 : i32
      %dma_wait3A_76 = arith.constant 0 : i32
      %dma_wait3A_77 = tpu.memref_slice %arg3[%dma_wait3A_75, %dma_wait3A_76] : memref<10000x128xf32, #tpu.memory_space<hbm>> -> memref<10000x128xf32, #tpu.memory_space<hbm>>
      tpu.wait_indirect_dma semaphore(%arg12 : memref<!tpu.dma_semaphore, #tpu.memory_space<semaphore_mem>>) src(%dma_wait3A_77 : memref<10000x128xf32, #tpu.memory_space<hbm>>) dst(%arg9 : memref<125x128xf32, #tpu.memory_space<vmem>>)
      %dma_start3A_78 = arith.constant 3 : i32
      %dma_start3A_79 = arith.constant 0 : i32
      %dma_start3A_80 = tpu.memref_slice %arg6[%dma_start3A_78, %dma_start3A_79] : memref<16x125xi32, #tpu.memory_space<vmem>> -> memref<1x125xi32, #tpu.memory_space<vmem>>
      %dma_start3A_81 = tpu.memref_squeeze %dma_start3A_80 : memref<1x125xi32, #tpu.memory_space<vmem>> -> memref<125xi32, #tpu.memory_space<vmem>>
      %dma_start3A_82 = arith.constant 0 : i32
      %dma_start3A_83 = arith.constant 0 : i32
      %dma_start3A_84 = tpu.memref_slice %arg10[%dma_start3A_82, %dma_start3A_83] : memref<10000x128xf32, #tpu.memory_space<vmem_shared>> -> memref<10000x128xf32, #tpu.memory_space<vmem_shared>>
      tpu.enqueue_indirect_dma source(%arg9 : memref<125x128xf32, #tpu.memory_space<vmem>>) target(%dma_start3A_84 : memref<10000x128xf32, #tpu.memory_space<vmem_shared>>) offsets(%dma_start3A_81 : memref<125xi32, #tpu.memory_space<vmem>>) semaphore(%arg14 : memref<!tpu.dma_semaphore, #tpu.memory_space<semaphore_mem>>) {add = true}
      %dma_wait3A_85 = arith.constant 3 : i32
      %dma_wait3A_86 = arith.constant 0 : i32
      %dma_wait3A_87 = tpu.memref_slice %arg6[%dma_wait3A_85, %dma_wait3A_86] : memref<16x125xi32, #tpu.memory_space<vmem>> -> memref<1x125xi32, #tpu.memory_space<vmem>>
      %dma_wait3A_88 = tpu.memref_squeeze %dma_wait3A_87 : memref<1x125xi32, #tpu.memory_space<vmem>> -> memref<125xi32, #tpu.memory_space<vmem>>
      %dma_wait3A_89 = arith.constant 0 : i32
      %dma_wait3A_90 = arith.constant 0 : i32
      %dma_wait3A_91 = tpu.memref_slice %arg10[%dma_wait3A_89, %dma_wait3A_90] : memref<10000x128xf32, #tpu.memory_space<vmem_shared>> -> memref<10000x128xf32, #tpu.memory_space<vmem_shared>>
      tpu.wait_indirect_dma semaphore(%arg14 : memref<!tpu.dma_semaphore, #tpu.memory_space<semaphore_mem>>) src(%arg9 : memref<125x128xf32, #tpu.memory_space<vmem>>) dst(%dma_wait3A_91 : memref<10000x128xf32, #tpu.memory_space<vmem_shared>>)
      %dma_start3A_92 = arith.constant 6 : i32
      %dma_start3A_93 = arith.constant 0 : i32
      %dma_start3A_94 = tpu.memref_slice %arg6[%dma_start3A_92, %dma_start3A_93] : memref<16x125xi32, #tpu.memory_space<vmem>> -> memref<1x125xi32, #tpu.memory_space<vmem>>
      %dma_start3A_95 = tpu.memref_squeeze %dma_start3A_94 : memref<1x125xi32, #tpu.memory_space<vmem>> -> memref<125xi32, #tpu.memory_space<vmem>>
      %dma_start3A_96 = arith.constant 0 : i32
      %dma_start3A_97 = arith.constant 0 : i32
      %dma_start3A_98 = tpu.memref_slice %arg3[%dma_start3A_96, %dma_start3A_97] : memref<10000x128xf32, #tpu.memory_space<hbm>> -> memref<10000x128xf32, #tpu.memory_space<hbm>>
      tpu.enqueue_indirect_dma source(%dma_start3A_98 : memref<10000x128xf32, #tpu.memory_space<hbm>>) target(%arg9 : memref<125x128xf32, #tpu.memory_space<vmem>>) offsets(%dma_start3A_95 : memref<125xi32, #tpu.memory_space<vmem>>) semaphore(%arg12 : memref<!tpu.dma_semaphore, #tpu.memory_space<semaphore_mem>>)
      %dma_wait3A_99 = arith.constant 4 : i32
      %dma_wait3A_100 = arith.constant 0 : i32
      %dma_wait3A_101 = tpu.memref_slice %arg6[%dma_wait3A_99, %dma_wait3A_100] : memref<16x125xi32, #tpu.memory_space<vmem>> -> memref<1x125xi32, #tpu.memory_space<vmem>>
      %dma_wait3A_102 = tpu.memref_squeeze %dma_wait3A_101 : memref<1x125xi32, #tpu.memory_space<vmem>> -> memref<125xi32, #tpu.memory_space<vmem>>
      %dma_wait3A_103 = arith.constant 0 : i32
      %dma_wait3A_104 = arith.constant 0 : i32
      %dma_wait3A_105 = tpu.memref_slice %arg3[%dma_wait3A_103, %dma_wait3A_104] : memref<10000x128xf32, #tpu.memory_space<hbm>> -> memref<10000x128xf32, #tpu.memory_space<hbm>>
      tpu.wait_indirect_dma semaphore(%arg11 : memref<!tpu.dma_semaphore, #tpu.memory_space<semaphore_mem>>) src(%dma_wait3A_105 : memref<10000x128xf32, #tpu.memory_space<hbm>>) dst(%arg8 : memref<125x128xf32, #tpu.memory_space<vmem>>)
      %dma_start3A_106 = arith.constant 5 : i32
      %dma_start3A_107 = arith.constant 0 : i32
      %dma_start3A_108 = tpu.memref_slice %arg6[%dma_start3A_106, %dma_start3A_107] : memref<16x125xi32, #tpu.memory_space<vmem>> -> memref<1x125xi32, #tpu.memory_space<vmem>>
      %dma_start3A_109 = tpu.memref_squeeze %dma_start3A_108 : memref<1x125xi32, #tpu.memory_space<vmem>> -> memref<125xi32, #tpu.memory_space<vmem>>
      %dma_start3A_110 = arith.constant 0 : i32
      %dma_start3A_111 = arith.constant 0 : i32
      %dma_start3A_112 = tpu.memref_slice %arg10[%dma_start3A_110, %dma_start3A_111] : memref<10000x128xf32, #tpu.memory_space<vmem_shared>> -> memref<10000x128xf32, #tpu.memory_space<vmem_shared>>
      tpu.enqueue_indirect_dma source(%arg8 : memref<125x128xf32, #tpu.memory_space<vmem>>) target(%dma_start3A_112 : memref<10000x128xf32, #tpu.memory_space<vmem_shared>>) offsets(%dma_start3A_109 : memref<125xi32, #tpu.memory_space<vmem>>) semaphore(%arg13 : memref<!tpu.dma_semaphore, #tpu.memory_space<semaphore_mem>>) {add = true}
      %dma_wait3A_113 = arith.constant 5 : i32
      %dma_wait3A_114 = arith.constant 0 : i32
      %dma_wait3A_115 = tpu.memref_slice %arg6[%dma_wait3A_113, %dma_wait3A_114] : memref<16x125xi32, #tpu.memory_space<vmem>> -> memref<1x125xi32, #tpu.memory_space<vmem>>
      %dma_wait3A_116 = tpu.memref_squeeze %dma_wait3A_115 : memref<1x125xi32, #tpu.memory_space<vmem>> -> memref<125xi32, #tpu.memory_space<vmem>>
      %dma_wait3A_117 = arith.constant 0 : i32
      %dma_wait3A_118 = arith.constant 0 : i32
      %dma_wait3A_119 = tpu.memref_slice %arg10[%dma_wait3A_117, %dma_wait3A_118] : memref<10000x128xf32, #tpu.memory_space<vmem_shared>> -> memref<10000x128xf32, #tpu.memory_space<vmem_shared>>
      tpu.wait_indirect_dma semaphore(%arg13 : memref<!tpu.dma_semaphore, #tpu.memory_space<semaphore_mem>>) src(%arg8 : memref<125x128xf32, #tpu.memory_space<vmem>>) dst(%dma_wait3A_119 : memref<10000x128xf32, #tpu.memory_space<vmem_shared>>)
      %dma_start3A_120 = arith.constant 8 : i32
      %dma_start3A_121 = arith.constant 0 : i32
      %dma_start3A_122 = tpu.memref_slice %arg6[%dma_start3A_120, %dma_start3A_121] : memref<16x125xi32, #tpu.memory_space<vmem>> -> memref<1x125xi32, #tpu.memory_space<vmem>>
      %dma_start3A_123 = tpu.memref_squeeze %dma_start3A_122 : memref<1x125xi32, #tpu.memory_space<vmem>> -> memref<125xi32, #tpu.memory_space<vmem>>
      %dma_start3A_124 = arith.constant 0 : i32
      %dma_start3A_125 = arith.constant 0 : i32
      %dma_start3A_126 = tpu.memref_slice %arg3[%dma_start3A_124, %dma_start3A_125] : memref<10000x128xf32, #tpu.memory_space<hbm>> -> memref<10000x128xf32, #tpu.memory_space<hbm>>
      tpu.enqueue_indirect_dma source(%dma_start3A_126 : memref<10000x128xf32, #tpu.memory_space<hbm>>) target(%arg8 : memref<125x128xf32, #tpu.memory_space<vmem>>) offsets(%dma_start3A_123 : memref<125xi32, #tpu.memory_space<vmem>>) semaphore(%arg11 : memref<!tpu.dma_semaphore, #tpu.memory_space<semaphore_mem>>)
      %dma_wait3A_127 = arith.constant 6 : i32
      %dma_wait3A_128 = arith.constant 0 : i32
      %dma_wait3A_129 = tpu.memref_slice %arg6[%dma_wait3A_127, %dma_wait3A_128] : memref<16x125xi32, #tpu.memory_space<vmem>> -> memref<1x125xi32, #tpu.memory_space<vmem>>
      %dma_wait3A_130 = tpu.memref_squeeze %dma_wait3A_129 : memref<1x125xi32, #tpu.memory_space<vmem>> -> memref<125xi32, #tpu.memory_space<vmem>>
      %dma_wait3A_131 = arith.constant 0 : i32
      %dma_wait3A_132 = arith.constant 0 : i32
      %dma_wait3A_133 = tpu.memref_slice %arg3[%dma_wait3A_131, %dma_wait3A_132] : memref<10000x128xf32, #tpu.memory_space<hbm>> -> memref<10000x128xf32, #tpu.memory_space<hbm>>
      tpu.wait_indirect_dma semaphore(%arg12 : memref<!tpu.dma_semaphore, #tpu.memory_space<semaphore_mem>>) src(%dma_wait3A_133 : memref<10000x128xf32, #tpu.memory_space<hbm>>) dst(%arg9 : memref<125x128xf32, #tpu.memory_space<vmem>>)
      %dma_start3A_134 = arith.constant 7 : i32
      %dma_start3A_135 = arith.constant 0 : i32
      %dma_start3A_136 = tpu.memref_slice %arg6[%dma_start3A_134, %dma_start3A_135] : memref<16x125xi32, #tpu.memory_space<vmem>> -> memref<1x125xi32, #tpu.memory_space<vmem>>
      %dma_start3A_137 = tpu.memref_squeeze %dma_start3A_136 : memref<1x125xi32, #tpu.memory_space<vmem>> -> memref<125xi32, #tpu.memory_space<vmem>>
      %dma_start3A_138 = arith.constant 0 : i32
      %dma_start3A_139 = arith.constant 0 : i32
      %dma_start3A_140 = tpu.memref_slice %arg10[%dma_start3A_138, %dma_start3A_139] : memref<10000x128xf32, #tpu.memory_space<vmem_shared>> -> memref<10000x128xf32, #tpu.memory_space<vmem_shared>>
      tpu.enqueue_indirect_dma source(%arg9 : memref<125x128xf32, #tpu.memory_space<vmem>>) target(%dma_start3A_140 : memref<10000x128xf32, #tpu.memory_space<vmem_shared>>) offsets(%dma_start3A_137 : memref<125xi32, #tpu.memory_space<vmem>>) semaphore(%arg14 : memref<!tpu.dma_semaphore, #tpu.memory_space<semaphore_mem>>) {add = true}
      %dma_wait3A_141 = arith.constant 7 : i32
      %dma_wait3A_142 = arith.constant 0 : i32
      %dma_wait3A_143 = tpu.memref_slice %arg6[%dma_wait3A_141, %dma_wait3A_142] : memref<16x125xi32, #tpu.memory_space<vmem>> -> memref<1x125xi32, #tpu.memory_space<vmem>>
      %dma_wait3A_144 = tpu.memref_squeeze %dma_wait3A_143 : memref<1x125xi32, #tpu.memory_space<vmem>> -> memref<125xi32, #tpu.memory_space<vmem>>
      %dma_wait3A_145 = arith.constant 0 : i32
      %dma_wait3A_146 = arith.constant 0 : i32
      %dma_wait3A_147 = tpu.memref_slice %arg10[%dma_wait3A_145, %dma_wait3A_146] : memref<10000x128xf32, #tpu.memory_space<vmem_shared>> -> memref<10000x128xf32, #tpu.memory_space<vmem_shared>>
      tpu.wait_indirect_dma semaphore(%arg14 : memref<!tpu.dma_semaphore, #tpu.memory_space<semaphore_mem>>) src(%arg9 : memref<125x128xf32, #tpu.memory_space<vmem>>) dst(%dma_wait3A_147 : memref<10000x128xf32, #tpu.memory_space<vmem_shared>>)
      %dma_start3A_148 = arith.constant 10 : i32
      %dma_start3A_149 = arith.constant 0 : i32
      %dma_start3A_150 = tpu.memref_slice %arg6[%dma_start3A_148, %dma_start3A_149] : memref<16x125xi32, #tpu.memory_space<vmem>> -> memref<1x125xi32, #tpu.memory_space<vmem>>
      %dma_start3A_151 = tpu.memref_squeeze %dma_start3A_150 : memref<1x125xi32, #tpu.memory_space<vmem>> -> memref<125xi32, #tpu.memory_space<vmem>>
      %dma_start3A_152 = arith.constant 0 : i32
      %dma_start3A_153 = arith.constant 0 : i32
      %dma_start3A_154 = tpu.memref_slice %arg3[%dma_start3A_152, %dma_start3A_153] : memref<10000x128xf32, #tpu.memory_space<hbm>> -> memref<10000x128xf32, #tpu.memory_space<hbm>>
      tpu.enqueue_indirect_dma source(%dma_start3A_154 : memref<10000x128xf32, #tpu.memory_space<hbm>>) target(%arg9 : memref<125x128xf32, #tpu.memory_space<vmem>>) offsets(%dma_start3A_151 : memref<125xi32, #tpu.memory_space<vmem>>) semaphore(%arg12 : memref<!tpu.dma_semaphore, #tpu.memory_space<semaphore_mem>>)
      %dma_wait3A_155 = arith.constant 8 : i32
      %dma_wait3A_156 = arith.constant 0 : i32
      %dma_wait3A_157 = tpu.memref_slice %arg6[%dma_wait3A_155, %dma_wait3A_156] : memref<16x125xi32, #tpu.memory_space<vmem>> -> memref<1x125xi32, #tpu.memory_space<vmem>>
      %dma_wait3A_158 = tpu.memref_squeeze %dma_wait3A_157 : memref<1x125xi32, #tpu.memory_space<vmem>> -> memref<125xi32, #tpu.memory_space<vmem>>
      %dma_wait3A_159 = arith.constant 0 : i32
      %dma_wait3A_160 = arith.constant 0 : i32
      %dma_wait3A_161 = tpu.memref_slice %arg3[%dma_wait3A_159, %dma_wait3A_160] : memref<10000x128xf32, #tpu.memory_space<hbm>> -> memref<10000x128xf32, #tpu.memory_space<hbm>>
      tpu.wait_indirect_dma semaphore(%arg11 : memref<!tpu.dma_semaphore, #tpu.memory_space<semaphore_mem>>) src(%dma_wait3A_161 : memref<10000x128xf32, #tpu.memory_space<hbm>>) dst(%arg8 : memref<125x128xf32, #tpu.memory_space<vmem>>)
      %dma_start3A_162 = arith.constant 9 : i32
      %dma_start3A_163 = arith.constant 0 : i32
      %dma_start3A_164 = tpu.memref_slice %arg6[%dma_start3A_162, %dma_start3A_163] : memref<16x125xi32, #tpu.memory_space<vmem>> -> memref<1x125xi32, #tpu.memory_space<vmem>>
      %dma_start3A_165 = tpu.memref_squeeze %dma_start3A_164 : memref<1x125xi32, #tpu.memory_space<vmem>> -> memref<125xi32, #tpu.memory_space<vmem>>
      %dma_start3A_166 = arith.constant 0 : i32
      %dma_start3A_167 = arith.constant 0 : i32
      %dma_start3A_168 = tpu.memref_slice %arg10[%dma_start3A_166, %dma_start3A_167] : memref<10000x128xf32, #tpu.memory_space<vmem_shared>> -> memref<10000x128xf32, #tpu.memory_space<vmem_shared>>
      tpu.enqueue_indirect_dma source(%arg8 : memref<125x128xf32, #tpu.memory_space<vmem>>) target(%dma_start3A_168 : memref<10000x128xf32, #tpu.memory_space<vmem_shared>>) offsets(%dma_start3A_165 : memref<125xi32, #tpu.memory_space<vmem>>) semaphore(%arg13 : memref<!tpu.dma_semaphore, #tpu.memory_space<semaphore_mem>>) {add = true}
      %dma_wait3A_169 = arith.constant 9 : i32
      %dma_wait3A_170 = arith.constant 0 : i32
      %dma_wait3A_171 = tpu.memref_slice %arg6[%dma_wait3A_169, %dma_wait3A_170] : memref<16x125xi32, #tpu.memory_space<vmem>> -> memref<1x125xi32, #tpu.memory_space<vmem>>
      %dma_wait3A_172 = tpu.memref_squeeze %dma_wait3A_171 : memref<1x125xi32, #tpu.memory_space<vmem>> -> memref<125xi32, #tpu.memory_space<vmem>>
      %dma_wait3A_173 = arith.constant 0 : i32
      %dma_wait3A_174 = arith.constant 0 : i32
      %dma_wait3A_175 = tpu.memref_slice %arg10[%dma_wait3A_173, %dma_wait3A_174] : memref<10000x128xf32, #tpu.memory_space<vmem_shared>> -> memref<10000x128xf32, #tpu.memory_space<vmem_shared>>
      tpu.wait_indirect_dma semaphore(%arg13 : memref<!tpu.dma_semaphore, #tpu.memory_space<semaphore_mem>>) src(%arg8 : memref<125x128xf32, #tpu.memory_space<vmem>>) dst(%dma_wait3A_175 : memref<10000x128xf32, #tpu.memory_space<vmem_shared>>)
      %dma_start3A_176 = arith.constant 12 : i32
      %dma_start3A_177 = arith.constant 0 : i32
      %dma_start3A_178 = tpu.memref_slice %arg6[%dma_start3A_176, %dma_start3A_177] : memref<16x125xi32, #tpu.memory_space<vmem>> -> memref<1x125xi32, #tpu.memory_space<vmem>>
      %dma_start3A_179 = tpu.memref_squeeze %dma_start3A_178 : memref<1x125xi32, #tpu.memory_space<vmem>> -> memref<125xi32, #tpu.memory_space<vmem>>
      %dma_start3A_180 = arith.constant 0 : i32
      %dma_start3A_181 = arith.constant 0 : i32
      %dma_start3A_182 = tpu.memref_slice %arg3[%dma_start3A_180, %dma_start3A_181] : memref<10000x128xf32, #tpu.memory_space<hbm>> -> memref<10000x128xf32, #tpu.memory_space<hbm>>
      tpu.enqueue_indirect_dma source(%dma_start3A_182 : memref<10000x128xf32, #tpu.memory_space<hbm>>) target(%arg8 : memref<125x128xf32, #tpu.memory_space<vmem>>) offsets(%dma_start3A_179 : memref<125xi32, #tpu.memory_space<vmem>>) semaphore(%arg11 : memref<!tpu.dma_semaphore, #tpu.memory_space<semaphore_mem>>)
      %dma_wait3A_183 = arith.constant 10 : i32
      %dma_wait3A_184 = arith.constant 0 : i32
      %dma_wait3A_185 = tpu.memref_slice %arg6[%dma_wait3A_183, %dma_wait3A_184] : memref<16x125xi32, #tpu.memory_space<vmem>> -> memref<1x125xi32, #tpu.memory_space<vmem>>
      %dma_wait3A_186 = tpu.memref_squeeze %dma_wait3A_185 : memref<1x125xi32, #tpu.memory_space<vmem>> -> memref<125xi32, #tpu.memory_space<vmem>>
      %dma_wait3A_187 = arith.constant 0 : i32
      %dma_wait3A_188 = arith.constant 0 : i32
      %dma_wait3A_189 = tpu.memref_slice %arg3[%dma_wait3A_187, %dma_wait3A_188] : memref<10000x128xf32, #tpu.memory_space<hbm>> -> memref<10000x128xf32, #tpu.memory_space<hbm>>
      tpu.wait_indirect_dma semaphore(%arg12 : memref<!tpu.dma_semaphore, #tpu.memory_space<semaphore_mem>>) src(%dma_wait3A_189 : memref<10000x128xf32, #tpu.memory_space<hbm>>) dst(%arg9 : memref<125x128xf32, #tpu.memory_space<vmem>>)
      %dma_start3A_190 = arith.constant 11 : i32
      %dma_start3A_191 = arith.constant 0 : i32
      %dma_start3A_192 = tpu.memref_slice %arg6[%dma_start3A_190, %dma_start3A_191] : memref<16x125xi32, #tpu.memory_space<vmem>> -> memref<1x125xi32, #tpu.memory_space<vmem>>
      %dma_start3A_193 = tpu.memref_squeeze %dma_start3A_192 : memref<1x125xi32, #tpu.memory_space<vmem>> -> memref<125xi32, #tpu.memory_space<vmem>>
      %dma_start3A_194 = arith.constant 0 : i32
      %dma_start3A_195 = arith.constant 0 : i32
      %dma_start3A_196 = tpu.memref_slice %arg10[%dma_start3A_194, %dma_start3A_195] : memref<10000x128xf32, #tpu.memory_space<vmem_shared>> -> memref<10000x128xf32, #tpu.memory_space<vmem_shared>>
      tpu.enqueue_indirect_dma source(%arg9 : memref<125x128xf32, #tpu.memory_space<vmem>>) target(%dma_start3A_196 : memref<10000x128xf32, #tpu.memory_space<vmem_shared>>) offsets(%dma_start3A_193 : memref<125xi32, #tpu.memory_space<vmem>>) semaphore(%arg14 : memref<!tpu.dma_semaphore, #tpu.memory_space<semaphore_mem>>) {add = true}
      %dma_wait3A_197 = arith.constant 11 : i32
      %dma_wait3A_198 = arith.constant 0 : i32
      %dma_wait3A_199 = tpu.memref_slice %arg6[%dma_wait3A_197, %dma_wait3A_198] : memref<16x125xi32, #tpu.memory_space<vmem>> -> memref<1x125xi32, #tpu.memory_space<vmem>>
      %dma_wait3A_200 = tpu.memref_squeeze %dma_wait3A_199 : memref<1x125xi32, #tpu.memory_space<vmem>> -> memref<125xi32, #tpu.memory_space<vmem>>
      %dma_wait3A_201 = arith.constant 0 : i32
      %dma_wait3A_202 = arith.constant 0 : i32
      %dma_wait3A_203 = tpu.memref_slice %arg10[%dma_wait3A_201, %dma_wait3A_202] : memref<10000x128xf32, #tpu.memory_space<vmem_shared>> -> memref<10000x128xf32, #tpu.memory_space<vmem_shared>>
      tpu.wait_indirect_dma semaphore(%arg14 : memref<!tpu.dma_semaphore, #tpu.memory_space<semaphore_mem>>) src(%arg9 : memref<125x128xf32, #tpu.memory_space<vmem>>) dst(%dma_wait3A_203 : memref<10000x128xf32, #tpu.memory_space<vmem_shared>>)
      %dma_start3A_204 = arith.constant 14 : i32
      %dma_start3A_205 = arith.constant 0 : i32
      %dma_start3A_206 = tpu.memref_slice %arg6[%dma_start3A_204, %dma_start3A_205] : memref<16x125xi32, #tpu.memory_space<vmem>> -> memref<1x125xi32, #tpu.memory_space<vmem>>
      %dma_start3A_207 = tpu.memref_squeeze %dma_start3A_206 : memref<1x125xi32, #tpu.memory_space<vmem>> -> memref<125xi32, #tpu.memory_space<vmem>>
      %dma_start3A_208 = arith.constant 0 : i32
      %dma_start3A_209 = arith.constant 0 : i32
      %dma_start3A_210 = tpu.memref_slice %arg3[%dma_start3A_208, %dma_start3A_209] : memref<10000x128xf32, #tpu.memory_space<hbm>> -> memref<10000x128xf32, #tpu.memory_space<hbm>>
      tpu.enqueue_indirect_dma source(%dma_start3A_210 : memref<10000x128xf32, #tpu.memory_space<hbm>>) target(%arg9 : memref<125x128xf32, #tpu.memory_space<vmem>>) offsets(%dma_start3A_207 : memref<125xi32, #tpu.memory_space<vmem>>) semaphore(%arg12 : memref<!tpu.dma_semaphore, #tpu.memory_space<semaphore_mem>>)
      %dma_wait3A_211 = arith.constant 12 : i32
      %dma_wait3A_212 = arith.constant 0 : i32
      %dma_wait3A_213 = tpu.memref_slice %arg6[%dma_wait3A_211, %dma_wait3A_212] : memref<16x125xi32, #tpu.memory_space<vmem>> -> memref<1x125xi32, #tpu.memory_space<vmem>>
      %dma_wait3A_214 = tpu.memref_squeeze %dma_wait3A_213 : memref<1x125xi32, #tpu.memory_space<vmem>> -> memref<125xi32, #tpu.memory_space<vmem>>
      %dma_wait3A_215 = arith.constant 0 : i32
      %dma_wait3A_216 = arith.constant 0 : i32
      %dma_wait3A_217 = tpu.memref_slice %arg3[%dma_wait3A_215, %dma_wait3A_216] : memref<10000x128xf32, #tpu.memory_space<hbm>> -> memref<10000x128xf32, #tpu.memory_space<hbm>>
      tpu.wait_indirect_dma semaphore(%arg11 : memref<!tpu.dma_semaphore, #tpu.memory_space<semaphore_mem>>) src(%dma_wait3A_217 : memref<10000x128xf32, #tpu.memory_space<hbm>>) dst(%arg8 : memref<125x128xf32, #tpu.memory_space<vmem>>)
      %dma_start3A_218 = arith.constant 13 : i32
      %dma_start3A_219 = arith.constant 0 : i32
      %dma_start3A_220 = tpu.memref_slice %arg6[%dma_start3A_218, %dma_start3A_219] : memref<16x125xi32, #tpu.memory_space<vmem>> -> memref<1x125xi32, #tpu.memory_space<vmem>>
      %dma_start3A_221 = tpu.memref_squeeze %dma_start3A_220 : memref<1x125xi32, #tpu.memory_space<vmem>> -> memref<125xi32, #tpu.memory_space<vmem>>
      %dma_start3A_222 = arith.constant 0 : i32
      %dma_start3A_223 = arith.constant 0 : i32
      %dma_start3A_224 = tpu.memref_slice %arg10[%dma_start3A_222, %dma_start3A_223] : memref<10000x128xf32, #tpu.memory_space<vmem_shared>> -> memref<10000x128xf32, #tpu.memory_space<vmem_shared>>
      tpu.enqueue_indirect_dma source(%arg8 : memref<125x128xf32, #tpu.memory_space<vmem>>) target(%dma_start3A_224 : memref<10000x128xf32, #tpu.memory_space<vmem_shared>>) offsets(%dma_start3A_221 : memref<125xi32, #tpu.memory_space<vmem>>) semaphore(%arg13 : memref<!tpu.dma_semaphore, #tpu.memory_space<semaphore_mem>>) {add = true}
      %dma_wait3A_225 = arith.constant 14 : i32
      %dma_wait3A_226 = arith.constant 0 : i32
      %dma_wait3A_227 = tpu.memref_slice %arg6[%dma_wait3A_225, %dma_wait3A_226] : memref<16x125xi32, #tpu.memory_space<vmem>> -> memref<1x125xi32, #tpu.memory_space<vmem>>
      %dma_wait3A_228 = tpu.memref_squeeze %dma_wait3A_227 : memref<1x125xi32, #tpu.memory_space<vmem>> -> memref<125xi32, #tpu.memory_space<vmem>>
      %dma_wait3A_229 = arith.constant 0 : i32
      %dma_wait3A_230 = arith.constant 0 : i32
      %dma_wait3A_231 = tpu.memref_slice %arg3[%dma_wait3A_229, %dma_wait3A_230] : memref<10000x128xf32, #tpu.memory_space<hbm>> -> memref<10000x128xf32, #tpu.memory_space<hbm>>
      tpu.wait_indirect_dma semaphore(%arg12 : memref<!tpu.dma_semaphore, #tpu.memory_space<semaphore_mem>>) src(%dma_wait3A_231 : memref<10000x128xf32, #tpu.memory_space<hbm>>) dst(%arg9 : memref<125x128xf32, #tpu.memory_space<vmem>>)
      %dma_start3A_232 = arith.constant 15 : i32
      %dma_start3A_233 = arith.constant 0 : i32
      %dma_start3A_234 = tpu.memref_slice %arg6[%dma_start3A_232, %dma_start3A_233] : memref<16x125xi32, #tpu.memory_space<vmem>> -> memref<1x125xi32, #tpu.memory_space<vmem>>
      %dma_start3A_235 = tpu.memref_squeeze %dma_start3A_234 : memref<1x125xi32, #tpu.memory_space<vmem>> -> memref<125xi32, #tpu.memory_space<vmem>>
      %dma_start3A_236 = arith.constant 0 : i32
      %dma_start3A_237 = arith.constant 0 : i32
      %dma_start3A_238 = tpu.memref_slice %arg10[%dma_start3A_236, %dma_start3A_237] : memref<10000x128xf32, #tpu.memory_space<vmem_shared>> -> memref<10000x128xf32, #tpu.memory_space<vmem_shared>>
      tpu.enqueue_indirect_dma source(%arg9 : memref<125x128xf32, #tpu.memory_space<vmem>>) target(%dma_start3A_238 : memref<10000x128xf32, #tpu.memory_space<vmem_shared>>) offsets(%dma_start3A_235 : memref<125xi32, #tpu.memory_space<vmem>>) semaphore(%arg14 : memref<!tpu.dma_semaphore, #tpu.memory_space<semaphore_mem>>) {add = true}
      %dma_wait3A_239 = arith.constant 13 : i32
      %dma_wait3A_240 = arith.constant 0 : i32
      %dma_wait3A_241 = tpu.memref_slice %arg6[%dma_wait3A_239, %dma_wait3A_240] : memref<16x125xi32, #tpu.memory_space<vmem>> -> memref<1x125xi32, #tpu.memory_space<vmem>>
      %dma_wait3A_242 = tpu.memref_squeeze %dma_wait3A_241 : memref<1x125xi32, #tpu.memory_space<vmem>> -> memref<125xi32, #tpu.memory_space<vmem>>
      %dma_wait3A_243 = arith.constant 0 : i32
      %dma_wait3A_244 = arith.constant 0 : i32
      %dma_wait3A_245 = tpu.memref_slice %arg10[%dma_wait3A_243, %dma_wait3A_244] : memref<10000x128xf32, #tpu.memory_space<vmem_shared>> -> memref<10000x128xf32, #tpu.memory_space<vmem_shared>>
      tpu.wait_indirect_dma semaphore(%arg13 : memref<!tpu.dma_semaphore, #tpu.memory_space<semaphore_mem>>) src(%arg8 : memref<125x128xf32, #tpu.memory_space<vmem>>) dst(%dma_wait3A_245 : memref<10000x128xf32, #tpu.memory_space<vmem_shared>>)
      %dma_wait3A_246 = arith.constant 15 : i32
      %dma_wait3A_247 = arith.constant 0 : i32
      %dma_wait3A_248 = tpu.memref_slice %arg6[%dma_wait3A_246, %dma_wait3A_247] : memref<16x125xi32, #tpu.memory_space<vmem>> -> memref<1x125xi32, #tpu.memory_space<vmem>>
      %dma_wait3A_249 = tpu.memref_squeeze %dma_wait3A_248 : memref<1x125xi32, #tpu.memory_space<vmem>> -> memref<125xi32, #tpu.memory_space<vmem>>
      %dma_wait3A_250 = arith.constant 0 : i32
      %dma_wait3A_251 = arith.constant 0 : i32
      %dma_wait3A_252 = tpu.memref_slice %arg10[%dma_wait3A_250, %dma_wait3A_251] : memref<10000x128xf32, #tpu.memory_space<vmem_shared>> -> memref<10000x128xf32, #tpu.memory_space<vmem_shared>>
      tpu.wait_indirect_dma semaphore(%arg14 : memref<!tpu.dma_semaphore, #tpu.memory_space<semaphore_mem>>) src(%arg9 : memref<125x128xf32, #tpu.memory_space<vmem>>) dst(%dma_wait3A_252 : memref<10000x128xf32, #tpu.memory_space<vmem_shared>>)
      %dma_wait3A_253 = arith.constant 0 : i32
      %dma_wait3A_254 = tpu.memref_slice %arg2[%add3A, %multiple_of3A, %dma_wait3A_253] : memref<32x160x125xi32, #tpu.memory_space<hbm>> -> memref<1x16x125xi32, #tpu.memory_space<hbm>>
      %dma_wait3A_255 = tpu.memref_squeeze %dma_wait3A_254 : memref<1x16x125xi32, #tpu.memory_space<hbm>> -> memref<16x125xi32, #tpu.memory_space<hbm>>
      %dma_wait3A_256 = arith.constant 0 : i32
      %dma_wait3A_257 = tpu.memref_slice %arg2[%add3A, %multiple_of3A, %dma_wait3A_256] : memref<32x160x125xi32, #tpu.memory_space<hbm>> -> memref<1x16x125xi32, #tpu.memory_space<hbm>>
      %dma_wait3A_258 = tpu.memref_squeeze %dma_wait3A_257 : memref<1x16x125xi32, #tpu.memory_space<hbm>> -> memref<16x125xi32, #tpu.memory_space<hbm>>
      tpu.wait_dma2 semaphore(%arg16 : memref<!tpu.dma_semaphore, #tpu.memory_space<semaphore_mem>>) src(%dma_wait3A_258 : memref<16x125xi32, #tpu.memory_space<hbm>>) dst(%arg7 : memref<16x125xi32, #tpu.memory_space<vmem>>)
      %mul3A_259 = arith.constant 2 : i32
      %mul3A_260 = arith.muli %mul3A_259, %scan3A_18 : i32
      %add3A_261 = arith.constant 2 : i32
      %add3A_262 = arith.addi %mul3A_260, %add3A_261 : i32
      %min3A = arith.constant 9 : i32
      %min3A_263 = arith.minsi %add3A_262, %min3A : i32
      %mul3A_264 = arith.constant 16 : i32
      %mul3A_265 = arith.muli %min3A_263, %mul3A_264 : i32
      %multiple_of3A_266 = tpu.assume_multiple %mul3A_265, 16 : i32
      %dma_start3A_267 = arith.constant 0 : i32
      %dma_start3A_268 = tpu.memref_slice %arg2[%add3A, %multiple_of3A_266, %dma_start3A_267] : memref<32x160x125xi32, #tpu.memory_space<hbm>> -> memref<1x16x125xi32, #tpu.memory_space<hbm>>
      %dma_start3A_269 = tpu.memref_squeeze %dma_start3A_268 : memref<1x16x125xi32, #tpu.memory_space<hbm>> -> memref<16x125xi32, #tpu.memory_space<hbm>>
      %dma_start3A_270 = arith.constant 0 : i32
      %dma_start3A_271 = tpu.memref_slice %arg2[%add3A, %multiple_of3A_266, %dma_start3A_270] : memref<32x160x125xi32, #tpu.memory_space<hbm>> -> memref<1x16x125xi32, #tpu.memory_space<hbm>>
      %dma_start3A_272 = tpu.memref_squeeze %dma_start3A_271 : memref<1x16x125xi32, #tpu.memory_space<hbm>> -> memref<16x125xi32, #tpu.memory_space<hbm>>
      tpu.enqueue_dma source(%dma_start3A_272 : memref<16x125xi32, #tpu.memory_space<hbm>>) target(%arg6 : memref<16x125xi32, #tpu.memory_space<vmem>>) target_semaphore(%arg15 : memref<!tpu.dma_semaphore, #tpu.memory_space<semaphore_mem>>)
      %dma_start3A_273 = arith.constant 0 : i32
      %dma_start3A_274 = arith.constant 0 : i32
      %dma_start3A_275 = tpu.memref_slice %arg7[%dma_start3A_273, %dma_start3A_274] : memref<16x125xi32, #tpu.memory_space<vmem>> -> memref<1x125xi32, #tpu.memory_space<vmem>>
      %dma_start3A_276 = tpu.memref_squeeze %dma_start3A_275 : memref<1x125xi32, #tpu.memory_space<vmem>> -> memref<125xi32, #tpu.memory_space<vmem>>
      %dma_start3A_277 = arith.constant 0 : i32
      %dma_start3A_278 = arith.constant 0 : i32
      %dma_start3A_279 = tpu.memref_slice %arg3[%dma_start3A_277, %dma_start3A_278] : memref<10000x128xf32, #tpu.memory_space<hbm>> -> memref<10000x128xf32, #tpu.memory_space<hbm>>
      tpu.enqueue_indirect_dma source(%dma_start3A_279 : memref<10000x128xf32, #tpu.memory_space<hbm>>) target(%arg8 : memref<125x128xf32, #tpu.memory_space<vmem>>) offsets(%dma_start3A_276 : memref<125xi32, #tpu.memory_space<vmem>>) semaphore(%arg11 : memref<!tpu.dma_semaphore, #tpu.memory_space<semaphore_mem>>)
      %dma_start3A_280 = arith.constant 2 : i32
      %dma_start3A_281 = arith.constant 0 : i32
      %dma_start3A_282 = tpu.memref_slice %arg7[%dma_start3A_280, %dma_start3A_281] : memref<16x125xi32, #tpu.memory_space<vmem>> -> memref<1x125xi32, #tpu.memory_space<vmem>>
      %dma_start3A_283 = tpu.memref_squeeze %dma_start3A_282 : memref<1x125xi32, #tpu.memory_space<vmem>> -> memref<125xi32, #tpu.memory_space<vmem>>
      %dma_start3A_284 = arith.constant 0 : i32
      %dma_start3A_285 = arith.constant 0 : i32
      %dma_start3A_286 = tpu.memref_slice %arg3[%dma_start3A_284, %dma_start3A_285] : memref<10000x128xf32, #tpu.memory_space<hbm>> -> memref<10000x128xf32, #tpu.memory_space<hbm>>
      tpu.enqueue_indirect_dma source(%dma_start3A_286 : memref<10000x128xf32, #tpu.memory_space<hbm>>) target(%arg9 : memref<125x128xf32, #tpu.memory_space<vmem>>) offsets(%dma_start3A_283 : memref<125xi32, #tpu.memory_space<vmem>>) semaphore(%arg12 : memref<!tpu.dma_semaphore, #tpu.memory_space<semaphore_mem>>)
      %dma_wait3A_287 = arith.constant 0 : i32
      %dma_wait3A_288 = arith.constant 0 : i32
      %dma_wait3A_289 = tpu.memref_slice %arg7[%dma_wait3A_287, %dma_wait3A_288] : memref<16x125xi32, #tpu.memory_space<vmem>> -> memref<1x125xi32, #tpu.memory_space<vmem>>
      %dma_wait3A_290 = tpu.memref_squeeze %dma_wait3A_289 : memref<1x125xi32, #tpu.memory_space<vmem>> -> memref<125xi32, #tpu.memory_space<vmem>>
      %dma_wait3A_291 = arith.constant 0 : i32
      %dma_wait3A_292 = arith.constant 0 : i32
      %dma_wait3A_293 = tpu.memref_slice %arg3[%dma_wait3A_291, %dma_wait3A_292] : memref<10000x128xf32, #tpu.memory_space<hbm>> -> memref<10000x128xf32, #tpu.memory_space<hbm>>
      tpu.wait_indirect_dma semaphore(%arg11 : memref<!tpu.dma_semaphore, #tpu.memory_space<semaphore_mem>>) src(%dma_wait3A_293 : memref<10000x128xf32, #tpu.memory_space<hbm>>) dst(%arg8 : memref<125x128xf32, #tpu.memory_space<vmem>>)
      %dma_start3A_294 = arith.constant 1 : i32
      %dma_start3A_295 = arith.constant 0 : i32
      %dma_start3A_296 = tpu.memref_slice %arg7[%dma_start3A_294, %dma_start3A_295] : memref<16x125xi32, #tpu.memory_space<vmem>> -> memref<1x125xi32, #tpu.memory_space<vmem>>
      %dma_start3A_297 = tpu.memref_squeeze %dma_start3A_296 : memref<1x125xi32, #tpu.memory_space<vmem>> -> memref<125xi32, #tpu.memory_space<vmem>>
      %dma_start3A_298 = arith.constant 0 : i32
      %dma_start3A_299 = arith.constant 0 : i32
      %dma_start3A_300 = tpu.memref_slice %arg10[%dma_start3A_298, %dma_start3A_299] : memref<10000x128xf32, #tpu.memory_space<vmem_shared>> -> memref<10000x128xf32, #tpu.memory_space<vmem_shared>>
      tpu.enqueue_indirect_dma source(%arg8 : memref<125x128xf32, #tpu.memory_space<vmem>>) target(%dma_start3A_300 : memref<10000x128xf32, #tpu.memory_space<vmem_shared>>) offsets(%dma_start3A_297 : memref<125xi32, #tpu.memory_space<vmem>>) semaphore(%arg13 : memref<!tpu.dma_semaphore, #tpu.memory_space<semaphore_mem>>) {add = true}
      %dma_wait3A_301 = arith.constant 1 : i32
      %dma_wait3A_302 = arith.constant 0 : i32
      %dma_wait3A_303 = tpu.memref_slice %arg7[%dma_wait3A_301, %dma_wait3A_302] : memref<16x125xi32, #tpu.memory_space<vmem>> -> memref<1x125xi32, #tpu.memory_space<vmem>>
      %dma_wait3A_304 = tpu.memref_squeeze %dma_wait3A_303 : memref<1x125xi32, #tpu.memory_space<vmem>> -> memref<125xi32, #tpu.memory_space<vmem>>
      %dma_wait3A_305 = arith.constant 0 : i32
      %dma_wait3A_306 = arith.constant 0 : i32
      %dma_wait3A_307 = tpu.memref_slice %arg10[%dma_wait3A_305, %dma_wait3A_306] : memref<10000x128xf32, #tpu.memory_space<vmem_shared>> -> memref<10000x128xf32, #tpu.memory_space<vmem_shared>>
      tpu.wait_indirect_dma semaphore(%arg13 : memref<!tpu.dma_semaphore, #tpu.memory_space<semaphore_mem>>) src(%arg8 : memref<125x128xf32, #tpu.memory_space<vmem>>) dst(%dma_wait3A_307 : memref<10000x128xf32, #tpu.memory_space<vmem_shared>>)
      %dma_start3A_308 = arith.constant 4 : i32
      %dma_start3A_309 = arith.constant 0 : i32
      %dma_start3A_310 = tpu.memref_slice %arg7[%dma_start3A_308, %dma_start3A_309] : memref<16x125xi32, #tpu.memory_space<vmem>> -> memref<1x125xi32, #tpu.memory_space<vmem>>
      %dma_start3A_311 = tpu.memref_squeeze %dma_start3A_310 : memref<1x125xi32, #tpu.memory_space<vmem>> -> memref<125xi32, #tpu.memory_space<vmem>>
      %dma_start3A_312 = arith.constant 0 : i32
      %dma_start3A_313 = arith.constant 0 : i32
      %dma_start3A_314 = tpu.memref_slice %arg3[%dma_start3A_312, %dma_start3A_313] : memref<10000x128xf32, #tpu.memory_space<hbm>> -> memref<10000x128xf32, #tpu.memory_space<hbm>>
      tpu.enqueue_indirect_dma source(%dma_start3A_314 : memref<10000x128xf32, #tpu.memory_space<hbm>>) target(%arg8 : memref<125x128xf32, #tpu.memory_space<vmem>>) offsets(%dma_start3A_311 : memref<125xi32, #tpu.memory_space<vmem>>) semaphore(%arg11 : memref<!tpu.dma_semaphore, #tpu.memory_space<semaphore_mem>>)
      %dma_wait3A_315 = arith.constant 2 : i32
      %dma_wait3A_316 = arith.constant 0 : i32
      %dma_wait3A_317 = tpu.memref_slice %arg7[%dma_wait3A_315, %dma_wait3A_316] : memref<16x125xi32, #tpu.memory_space<vmem>> -> memref<1x125xi32, #tpu.memory_space<vmem>>
      %dma_wait3A_318 = tpu.memref_squeeze %dma_wait3A_317 : memref<1x125xi32, #tpu.memory_space<vmem>> -> memref<125xi32, #tpu.memory_space<vmem>>
      %dma_wait3A_319 = arith.constant 0 : i32
      %dma_wait3A_320 = arith.constant 0 : i32
      %dma_wait3A_321 = tpu.memref_slice %arg3[%dma_wait3A_319, %dma_wait3A_320] : memref<10000x128xf32, #tpu.memory_space<hbm>> -> memref<10000x128xf32, #tpu.memory_space<hbm>>
      tpu.wait_indirect_dma semaphore(%arg12 : memref<!tpu.dma_semaphore, #tpu.memory_space<semaphore_mem>>) src(%dma_wait3A_321 : memref<10000x128xf32, #tpu.memory_space<hbm>>) dst(%arg9 : memref<125x128xf32, #tpu.memory_space<vmem>>)
      %dma_start3A_322 = arith.constant 3 : i32
      %dma_start3A_323 = arith.constant 0 : i32
      %dma_start3A_324 = tpu.memref_slice %arg7[%dma_start3A_322, %dma_start3A_323] : memref<16x125xi32, #tpu.memory_space<vmem>> -> memref<1x125xi32, #tpu.memory_space<vmem>>
      %dma_start3A_325 = tpu.memref_squeeze %dma_start3A_324 : memref<1x125xi32, #tpu.memory_space<vmem>> -> memref<125xi32, #tpu.memory_space<vmem>>
      %dma_start3A_326 = arith.constant 0 : i32
      %dma_start3A_327 = arith.constant 0 : i32
      %dma_start3A_328 = tpu.memref_slice %arg10[%dma_start3A_326, %dma_start3A_327] : memref<10000x128xf32, #tpu.memory_space<vmem_shared>> -> memref<10000x128xf32, #tpu.memory_space<vmem_shared>>
      tpu.enqueue_indirect_dma source(%arg9 : memref<125x128xf32, #tpu.memory_space<vmem>>) target(%dma_start3A_328 : memref<10000x128xf32, #tpu.memory_space<vmem_shared>>) offsets(%dma_start3A_325 : memref<125xi32, #tpu.memory_space<vmem>>) semaphore(%arg14 : memref<!tpu.dma_semaphore, #tpu.memory_space<semaphore_mem>>) {add = true}
      %dma_wait3A_329 = arith.constant 3 : i32
      %dma_wait3A_330 = arith.constant 0 : i32
      %dma_wait3A_331 = tpu.memref_slice %arg7[%dma_wait3A_329, %dma_wait3A_330] : memref<16x125xi32, #tpu.memory_space<vmem>> -> memref<1x125xi32, #tpu.memory_space<vmem>>
      %dma_wait3A_332 = tpu.memref_squeeze %dma_wait3A_331 : memref<1x125xi32, #tpu.memory_space<vmem>> -> memref<125xi32, #tpu.memory_space<vmem>>
      %dma_wait3A_333 = arith.constant 0 : i32
      %dma_wait3A_334 = arith.constant 0 : i32
      %dma_wait3A_335 = tpu.memref_slice %arg10[%dma_wait3A_333, %dma_wait3A_334] : memref<10000x128xf32, #tpu.memory_space<vmem_shared>> -> memref<10000x128xf32, #tpu.memory_space<vmem_shared>>
      tpu.wait_indirect_dma semaphore(%arg14 : memref<!tpu.dma_semaphore, #tpu.memory_space<semaphore_mem>>) src(%arg9 : memref<125x128xf32, #tpu.memory_space<vmem>>) dst(%dma_wait3A_335 : memref<10000x128xf32, #tpu.memory_space<vmem_shared>>)
      %dma_start3A_336 = arith.constant 6 : i32
      %dma_start3A_337 = arith.constant 0 : i32
      %dma_start3A_338 = tpu.memref_slice %arg7[%dma_start3A_336, %dma_start3A_337] : memref<16x125xi32, #tpu.memory_space<vmem>> -> memref<1x125xi32, #tpu.memory_space<vmem>>
      %dma_start3A_339 = tpu.memref_squeeze %dma_start3A_338 : memref<1x125xi32, #tpu.memory_space<vmem>> -> memref<125xi32, #tpu.memory_space<vmem>>
      %dma_start3A_340 = arith.constant 0 : i32
      %dma_start3A_341 = arith.constant 0 : i32
      %dma_start3A_342 = tpu.memref_slice %arg3[%dma_start3A_340, %dma_start3A_341] : memref<10000x128xf32, #tpu.memory_space<hbm>> -> memref<10000x128xf32, #tpu.memory_space<hbm>>
      tpu.enqueue_indirect_dma source(%dma_start3A_342 : memref<10000x128xf32, #tpu.memory_space<hbm>>) target(%arg9 : memref<125x128xf32, #tpu.memory_space<vmem>>) offsets(%dma_start3A_339 : memref<125xi32, #tpu.memory_space<vmem>>) semaphore(%arg12 : memref<!tpu.dma_semaphore, #tpu.memory_space<semaphore_mem>>)
      %dma_wait3A_343 = arith.constant 4 : i32
      %dma_wait3A_344 = arith.constant 0 : i32
      %dma_wait3A_345 = tpu.memref_slice %arg7[%dma_wait3A_343, %dma_wait3A_344] : memref<16x125xi32, #tpu.memory_space<vmem>> -> memref<1x125xi32, #tpu.memory_space<vmem>>
      %dma_wait3A_346 = tpu.memref_squeeze %dma_wait3A_345 : memref<1x125xi32, #tpu.memory_space<vmem>> -> memref<125xi32, #tpu.memory_space<vmem>>
      %dma_wait3A_347 = arith.constant 0 : i32
      %dma_wait3A_348 = arith.constant 0 : i32
      %dma_wait3A_349 = tpu.memref_slice %arg3[%dma_wait3A_347, %dma_wait3A_348] : memref<10000x128xf32, #tpu.memory_space<hbm>> -> memref<10000x128xf32, #tpu.memory_space<hbm>>
      tpu.wait_indirect_dma semaphore(%arg11 : memref<!tpu.dma_semaphore, #tpu.memory_space<semaphore_mem>>) src(%dma_wait3A_349 : memref<10000x128xf32, #tpu.memory_space<hbm>>) dst(%arg8 : memref<125x128xf32, #tpu.memory_space<vmem>>)
      %dma_start3A_350 = arith.constant 5 : i32
      %dma_start3A_351 = arith.constant 0 : i32
      %dma_start3A_352 = tpu.memref_slice %arg7[%dma_start3A_350, %dma_start3A_351] : memref<16x125xi32, #tpu.memory_space<vmem>> -> memref<1x125xi32, #tpu.memory_space<vmem>>
      %dma_start3A_353 = tpu.memref_squeeze %dma_start3A_352 : memref<1x125xi32, #tpu.memory_space<vmem>> -> memref<125xi32, #tpu.memory_space<vmem>>
      %dma_start3A_354 = arith.constant 0 : i32
      %dma_start3A_355 = arith.constant 0 : i32
      %dma_start3A_356 = tpu.memref_slice %arg10[%dma_start3A_354, %dma_start3A_355] : memref<10000x128xf32, #tpu.memory_space<vmem_shared>> -> memref<10000x128xf32, #tpu.memory_space<vmem_shared>>
      tpu.enqueue_indirect_dma source(%arg8 : memref<125x128xf32, #tpu.memory_space<vmem>>) target(%dma_start3A_356 : memref<10000x128xf32, #tpu.memory_space<vmem_shared>>) offsets(%dma_start3A_353 : memref<125xi32, #tpu.memory_space<vmem>>) semaphore(%arg13 : memref<!tpu.dma_semaphore, #tpu.memory_space<semaphore_mem>>) {add = true}
      %dma_wait3A_357 = arith.constant 5 : i32
      %dma_wait3A_358 = arith.constant 0 : i32
      %dma_wait3A_359 = tpu.memref_slice %arg7[%dma_wait3A_357, %dma_wait3A_358] : memref<16x125xi32, #tpu.memory_space<vmem>> -> memref<1x125xi32, #tpu.memory_space<vmem>>
      %dma_wait3A_360 = tpu.memref_squeeze %dma_wait3A_359 : memref<1x125xi32, #tpu.memory_space<vmem>> -> memref<125xi32, #tpu.memory_space<vmem>>
      %dma_wait3A_361 = arith.constant 0 : i32
      %dma_wait3A_362 = arith.constant 0 : i32
      %dma_wait3A_363 = tpu.memref_slice %arg10[%dma_wait3A_361, %dma_wait3A_362] : memref<10000x128xf32, #tpu.memory_space<vmem_shared>> -> memref<10000x128xf32, #tpu.memory_space<vmem_shared>>
      tpu.wait_indirect_dma semaphore(%arg13 : memref<!tpu.dma_semaphore, #tpu.memory_space<semaphore_mem>>) src(%arg8 : memref<125x128xf32, #tpu.memory_space<vmem>>) dst(%dma_wait3A_363 : memref<10000x128xf32, #tpu.memory_space<vmem_shared>>)
      %dma_start3A_364 = arith.constant 8 : i32
      %dma_start3A_365 = arith.constant 0 : i32
      %dma_start3A_366 = tpu.memref_slice %arg7[%dma_start3A_364, %dma_start3A_365] : memref<16x125xi32, #tpu.memory_space<vmem>> -> memref<1x125xi32, #tpu.memory_space<vmem>>
      %dma_start3A_367 = tpu.memref_squeeze %dma_start3A_366 : memref<1x125xi32, #tpu.memory_space<vmem>> -> memref<125xi32, #tpu.memory_space<vmem>>
      %dma_start3A_368 = arith.constant 0 : i32
      %dma_start3A_369 = arith.constant 0 : i32
      %dma_start3A_370 = tpu.memref_slice %arg3[%dma_start3A_368, %dma_start3A_369] : memref<10000x128xf32, #tpu.memory_space<hbm>> -> memref<10000x128xf32, #tpu.memory_space<hbm>>
      tpu.enqueue_indirect_dma source(%dma_start3A_370 : memref<10000x128xf32, #tpu.memory_space<hbm>>) target(%arg8 : memref<125x128xf32, #tpu.memory_space<vmem>>) offsets(%dma_start3A_367 : memref<125xi32, #tpu.memory_space<vmem>>) semaphore(%arg11 : memref<!tpu.dma_semaphore, #tpu.memory_space<semaphore_mem>>)
      %dma_wait3A_371 = arith.constant 6 : i32
      %dma_wait3A_372 = arith.constant 0 : i32
      %dma_wait3A_373 = tpu.memref_slice %arg7[%dma_wait3A_371, %dma_wait3A_372] : memref<16x125xi32, #tpu.memory_space<vmem>> -> memref<1x125xi32, #tpu.memory_space<vmem>>
      %dma_wait3A_374 = tpu.memref_squeeze %dma_wait3A_373 : memref<1x125xi32, #tpu.memory_space<vmem>> -> memref<125xi32, #tpu.memory_space<vmem>>
      %dma_wait3A_375 = arith.constant 0 : i32
      %dma_wait3A_376 = arith.constant 0 : i32
      %dma_wait3A_377 = tpu.memref_slice %arg3[%dma_wait3A_375, %dma_wait3A_376] : memref<10000x128xf32, #tpu.memory_space<hbm>> -> memref<10000x128xf32, #tpu.memory_space<hbm>>
      tpu.wait_indirect_dma semaphore(%arg12 : memref<!tpu.dma_semaphore, #tpu.memory_space<semaphore_mem>>) src(%dma_wait3A_377 : memref<10000x128xf32, #tpu.memory_space<hbm>>) dst(%arg9 : memref<125x128xf32, #tpu.memory_space<vmem>>)
      %dma_start3A_378 = arith.constant 7 : i32
      %dma_start3A_379 = arith.constant 0 : i32
      %dma_start3A_380 = tpu.memref_slice %arg7[%dma_start3A_378, %dma_start3A_379] : memref<16x125xi32, #tpu.memory_space<vmem>> -> memref<1x125xi32, #tpu.memory_space<vmem>>
      %dma_start3A_381 = tpu.memref_squeeze %dma_start3A_380 : memref<1x125xi32, #tpu.memory_space<vmem>> -> memref<125xi32, #tpu.memory_space<vmem>>
      %dma_start3A_382 = arith.constant 0 : i32
      %dma_start3A_383 = arith.constant 0 : i32
      %dma_start3A_384 = tpu.memref_slice %arg10[%dma_start3A_382, %dma_start3A_383] : memref<10000x128xf32, #tpu.memory_space<vmem_shared>> -> memref<10000x128xf32, #tpu.memory_space<vmem_shared>>
      tpu.enqueue_indirect_dma source(%arg9 : memref<125x128xf32, #tpu.memory_space<vmem>>) target(%dma_start3A_384 : memref<10000x128xf32, #tpu.memory_space<vmem_shared>>) offsets(%dma_start3A_381 : memref<125xi32, #tpu.memory_space<vmem>>) semaphore(%arg14 : memref<!tpu.dma_semaphore, #tpu.memory_space<semaphore_mem>>) {add = true}
      %dma_wait3A_385 = arith.constant 7 : i32
      %dma_wait3A_386 = arith.constant 0 : i32
      %dma_wait3A_387 = tpu.memref_slice %arg7[%dma_wait3A_385, %dma_wait3A_386] : memref<16x125xi32, #tpu.memory_space<vmem>> -> memref<1x125xi32, #tpu.memory_space<vmem>>
      %dma_wait3A_388 = tpu.memref_squeeze %dma_wait3A_387 : memref<1x125xi32, #tpu.memory_space<vmem>> -> memref<125xi32, #tpu.memory_space<vmem>>
      %dma_wait3A_389 = arith.constant 0 : i32
      %dma_wait3A_390 = arith.constant 0 : i32
      %dma_wait3A_391 = tpu.memref_slice %arg10[%dma_wait3A_389, %dma_wait3A_390] : memref<10000x128xf32, #tpu.memory_space<vmem_shared>> -> memref<10000x128xf32, #tpu.memory_space<vmem_shared>>
      tpu.wait_indirect_dma semaphore(%arg14 : memref<!tpu.dma_semaphore, #tpu.memory_space<semaphore_mem>>) src(%arg9 : memref<125x128xf32, #tpu.memory_space<vmem>>) dst(%dma_wait3A_391 : memref<10000x128xf32, #tpu.memory_space<vmem_shared>>)
      %dma_start3A_392 = arith.constant 10 : i32
      %dma_start3A_393 = arith.constant 0 : i32
      %dma_start3A_394 = tpu.memref_slice %arg7[%dma_start3A_392, %dma_start3A_393] : memref<16x125xi32, #tpu.memory_space<vmem>> -> memref<1x125xi32, #tpu.memory_space<vmem>>
      %dma_start3A_395 = tpu.memref_squeeze %dma_start3A_394 : memref<1x125xi32, #tpu.memory_space<vmem>> -> memref<125xi32, #tpu.memory_space<vmem>>
      %dma_start3A_396 = arith.constant 0 : i32
      %dma_start3A_397 = arith.constant 0 : i32
      %dma_start3A_398 = tpu.memref_slice %arg3[%dma_start3A_396, %dma_start3A_397] : memref<10000x128xf32, #tpu.memory_space<hbm>> -> memref<10000x128xf32, #tpu.memory_space<hbm>>
      tpu.enqueue_indirect_dma source(%dma_start3A_398 : memref<10000x128xf32, #tpu.memory_space<hbm>>) target(%arg9 : memref<125x128xf32, #tpu.memory_space<vmem>>) offsets(%dma_start3A_395 : memref<125xi32, #tpu.memory_space<vmem>>) semaphore(%arg12 : memref<!tpu.dma_semaphore, #tpu.memory_space<semaphore_mem>>)
      %dma_wait3A_399 = arith.constant 8 : i32
      %dma_wait3A_400 = arith.constant 0 : i32
      %dma_wait3A_401 = tpu.memref_slice %arg7[%dma_wait3A_399, %dma_wait3A_400] : memref<16x125xi32, #tpu.memory_space<vmem>> -> memref<1x125xi32, #tpu.memory_space<vmem>>
      %dma_wait3A_402 = tpu.memref_squeeze %dma_wait3A_401 : memref<1x125xi32, #tpu.memory_space<vmem>> -> memref<125xi32, #tpu.memory_space<vmem>>
      %dma_wait3A_403 = arith.constant 0 : i32
      %dma_wait3A_404 = arith.constant 0 : i32
      %dma_wait3A_405 = tpu.memref_slice %arg3[%dma_wait3A_403, %dma_wait3A_404] : memref<10000x128xf32, #tpu.memory_space<hbm>> -> memref<10000x128xf32, #tpu.memory_space<hbm>>
      tpu.wait_indirect_dma semaphore(%arg11 : memref<!tpu.dma_semaphore, #tpu.memory_space<semaphore_mem>>) src(%dma_wait3A_405 : memref<10000x128xf32, #tpu.memory_space<hbm>>) dst(%arg8 : memref<125x128xf32, #tpu.memory_space<vmem>>)
      %dma_start3A_406 = arith.constant 9 : i32
      %dma_start3A_407 = arith.constant 0 : i32
      %dma_start3A_408 = tpu.memref_slice %arg7[%dma_start3A_406, %dma_start3A_407] : memref<16x125xi32, #tpu.memory_space<vmem>> -> memref<1x125xi32, #tpu.memory_space<vmem>>
      %dma_start3A_409 = tpu.memref_squeeze %dma_start3A_408 : memref<1x125xi32, #tpu.memory_space<vmem>> -> memref<125xi32, #tpu.memory_space<vmem>>
      %dma_start3A_410 = arith.constant 0 : i32
      %dma_start3A_411 = arith.constant 0 : i32
      %dma_start3A_412 = tpu.memref_slice %arg10[%dma_start3A_410, %dma_start3A_411] : memref<10000x128xf32, #tpu.memory_space<vmem_shared>> -> memref<10000x128xf32, #tpu.memory_space<vmem_shared>>
      tpu.enqueue_indirect_dma source(%arg8 : memref<125x128xf32, #tpu.memory_space<vmem>>) target(%dma_start3A_412 : memref<10000x128xf32, #tpu.memory_space<vmem_shared>>) offsets(%dma_start3A_409 : memref<125xi32, #tpu.memory_space<vmem>>) semaphore(%arg13 : memref<!tpu.dma_semaphore, #tpu.memory_space<semaphore_mem>>) {add = true}
      %dma_wait3A_413 = arith.constant 9 : i32
      %dma_wait3A_414 = arith.constant 0 : i32
      %dma_wait3A_415 = tpu.memref_slice %arg7[%dma_wait3A_413, %dma_wait3A_414] : memref<16x125xi32, #tpu.memory_space<vmem>> -> memref<1x125xi32, #tpu.memory_space<vmem>>
      %dma_wait3A_416 = tpu.memref_squeeze %dma_wait3A_415 : memref<1x125xi32, #tpu.memory_space<vmem>> -> memref<125xi32, #tpu.memory_space<vmem>>
      %dma_wait3A_417 = arith.constant 0 : i32
      %dma_wait3A_418 = arith.constant 0 : i32
      %dma_wait3A_419 = tpu.memref_slice %arg10[%dma_wait3A_417, %dma_wait3A_418] : memref<10000x128xf32, #tpu.memory_space<vmem_shared>> -> memref<10000x128xf32, #tpu.memory_space<vmem_shared>>
      tpu.wait_indirect_dma semaphore(%arg13 : memref<!tpu.dma_semaphore, #tpu.memory_space<semaphore_mem>>) src(%arg8 : memref<125x128xf32, #tpu.memory_space<vmem>>) dst(%dma_wait3A_419 : memref<10000x128xf32, #tpu.memory_space<vmem_shared>>)
      %dma_start3A_420 = arith.constant 12 : i32
      %dma_start3A_421 = arith.constant 0 : i32
      %dma_start3A_422 = tpu.memref_slice %arg7[%dma_start3A_420, %dma_start3A_421] : memref<16x125xi32, #tpu.memory_space<vmem>> -> memref<1x125xi32, #tpu.memory_space<vmem>>
      %dma_start3A_423 = tpu.memref_squeeze %dma_start3A_422 : memref<1x125xi32, #tpu.memory_space<vmem>> -> memref<125xi32, #tpu.memory_space<vmem>>
      %dma_start3A_424 = arith.constant 0 : i32
      %dma_start3A_425 = arith.constant 0 : i32
      %dma_start3A_426 = tpu.memref_slice %arg3[%dma_start3A_424, %dma_start3A_425] : memref<10000x128xf32, #tpu.memory_space<hbm>> -> memref<10000x128xf32, #tpu.memory_space<hbm>>
      tpu.enqueue_indirect_dma source(%dma_start3A_426 : memref<10000x128xf32, #tpu.memory_space<hbm>>) target(%arg8 : memref<125x128xf32, #tpu.memory_space<vmem>>) offsets(%dma_start3A_423 : memref<125xi32, #tpu.memory_space<vmem>>) semaphore(%arg11 : memref<!tpu.dma_semaphore, #tpu.memory_space<semaphore_mem>>)
      %dma_wait3A_427 = arith.constant 10 : i32
      %dma_wait3A_428 = arith.constant 0 : i32
      %dma_wait3A_429 = tpu.memref_slice %arg7[%dma_wait3A_427, %dma_wait3A_428] : memref<16x125xi32, #tpu.memory_space<vmem>> -> memref<1x125xi32, #tpu.memory_space<vmem>>
      %dma_wait3A_430 = tpu.memref_squeeze %dma_wait3A_429 : memref<1x125xi32, #tpu.memory_space<vmem>> -> memref<125xi32, #tpu.memory_space<vmem>>
      %dma_wait3A_431 = arith.constant 0 : i32
      %dma_wait3A_432 = arith.constant 0 : i32
      %dma_wait3A_433 = tpu.memref_slice %arg3[%dma_wait3A_431, %dma_wait3A_432] : memref<10000x128xf32, #tpu.memory_space<hbm>> -> memref<10000x128xf32, #tpu.memory_space<hbm>>
      tpu.wait_indirect_dma semaphore(%arg12 : memref<!tpu.dma_semaphore, #tpu.memory_space<semaphore_mem>>) src(%dma_wait3A_433 : memref<10000x128xf32, #tpu.memory_space<hbm>>) dst(%arg9 : memref<125x128xf32, #tpu.memory_space<vmem>>)
      %dma_start3A_434 = arith.constant 11 : i32
      %dma_start3A_435 = arith.constant 0 : i32
      %dma_start3A_436 = tpu.memref_slice %arg7[%dma_start3A_434, %dma_start3A_435] : memref<16x125xi32, #tpu.memory_space<vmem>> -> memref<1x125xi32, #tpu.memory_space<vmem>>
      %dma_start3A_437 = tpu.memref_squeeze %dma_start3A_436 : memref<1x125xi32, #tpu.memory_space<vmem>> -> memref<125xi32, #tpu.memory_space<vmem>>
      %dma_start3A_438 = arith.constant 0 : i32
      %dma_start3A_439 = arith.constant 0 : i32
      %dma_start3A_440 = tpu.memref_slice %arg10[%dma_start3A_438, %dma_start3A_439] : memref<10000x128xf32, #tpu.memory_space<vmem_shared>> -> memref<10000x128xf32, #tpu.memory_space<vmem_shared>>
      tpu.enqueue_indirect_dma source(%arg9 : memref<125x128xf32, #tpu.memory_space<vmem>>) target(%dma_start3A_440 : memref<10000x128xf32, #tpu.memory_space<vmem_shared>>) offsets(%dma_start3A_437 : memref<125xi32, #tpu.memory_space<vmem>>) semaphore(%arg14 : memref<!tpu.dma_semaphore, #tpu.memory_space<semaphore_mem>>) {add = true}
      %dma_wait3A_441 = arith.constant 11 : i32
      %dma_wait3A_442 = arith.constant 0 : i32
      %dma_wait3A_443 = tpu.memref_slice %arg7[%dma_wait3A_441, %dma_wait3A_442] : memref<16x125xi32, #tpu.memory_space<vmem>> -> memref<1x125xi32, #tpu.memory_space<vmem>>
      %dma_wait3A_444 = tpu.memref_squeeze %dma_wait3A_443 : memref<1x125xi32, #tpu.memory_space<vmem>> -> memref<125xi32, #tpu.memory_space<vmem>>
      %dma_wait3A_445 = arith.constant 0 : i32
      %dma_wait3A_446 = arith.constant 0 : i32
      %dma_wait3A_447 = tpu.memref_slice %arg10[%dma_wait3A_445, %dma_wait3A_446] : memref<10000x128xf32, #tpu.memory_space<vmem_shared>> -> memref<10000x128xf32, #tpu.memory_space<vmem_shared>>
      tpu.wait_indirect_dma semaphore(%arg14 : memref<!tpu.dma_semaphore, #tpu.memory_space<semaphore_mem>>) src(%arg9 : memref<125x128xf32, #tpu.memory_space<vmem>>) dst(%dma_wait3A_447 : memref<10000x128xf32, #tpu.memory_space<vmem_shared>>)
      %dma_start3A_448 = arith.constant 14 : i32
      %dma_start3A_449 = arith.constant 0 : i32
      %dma_start3A_450 = tpu.memref_slice %arg7[%dma_start3A_448, %dma_start3A_449] : memref<16x125xi32, #tpu.memory_space<vmem>> -> memref<1x125xi32, #tpu.memory_space<vmem>>
      %dma_start3A_451 = tpu.memref_squeeze %dma_start3A_450 : memref<1x125xi32, #tpu.memory_space<vmem>> -> memref<125xi32, #tpu.memory_space<vmem>>
      %dma_start3A_452 = arith.constant 0 : i32
      %dma_start3A_453 = arith.constant 0 : i32
      %dma_start3A_454 = tpu.memref_slice %arg3[%dma_start3A_452, %dma_start3A_453] : memref<10000x128xf32, #tpu.memory_space<hbm>> -> memref<10000x128xf32, #tpu.memory_space<hbm>>
      tpu.enqueue_indirect_dma source(%dma_start3A_454 : memref<10000x128xf32, #tpu.memory_space<hbm>>) target(%arg9 : memref<125x128xf32, #tpu.memory_space<vmem>>) offsets(%dma_start3A_451 : memref<125xi32, #tpu.memory_space<vmem>>) semaphore(%arg12 : memref<!tpu.dma_semaphore, #tpu.memory_space<semaphore_mem>>)
      %dma_wait3A_455 = arith.constant 12 : i32
      %dma_wait3A_456 = arith.constant 0 : i32
      %dma_wait3A_457 = tpu.memref_slice %arg7[%dma_wait3A_455, %dma_wait3A_456] : memref<16x125xi32, #tpu.memory_space<vmem>> -> memref<1x125xi32, #tpu.memory_space<vmem>>
      %dma_wait3A_458 = tpu.memref_squeeze %dma_wait3A_457 : memref<1x125xi32, #tpu.memory_space<vmem>> -> memref<125xi32, #tpu.memory_space<vmem>>
      %dma_wait3A_459 = arith.constant 0 : i32
      %dma_wait3A_460 = arith.constant 0 : i32
      %dma_wait3A_461 = tpu.memref_slice %arg3[%dma_wait3A_459, %dma_wait3A_460] : memref<10000x128xf32, #tpu.memory_space<hbm>> -> memref<10000x128xf32, #tpu.memory_space<hbm>>
      tpu.wait_indirect_dma semaphore(%arg11 : memref<!tpu.dma_semaphore, #tpu.memory_space<semaphore_mem>>) src(%dma_wait3A_461 : memref<10000x128xf32, #tpu.memory_space<hbm>>) dst(%arg8 : memref<125x128xf32, #tpu.memory_space<vmem>>)
      %dma_start3A_462 = arith.constant 13 : i32
      %dma_start3A_463 = arith.constant 0 : i32
      %dma_start3A_464 = tpu.memref_slice %arg7[%dma_start3A_462, %dma_start3A_463] : memref<16x125xi32, #tpu.memory_space<vmem>> -> memref<1x125xi32, #tpu.memory_space<vmem>>
      %dma_start3A_465 = tpu.memref_squeeze %dma_start3A_464 : memref<1x125xi32, #tpu.memory_space<vmem>> -> memref<125xi32, #tpu.memory_space<vmem>>
      %dma_start3A_466 = arith.constant 0 : i32
      %dma_start3A_467 = arith.constant 0 : i32
      %dma_start3A_468 = tpu.memref_slice %arg10[%dma_start3A_466, %dma_start3A_467] : memref<10000x128xf32, #tpu.memory_space<vmem_shared>> -> memref<10000x128xf32, #tpu.memory_space<vmem_shared>>
      tpu.enqueue_indirect_dma source(%arg8 : memref<125x128xf32, #tpu.memory_space<vmem>>) target(%dma_start3A_468 : memref<10000x128xf32, #tpu.memory_space<vmem_shared>>) offsets(%dma_start3A_465 : memref<125xi32, #tpu.memory_space<vmem>>) semaphore(%arg13 : memref<!tpu.dma_semaphore, #tpu.memory_space<semaphore_mem>>) {add = true}
      %dma_wait3A_469 = arith.constant 14 : i32
      %dma_wait3A_470 = arith.constant 0 : i32
      %dma_wait3A_471 = tpu.memref_slice %arg7[%dma_wait3A_469, %dma_wait3A_470] : memref<16x125xi32, #tpu.memory_space<vmem>> -> memref<1x125xi32, #tpu.memory_space<vmem>>
      %dma_wait3A_472 = tpu.memref_squeeze %dma_wait3A_471 : memref<1x125xi32, #tpu.memory_space<vmem>> -> memref<125xi32, #tpu.memory_space<vmem>>
      %dma_wait3A_473 = arith.constant 0 : i32
      %dma_wait3A_474 = arith.constant 0 : i32
      %dma_wait3A_475 = tpu.memref_slice %arg3[%dma_wait3A_473, %dma_wait3A_474] : memref<10000x128xf32, #tpu.memory_space<hbm>> -> memref<10000x128xf32, #tpu.memory_space<hbm>>
      tpu.wait_indirect_dma semaphore(%arg12 : memref<!tpu.dma_semaphore, #tpu.memory_space<semaphore_mem>>) src(%dma_wait3A_475 : memref<10000x128xf32, #tpu.memory_space<hbm>>) dst(%arg9 : memref<125x128xf32, #tpu.memory_space<vmem>>)
      %dma_start3A_476 = arith.constant 15 : i32
      %dma_start3A_477 = arith.constant 0 : i32
      %dma_start3A_478 = tpu.memref_slice %arg7[%dma_start3A_476, %dma_start3A_477] : memref<16x125xi32, #tpu.memory_space<vmem>> -> memref<1x125xi32, #tpu.memory_space<vmem>>
      %dma_start3A_479 = tpu.memref_squeeze %dma_start3A_478 : memref<1x125xi32, #tpu.memory_space<vmem>> -> memref<125xi32, #tpu.memory_space<vmem>>
      %dma_start3A_480 = arith.constant 0 : i32
      %dma_start3A_481 = arith.constant 0 : i32
      %dma_start3A_482 = tpu.memref_slice %arg10[%dma_start3A_480, %dma_start3A_481] : memref<10000x128xf32, #tpu.memory_space<vmem_shared>> -> memref<10000x128xf32, #tpu.memory_space<vmem_shared>>
      tpu.enqueue_indirect_dma source(%arg9 : memref<125x128xf32, #tpu.memory_space<vmem>>) target(%dma_start3A_482 : memref<10000x128xf32, #tpu.memory_space<vmem_shared>>) offsets(%dma_start3A_479 : memref<125xi32, #tpu.memory_space<vmem>>) semaphore(%arg14 : memref<!tpu.dma_semaphore, #tpu.memory_space<semaphore_mem>>) {add = true}
      %dma_wait3A_483 = arith.constant 13 : i32
      %dma_wait3A_484 = arith.constant 0 : i32
      %dma_wait3A_485 = tpu.memref_slice %arg7[%dma_wait3A_483, %dma_wait3A_484] : memref<16x125xi32, #tpu.memory_space<vmem>> -> memref<1x125xi32, #tpu.memory_space<vmem>>
      %dma_wait3A_486 = tpu.memref_squeeze %dma_wait3A_485 : memref<1x125xi32, #tpu.memory_space<vmem>> -> memref<125xi32, #tpu.memory_space<vmem>>
      %dma_wait3A_487 = arith.constant 0 : i32
      %dma_wait3A_488 = arith.constant 0 : i32
      %dma_wait3A_489 = tpu.memref_slice %arg10[%dma_wait3A_487, %dma_wait3A_488] : memref<10000x128xf32, #tpu.memory_space<vmem_shared>> -> memref<10000x128xf32, #tpu.memory_space<vmem_shared>>
      tpu.wait_indirect_dma semaphore(%arg13 : memref<!tpu.dma_semaphore, #tpu.memory_space<semaphore_mem>>) src(%arg8 : memref<125x128xf32, #tpu.memory_space<vmem>>) dst(%dma_wait3A_489 : memref<10000x128xf32, #tpu.memory_space<vmem_shared>>)
      %dma_wait3A_490 = arith.constant 15 : i32
      %dma_wait3A_491 = arith.constant 0 : i32
      %dma_wait3A_492 = tpu.memref_slice %arg7[%dma_wait3A_490, %dma_wait3A_491] : memref<16x125xi32, #tpu.memory_space<vmem>> -> memref<1x125xi32, #tpu.memory_space<vmem>>
      %dma_wait3A_493 = tpu.memref_squeeze %dma_wait3A_492 : memref<1x125xi32, #tpu.memory_space<vmem>> -> memref<125xi32, #tpu.memory_space<vmem>>
      %dma_wait3A_494 = arith.constant 0 : i32
      %dma_wait3A_495 = arith.constant 0 : i32
      %dma_wait3A_496 = tpu.memref_slice %arg10[%dma_wait3A_494, %dma_wait3A_495] : memref<10000x128xf32, #tpu.memory_space<vmem_shared>> -> memref<10000x128xf32, #tpu.memory_space<vmem_shared>>
      tpu.wait_indirect_dma semaphore(%arg14 : memref<!tpu.dma_semaphore, #tpu.memory_space<semaphore_mem>>) src(%arg9 : memref<125x128xf32, #tpu.memory_space<vmem>>) dst(%dma_wait3A_496 : memref<10000x128xf32, #tpu.memory_space<vmem_shared>>)
      %dma_wait3A_497 = arith.constant 0 : i32
      %dma_wait3A_498 = tpu.memref_slice %arg2[%add3A, %multiple_of3A_266, %dma_wait3A_497] : memref<32x160x125xi32, #tpu.memory_space<hbm>> -> memref<1x16x125xi32, #tpu.memory_space<hbm>>
      %dma_wait3A_499 = tpu.memref_squeeze %dma_wait3A_498 : memref<1x16x125xi32, #tpu.memory_space<hbm>> -> memref<16x125xi32, #tpu.memory_space<hbm>>
      %dma_wait3A_500 = arith.constant 0 : i32
      %dma_wait3A_501 = tpu.memref_slice %arg2[%add3A, %multiple_of3A_266, %dma_wait3A_500] : memref<32x160x125xi32, #tpu.memory_space<hbm>> -> memref<1x16x125xi32, #tpu.memory_space<hbm>>
      %dma_wait3A_502 = tpu.memref_squeeze %dma_wait3A_501 : memref<1x16x125xi32, #tpu.memory_space<hbm>> -> memref<16x125xi32, #tpu.memory_space<hbm>>
      tpu.wait_dma2 semaphore(%arg15 : memref<!tpu.dma_semaphore, #tpu.memory_space<semaphore_mem>>) src(%dma_wait3A_502 : memref<16x125xi32, #tpu.memory_space<hbm>>) dst(%arg6 : memref<16x125xi32, #tpu.memory_space<vmem>>)
    }
    %scan3A_9 = arith.constant 5 : i32
    %barrier3A_10 = arith.constant 0 : index
    tpu.barrier barrier_id(%barrier3A_10)
    %mul3A_11 = arith.constant 624 : i32
    %mul3A_12 = arith.muli %arg1, %mul3A_11 : i32
    "tpu.region"() ({
      %run_scoped3A = tpu.sem_alloc : memref<!tpu.dma_semaphore, #tpu.memory_space<semaphore_mem>>
      %dma_start3A = arith.constant 0 : i32
      %dma_start3A_18 = tpu.memref_slice %arg5[%arg0, %mul3A_12, %dma_start3A] : memref<2x10000x128xf32, #tpu.memory_space<hbm>> -> memref<1x624x128xf32, #tpu.memory_space<hbm>>
      %dma_start3A_19 = tpu.memref_squeeze %dma_start3A_18 : memref<1x624x128xf32, #tpu.memory_space<hbm>> -> memref<624x128xf32, #tpu.memory_space<hbm>>
      %dma_start3A_20 = arith.constant 0 : i32
      %dma_start3A_21 = tpu.memref_slice %arg10[%mul3A_12, %dma_start3A_20] : memref<10000x128xf32, #tpu.memory_space<vmem_shared>> -> memref<624x128xf32, #tpu.memory_space<vmem_shared>>
      tpu.enqueue_dma source(%dma_start3A_21 : memref<624x128xf32, #tpu.memory_space<vmem_shared>>) target(%dma_start3A_19 : memref<624x128xf32, #tpu.memory_space<hbm>>) target_semaphore(%run_scoped3A : memref<!tpu.dma_semaphore, #tpu.memory_space<semaphore_mem>>)
      %dma_wait3A = arith.constant 0 : i32
      %dma_wait3A_22 = tpu.memref_slice %arg5[%arg0, %mul3A_12, %dma_wait3A] : memref<2x10000x128xf32, #tpu.memory_space<hbm>> -> memref<1x624x128xf32, #tpu.memory_space<hbm>>
      %dma_wait3A_23 = tpu.memref_squeeze %dma_wait3A_22 : memref<1x624x128xf32, #tpu.memory_space<hbm>> -> memref<624x128xf32, #tpu.memory_space<hbm>>
      %dma_wait3A_24 = arith.constant 0 : i32
      %dma_wait3A_25 = tpu.memref_slice %arg10[%mul3A_12, %dma_wait3A_24] : memref<10000x128xf32, #tpu.memory_space<vmem_shared>> -> memref<624x128xf32, #tpu.memory_space<vmem_shared>>
      tpu.wait_dma2 semaphore(%run_scoped3A : memref<!tpu.dma_semaphore, #tpu.memory_space<semaphore_mem>>) src(%dma_wait3A_25 : memref<624x128xf32, #tpu.memory_space<vmem_shared>>) dst(%dma_wait3A_23 : memref<624x128xf32, #tpu.memory_space<hbm>>)
      tpu.yield
    }) : () -> ()
    %eq3A_13 = arith.constant 15 : i32
    %eq3A_14 = arith.cmpi eq, %arg1, %eq3A_13 : i32
    %convert_element_type3A_15 = arith.extui %eq3A_14 : i1 to i32
    %cond3A_16 = arith.constant 0 : i32
    %cond3A_17 = arith.cmpi ne, %convert_element_type3A_15, %cond3A_16 : i32
    scf.if %cond3A_17 {
      "tpu.region"() ({
        %run_scoped3A = tpu.sem_alloc : memref<!tpu.dma_semaphore, #tpu.memory_space<semaphore_mem>>
        %dma_start3A = arith.constant 9984 : i32
        %dma_start3A_18 = arith.constant 0 : i32
        %dma_start3A_19 = tpu.memref_slice %arg5[%arg0, %dma_start3A, %dma_start3A_18] : memref<2x10000x128xf32, #tpu.memory_space<hbm>> -> memref<1x16x128xf32, #tpu.memory_space<hbm>>
        %dma_start3A_20 = tpu.memref_squeeze %dma_start3A_19 : memref<1x16x128xf32, #tpu.memory_space<hbm>> -> memref<16x128xf32, #tpu.memory_space<hbm>>
        %dma_start3A_21 = arith.constant 9984 : i32
        %dma_start3A_22 = arith.constant 0 : i32
        %dma_start3A_23 = tpu.memref_slice %arg10[%dma_start3A_21, %dma_start3A_22] : memref<10000x128xf32, #tpu.memory_space<vmem_shared>> -> memref<16x128xf32, #tpu.memory_space<vmem_shared>>
        tpu.enqueue_dma source(%dma_start3A_23 : memref<16x128xf32, #tpu.memory_space<vmem_shared>>) target(%dma_start3A_20 : memref<16x128xf32, #tpu.memory_space<hbm>>) target_semaphore(%run_scoped3A : memref<!tpu.dma_semaphore, #tpu.memory_space<semaphore_mem>>)
        %dma_wait3A = arith.constant 9984 : i32
        %dma_wait3A_24 = arith.constant 0 : i32
        %dma_wait3A_25 = tpu.memref_slice %arg5[%arg0, %dma_wait3A, %dma_wait3A_24] : memref<2x10000x128xf32, #tpu.memory_space<hbm>> -> memref<1x16x128xf32, #tpu.memory_space<hbm>>
        %dma_wait3A_26 = tpu.memref_squeeze %dma_wait3A_25 : memref<1x16x128xf32, #tpu.memory_space<hbm>> -> memref<16x128xf32, #tpu.memory_space<hbm>>
        %dma_wait3A_27 = arith.constant 9984 : i32
        %dma_wait3A_28 = arith.constant 0 : i32
        %dma_wait3A_29 = tpu.memref_slice %arg10[%dma_wait3A_27, %dma_wait3A_28] : memref<10000x128xf32, #tpu.memory_space<vmem_shared>> -> memref<16x128xf32, #tpu.memory_space<vmem_shared>>
        tpu.wait_dma2 semaphore(%run_scoped3A : memref<!tpu.dma_semaphore, #tpu.memory_space<semaphore_mem>>) src(%dma_wait3A_29 : memref<16x128xf32, #tpu.memory_space<vmem_shared>>) dst(%dma_wait3A_26 : memref<16x128xf32, #tpu.memory_space<hbm>>)
        tpu.yield
      }) : () -> ()
    } else {
    }
    return
  }
}

module attributes {stable_mosaic.version = 14 : i64} {
  func.func @_tc1_body(%arg0: i32, %arg1: memref<2x5000x128xf32, #tpu.memory_space<vmem>>, %arg2: memref<2x5000x128xf32, #tpu.memory_space<vmem>>, %arg3: memref<5000x128xf32, #tpu.memory_space<vmem>>, %arg4: memref<128x128xf32, #tpu.memory_space<vmem>>, %arg5: memref<128x128xf32, #tpu.memory_space<vmem>>, %arg6: memref<128xf32, #tpu.memory_space<vmem>>, %arg7: memref<128xf32, #tpu.memory_space<vmem>>, %arg8: memref<128xf32, #tpu.memory_space<vmem>>, %arg9: memref<5000x128xf32, #tpu.memory_space<vmem>>, %arg10: memref<2x5000x128xf32, #tpu.memory_space<vmem>>, %arg11: memref<1x128xf32, #tpu.memory_space<vmem>>, %arg12: memref<1x128xf32, #tpu.memory_space<vmem>>) attributes {dimension_semantics = [#tpu.dimension_semantics<arbitrary>], iteration_bounds = array<i64: 4>, scalar_prefetch = 0 : i64, scratch_operands = 3 : i64, tpu.core_type = #tpu.core_type<tc>, window_params = [{transform_indices = @transform_0, window_bounds = array<i64: 2, 5000, 128>}, {transform_indices = @transform_1, window_bounds = array<i64: 2, 5000, 128>}, {transform_indices = @transform_2, window_bounds = array<i64: 5000, 128>}, {pipeline_mode = #tpu.pipeline_mode<synchronous>, transform_indices = @transform_3, window_bounds = array<i64: 128, 128>}, {pipeline_mode = #tpu.pipeline_mode<synchronous>, transform_indices = @transform_4, window_bounds = array<i64: 128, 128>}, {pipeline_mode = #tpu.pipeline_mode<synchronous>, transform_indices = @transform_5, window_bounds = array<i64: 128>}, {pipeline_mode = #tpu.pipeline_mode<synchronous>, transform_indices = @transform_6, window_bounds = array<i64: 128>}, {pipeline_mode = #tpu.pipeline_mode<synchronous>, transform_indices = @transform_7, window_bounds = array<i64: 128>}, {transform_indices = @transform_8, window_bounds = array<i64: 5000, 128>}]} {
    %lt3A = arith.constant 2 : i32
    %lt3A_0 = arith.cmpi slt, %arg0, %lt3A : i32
    %convert_element_type3A = arith.extui %lt3A_0 : i1 to i32
    %cond3A = arith.constant 0 : i32
    %cond3A_1 = arith.cmpi ne, %convert_element_type3A, %cond3A : i32
    scf.if %cond3A_1 {
      %get3A = arith.constant 0 : index
      %get3A_6 = arith.constant 0 : index
      %get3A_7 = arith.constant 0 : index
      %get3A_8 = vector.load %arg1[%get3A, %get3A_6, %get3A_7] : memref<2x5000x128xf32, #tpu.memory_space<vmem>>, vector<1x5000x128xf32>
      %get3A_9 = vector.shape_cast %get3A_8 : vector<1x5000x128xf32> to vector<5000x128xf32>
      %get3A_10 = arith.constant 1 : index
      %get3A_11 = arith.constant 0 : index
      %get3A_12 = arith.constant 0 : index
      %get3A_13 = vector.load %arg1[%get3A_10, %get3A_11, %get3A_12] : memref<2x5000x128xf32, #tpu.memory_space<vmem>>, vector<1x5000x128xf32>
      %get3A_14 = vector.shape_cast %get3A_13 : vector<1x5000x128xf32> to vector<5000x128xf32>
      %add3A = arith.addf %get3A_9, %get3A_14 : vector<5000x128xf32>
      %get3A_15 = arith.constant 0 : index
      %get3A_16 = arith.constant 0 : index
      %get3A_17 = arith.constant 0 : index
      %get3A_18 = vector.load %arg2[%get3A_15, %get3A_16, %get3A_17] : memref<2x5000x128xf32, #tpu.memory_space<vmem>>, vector<1x5000x128xf32>
      %get3A_19 = vector.shape_cast %get3A_18 : vector<1x5000x128xf32> to vector<5000x128xf32>
      %slice3A = vector.extract_strided_slice %get3A_19 {offsets = [0, 0], sizes = [5000, 1], strides = [1, 1]} : vector<5000x128xf32> to vector<5000x1xf32>
      %squeeze3A = vector.shape_cast %slice3A : vector<5000x1xf32> to vector<5000xf32>
      %get3A_20 = arith.constant 1 : index
      %get3A_21 = arith.constant 0 : index
      %get3A_22 = arith.constant 0 : index
      %get3A_23 = vector.load %arg2[%get3A_20, %get3A_21, %get3A_22] : memref<2x5000x128xf32, #tpu.memory_space<vmem>>, vector<1x5000x128xf32>
      %get3A_24 = vector.shape_cast %get3A_23 : vector<1x5000x128xf32> to vector<5000x128xf32>
      %slice3A_25 = vector.extract_strided_slice %get3A_24 {offsets = [0, 0], sizes = [5000, 1], strides = [1, 1]} : vector<5000x128xf32> to vector<5000x1xf32>
      %squeeze3A_26 = vector.shape_cast %slice3A_25 : vector<5000x1xf32> to vector<5000xf32>
      %add3A_27 = arith.addf %squeeze3A, %squeeze3A_26 : vector<5000xf32>
      %jit3A = arith.constant 1.000000e+00 : f32
      %max3A = vector.broadcast %jit3A : f32 to vector<5000xf32>
      %max3A_28 = arith.maximumf %max3A, %add3A_27 : vector<5000xf32>
      %broadcast_in_dim3A = vector.shape_cast %max3A_28 : vector<5000xf32> to vector<5000x1xf32>
      %div3A = vector.broadcast %broadcast_in_dim3A : vector<5000x1xf32> to vector<5000x128xf32>
      %div3A_29 = arith.divf %add3A, %div3A : vector<5000x128xf32>
      %get3A_30 = arith.constant 0 : index
      %get3A_31 = arith.constant 0 : index
      %get3A_32 = vector.load %arg4[%get3A_30, %get3A_31] : memref<128x128xf32, #tpu.memory_space<vmem>>, vector<128x128xf32>
      %get3A_33 = arith.constant 0 : index
      %get3A_34 = arith.constant 0 : index
      %get3A_35 = vector.load %arg3[%get3A_33, %get3A_34] : memref<5000x128xf32, #tpu.memory_space<vmem>>, vector<5000x128xf32>
      %get3A_36 = arith.constant 0 : index
      %get3A_37 = arith.constant 0 : index
      %get3A_38 = vector.load %arg5[%get3A_36, %get3A_37] : memref<128x128xf32, #tpu.memory_space<vmem>>, vector<128x128xf32>
      %get3A_39 = arith.constant 0 : index
      %get3A_40 = vector.load %arg6[%get3A_39] : memref<128xf32, #tpu.memory_space<vmem>>, vector<128xf32>
      %dot_general3A = arith.constant dense<0.000000e+00> : vector<5000x128xf32>
      %dot_general3A_41 = tpu.matmul %div3A_29, %get3A_32, %dot_general3A {dimension_numbers = #tpu.dot_dimension_numbers<[1], [0], [0], [1], [0, 0, 1, 1], [], []>, transpose_lhs_hint = false} : vector<5000x128xf32>, vector<128x128xf32>, vector<5000x128xf32> -> vector<5000x128xf32>
      %dot_general3A_42 = arith.constant dense<0.000000e+00> : vector<5000x128xf32>
      %dot_general3A_43 = tpu.matmul %get3A_35, %get3A_38, %dot_general3A_42 {dimension_numbers = #tpu.dot_dimension_numbers<[1], [0], [0], [1], [0, 0, 1, 1], [], []>, transpose_lhs_hint = false} : vector<5000x128xf32>, vector<128x128xf32>, vector<5000x128xf32> -> vector<5000x128xf32>
      %add3A_44 = arith.addf %dot_general3A_41, %dot_general3A_43 : vector<5000x128xf32>
      %broadcast_in_dim3A_45 = vector.shape_cast %get3A_40 : vector<128xf32> to vector<1x128xf32>
      %add3A_46 = vector.broadcast %broadcast_in_dim3A_45 : vector<1x128xf32> to vector<5000x128xf32>
      %add3A_47 = arith.addf %add3A_44, %add3A_46 : vector<5000x128xf32>
      %swap3A = arith.index_cast %arg0 : i32 to index
      %swap3A_48 = arith.constant 0 : index
      %swap3A_49 = arith.constant 0 : index
      %swap3A_50 = vector.load %arg10[%swap3A, %swap3A_48, %swap3A_49] : memref<2x5000x128xf32, #tpu.memory_space<vmem>>, vector<1x5000x128xf32>
      %swap3A_51 = vector.shape_cast %swap3A_50 : vector<1x5000x128xf32> to vector<5000x128xf32>
      %swap3A_52 = vector.shape_cast %add3A_47 : vector<5000x128xf32> to vector<1x5000x128xf32>
      tpu.vector_store %arg10[%swap3A, %swap3A_48, %swap3A_49], %swap3A_52 {strides = array<i32>} : memref<2x5000x128xf32, #tpu.memory_space<vmem>>, vector<1x5000x128xf32>,
      %eq3A = arith.constant 0 : i32
      %eq3A_53 = arith.cmpi eq, %arg0, %eq3A : i32
      %convert_element_type3A_54 = arith.extui %eq3A_53 : i1 to i32
      %cond3A_55 = arith.constant 0 : i32
      %cond3A_56 = arith.cmpi ne, %convert_element_type3A_54, %cond3A_55 : i32
      scf.if %cond3A_56 {
        %broadcast_in_dim3A_80 = arith.constant 0.000000e+00 : f32
        %broadcast_in_dim3A_81 = vector.broadcast %broadcast_in_dim3A_80 : f32 to vector<1x128xf32>
        %swap3A_82 = arith.constant 0 : index
        %swap3A_83 = arith.constant 0 : index
        %swap3A_84 = vector.load %arg11[%swap3A_82, %swap3A_83] : memref<1x128xf32, #tpu.memory_space<vmem>>, vector<1x128xf32>
        tpu.vector_store %arg11[%swap3A_82, %swap3A_83], %broadcast_in_dim3A_81 {strides = array<i32>} : memref<1x128xf32, #tpu.memory_space<vmem>>, vector<1x128xf32>,
        %broadcast_in_dim3A_85 = arith.constant 0.000000e+00 : f32
        %broadcast_in_dim3A_86 = vector.broadcast %broadcast_in_dim3A_85 : f32 to vector<1x128xf32>
        %swap3A_87 = arith.constant 0 : index
        %swap3A_88 = arith.constant 0 : index
        %swap3A_89 = vector.load %arg12[%swap3A_87, %swap3A_88] : memref<1x128xf32, #tpu.memory_space<vmem>>, vector<1x128xf32>
        tpu.vector_store %arg12[%swap3A_87, %swap3A_88], %broadcast_in_dim3A_86 {strides = array<i32>} : memref<1x128xf32, #tpu.memory_space<vmem>>, vector<1x128xf32>,
      } else {
      }
      %get3A_57 = arith.constant 0 : index
      %get3A_58 = arith.constant 0 : index
      %get3A_59 = vector.load %arg11[%get3A_57, %get3A_58] : memref<1x128xf32, #tpu.memory_space<vmem>>, vector<1x128xf32>
      %get3A_60 = vector.shape_cast %get3A_59 : vector<1x128xf32> to vector<128xf32>
      %reduce_sum3A = arith.constant dense<0.000000e+00> : vector<128xf32>
      %reduce_sum3A_61 = vector.multi_reduction <add>, %add3A_47, %reduce_sum3A [0] : vector<5000x128xf32> to vector<128xf32>
      %add3A_62 = arith.addf %get3A_60, %reduce_sum3A_61 : vector<128xf32>
      %swap3A_63 = arith.constant 0 : index
      %swap3A_64 = arith.constant 0 : index
      %swap3A_65 = vector.load %arg11[%swap3A_63, %swap3A_64] : memref<1x128xf32, #tpu.memory_space<vmem>>, vector<1x128xf32>
      %swap3A_66 = vector.shape_cast %swap3A_65 : vector<1x128xf32> to vector<128xf32>
      %swap3A_67 = vector.shape_cast %add3A_62 : vector<128xf32> to vector<1x128xf32>
      tpu.vector_store %arg11[%swap3A_63, %swap3A_64], %swap3A_67 {strides = array<i32>} : memref<1x128xf32, #tpu.memory_space<vmem>>, vector<1x128xf32>,
      %get3A_68 = arith.constant 0 : index
      %get3A_69 = arith.constant 0 : index
      %get3A_70 = vector.load %arg12[%get3A_68, %get3A_69] : memref<1x128xf32, #tpu.memory_space<vmem>>, vector<1x128xf32>
      %get3A_71 = vector.shape_cast %get3A_70 : vector<1x128xf32> to vector<128xf32>
      %square3A = arith.mulf %add3A_47, %add3A_47 : vector<5000x128xf32>
      %reduce_sum3A_72 = arith.constant dense<0.000000e+00> : vector<128xf32>
      %reduce_sum3A_73 = vector.multi_reduction <add>, %square3A, %reduce_sum3A_72 [0] : vector<5000x128xf32> to vector<128xf32>
      %add3A_74 = arith.addf %get3A_71, %reduce_sum3A_73 : vector<128xf32>
      %swap3A_75 = arith.constant 0 : index
      %swap3A_76 = arith.constant 0 : index
      %swap3A_77 = vector.load %arg12[%swap3A_75, %swap3A_76] : memref<1x128xf32, #tpu.memory_space<vmem>>, vector<1x128xf32>
      %swap3A_78 = vector.shape_cast %swap3A_77 : vector<1x128xf32> to vector<128xf32>
      %swap3A_79 = vector.shape_cast %add3A_74 : vector<128xf32> to vector<1x128xf32>
      tpu.vector_store %arg12[%swap3A_75, %swap3A_76], %swap3A_79 {strides = array<i32>} : memref<1x128xf32, #tpu.memory_space<vmem>>, vector<1x128xf32>,
    } else {
    }
    %ge3A = arith.constant 2 : i32
    %ge3A_2 = arith.cmpi sge, %arg0, %ge3A : i32
    %convert_element_type3A_3 = arith.extui %ge3A_2 : i1 to i32
    %cond3A_4 = arith.constant 0 : i32
    %cond3A_5 = arith.cmpi ne, %convert_element_type3A_3, %cond3A_4 : i32
    scf.if %cond3A_5 {
      %get3A = arith.constant 0 : index
      %get3A_6 = arith.constant 0 : index
      %get3A_7 = vector.load %arg11[%get3A, %get3A_6] : memref<1x128xf32, #tpu.memory_space<vmem>>, vector<1x128xf32>
      %get3A_8 = vector.shape_cast %get3A_7 : vector<1x128xf32> to vector<128xf32>
      %mul3A = arith.constant 9.99999974E-5 : f32
      %mul3A_9 = vector.broadcast %mul3A : f32 to vector<128xf32>
      %mul3A_10 = arith.mulf %get3A_8, %mul3A_9 : vector<128xf32>
      %get3A_11 = arith.constant 0 : index
      %get3A_12 = arith.constant 0 : index
      %get3A_13 = vector.load %arg12[%get3A_11, %get3A_12] : memref<1x128xf32, #tpu.memory_space<vmem>>, vector<1x128xf32>
      %get3A_14 = vector.shape_cast %get3A_13 : vector<1x128xf32> to vector<128xf32>
      %mul3A_15 = arith.constant 9.99999974E-5 : f32
      %mul3A_16 = vector.broadcast %mul3A_15 : f32 to vector<128xf32>
      %mul3A_17 = arith.mulf %get3A_14, %mul3A_16 : vector<128xf32>
      %square3A = arith.mulf %mul3A_10, %mul3A_10 : vector<128xf32>
      %sub3A = arith.subf %mul3A_17, %square3A : vector<128xf32>
      %get3A_18 = arith.constant 0 : index
      %get3A_19 = vector.load %arg7[%get3A_18] : memref<128xf32, #tpu.memory_space<vmem>>, vector<128xf32>
      %add3A = arith.constant 9.99999974E-6 : f32
      %add3A_20 = vector.broadcast %add3A : f32 to vector<128xf32>
      %add3A_21 = arith.addf %sub3A, %add3A_20 : vector<128xf32>
      %rsqrt3A = math.rsqrt %add3A_21 : vector<128xf32>
      %mul3A_22 = arith.mulf %get3A_19, %rsqrt3A : vector<128xf32>
      %sub3A_23 = arith.constant 2 : i32
      %sub3A_24 = arith.subi %arg0, %sub3A_23 : i32
      %get3A_25 = arith.index_cast %sub3A_24 : i32 to index
      %get3A_26 = arith.constant 0 : index
      %get3A_27 = arith.constant 0 : index
      %get3A_28 = vector.load %arg10[%get3A_25, %get3A_26, %get3A_27] : memref<2x5000x128xf32, #tpu.memory_space<vmem>>, vector<1x5000x128xf32>
      %get3A_29 = vector.shape_cast %get3A_28 : vector<1x5000x128xf32> to vector<5000x128xf32>
      %broadcast_in_dim3A = vector.shape_cast %mul3A_10 : vector<128xf32> to vector<1x128xf32>
      %sub3A_30 = vector.broadcast %broadcast_in_dim3A : vector<1x128xf32> to vector<5000x128xf32>
      %sub3A_31 = arith.subf %get3A_29, %sub3A_30 : vector<5000x128xf32>
      %broadcast_in_dim3A_32 = vector.shape_cast %mul3A_22 : vector<128xf32> to vector<1x128xf32>
      %mul3A_33 = vector.broadcast %broadcast_in_dim3A_32 : vector<1x128xf32> to vector<5000x128xf32>
      %mul3A_34 = arith.mulf %sub3A_31, %mul3A_33 : vector<5000x128xf32>
      %get3A_35 = arith.constant 0 : index
      %get3A_36 = vector.load %arg8[%get3A_35] : memref<128xf32, #tpu.memory_space<vmem>>, vector<128xf32>
      %broadcast_in_dim3A_37 = vector.shape_cast %get3A_36 : vector<128xf32> to vector<1x128xf32>
      %add3A_38 = vector.broadcast %broadcast_in_dim3A_37 : vector<1x128xf32> to vector<5000x128xf32>
      %add3A_39 = arith.addf %mul3A_34, %add3A_38 : vector<5000x128xf32>
      %max3A = arith.constant 0.000000e+00 : f32
      %max3A_40 = vector.broadcast %max3A : f32 to vector<5000x128xf32>
      %max3A_41 = arith.maximumf %add3A_39, %max3A_40 : vector<5000x128xf32>
      %swap3A = arith.constant 0 : index
      %swap3A_42 = arith.constant 0 : index
      %swap3A_43 = vector.load %arg9[%swap3A, %swap3A_42] : memref<5000x128xf32, #tpu.memory_space<vmem>>, vector<5000x128xf32>
      tpu.vector_store %arg9[%swap3A, %swap3A_42], %max3A_41 {strides = array<i32>} : memref<5000x128xf32, #tpu.memory_space<vmem>>, vector<5000x128xf32>,
    } else {
    }
    return
  }
  func.func @transform_0(%arg0: i32) -> (i32, i32, i32) {
    %lt3A = arith.constant 2 : i32
    %lt3A_0 = arith.cmpi slt, %arg0, %lt3A : i32
    %jit3A = arith.constant 0 : i32
    %select_n3A = arith.select %lt3A_0, %arg0, %jit3A : i32
    %c0_i32 = arith.constant 0 : i32
    %c0_i32_1 = arith.constant 0 : i32
    %c0_i32_2 = arith.constant 0 : i32
    return %c0_i32, %select_n3A, %c0_i32_1 : i32, i32, i32
  }
  func.func @transform_1(%arg0: i32) -> (i32, i32, i32) {
    %lt3A = arith.constant 2 : i32
    %lt3A_0 = arith.cmpi slt, %arg0, %lt3A : i32
    %jit3A = arith.constant 0 : i32
    %select_n3A = arith.select %lt3A_0, %arg0, %jit3A : i32
    %c0_i32 = arith.constant 0 : i32
    %c0_i32_1 = arith.constant 0 : i32
    %c0_i32_2 = arith.constant 0 : i32
    return %c0_i32, %select_n3A, %c0_i32_1 : i32, i32, i32
  }
  func.func @transform_2(%arg0: i32) -> (i32, i32) {
    %lt3A = arith.constant 2 : i32
    %lt3A_0 = arith.cmpi slt, %arg0, %lt3A : i32
    %jit3A = arith.constant 0 : i32
    %select_n3A = arith.select %lt3A_0, %arg0, %jit3A : i32
    %c0_i32 = arith.constant 0 : i32
    %c0_i32_1 = arith.constant 0 : i32
    return %select_n3A, %c0_i32 : i32, i32
  }
  func.func @transform_3(%arg0: i32) -> (i32, i32) {
    %c0_i32 = arith.constant 0 : i32
    %c0_i32_0 = arith.constant 0 : i32
    %c0_i32_1 = arith.constant 0 : i32
    return %c0_i32, %c0_i32_0 : i32, i32
  }
  func.func @transform_4(%arg0: i32) -> (i32, i32) {
    %c0_i32 = arith.constant 0 : i32
    %c0_i32_0 = arith.constant 0 : i32
    %c0_i32_1 = arith.constant 0 : i32
    return %c0_i32, %c0_i32_0 : i32, i32
  }
  func.func @transform_5(%arg0: i32) -> i32 {
    %c0_i32 = arith.constant 0 : i32
    %c0_i32_0 = arith.constant 0 : i32
    return %c0_i32 : i32
  }
  func.func @transform_6(%arg0: i32) -> i32 {
    %c0_i32 = arith.constant 0 : i32
    %c0_i32_0 = arith.constant 0 : i32
    return %c0_i32 : i32
  }
  func.func @transform_7(%arg0: i32) -> i32 {
    %c0_i32 = arith.constant 0 : i32
    %c0_i32_0 = arith.constant 0 : i32
    return %c0_i32 : i32
  }
  func.func @transform_8(%arg0: i32) -> (i32, i32) {
    %lt3A = arith.constant 2 : i32
    %lt3A_0 = arith.cmpi slt, %arg0, %lt3A : i32
    %sub3A = arith.constant 2 : i32
    %sub3A_1 = arith.subi %arg0, %sub3A : i32
    %jit3A = arith.constant 0 : i32
    %select_n3A = arith.select %lt3A_0, %jit3A, %sub3A_1 : i32
    %c0_i32 = arith.constant 0 : i32
    %c0_i32_2 = arith.constant 0 : i32
    return %select_n3A, %c0_i32 : i32, i32
  }
}

module attributes {stable_mosaic.version = 14 : i64} {
  func.func @_tc2_body(%arg0: i32, %arg1: memref<2x5000x128xf32, #tpu.memory_space<vmem>>, %arg2: memref<2x5000x128xf32, #tpu.memory_space<vmem>>, %arg3: memref<5000x128xf32, #tpu.memory_space<vmem>>, %arg4: memref<128x128xf32, #tpu.memory_space<vmem>>, %arg5: memref<128x128xf32, #tpu.memory_space<vmem>>, %arg6: memref<128xf32, #tpu.memory_space<vmem>>, %arg7: memref<5000x128xf32, #tpu.memory_space<vmem>>) attributes {dimension_semantics = [#tpu.dimension_semantics<arbitrary>], iteration_bounds = array<i64: 2>, scalar_prefetch = 0 : i64, scratch_operands = 0 : i64, tpu.core_type = #tpu.core_type<tc>, window_params = [{transform_indices = @transform_0, window_bounds = array<i64: 2, 5000, 128>}, {transform_indices = @transform_1, window_bounds = array<i64: 2, 5000, 128>}, {transform_indices = @transform_2, window_bounds = array<i64: 5000, 128>}, {pipeline_mode = #tpu.pipeline_mode<synchronous>, transform_indices = @transform_3, window_bounds = array<i64: 128, 128>}, {pipeline_mode = #tpu.pipeline_mode<synchronous>, transform_indices = @transform_4, window_bounds = array<i64: 128, 128>}, {pipeline_mode = #tpu.pipeline_mode<synchronous>, transform_indices = @transform_5, window_bounds = array<i64: 128>}, {transform_indices = @transform_6, window_bounds = array<i64: 5000, 128>}]} {
    %get3A = arith.constant 0 : index
    %get3A_0 = arith.constant 0 : index
    %get3A_1 = arith.constant 0 : index
    %get3A_2 = vector.load %arg1[%get3A, %get3A_0, %get3A_1] : memref<2x5000x128xf32, #tpu.memory_space<vmem>>, vector<1x5000x128xf32>
    %get3A_3 = vector.shape_cast %get3A_2 : vector<1x5000x128xf32> to vector<5000x128xf32>
    %get3A_4 = arith.constant 1 : index
    %get3A_5 = arith.constant 0 : index
    %get3A_6 = arith.constant 0 : index
    %get3A_7 = vector.load %arg1[%get3A_4, %get3A_5, %get3A_6] : memref<2x5000x128xf32, #tpu.memory_space<vmem>>, vector<1x5000x128xf32>
    %get3A_8 = vector.shape_cast %get3A_7 : vector<1x5000x128xf32> to vector<5000x128xf32>
    %add3A = arith.addf %get3A_3, %get3A_8 : vector<5000x128xf32>
    %get3A_9 = arith.constant 0 : index
    %get3A_10 = arith.constant 0 : index
    %get3A_11 = arith.constant 0 : index
    %get3A_12 = vector.load %arg2[%get3A_9, %get3A_10, %get3A_11] : memref<2x5000x128xf32, #tpu.memory_space<vmem>>, vector<1x5000x128xf32>
    %get3A_13 = vector.shape_cast %get3A_12 : vector<1x5000x128xf32> to vector<5000x128xf32>
    %slice3A = vector.extract_strided_slice %get3A_13 {offsets = [0, 0], sizes = [5000, 1], strides = [1, 1]} : vector<5000x128xf32> to vector<5000x1xf32>
    %squeeze3A = vector.shape_cast %slice3A : vector<5000x1xf32> to vector<5000xf32>
    %get3A_14 = arith.constant 1 : index
    %get3A_15 = arith.constant 0 : index
    %get3A_16 = arith.constant 0 : index
    %get3A_17 = vector.load %arg2[%get3A_14, %get3A_15, %get3A_16] : memref<2x5000x128xf32, #tpu.memory_space<vmem>>, vector<1x5000x128xf32>
    %get3A_18 = vector.shape_cast %get3A_17 : vector<1x5000x128xf32> to vector<5000x128xf32>
    %slice3A_19 = vector.extract_strided_slice %get3A_18 {offsets = [0, 0], sizes = [5000, 1], strides = [1, 1]} : vector<5000x128xf32> to vector<5000x1xf32>
    %squeeze3A_20 = vector.shape_cast %slice3A_19 : vector<5000x1xf32> to vector<5000xf32>
    %add3A_21 = arith.addf %squeeze3A, %squeeze3A_20 : vector<5000xf32>
    %jit3A = arith.constant 1.000000e+00 : f32
    %max3A = vector.broadcast %jit3A : f32 to vector<5000xf32>
    %max3A_22 = arith.maximumf %max3A, %add3A_21 : vector<5000xf32>
    %broadcast_in_dim3A = vector.shape_cast %max3A_22 : vector<5000xf32> to vector<5000x1xf32>
    %div3A = vector.broadcast %broadcast_in_dim3A : vector<5000x1xf32> to vector<5000x128xf32>
    %div3A_23 = arith.divf %add3A, %div3A : vector<5000x128xf32>
    %get3A_24 = arith.constant 0 : index
    %get3A_25 = arith.constant 0 : index
    %get3A_26 = vector.load %arg4[%get3A_24, %get3A_25] : memref<128x128xf32, #tpu.memory_space<vmem>>, vector<128x128xf32>
    %get3A_27 = arith.constant 0 : index
    %get3A_28 = arith.constant 0 : index
    %get3A_29 = vector.load %arg3[%get3A_27, %get3A_28] : memref<5000x128xf32, #tpu.memory_space<vmem>>, vector<5000x128xf32>
    %get3A_30 = arith.constant 0 : index
    %get3A_31 = arith.constant 0 : index
    %get3A_32 = vector.load %arg5[%get3A_30, %get3A_31] : memref<128x128xf32, #tpu.memory_space<vmem>>, vector<128x128xf32>
    %get3A_33 = arith.constant 0 : index
    %get3A_34 = vector.load %arg6[%get3A_33] : memref<128xf32, #tpu.memory_space<vmem>>, vector<128xf32>
    %dot_general3A = arith.constant dense<0.000000e+00> : vector<5000x128xf32>
    %dot_general3A_35 = tpu.matmul %div3A_23, %get3A_26, %dot_general3A {dimension_numbers = #tpu.dot_dimension_numbers<[1], [0], [0], [1], [0, 0, 1, 1], [], []>, transpose_lhs_hint = false} : vector<5000x128xf32>, vector<128x128xf32>, vector<5000x128xf32> -> vector<5000x128xf32>
    %dot_general3A_36 = arith.constant dense<0.000000e+00> : vector<5000x128xf32>
    %dot_general3A_37 = tpu.matmul %get3A_29, %get3A_32, %dot_general3A_36 {dimension_numbers = #tpu.dot_dimension_numbers<[1], [0], [0], [1], [0, 0, 1, 1], [], []>, transpose_lhs_hint = false} : vector<5000x128xf32>, vector<128x128xf32>, vector<5000x128xf32> -> vector<5000x128xf32>
    %add3A_38 = arith.addf %dot_general3A_35, %dot_general3A_37 : vector<5000x128xf32>
    %broadcast_in_dim3A_39 = vector.shape_cast %get3A_34 : vector<128xf32> to vector<1x128xf32>
    %add3A_40 = vector.broadcast %broadcast_in_dim3A_39 : vector<1x128xf32> to vector<5000x128xf32>
    %add3A_41 = arith.addf %add3A_38, %add3A_40 : vector<5000x128xf32>
    %swap3A = arith.constant 0 : index
    %swap3A_42 = arith.constant 0 : index
    %swap3A_43 = vector.load %arg7[%swap3A, %swap3A_42] : memref<5000x128xf32, #tpu.memory_space<vmem>>, vector<5000x128xf32>
    tpu.vector_store %arg7[%swap3A, %swap3A_42], %add3A_41 {strides = array<i32>} : memref<5000x128xf32, #tpu.memory_space<vmem>>, vector<5000x128xf32>,
    return
  }
  func.func @transform_0(%arg0: i32) -> (i32, i32, i32) {
    %c0_i32 = arith.constant 0 : i32
    %c0_i32_0 = arith.constant 0 : i32
    %c0_i32_1 = arith.constant 0 : i32
    return %c0_i32, %arg0, %c0_i32_0 : i32, i32, i32
  }
  func.func @transform_1(%arg0: i32) -> (i32, i32, i32) {
    %c0_i32 = arith.constant 0 : i32
    %c0_i32_0 = arith.constant 0 : i32
    %c0_i32_1 = arith.constant 0 : i32
    return %c0_i32, %arg0, %c0_i32_0 : i32, i32, i32
  }
  func.func @transform_2(%arg0: i32) -> (i32, i32) {
    %c0_i32 = arith.constant 0 : i32
    %c0_i32_0 = arith.constant 0 : i32
    return %arg0, %c0_i32 : i32, i32
  }
  func.func @transform_3(%arg0: i32) -> (i32, i32) {
    %c0_i32 = arith.constant 0 : i32
    %c0_i32_0 = arith.constant 0 : i32
    %c0_i32_1 = arith.constant 0 : i32
    return %c0_i32, %c0_i32_0 : i32, i32
  }
  func.func @transform_4(%arg0: i32) -> (i32, i32) {
    %c0_i32 = arith.constant 0 : i32
    %c0_i32_0 = arith.constant 0 : i32
    %c0_i32_1 = arith.constant 0 : i32
    return %c0_i32, %c0_i32_0 : i32, i32
  }
  func.func @transform_5(%arg0: i32) -> i32 {
    %c0_i32 = arith.constant 0 : i32
    %c0_i32_0 = arith.constant 0 : i32
    return %c0_i32 : i32
  }
  func.func @transform_6(%arg0: i32) -> (i32, i32) {
    %c0_i32 = arith.constant 0 : i32
    %c0_i32_0 = arith.constant 0 : i32
    return %arg0, %c0_i32 : i32, i32
  }
}

</mosaic_0001>

<sc_bundles>
// kernel: kernel.10.cloned.1.call-start
scs
__scs_entry_jumppad:
0x0: {  	(pc) =	sbr.rel $0x88, $3  }
0x1: {  	(tag) =	ssettag $0x0;
	lr =	simm.s32 $0x1  }
0x2: {  	[smem:$0x3F97] =	sst lr;
	_ =	strace $0xD0000000  }
0x3: {  	_ = 	snop  }
0x4: {  	_ = 	snop  }
0x5: {  	_ = 	snop  }
0x6: {  	_ = 	snop  }
0x7: {  	_ = 	snop  }
__scs_overlays_trampoline_lowered:
0x8: {  	[smem:$0x3FA6] =	sst s0  }
0x9: {  	[smem:$0x3FA7] =	sst s1  }
0xa: {  	[smem:$0x3FA8] =	sst s2  }
0xb: {  	[smem:$0x3FA9] =	sst s3  }
0xc: {  	[smem:$0x3FAA] =	sst s4  }
0xd: {  	[smem:$0x3FAB] =	sst s5  }
0xe: {  	[smem:$0x3FAC] =	sst s6  }
0xf: {  	[smem:$0x3FAD] =	sst s7  }
0x10: {  	[smem:$0x3FAE] =	sst s8  }
0x11: {  	[smem:$0x3FAF] =	sst s9;
	s0 =	simm.s32 @!p0 $0x0  }
0x12: {  	s1 =	sld [smem:$0x3F95];
	s0 =	simm.s32 @p0 $0x1  }
0x13: {  	[smem:$0x3FB0] =	sst s0;
	s0 =	simm.s32 @!p1 $0x0  }
0x14: {  	s2 =	sld [smem:$0x3F94];
	s0 =	simm.s32 @p1 $0x1  }
0x15: {  	[smem:$0x3FB1] =	sst s0;
	s0 =	simm.s32 @!p2 $0x0  }
0x16: {  	s3 =	sld [smem:$0x3FDB];
	s0 =	simm.s32 @p2 $0x1  }
0x17: {  	s4 =	simm.s32 $0x1BF5;
	[smem:$0x3FB3] =	sst s0  }
0x18: {  	s0 =	sld [smem:$0x3F96];
	_ =	swait.ge [sflag:s4], $0x0  }
0x19: {  	s7 =	sld [smem:$0x3F97]  }
0x1a: {  	s8 =	sadd.s32 $0xFFFFE003, lr  }
0x1b: {  	s9 =	sadd.s32 $0xFFFFFEF7, lr;
	s5 =	simm.s32 $0xFFFFFFFF;
	p2 =	slt.u32 s8, $0xFFFFF086  }
0x1c: {  	p1 =	slt.u32 s9, $0xF7A;
	s5 =	simm.s32 @!p2 $0x0  }
0x1d: {  	s5 =	simm.s32 @p1 $0x1;
	p0 =	seq.s32 s7, s2  }
0x1e: {  	s7 =	smul.u32 @!p0 $0xF7A, s2;
	p2 =	seq.s32 @!p0 s5, $0x0  }
0x1f: {  	s9 =	smul.u32 $0xF7A, s1;
	s8 =	simm.s32 @!p0 $0x1BF5;
	p2 =	por !p2, p0  }
0x20: {  	[sflag:s8] =	ssyncset.s32 @!p0 $0xFFFFF086;
	s6 =	sadd.s32 @!p0 s3, s7;
	s7 =	simm.s32 @!p0 $0x108  }
0x21: {  	s3 =	sadd.s32 s3, s9;
	s6 =	sadd.s32 @!p0 $0x88, s6;
	s7 =	simm.s32 @p2 $0x1082  }
0x22: {  	[simem:s7], [sflag:s8] =	dma.local @!p0 [hbm:s6], $0xF7A  }
0x23: {  	s9 =	sor.u32 $0xD0000000, s2;
	s6 =	simm.s32 $0x108;
	_ =	swait.ge @!p0 [sflag:s8], $0x0  }
0x24: {  	s3 =	sadd.s32 $0x88, s3;
	s6 =	simm.s32 @!p1 $0x1082;
	[sflag:s4] =	ssyncset.s32 $0xFFFFF086  }
0x25: {  	[simem:s6], [sflag:s4] =	dma.local [hbm:s3], $0xF7A  }
0x26: {  	[smem:$0x3F97] =	sst s1;
	(tag) =	ssettag s2;
	_ =	strace s9  }
0x27: {  	s1 =	sld [smem:$0x3FA7]  }
0x28: {  	s2 =	sld [smem:$0x3FA8]  }
0x29: {  	s4 =	sld [smem:$0x3FAA]  }
0x2a: {  	p0 =	seq.s32 s5, $0x0;
	s5 =	sld [smem:$0x3FAB]  }
0x2b: {  	s6 =	sld [smem:$0x3FAC]  }
0x2c: {  	s7 =	sld [smem:$0x3FAD]  }
0x2d: {  	s3 =	simm.s32 $0x108;
	s8 =	sld [smem:$0x3FAE]  }
0x2e: {  	s3 =	simm.s32 @!p0 $0x1082;
	s9 =	sld [smem:$0x3FAF]  }
0x2f: {  	lr =	sadd.s32 s0, s3;
	s0 =	sld [smem:$0x3FA6]  }
0x30: {  	s3 =	sld [smem:$0x3FA9]  }
0x31: {  	[smem:$0x3FB2] =	sst s10  }
0x32: {  	s10 =	sld [smem:$0x3FB0];
	_ =	sdelay $0x3  }
0x33: {  	p0 =	seq.s32 s10, $0x1;
	s10 =	sld [smem:$0x3FB2];
	_ =	sdelay $0x3  }
0x34: {  	[smem:$0x3FB2] =	sst s10  }
0x35: {  	s10 =	sld [smem:$0x3FB1];
	_ =	sdelay $0x3  }
0x36: {  	p1 =	seq.s32 s10, $0x1;
	s10 =	sld [smem:$0x3FB2];
	_ =	sdelay $0x3  }
0x37: {  	[smem:$0x3FB2] =	sst s10  }
0x38: {  	s10 =	sld [smem:$0x3FB3]  }
0x39: {  	_ = 	snop;
	(pc) =	sbr.ind lr, $3  }
0x3a: {  	_ = 	snop  }
0x3b: {  	_ = 	snop  }
0x3c: {  	p2 =	seq.s32 s10, $0x1;
	s10 =	sld [smem:$0x3FB2]  }
0x3d: {  	_ =	shalt  }
0x3e: {  	_ =	shalt  }
0x3f: {  	_ =	shalt  }
0x40: {  	_ =	shalt  }
0x41: {  	_ =	shalt  }
0x42: {  	_ =	shalt  }
0x43: {  	_ =	shalt  }
0x44: {  	_ =	shalt  }
0x45: {  	_ =	shalt  }
0x46: {  	_ =	shalt  }
0x47: {  	_ =	shalt  }
0x48: {  	_ =	shalt  }
0x49: {  	_ =	shalt  }
0x4a: {  	_ =	shalt  }
0x4b: {  	_ =	shalt  }
0x4c: {  	_ =	shalt  }
0x4d: {  	_ =	shalt  }
0x4e: {  	_ =	shalt  }
0x4f: {  	_ =	shalt  }
0x50: {  	_ =	shalt  }
0x51: {  	_ =	shalt  }
0x52: {  	_ =	shalt  }
0x53: {  	_ =	shalt  }
0x54: {  	_ =	shalt  }
0x55: {  	_ =	shalt  }
0x56: {  	_ =	shalt  }
0x57: {  	_ =	shalt  }
0x58: {  	_ =	shalt  }
0x59: {  	_ =	shalt  }
0x5a: {  	_ =	shalt  }
0x5b: {  	_ =	shalt  }
0x5c: {  	_ =	shalt  }
0x5d: {  	_ =	shalt  }
0x5e: {  	_ =	shalt  }
0x5f: {  	_ =	shalt  }
0x60: {  	_ =	shalt  }
0x61: {  	_ =	shalt  }
0x62: {  	_ =	shalt  }
0x63: {  	_ =	shalt  }
0x64: {  	_ =	shalt  }
0x65: {  	_ =	shalt  }
0x66: {  	_ =	shalt  }
0x67: {  	_ =	shalt  }
0x68: {  	_ =	shalt  }
0x69: {  	_ =	shalt  }
0x6a: {  	_ =	shalt  }
0x6b: {  	_ =	shalt  }
0x6c: {  	_ =	shalt  }
0x6d: {  	_ =	shalt  }
0x6e: {  	_ =	shalt  }
0x6f: {  	_ =	shalt  }
0x70: {  	_ =	shalt  }
0x71: {  	_ =	shalt  }
0x72: {  	_ =	shalt  }
0x73: {  	_ =	shalt  }
0x74: {  	_ =	shalt  }
0x75: {  	_ =	shalt  }
0x76: {  	_ =	shalt  }
0x77: {  	_ =	shalt  }
0x78: {  	_ =	shalt  }
0x79: {  	_ =	shalt  }
0x7a: {  	_ =	shalt  }
0x7b: {  	_ =	shalt  }
0x7c: {  	_ =	shalt  }
0x7d: {  	_ =	shalt  }
0x7e: {  	_ =	shalt  }
0x7f: {  	_ =	shalt  }
0x80: {  	_ =	shalt  }
0x81: {  	_ =	shalt  }
0x82: {  	_ =	shalt  }
0x83: {  	_ =	shalt  }
0x84: {  	_ =	shalt  }
0x85: {  	_ =	shalt  }
0x86: {  	_ =	shalt  }
0x87: {  	_ =	shalt  }
.Lfunc_end0:
.L_simem_size_0:
called_computation.1_lowered:
.L_overlay_start_0:
0x88: {  	s2 =	sld [smem:$0x3FD9]  }
0x89: {  	s3 =	sld [smem:$0x3FFE];
	_ =	sdelay $0x1  }
0x8a: {  	s1 =	srdreg.scid  }
0x8b: {  	s0 =	sand.u32 $0x1, s1  }
0x8c: {  	s17 =	sshll.u32 s0, $0xA;
	s2 =	sadd.s32 s3, s2  }
0x8d: {  	s2 =	sadd.s32 s2, s17  }
0x8e: {  	[smem:$0x3FBE] =	sst s2  }
0x8f: {  	_ = 	snop  }
0x90: {  	s18 =	sld [smem:$0x3FC9]  }
0x91: {  	s4 =	sld [smem:$0x3FD0];
	(tm) =	ssettm $0x1  }
0x92: {  	s19 =	sld [smem:$0x3FFB];
	_ =	sdelay $0x3  }
0x93: {  	_ =	strace s19  }
0x94: {  	s2 =	sld [smem:$0x3FFC];
	_ =	sdelay $0x3  }
0x95: {  	_ =	strace s2  }
0x96: {  	s2 =	sld [smem:$0x3FFD];
	_ =	sdelay $0x3  }
0x97: {  	_ =	strace s2  }
0x98: {  	_ =	strace $0x8FFFFFFF  }
0x99: {  	s20 =	sld [smem:$0x3FDB];
	_ =	sdelay $0x1  }
0x9a: {  	s5 =	simm.s32 $_scs_section_size  }
0x9b: {  	s6 =	simm.s32 $_size__tile_overlayer_lowered;
	s7 =	simm.s32 $_tile_overlayer_lowered  }
0x9c: {  	s8 =	simm.s32 $0x1BFF;
	s21 =	sshll.u32 s7, $0x1;
	s5 =	sadd.s32 s5, s20  }
0x9d: {  	s22 =	simm.s32 $0x0;
	s6 =	sshll.u32 s6, $0x1;
	s7 =	sadd.s32 s21, s5  }
0x9e: {  	[timem:s22], [sflag:s8] =	dma.local [hbm:s7], s6  }
0x9f: {  	_ =	swait.ge [sflag:s8], s6  }
0xa0: {  	s6 =	ssub.s32 $0x0, s6;
	[sflag:s8] =	ssyncset.done $0x0  }
0xa1: {  	[sflag:s8] =	ssyncadd.s32 s6;
	_ =	sdelay $0x1  }
0xa2: {  	s23 =	simm.s32 $0x1B8B  }
0xa3: {  	_ =	swait.ge [sflag:s23], $0x1  }
0xa4: {  	[sflag:s23] =	ssyncset.done $0x0  }
0xa5: {  	[sflag:s23] =	ssyncadd.s32 $0xFFFFFFFF  }
0xa6: {  	s6 =	sld [smem:$0x0]  }
0xa7: {  	s7 =	sand.u32 $0xFFFFFFFE, s1  }
0xa8: {  	p0 =	sne.s32 s1, s7  }
0xa9: {  	s7 =	sshll.u32 @p0 s7, $0xE  }
0xaa: {  	s7 =	sadd.s32 @p0 $0x11B8D, s7;
	s8 =	sshll.u32 @p0 s6, $0x11  }
0xab: {  	s7 =	sor.u32 @p0 s8, s7  }
0xac: {  	[sflag:s7] =	ssyncadd.remote.s32 @p0 $0x1;
	_ =	sdelay $0x1  }
0xad: {  	s7 =	simm.s32 @p0 $0x1B8D  }
0xae: {  	_ =	swait.eq @p0 [sflag:s7], $0x1  }
0xaf: {  	[sflag:s7] =	ssyncadd.s32 @p0 $0xFFFFFFFF  }
0xb0: {  	s8 =	sshll.u32 @!p0 s1, $0xE  }
0xb1: {  	s8 =	sor.u32 @!p0 $0x4000, s8;
	s7 =	simm.s32 @!p0 $0x1B8D  }
0xb2: {  	s6 =	sshll.u32 @!p0 s6, $0x11;
	s8 =	sadd.s32 @!p0 $0x11B8D, s8;
	_ =	swait.eq @!p0 [sflag:s7], $0x1  }
0xb3: {  	s6 =	sor.u32 @!p0 s6, s8;
	[sflag:s7] =	ssyncadd.s32 @!p0 $0xFFFFFFFF  }
0xb4: {  	s25 =	simm.s32 $0x1B8E;
	s24 =	sld [smem:$0x3FFE];
	[sflag:s6] =	ssyncadd.remote.s32 @!p0 $0x1  }
0xb5: {  	s26 =	simm.s32 $execute0_lowered;
	[smem:$0x3FD2] =	sst s25  }
0xb6: {  	s7 =	sshll.u32 s26, $0x1;
	_ =	strace $0x80000049;
	[dreg:$0x1] =	wrdreg $0xFFFFFFFF  }
0xb7: {  	s28 =	simm.s32 $_size_execute0_lowered;
	s5 =	sadd.s32 s5, s7;
	[dreg:$0x0] =	wrdreg $0x0  }
0xb8: {  	s7 =	sshll.u32 s28, $0x1;
	[dreg:$0x2] =	wrdreg s5  }
0xb9: {  	[dreg:$0x3] =	wrdreg s7  }
0xba: {  	[dreg:$0x4] =	wrdreg $0xC0  }
0xbb: {  	_ =	task [dreg:s22], $0x5FFFF  }
0xbc: {  	[dreg:$0x1] =	wrdreg $0xFFFFFFFF  }
0xbd: {  	[dreg:$0x0] =	wrdreg $0x60  }
0xbe: {  	[dreg:$0x2] =	wrdreg s24  }
0xbf: {  	[dreg:$0x3] =	wrdreg s18  }
0xc0: {  	[dreg:$0x4] =	wrdreg s4  }
0xc1: {  	[dreg:$0x5] =	wrdreg $0x90000  }
0xc2: {  	[dreg:$0x6] =	wrdreg $0xA  }
0xc3: {  	_ =	task.clear_ibuf [dreg:s22], $0x7FFFF;
	_ =	strace $0x90000049  }
0xc4: {  	s29 =	simm.s32 $0xA;
	_ =	strace $0x8000004B  }
0xc5: {  	_ =	swait.ge [sflag:s29], $0x1  }
0xc6: {  	[sflag:s29] =	ssyncadd.s32 $0xFFFFFFFF  }
0xc7: {  	_ =	strace $0x9000004B  }
0xc8: {  	_ =	sfence  }
0xc9: {  	s30 =	sld [smem:$0x0];
	_ =	sdelay $0x2  }
0xca: {  	s31 =	sshll.u32 s1, $0xD;
	s1 =	sshrl.u32 s1, $0x2  }
0xcb: {  	s4 =	sand.u32 $0x4000, s31;
	s1 =	sadd.s32 s1, s30  }
0xcc: {  	s0 =	sor.u32 s4, s0;
	s1 =	sshll.u32 s1, $0x11  }
0xcd: {  	s0 =	sor.u32 s1, s0  }
0xce: {  	s0 =	sadd.s32 $0x8F2B, s0  }
0xcf: {  	[sflag:s0] =	ssyncadd.remote.s32 $0x1  }
0xd0: {  	_ =	sfence.sel $0xFFFF  }
0xd1: {  	[dreg:$0x0] =	wrdreg $0xFFFFFFFF;
	(pc) =	sbr.abs _section_cstart, $3  }
0xd2: {  	[dreg:$0x1] =	wrdreg $0xFFFFFFFF  }
0xd3: {  	_ =	task.clear_ibuf [dreg:s22], $0x2FFFF;
	_ =	strace $0x9FFFFFFF  }
0xd4: {  	(tm) =	ssettm $0x7FFFFFFF  }
0xd5: {  	_ =	shalt  }
tec
execute0_lowered:
.L_overlay_start_1:
0x0: {  	(tag) =	ssettag $0x1  }
0x1: {  	s0 =	rddreg [dreg:$0x0]  }
0x2: {  	s1 =	rddreg [dreg:$0x1]  }
0x3: {  	s3 =	rddreg [dreg:$0x2]  }
0x4: {  	s2 =	rddreg [dreg:$0x3];
	s4 =	simm.s32 $0x0;
	s5 =	srdreg.scid  }
0x5: {  	s14 =	stileid.u32;
	s18 =	simm.s32 $0x100;
	s20 =	simm.s32 $0x80  }
0x6: {  	s21 =	simm.s32 $0x200;
	s22 =	simm.s32 $0x180;
	s24 =	simm.s32 $0x300  }
0x7: {  	s28 =	simm.s32 $0xB80;
	s29 =	simm.s32 $0xD00;
	s30 =	simm.s32 $0xC80  }
0x8: {  	s31 =	simm.s32 $0xE00;
	[smem:$0x7FF] =	sst s4;
	s6 =	sand.u32 $0x1, s5  }
0x9: {  	s5 =	sadd.s32 $0x5AE00, s0;
	s8 =	smul.u32 $0x4E000, s14;
	s0 =	sadd.s32 $0x6EE00, s0  }
0xa: {  	s11 =	smul.u32 $0x13800, s14;
	_ =	strace $0x8000004A;
	[dreg:$0x6] =	wrdreg s18  }
0xb: {  	s12 =	sshll.u32 s14, $0x6;
	p0 =	sne.s32 s14, $0xF;
	[dreg:$0x7] =	wrdreg s20  }
0xc: {  	s7 =	ssub.s32 $0x2, s6;
	s13 =	smul.u32 $0x138800, s6;
	[dreg:$0x8] =	wrdreg s21  }
0xd: {  	s10 =	sshll.u32 s6, $0x4;
	s23 =	smul.u32 $0x50000, s6;
	[dreg:$0x9] =	wrdreg s22  }
0xe: {  	[dreg:$0xa] =	wrdreg s24;
	s18 =	simm.s32 $0x700;
	s20 =	simm.s32 $0x780  }
0xf: {  	s21 =	simm.s32 $0x900;
	s22 =	simm.s32 $0x880;
	s24 =	simm.s32 $0x980  }
0x10: {  	s6 =	simm.s32 $0xE80;
	s9 =	sshrl.u32 s7, $0x1;
	[dreg:$0x12] =	wrdreg s18  }
0x11: {  	s10 =	sor.u32 s14, s10;
	s8 =	sshrl.u32 s8, $0x2;
	[dreg:$0x14] =	wrdreg s20  }
0x12: {  	s25 =	sshrl.u32 s11, $0x3;
	s18 =	simm.s32 $0x7D;
	[dreg:$0x15] =	wrdreg s21  }
0x13: {  	[dreg:$0x16] =	wrdreg s22;
	s20 =	simm.s32 $0x5000;
	s21 =	simm.s32 $0x1  }
0x14: {  	[dreg:$0x18] =	wrdreg s24;
	s22 =	simm.s32 $0x3;
	s24 =	simm.s32 $0x4  }
0x15: {  	s9 =	ssub.s32 s7, s9;
	s8 =	sadd.s32 s8, s2;
	s7 =	sadd.s32 s3, s25  }
0x16: {  	s3 =	sadd.s32 $0x27000, s3;
	s11 =	sadd.s32 s11, s13;
	[dreg:$0x1b] =	wrdreg s7  }
0x17: {  	s19 =	sshrl.u32 s13, $0x3;
	s13 =	simm.s32 $0x500;
	[dreg:$0x1c] =	wrdreg s3  }
0x18: {  	s10 =	smul.u32 $0x5000, s10;
	s9 =	smax.u32 s9, $0x1;
	[dreg:$0xe] =	wrdreg s13  }
0x19: {  	s16 =	sshrl.u32 s11, $0x3;
	s11 =	simm.s32 $0x380;
	[smem:$0x7FB] =	sst s9  }
0x1a: {  	s25 =	smul.u32 $0x5000, s14;
	s15 =	sadd.s32 $0x1000, s10;
	[dreg:$0xd] =	wrdreg s11  }
0x1b: {  	s7 =	sor.u32 $0x1C07, s12;
	s17 =	sadd.s32 s0, s16;
	[dreg:$0x5] =	wrdreg s15  }
0x1c: {  	s26 =	sshrl.u32 s10, $0x3;
	s10 =	simm.s32 $0x400;
	[dreg:$0x1e] =	wrdreg s17  }
0x1d: {  	s12 =	sadd.s32 $0x138000, s2;
	s16 =	simm.s32 $0x600;
	[dreg:$0xc] =	wrdreg s10  }
0x1e: {  	s0 =	sadd.s32 s0, s19;
	s19 =	simm.s32 $0x680;
	[dreg:$0x10] =	wrdreg s16  }
0x1f: {  	s13 =	sshrl.u32 s8, $0x3;
	s14 =	sshrl.u32 @!p0 s12, $0x3;
	[dreg:$0x13] =	wrdreg s19  }
0x20: {  	s8 =	simm.s32 $0xF80;
	s3 =	sadd.s32 s5, s26;
	[smem:$0x7FD] =	sst s14  }
0x21: {  	s9 =	simm.s32 $0x5;
	s0 =	sadd.s32 $0x27000, s0;
	[dreg:$0x1d] =	wrdreg s3  }
0x22: {  	s26 =	simm.s32 $0x280;
	s15 =	simm.s32 $0x480;
	[dreg:$0x1f] =	wrdreg s0  }
0x23: {  	s17 =	simm.s32 $0x580;
	s19 =	simm.s32 $0x1000;
	[dreg:$0xb] =	wrdreg s26  }
0x24: {  	s10 =	simm.s32 $0x0;
	s3 =	sadd.s32 s25, s23;
	[dreg:$0xf] =	wrdreg s15  }
0x25: {  	[dreg:$0x11] =	wrdreg s17;
	s15 =	simm.s32 $0x7;
	s17 =	simm.s32 $0x800  }
0x26: {  	s23 =	simm.s32 $0xA00;
	s25 =	simm.s32 $0xB00;
	s26 =	simm.s32 $0xA80  }
0x27: {  	s0 =	simm.s32 $0xD80;
	s3 =	sor.u32 $0x800, s3;
	[dreg:$0x17] =	wrdreg s23  }
0x28: {  	[dreg:$0x19] =	wrdreg s25;
	s23 =	simm.s32 $0x2;
	s3 =	sshrl.u32 s3, $0x3  }
0x29: {  	[dreg:$0x1a] =	wrdreg s26;
	s25 =	simm.s32 $0x6;
	s3 =	sadd.s32 s3, s5  }
0x2a: {  	s26 =	simm.s32 $0xC00;
	[smem:$0x7FC] =	sst s3;
	s3 =	simm.s32 $0xF00  }
.LBB2_1:
0x2b: {  	s11 =	rddreg [dreg:$0x1b]  }
0x2c: {  	[spmem:s13], [sflag:s7] =	dma.local [hbm:s11], $0x2700  }
0x2d: {  	_ =	swait.ge [sflag:s15], $0x2700  }
0x2e: {  	[sflag:s15] =	ssyncset.done $0x0  }
0x2f: {  	s11 =	rddreg [dreg:$0x1c];
	[sflag:s15] =	ssyncadd.s32 $0xFFFFD900  }
0x30: {  	[spmem:s14], [sflag:s7] =	dma.local @!p0 [hbm:s11], $0x100  }
0x31: {  	s11 =	simm.s32 @!p0 $0x7  }
0x32: {  	_ =	swait.ge @!p0 [sflag:s11], $0x100  }
0x33: {  	[sflag:s11] =	ssyncset.done @!p0 $0x0  }
0x34: {  	s14 =	rddreg [dreg:$0x1d];
	[sflag:s11] =	ssyncadd.s32 @!p0 $0xFFFFFF00  }
0x35: {  	[tilespmem:s4], [sflag:$0x7] =	stream.linear.gather [hbm4b:s14+s4], $0x800, $0x38;
	[tilespmem:$0x1C880] =	vst v63  }
0x36: {  	_ =	swait.ge [sflag:s15], $0x800  }
0x37: {  	[sflag:s15] =	ssyncset.done $0x0  }
0x38: {  	[sflag:s15] =	ssyncadd.s32 $0xFFFFF800  }
0x39: {  	[bflag:$0x0] =	sbarrier.arrive $0xFFFF  }
0x3a: {  	s16 =	smov.u32 s13;
	s13 =	sld [smem:$0x7FC];
	_ =	sdelay $0x2  }
0x3b: {  	[tilespmem:s17], [sflag:$0x6] =	stream.linear.gather [hbm4b:s13+s4], $0x800, $0x38;
	[tilespmem:$0x1C880] =	vst v63  }
0x3c: {  	_ = 	snop  }
0x3d: {  	[tilespmem:s19], [sflag:$0x1] =	stream.indirect.gather [hbm4b:s1+s18], $0x80, s4, s18, $0xb8;
	[tilespmem:$0x1C880] =	vst v63  }
0x3e: {  	s12 =	rddreg [dreg:$0x6]  }
0x3f: {  	[tilespmem:s20], [sflag:$0x2] =	stream.indirect.gather [hbm4b:s1+s18], $0x80, s12, s18, $0xb8;
	[tilespmem:$0x1C880] =	vst v63  }
0x40: {  	_ =	swait.ge [sflag:s21], $0x3E80  }
0x41: {  	[sflag:s21] =	ssyncset.done $0x0  }
0x42: {  	s14 =	rddreg [dreg:$0x7];
	[sflag:s21] =	ssyncadd.s32 $0xFFFFC180  }
0x43: {  	[spmem:s2] =	stream.indirect.scatter.add.f32 [tilespmem:s19], [sflag:$0x3], $0x80, s14, s18, $0xb8;
	[tilespmem:$0x1C880] =	vst v63  }
0x44: {  	_ =	swait.ge [sflag:s22], $0x3E80  }
0x45: {  	[sflag:s22] =	ssyncset.done $0x0  }
0x46: {  	s12 =	rddreg [dreg:$0x8];
	[sflag:s22] =	ssyncadd.s32 $0xFFFFC180  }
0x47: {  	[tilespmem:s19], [sflag:$0x1] =	stream.indirect.gather [hbm4b:s1+s18], $0x80, s12, s18, $0xb8;
	[tilespmem:$0x1C880] =	vst v63  }
0x48: {  	_ =	swait.ge [sflag:s23], $0x3E80  }
0x49: {  	[sflag:s23] =	ssyncset.done $0x0  }
0x4a: {  	s14 =	rddreg [dreg:$0x9];
	[sflag:s23] =	ssyncadd.s32 $0xFFFFC180  }
0x4b: {  	[spmem:s2] =	stream.indirect.scatter.add.f32 [tilespmem:s20], [sflag:$0x4], $0x80, s14, s18, $0xb8;
	[tilespmem:$0x1C880] =	vst v63  }
0x4c: {  	_ =	swait.ge [sflag:s24], $0x3E80  }
0x4d: {  	[sflag:s24] =	ssyncset.done $0x0  }
0x4e: {  	s12 =	rddreg [dreg:$0xa];
	[sflag:s24] =	ssyncadd.s32 $0xFFFFC180  }
0x4f: {  	[tilespmem:s20], [sflag:$0x2] =	stream.indirect.gather [hbm4b:s1+s18], $0x80, s12, s18, $0xb8;
	[tilespmem:$0x1C880] =	vst v63  }
0x50: {  	_ =	swait.ge [sflag:s21], $0x3E80  }
0x51: {  	[sflag:s21] =	ssyncset.done $0x0  }
0x52: {  	s14 =	rddreg [dreg:$0xb];
	[sflag:s21] =	ssyncadd.s32 $0xFFFFC180  }
0x53: {  	[spmem:s2] =	stream.indirect.scatter.add.f32 [tilespmem:s19], [sflag:$0x3], $0x80, s14, s18, $0xb8;
	[tilespmem:$0x1C880] =	vst v63  }
0x54: {  	_ =	swait.ge [sflag:s22], $0x3E80  }
0x55: {  	[sflag:s22] =	ssyncset.done $0x0  }
0x56: {  	s12 =	rddreg [dreg:$0xc];
	[sflag:s22] =	ssyncadd.s32 $0xFFFFC180  }
0x57: {  	[tilespmem:s19], [sflag:$0x1] =	stream.indirect.gather [hbm4b:s1+s18], $0x80, s12, s18, $0xb8;
	[tilespmem:$0x1C880] =	vst v63  }
0x58: {  	_ =	swait.ge [sflag:s23], $0x3E80  }
0x59: {  	[sflag:s23] =	ssyncset.done $0x0  }
0x5a: {  	s14 =	rddreg [dreg:$0xd];
	[sflag:s23] =	ssyncadd.s32 $0xFFFFC180  }
0x5b: {  	[spmem:s2] =	stream.indirect.scatter.add.f32 [tilespmem:s20], [sflag:$0x4], $0x80, s14, s18, $0xb8;
	[tilespmem:$0x1C880] =	vst v63  }
0x5c: {  	_ =	swait.ge [sflag:s24], $0x3E80  }
0x5d: {  	[sflag:s24] =	ssyncset.done $0x0  }
0x5e: {  	s12 =	rddreg [dreg:$0xe];
	[sflag:s24] =	ssyncadd.s32 $0xFFFFC180  }
0x5f: {  	[tilespmem:s20], [sflag:$0x2] =	stream.indirect.gather [hbm4b:s1+s18], $0x80, s12, s18, $0xb8;
	[tilespmem:$0x1C880] =	vst v63  }
0x60: {  	_ =	swait.ge [sflag:s21], $0x3E80  }
0x61: {  	[sflag:s21] =	ssyncset.done $0x0  }
0x62: {  	s14 =	rddreg [dreg:$0xf];
	[sflag:s21] =	ssyncadd.s32 $0xFFFFC180  }
0x63: {  	[spmem:s2] =	stream.indirect.scatter.add.f32 [tilespmem:s19], [sflag:$0x3], $0x80, s14, s18, $0xb8;
	[tilespmem:$0x1C880] =	vst v63  }
0x64: {  	_ =	swait.ge [sflag:s22], $0x3E80  }
0x65: {  	[sflag:s22] =	ssyncset.done $0x0  }
0x66: {  	s12 =	rddreg [dreg:$0x10];
	[sflag:s22] =	ssyncadd.s32 $0xFFFFC180  }
0x67: {  	[tilespmem:s19], [sflag:$0x1] =	stream.indirect.gather [hbm4b:s1+s18], $0x80, s12, s18, $0xb8;
	[tilespmem:$0x1C880] =	vst v63  }
0x68: {  	_ =	swait.ge [sflag:s23], $0x3E80  }
0x69: {  	[sflag:s23] =	ssyncset.done $0x0  }
0x6a: {  	s14 =	rddreg [dreg:$0x11];
	[sflag:s23] =	ssyncadd.s32 $0xFFFFC180  }
0x6b: {  	[spmem:s2] =	stream.indirect.scatter.add.f32 [tilespmem:s20], [sflag:$0x4], $0x80, s14, s18, $0xb8;
	[tilespmem:$0x1C880] =	vst v63  }
0x6c: {  	_ =	swait.ge [sflag:s24], $0x3E80  }
0x6d: {  	[sflag:s24] =	ssyncset.done $0x0  }
0x6e: {  	s12 =	rddreg [dreg:$0x12];
	[sflag:s24] =	ssyncadd.s32 $0xFFFFC180  }
0x6f: {  	[tilespmem:s20], [sflag:$0x2] =	stream.indirect.gather [hbm4b:s1+s18], $0x80, s12, s18, $0xb8;
	[tilespmem:$0x1C880] =	vst v63  }
0x70: {  	_ =	swait.ge [sflag:s21], $0x3E80  }
0x71: {  	[sflag:s21] =	ssyncset.done $0x0  }
0x72: {  	s14 =	rddreg [dreg:$0x13];
	[sflag:s21] =	ssyncadd.s32 $0xFFFFC180  }
0x73: {  	[spmem:s2] =	stream.indirect.scatter.add.f32 [tilespmem:s19], [sflag:$0x3], $0x80, s14, s18, $0xb8;
	[tilespmem:$0x1C880] =	vst v63  }
0x74: {  	_ =	swait.ge [sflag:s23], $0x3E80  }
0x75: {  	[sflag:s23] =	ssyncset.done $0x0  }
0x76: {  	s12 =	rddreg [dreg:$0x14];
	[sflag:s23] =	ssyncadd.s32 $0xFFFFC180  }
0x77: {  	[spmem:s2] =	stream.indirect.scatter.add.f32 [tilespmem:s20], [sflag:$0x4], $0x80, s12, s18, $0xb8;
	[tilespmem:$0x1C880] =	vst v63  }
0x78: {  	_ =	swait.ge [sflag:s22], $0x3E80  }
0x79: {  	[sflag:s22] =	ssyncset.done $0x0  }
0x7a: {  	[sflag:s22] =	ssyncadd.s32 $0xFFFFC180  }
0x7b: {  	_ =	swait.ge [sflag:s24], $0x3E80  }
0x7c: {  	[sflag:s24] =	ssyncset.done $0x0  }
0x7d: {  	[sflag:s24] =	ssyncadd.s32 $0xFFFFC180  }
0x7e: {  	s12 =	smin.u32 s4, $0x7;
	_ =	swait.ge [sflag:s25], $0x800  }
0x7f: {  	s12 =	sshll.u32 s12, $0xB;
	s14 =	rddreg [dreg:$0x5]  }
0x80: {  	s11 =	sadd.s32 s12, s14  }
0x81: {  	[sflag:s25] =	ssyncset.done $0x0;
	s11 =	sshrl.u32 s11, $0x3  }
0x82: {  	[sflag:s25] =	ssyncadd.s32 $0xFFFFF800;
	s11 =	sadd.s32 s5, s11  }
0x83: {  	[tilespmem:s4], [sflag:$0x5] =	stream.linear.gather [hbm4b:s11+s4], $0x800, $0x38;
	[tilespmem:$0x1C880] =	vst v63  }
0x84: {  	_ = 	snop  }
0x85: {  	[tilespmem:s19], [sflag:$0x1] =	stream.indirect.gather [hbm4b:s1+s18], $0x80, s17, s18, $0xb8;
	[tilespmem:$0x1C880] =	vst v63  }
0x86: {  	s12 =	rddreg [dreg:$0x15]  }
0x87: {  	[tilespmem:s20], [sflag:$0x2] =	stream.indirect.gather [hbm4b:s1+s18], $0x80, s12, s18, $0xb8;
	[tilespmem:$0x1C880] =	vst v63  }
0x88: {  	_ =	swait.ge [sflag:s21], $0x3E80  }
0x89: {  	[sflag:s21] =	ssyncset.done $0x0  }
0x8a: {  	s14 =	rddreg [dreg:$0x16];
	[sflag:s21] =	ssyncadd.s32 $0xFFFFC180  }
0x8b: {  	[spmem:s2] =	stream.indirect.scatter.add.f32 [tilespmem:s19], [sflag:$0x3], $0x80, s14, s18, $0xb8;
	[tilespmem:$0x1C880] =	vst v63  }
0x8c: {  	_ =	swait.ge [sflag:s22], $0x3E80  }
0x8d: {  	[sflag:s22] =	ssyncset.done $0x0  }
0x8e: {  	s12 =	rddreg [dreg:$0x17];
	[sflag:s22] =	ssyncadd.s32 $0xFFFFC180  }
0x8f: {  	[tilespmem:s19], [sflag:$0x1] =	stream.indirect.gather [hbm4b:s1+s18], $0x80, s12, s18, $0xb8;
	[tilespmem:$0x1C880] =	vst v63  }
0x90: {  	_ =	swait.ge [sflag:s23], $0x3E80  }
0x91: {  	[sflag:s23] =	ssyncset.done $0x0  }
0x92: {  	s14 =	rddreg [dreg:$0x18];
	[sflag:s23] =	ssyncadd.s32 $0xFFFFC180  }
0x93: {  	[spmem:s2] =	stream.indirect.scatter.add.f32 [tilespmem:s20], [sflag:$0x4], $0x80, s14, s18, $0xb8;
	[tilespmem:$0x1C880] =	vst v63  }
0x94: {  	_ =	swait.ge [sflag:s24], $0x3E80  }
0x95: {  	[sflag:s24] =	ssyncset.done $0x0  }
0x96: {  	s12 =	rddreg [dreg:$0x19];
	[sflag:s24] =	ssyncadd.s32 $0xFFFFC180  }
0x97: {  	[tilespmem:s20], [sflag:$0x2] =	stream.indirect.gather [hbm4b:s1+s18], $0x80, s12, s18, $0xb8;
	[tilespmem:$0x1C880] =	vst v63  }
0x98: {  	_ =	swait.ge [sflag:s21], $0x3E80  }
0x99: {  	[sflag:s21] =	ssyncset.done $0x0  }
0x9a: {  	s14 =	rddreg [dreg:$0x1a];
	[sflag:s21] =	ssyncadd.s32 $0xFFFFC180  }
0x9b: {  	[spmem:s2] =	stream.indirect.scatter.add.f32 [tilespmem:s19], [sflag:$0x3], $0x80, s14, s18, $0xb8;
	[tilespmem:$0x1C880] =	vst v63  }
0x9c: {  	_ =	swait.ge [sflag:s22], $0x3E80  }
0x9d: {  	[sflag:s22] =	ssyncset.done $0x0  }
0x9e: {  	[sflag:s22] =	ssyncadd.s32 $0xFFFFC180  }
0x9f: {  	[tilespmem:s19], [sflag:$0x1] =	stream.indirect.gather [hbm4b:s1+s18], $0x80, s26, s18, $0xb8;
	[tilespmem:$0x1C880] =	vst v63  }
0xa0: {  	_ =	swait.ge [sflag:s23], $0x3E80  }
0xa1: {  	[sflag:s23] =	ssyncset.done $0x0  }
0xa2: {  	[sflag:s23] =	ssyncadd.s32 $0xFFFFC180  }
0xa3: {  	[spmem:s2] =	stream.indirect.scatter.add.f32 [tilespmem:s20], [sflag:$0x4], $0x80, s28, s18, $0xb8;
	[tilespmem:$0x1C880] =	vst v63  }
0xa4: {  	_ =	swait.ge [sflag:s24], $0x3E80  }
0xa5: {  	[sflag:s24] =	ssyncset.done $0x0  }
0xa6: {  	[sflag:s24] =	ssyncadd.s32 $0xFFFFC180  }
0xa7: {  	[tilespmem:s20], [sflag:$0x2] =	stream.indirect.gather [hbm4b:s1+s18], $0x80, s29, s18, $0xb8;
	[tilespmem:$0x1C880] =	vst v63  }
0xa8: {  	_ =	swait.ge [sflag:s21], $0x3E80  }
0xa9: {  	[sflag:s21] =	ssyncset.done $0x0  }
0xaa: {  	[sflag:s21] =	ssyncadd.s32 $0xFFFFC180  }
0xab: {  	[spmem:s2] =	stream.indirect.scatter.add.f32 [tilespmem:s19], [sflag:$0x3], $0x80, s30, s18, $0xb8;
	[tilespmem:$0x1C880] =	vst v63  }
0xac: {  	_ =	swait.ge [sflag:s22], $0x3E80  }
0xad: {  	[sflag:s22] =	ssyncset.done $0x0  }
0xae: {  	[sflag:s22] =	ssyncadd.s32 $0xFFFFC180  }
0xaf: {  	[tilespmem:s19], [sflag:$0x1] =	stream.indirect.gather [hbm4b:s1+s18], $0x80, s31, s18, $0xb8;
	[tilespmem:$0x1C880] =	vst v63  }
0xb0: {  	_ =	swait.ge [sflag:s23], $0x3E80  }
0xb1: {  	[sflag:s23] =	ssyncset.done $0x0  }
0xb2: {  	[sflag:s23] =	ssyncadd.s32 $0xFFFFC180  }
0xb3: {  	[spmem:s2] =	stream.indirect.scatter.add.f32 [tilespmem:s20], [sflag:$0x4], $0x80, s0, s18, $0xb8;
	[tilespmem:$0x1C880] =	vst v63  }
0xb4: {  	_ =	swait.ge [sflag:s24], $0x3E80  }
0xb5: {  	[sflag:s24] =	ssyncset.done $0x0  }
0xb6: {  	[sflag:s24] =	ssyncadd.s32 $0xFFFFC180  }
0xb7: {  	[tilespmem:s20], [sflag:$0x2] =	stream.indirect.gather [hbm4b:s1+s18], $0x80, s3, s18, $0xb8;
	[tilespmem:$0x1C880] =	vst v63  }
0xb8: {  	_ =	swait.ge [sflag:s21], $0x3E80  }
0xb9: {  	[sflag:s21] =	ssyncset.done $0x0  }
0xba: {  	[sflag:s21] =	ssyncadd.s32 $0xFFFFC180  }
0xbb: {  	[spmem:s2] =	stream.indirect.scatter.add.f32 [tilespmem:s19], [sflag:$0x3], $0x80, s6, s18, $0xb8;
	[tilespmem:$0x1C880] =	vst v63  }
0xbc: {  	_ =	swait.ge [sflag:s23], $0x3E80  }
0xbd: {  	[sflag:s23] =	ssyncset.done $0x0  }
0xbe: {  	[sflag:s23] =	ssyncadd.s32 $0xFFFFC180  }
0xbf: {  	[spmem:s2] =	stream.indirect.scatter.add.f32 [tilespmem:s20], [sflag:$0x4], $0x80, s8, s18, $0xb8;
	[tilespmem:$0x1C880] =	vst v63  }
0xc0: {  	_ =	swait.ge [sflag:s22], $0x3E80  }
0xc1: {  	[sflag:s22] =	ssyncset.done $0x0  }
0xc2: {  	[sflag:s22] =	ssyncadd.s32 $0xFFFFC180  }
0xc3: {  	_ =	swait.ge [sflag:s24], $0x3E80  }
0xc4: {  	[sflag:s24] =	ssyncset.done $0x0  }
0xc5: {  	[sflag:s24] =	ssyncadd.s32 $0xFFFFC180  }
0xc6: {  	_ =	swait.ge [sflag:s9], $0x800  }
0xc7: {  	s11 =	simm.s32 $0x2;
	[sflag:s9] =	ssyncset.done $0x0  }
.LBB2_2:
0xc8: {  	[sflag:s9] =	ssyncadd.s32 $0xFFFFF800;
	s13 =	sadd.s32 $0x200, s13  }
0xc9: {  	[tilespmem:s17], [sflag:$0x6] =	stream.linear.gather [hbm4b:s13+s4], $0x800, $0x38;
	[tilespmem:$0x1C880] =	vst v63  }
0xca: {  	_ = 	snop  }
0xcb: {  	[tilespmem:s19], [sflag:$0x1] =	stream.indirect.gather [hbm4b:s1+s18], $0x80, s4, s18, $0xb8;
	[tilespmem:$0x1C880] =	vst v63  }
0xcc: {  	s14 =	rddreg [dreg:$0x6]  }
0xcd: {  	[tilespmem:s20], [sflag:$0x2] =	stream.indirect.gather [hbm4b:s1+s18], $0x80, s14, s18, $0xb8;
	[tilespmem:$0x1C880] =	vst v63  }
0xce: {  	_ =	swait.ge [sflag:s21], $0x3E80  }
0xcf: {  	[sflag:s21] =	ssyncset.done $0x0  }
0xd0: {  	s14 =	rddreg [dreg:$0x7];
	[sflag:s21] =	ssyncadd.s32 $0xFFFFC180  }
0xd1: {  	[spmem:s2] =	stream.indirect.scatter.add.f32 [tilespmem:s19], [sflag:$0x3], $0x80, s14, s18, $0xb8;
	[tilespmem:$0x1C880] =	vst v63  }
0xd2: {  	_ =	swait.ge [sflag:s22], $0x3E80  }
0xd3: {  	[sflag:s22] =	ssyncset.done $0x0  }
0xd4: {  	s14 =	rddreg [dreg:$0x8];
	[sflag:s22] =	ssyncadd.s32 $0xFFFFC180  }
0xd5: {  	[tilespmem:s19], [sflag:$0x1] =	stream.indirect.gather [hbm4b:s1+s18], $0x80, s14, s18, $0xb8;
	[tilespmem:$0x1C880] =	vst v63  }
0xd6: {  	_ =	swait.ge [sflag:s23], $0x3E80  }
0xd7: {  	[sflag:s23] =	ssyncset.done $0x0  }
0xd8: {  	s14 =	rddreg [dreg:$0x9];
	[sflag:s23] =	ssyncadd.s32 $0xFFFFC180  }
0xd9: {  	[spmem:s2] =	stream.indirect.scatter.add.f32 [tilespmem:s20], [sflag:$0x4], $0x80, s14, s18, $0xb8;
	[tilespmem:$0x1C880] =	vst v63  }
0xda: {  	_ =	swait.ge [sflag:s24], $0x3E80  }
0xdb: {  	[sflag:s24] =	ssyncset.done $0x0  }
0xdc: {  	s14 =	rddreg [dreg:$0xa];
	[sflag:s24] =	ssyncadd.s32 $0xFFFFC180  }
0xdd: {  	[tilespmem:s20], [sflag:$0x2] =	stream.indirect.gather [hbm4b:s1+s18], $0x80, s14, s18, $0xb8;
	[tilespmem:$0x1C880] =	vst v63  }
0xde: {  	_ =	swait.ge [sflag:s21], $0x3E80  }
0xdf: {  	[sflag:s21] =	ssyncset.done $0x0  }
0xe0: {  	s14 =	rddreg [dreg:$0xb];
	[sflag:s21] =	ssyncadd.s32 $0xFFFFC180  }
0xe1: {  	[spmem:s2] =	stream.indirect.scatter.add.f32 [tilespmem:s19], [sflag:$0x3], $0x80, s14, s18, $0xb8;
	[tilespmem:$0x1C880] =	vst v63  }
0xe2: {  	_ =	swait.ge [sflag:s22], $0x3E80  }
0xe3: {  	[sflag:s22] =	ssyncset.done $0x0  }
0xe4: {  	s14 =	rddreg [dreg:$0xc];
	[sflag:s22] =	ssyncadd.s32 $0xFFFFC180  }
0xe5: {  	[tilespmem:s19], [sflag:$0x1] =	stream.indirect.gather [hbm4b:s1+s18], $0x80, s14, s18, $0xb8;
	[tilespmem:$0x1C880] =	vst v63  }
0xe6: {  	_ =	swait.ge [sflag:s23], $0x3E80  }
0xe7: {  	[sflag:s23] =	ssyncset.done $0x0  }
0xe8: {  	s14 =	rddreg [dreg:$0xd];
	[sflag:s23] =	ssyncadd.s32 $0xFFFFC180  }
0xe9: {  	[spmem:s2] =	stream.indirect.scatter.add.f32 [tilespmem:s20], [sflag:$0x4], $0x80, s14, s18, $0xb8;
	[tilespmem:$0x1C880] =	vst v63  }
0xea: {  	_ =	swait.ge [sflag:s24], $0x3E80  }
0xeb: {  	[sflag:s24] =	ssyncset.done $0x0  }
0xec: {  	s14 =	rddreg [dreg:$0xe];
	[sflag:s24] =	ssyncadd.s32 $0xFFFFC180  }
0xed: {  	[tilespmem:s20], [sflag:$0x2] =	stream.indirect.gather [hbm4b:s1+s18], $0x80, s14, s18, $0xb8;
	[tilespmem:$0x1C880] =	vst v63  }
0xee: {  	_ =	swait.ge [sflag:s21], $0x3E80  }
0xef: {  	[sflag:s21] =	ssyncset.done $0x0  }
0xf0: {  	s14 =	rddreg [dreg:$0xf];
	[sflag:s21] =	ssyncadd.s32 $0xFFFFC180  }
0xf1: {  	[spmem:s2] =	stream.indirect.scatter.add.f32 [tilespmem:s19], [sflag:$0x3], $0x80, s14, s18, $0xb8;
	[tilespmem:$0x1C880] =	vst v63  }
0xf2: {  	_ =	swait.ge [sflag:s22], $0x3E80  }
0xf3: {  	[sflag:s22] =	ssyncset.done $0x0  }
0xf4: {  	s14 =	rddreg [dreg:$0x10];
	[sflag:s22] =	ssyncadd.s32 $0xFFFFC180  }
0xf5: {  	[tilespmem:s19], [sflag:$0x1] =	stream.indirect.gather [hbm4b:s1+s18], $0x80, s14, s18, $0xb8;
	[tilespmem:$0x1C880] =	vst v63  }
0xf6: {  	_ =	swait.ge [sflag:s23], $0x3E80  }
0xf7: {  	[sflag:s23] =	ssyncset.done $0x0  }
0xf8: {  	s14 =	rddreg [dreg:$0x11];
	[sflag:s23] =	ssyncadd.s32 $0xFFFFC180  }
0xf9: {  	[spmem:s2] =	stream.indirect.scatter.add.f32 [tilespmem:s20], [sflag:$0x4], $0x80, s14, s18, $0xb8;
	[tilespmem:$0x1C880] =	vst v63  }
0xfa: {  	_ =	swait.ge [sflag:s24], $0x3E80  }
0xfb: {  	[sflag:s24] =	ssyncset.done $0x0  }
0xfc: {  	s14 =	rddreg [dreg:$0x12];
	[sflag:s24] =	ssyncadd.s32 $0xFFFFC180  }
0xfd: {  	[tilespmem:s20], [sflag:$0x2] =	stream.indirect.gather [hbm4b:s1+s18], $0x80, s14, s18, $0xb8;
	[tilespmem:$0x1C880] =	vst v63  }
0xfe: {  	_ =	swait.ge [sflag:s21], $0x3E80  }
0xff: {  	[sflag:s21] =	ssyncset.done $0x0  }
0x100: {  	s14 =	rddreg [dreg:$0x13];
	[sflag:s21] =	ssyncadd.s32 $0xFFFFC180  }
0x101: {  	[spmem:s2] =	stream.indirect.scatter.add.f32 [tilespmem:s19], [sflag:$0x3], $0x80, s14, s18, $0xb8;
	[tilespmem:$0x1C880] =	vst v63  }
0x102: {  	_ =	swait.ge [sflag:s23], $0x3E80  }
0x103: {  	[sflag:s23] =	ssyncset.done $0x0  }
0x104: {  	s14 =	rddreg [dreg:$0x14];
	[sflag:s23] =	ssyncadd.s32 $0xFFFFC180  }
0x105: {  	[spmem:s2] =	stream.indirect.scatter.add.f32 [tilespmem:s20], [sflag:$0x4], $0x80, s14, s18, $0xb8;
	[tilespmem:$0x1C880] =	vst v63  }
0x106: {  	_ =	swait.ge [sflag:s22], $0x3E80  }
0x107: {  	[sflag:s22] =	ssyncset.done $0x0  }
0x108: {  	[sflag:s22] =	ssyncadd.s32 $0xFFFFC180  }
0x109: {  	_ =	swait.ge [sflag:s24], $0x3E80  }
0x10a: {  	[sflag:s24] =	ssyncset.done $0x0  }
0x10b: {  	s12 =	smov.u32 s11;
	[sflag:s24] =	ssyncadd.s32 $0xFFFFC180  }
0x10c: {  	s12 =	smin.u32 s12, $0x7;
	_ =	swait.ge [sflag:s25], $0x800  }
0x10d: {  	s12 =	sshll.u32 s12, $0xB;
	s14 =	rddreg [dreg:$0x5]  }
0x10e: {  	s12 =	sadd.s32 s12, s14  }
0x10f: {  	[sflag:s25] =	ssyncset.done $0x0;
	s12 =	sshrl.u32 s12, $0x3  }
0x110: {  	[sflag:s25] =	ssyncadd.s32 $0xFFFFF800;
	s12 =	sadd.s32 s5, s12  }
0x111: {  	[tilespmem:s4], [sflag:$0x5] =	stream.linear.gather [hbm4b:s12+s4], $0x800, $0x38;
	[tilespmem:$0x1C880] =	vst v63  }
0x112: {  	_ = 	snop  }
0x113: {  	[tilespmem:s19], [sflag:$0x1] =	stream.indirect.gather [hbm4b:s1+s18], $0x80, s17, s18, $0xb8;
	[tilespmem:$0x1C880] =	vst v63  }
0x114: {  	s14 =	rddreg [dreg:$0x15]  }
0x115: {  	[tilespmem:s20], [sflag:$0x2] =	stream.indirect.gather [hbm4b:s1+s18], $0x80, s14, s18, $0xb8;
	[tilespmem:$0x1C880] =	vst v63  }
0x116: {  	_ =	swait.ge [sflag:s21], $0x3E80  }
0x117: {  	[sflag:s21] =	ssyncset.done $0x0  }
0x118: {  	s14 =	rddreg [dreg:$0x16];
	[sflag:s21] =	ssyncadd.s32 $0xFFFFC180  }
0x119: {  	[spmem:s2] =	stream.indirect.scatter.add.f32 [tilespmem:s19], [sflag:$0x3], $0x80, s14, s18, $0xb8;
	[tilespmem:$0x1C880] =	vst v63  }
0x11a: {  	_ =	swait.ge [sflag:s22], $0x3E80  }
0x11b: {  	[sflag:s22] =	ssyncset.done $0x0  }
0x11c: {  	s14 =	rddreg [dreg:$0x17];
	[sflag:s22] =	ssyncadd.s32 $0xFFFFC180  }
0x11d: {  	[tilespmem:s19], [sflag:$0x1] =	stream.indirect.gather [hbm4b:s1+s18], $0x80, s14, s18, $0xb8;
	[tilespmem:$0x1C880] =	vst v63  }
0x11e: {  	_ =	swait.ge [sflag:s23], $0x3E80  }
0x11f: {  	[sflag:s23] =	ssyncset.done $0x0  }
0x120: {  	s14 =	rddreg [dreg:$0x18];
	[sflag:s23] =	ssyncadd.s32 $0xFFFFC180  }
0x121: {  	[spmem:s2] =	stream.indirect.scatter.add.f32 [tilespmem:s20], [sflag:$0x4], $0x80, s14, s18, $0xb8;
	[tilespmem:$0x1C880] =	vst v63  }
0x122: {  	_ =	swait.ge [sflag:s24], $0x3E80  }
0x123: {  	[sflag:s24] =	ssyncset.done $0x0  }
0x124: {  	s14 =	rddreg [dreg:$0x19];
	[sflag:s24] =	ssyncadd.s32 $0xFFFFC180  }
0x125: {  	[tilespmem:s20], [sflag:$0x2] =	stream.indirect.gather [hbm4b:s1+s18], $0x80, s14, s18, $0xb8;
	[tilespmem:$0x1C880] =	vst v63  }
0x126: {  	_ =	swait.ge [sflag:s21], $0x3E80  }
0x127: {  	[sflag:s21] =	ssyncset.done $0x0  }
0x128: {  	s14 =	rddreg [dreg:$0x1a];
	[sflag:s21] =	ssyncadd.s32 $0xFFFFC180  }
0x129: {  	[spmem:s2] =	stream.indirect.scatter.add.f32 [tilespmem:s19], [sflag:$0x3], $0x80, s14, s18, $0xb8;
	[tilespmem:$0x1C880] =	vst v63  }
0x12a: {  	_ =	swait.ge [sflag:s22], $0x3E80  }
0x12b: {  	[sflag:s22] =	ssyncset.done $0x0  }
0x12c: {  	[sflag:s22] =	ssyncadd.s32 $0xFFFFC180  }
0x12d: {  	[tilespmem:s19], [sflag:$0x1] =	stream.indirect.gather [hbm4b:s1+s18], $0x80, s26, s18, $0xb8;
	[tilespmem:$0x1C880] =	vst v63  }
0x12e: {  	_ =	swait.ge [sflag:s23], $0x3E80  }
0x12f: {  	[sflag:s23] =	ssyncset.done $0x0  }
0x130: {  	[sflag:s23] =	ssyncadd.s32 $0xFFFFC180  }
0x131: {  	[spmem:s2] =	stream.indirect.scatter.add.f32 [tilespmem:s20], [sflag:$0x4], $0x80, s28, s18, $0xb8;
	[tilespmem:$0x1C880] =	vst v63  }
0x132: {  	_ =	swait.ge [sflag:s24], $0x3E80  }
0x133: {  	[sflag:s24] =	ssyncset.done $0x0  }
0x134: {  	[sflag:s24] =	ssyncadd.s32 $0xFFFFC180  }
0x135: {  	[tilespmem:s20], [sflag:$0x2] =	stream.indirect.gather [hbm4b:s1+s18], $0x80, s29, s18, $0xb8;
	[tilespmem:$0x1C880] =	vst v63  }
0x136: {  	_ =	swait.ge [sflag:s21], $0x3E80  }
0x137: {  	[sflag:s21] =	ssyncset.done $0x0  }
0x138: {  	[sflag:s21] =	ssyncadd.s32 $0xFFFFC180  }
0x139: {  	[spmem:s2] =	stream.indirect.scatter.add.f32 [tilespmem:s19], [sflag:$0x3], $0x80, s30, s18, $0xb8;
	[tilespmem:$0x1C880] =	vst v63  }
0x13a: {  	_ =	swait.ge [sflag:s22], $0x3E80  }
0x13b: {  	[sflag:s22] =	ssyncset.done $0x0  }
0x13c: {  	[sflag:s22] =	ssyncadd.s32 $0xFFFFC180  }
0x13d: {  	[tilespmem:s19], [sflag:$0x1] =	stream.indirect.gather [hbm4b:s1+s18], $0x80, s31, s18, $0xb8;
	[tilespmem:$0x1C880] =	vst v63  }
0x13e: {  	_ =	swait.ge [sflag:s23], $0x3E80  }
0x13f: {  	[sflag:s23] =	ssyncset.done $0x0  }
0x140: {  	[sflag:s23] =	ssyncadd.s32 $0xFFFFC180  }
0x141: {  	[spmem:s2] =	stream.indirect.scatter.add.f32 [tilespmem:s20], [sflag:$0x4], $0x80, s0, s18, $0xb8;
	[tilespmem:$0x1C880] =	vst v63  }
0x142: {  	_ =	swait.ge [sflag:s24], $0x3E80  }
0x143: {  	[sflag:s24] =	ssyncset.done $0x0  }
0x144: {  	[sflag:s24] =	ssyncadd.s32 $0xFFFFC180  }
0x145: {  	[tilespmem:s20], [sflag:$0x2] =	stream.indirect.gather [hbm4b:s1+s18], $0x80, s3, s18, $0xb8;
	[tilespmem:$0x1C880] =	vst v63  }
0x146: {  	_ =	swait.ge [sflag:s21], $0x3E80  }
0x147: {  	[sflag:s21] =	ssyncset.done $0x0  }
0x148: {  	[sflag:s21] =	ssyncadd.s32 $0xFFFFC180  }
0x149: {  	[spmem:s2] =	stream.indirect.scatter.add.f32 [tilespmem:s19], [sflag:$0x3], $0x80, s6, s18, $0xb8;
	[tilespmem:$0x1C880] =	vst v63  }
0x14a: {  	_ =	swait.ge [sflag:s23], $0x3E80  }
0x14b: {  	[sflag:s23] =	ssyncset.done $0x0  }
0x14c: {  	[sflag:s23] =	ssyncadd.s32 $0xFFFFC180  }
0x14d: {  	[spmem:s2] =	stream.indirect.scatter.add.f32 [tilespmem:s20], [sflag:$0x4], $0x80, s8, s18, $0xb8;
	[tilespmem:$0x1C880] =	vst v63  }
0x14e: {  	_ =	swait.ge [sflag:s22], $0x3E80  }
0x14f: {  	[sflag:s22] =	ssyncset.done $0x0  }
0x150: {  	p1 =	sne.s32 s11, $0x8;
	[sflag:s22] =	ssyncadd.s32 $0xFFFFC180  }
.Ltmp0:
0x151: {  	_ =	swait.ge [sflag:s24], $0x3E80;
	(pc) =	sbr.rel @p1 .LBB2_2-.Ltmp0, $4  }
0x152: {  	[sflag:s24] =	ssyncset.done $0x0  }
0x153: {  	[sflag:s24] =	ssyncadd.s32 $0xFFFFC180  }
0x154: {  	_ =	swait.ge [sflag:s9], $0x800  }
0x155: {  	s11 =	sadd.s32 $0x2, s11;
	[sflag:s9] =	ssyncset.done $0x0  }
0x156: {  	[sflag:s9] =	ssyncadd.s32 $0xFFFFF800  }
0x157: {  	[bflag:$0x0] =	sbarrier.arrive $0xFFFF  }
0x158: {  	s11 =	rddreg [dreg:$0x1e]  }
0x159: {  	[hbm:s11], [sflag:s7] =	dma.local [spmem:s16], $0x2700  }
0x15a: {  	_ =	swait.ge [sflag:s15], $0x2700  }
0x15b: {  	s14 =	sld [smem:$0x7FD]  }
0x15c: {  	[sflag:s15] =	ssyncset.done $0x0  }
0x15d: {  	s11 =	rddreg [dreg:$0x1f];
	[sflag:s15] =	ssyncadd.s32 $0xFFFFD900  }
0x15e: {  	[hbm:s11], [sflag:s7] =	dma.local @!p0 [spmem:s14], $0x100  }
0x15f: {  	s11 =	simm.s32 @!p0 $0x7  }
0x160: {  	_ =	swait.ge @!p0 [sflag:s11], $0x100  }
0x161: {  	s12 =	sld [smem:$0x7FB];
	_ =	sdelay $0x1  }
0x162: {  	s10 =	sadd.s32 $0x1, s10  }
0x163: {  	p1 =	sne.s32 s10, s12  }
.Ltmp1:
0x164: {  	_ = 	snop;
	(pc) =	sbr.rel @p1 .LBB2_1-.Ltmp1, $3  }
0x165: {  	_ =	sdelay $0x1  }
0x166: {  	[sflag:s11] =	ssyncset.done @!p0 $0x0  }
0x167: {  	s13 =	smov.u32 s16;
	[sflag:s11] =	ssyncadd.s32 @!p0 $0xFFFFFF00  }
0x168: {  	_ =	sfence.sel $0x180000  }
0x169: {  	[bflag:$0x0] =	sbarrier.arrive $0xFFFF  }
0x16a: {  	_ =	strace $0x9000004A  }
0x16b: {  	s0 =	stileid.u32;
	[bflag:$0x2] =	sbarrier.arrive $0xFFFF  }
0x16c: {  	p0 =	sne.s32 s0, $0x0;
	s0 =	rddreg [dreg:$0x4]  }
0x16d: {  	s0 =	sadd.s32 @!p0 $0x100000, s0  }
0x16e: {  	[sflag:s0] =	ssyncadd.tile.s32 @!p0 $0x1;
	_ =	shalt  }
.Lfunc_end2:
_tile_overlayer_lowered:
.L_overlay_start_2:
0x16f: {  	(tag) =	ssettag $0x2  }
0x170: {  	s0 =	rddreg [dreg:$0x0];
	s2 =	stileid.u32  }
0x171: {  	s1 =	rddreg [dreg:$0x1];
	p0 =	sne.s32 s2, $0x0  }
0x172: {  	s3 =	rddreg [dreg:$0x2];
	[bflag:$0x3] =	sbarrier.arrive $0xFFFF;
	s2 =	simm.s32 @!p0 $0x1C07  }
0x173: {  	[timem:s3], [sflag:s2] =	dma.local @!p0 [hbm:s0], s1  }
0x174: {  	s0 =	simm.s32 @!p0 $0x7  }
0x175: {  	_ =	swait.ge @!p0 [sflag:s0], s1  }
0x176: {  	s1 =	ssub.s32 @!p0 $0x0, s1;
	[sflag:s0] =	ssyncset.done @!p0 $0x0  }
0x177: {  	[sflag:s0] =	ssyncadd.s32 @!p0 s1  }
0x178: {  	[bflag:$0x3] =	sbarrier.arrive $0xFFFF  }
0x179: {  	_ =	shalt  }

// kernel: kernel.13.cloned.1.call-start
scs
__scs_entry_jumppad:
0x0: {  	(pc) =	sbr.rel $0x88, $3  }
0x1: {  	(tag) =	ssettag $0x0;
	lr =	simm.s32 $0x1  }
0x2: {  	[smem:$0x3F97] =	sst lr;
	_ =	strace $0xD0000000  }
0x3: {  	_ = 	snop  }
0x4: {  	_ = 	snop  }
0x5: {  	_ = 	snop  }
0x6: {  	_ = 	snop  }
0x7: {  	_ = 	snop  }
__scs_overlays_trampoline_lowered:
0x8: {  	[smem:$0x3FA6] =	sst s0  }
0x9: {  	[smem:$0x3FA7] =	sst s1  }
0xa: {  	[smem:$0x3FA8] =	sst s2  }
0xb: {  	[smem:$0x3FA9] =	sst s3  }
0xc: {  	[smem:$0x3FAA] =	sst s4  }
0xd: {  	[smem:$0x3FAB] =	sst s5  }
0xe: {  	[smem:$0x3FAC] =	sst s6  }
0xf: {  	[smem:$0x3FAD] =	sst s7  }
0x10: {  	[smem:$0x3FAE] =	sst s8  }
0x11: {  	[smem:$0x3FAF] =	sst s9;
	s0 =	simm.s32 @!p0 $0x0  }
0x12: {  	s1 =	sld [smem:$0x3F95];
	s0 =	simm.s32 @p0 $0x1  }
0x13: {  	[smem:$0x3FB0] =	sst s0;
	s0 =	simm.s32 @!p1 $0x0  }
0x14: {  	s2 =	sld [smem:$0x3F94];
	s0 =	simm.s32 @p1 $0x1  }
0x15: {  	[smem:$0x3FB1] =	sst s0;
	s0 =	simm.s32 @!p2 $0x0  }
0x16: {  	s3 =	sld [smem:$0x3FDB];
	s0 =	simm.s32 @p2 $0x1  }
0x17: {  	s4 =	simm.s32 $0x1BF5;
	[smem:$0x3FB3] =	sst s0  }
0x18: {  	s0 =	sld [smem:$0x3F96];
	_ =	swait.ge [sflag:s4], $0x0  }
0x19: {  	s7 =	sld [smem:$0x3F97]  }
0x1a: {  	s8 =	sadd.s32 $0xFFFFE003, lr  }
0x1b: {  	s9 =	sadd.s32 $0xFFFFFEF7, lr;
	s5 =	simm.s32 $0xFFFFFFFF;
	p2 =	slt.u32 s8, $0xFFFFF086  }
0x1c: {  	p1 =	slt.u32 s9, $0xF7A;
	s5 =	simm.s32 @!p2 $0x0  }
0x1d: {  	s5 =	simm.s32 @p1 $0x1;
	p0 =	seq.s32 s7, s2  }
0x1e: {  	s7 =	smul.u32 @!p0 $0xF7A, s2;
	p2 =	seq.s32 @!p0 s5, $0x0  }
0x1f: {  	s9 =	smul.u32 $0xF7A, s1;
	s8 =	simm.s32 @!p0 $0x1BF5;
	p2 =	por !p2, p0  }
0x20: {  	[sflag:s8] =	ssyncset.s32 @!p0 $0xFFFFF086;
	s6 =	sadd.s32 @!p0 s3, s7;
	s7 =	simm.s32 @!p0 $0x108  }
0x21: {  	s3 =	sadd.s32 s3, s9;
	s6 =	sadd.s32 @!p0 $0x88, s6;
	s7 =	simm.s32 @p2 $0x1082  }
0x22: {  	[simem:s7], [sflag:s8] =	dma.local @!p0 [hbm:s6], $0xF7A  }
0x23: {  	s9 =	sor.u32 $0xD0000000, s2;
	s6 =	simm.s32 $0x108;
	_ =	swait.ge @!p0 [sflag:s8], $0x0  }
0x24: {  	s3 =	sadd.s32 $0x88, s3;
	s6 =	simm.s32 @!p1 $0x1082;
	[sflag:s4] =	ssyncset.s32 $0xFFFFF086  }
0x25: {  	[simem:s6], [sflag:s4] =	dma.local [hbm:s3], $0xF7A  }
0x26: {  	[smem:$0x3F97] =	sst s1;
	(tag) =	ssettag s2;
	_ =	strace s9  }
0x27: {  	s1 =	sld [smem:$0x3FA7]  }
0x28: {  	s2 =	sld [smem:$0x3FA8]  }
0x29: {  	s4 =	sld [smem:$0x3FAA]  }
0x2a: {  	p0 =	seq.s32 s5, $0x0;
	s5 =	sld [smem:$0x3FAB]  }
0x2b: {  	s6 =	sld [smem:$0x3FAC]  }
0x2c: {  	s7 =	sld [smem:$0x3FAD]  }
0x2d: {  	s3 =	simm.s32 $0x108;
	s8 =	sld [smem:$0x3FAE]  }
0x2e: {  	s3 =	simm.s32 @!p0 $0x1082;
	s9 =	sld [smem:$0x3FAF]  }
0x2f: {  	lr =	sadd.s32 s0, s3;
	s0 =	sld [smem:$0x3FA6]  }
0x30: {  	s3 =	sld [smem:$0x3FA9]  }
0x31: {  	[smem:$0x3FB2] =	sst s10  }
0x32: {  	s10 =	sld [smem:$0x3FB0];
	_ =	sdelay $0x3  }
0x33: {  	p0 =	seq.s32 s10, $0x1;
	s10 =	sld [smem:$0x3FB2];
	_ =	sdelay $0x3  }
0x34: {  	[smem:$0x3FB2] =	sst s10  }
0x35: {  	s10 =	sld [smem:$0x3FB1];
	_ =	sdelay $0x3  }
0x36: {  	p1 =	seq.s32 s10, $0x1;
	s10 =	sld [smem:$0x3FB2];
	_ =	sdelay $0x3  }
0x37: {  	[smem:$0x3FB2] =	sst s10  }
0x38: {  	s10 =	sld [smem:$0x3FB3]  }
0x39: {  	_ = 	snop;
	(pc) =	sbr.ind lr, $3  }
0x3a: {  	_ = 	snop  }
0x3b: {  	_ = 	snop  }
0x3c: {  	p2 =	seq.s32 s10, $0x1;
	s10 =	sld [smem:$0x3FB2]  }
0x3d: {  	_ =	shalt  }
0x3e: {  	_ =	shalt  }
0x3f: {  	_ =	shalt  }
0x40: {  	_ =	shalt  }
0x41: {  	_ =	shalt  }
0x42: {  	_ =	shalt  }
0x43: {  	_ =	shalt  }
0x44: {  	_ =	shalt  }
0x45: {  	_ =	shalt  }
0x46: {  	_ =	shalt  }
0x47: {  	_ =	shalt  }
0x48: {  	_ =	shalt  }
0x49: {  	_ =	shalt  }
0x4a: {  	_ =	shalt  }
0x4b: {  	_ =	shalt  }
0x4c: {  	_ =	shalt  }
0x4d: {  	_ =	shalt  }
0x4e: {  	_ =	shalt  }
0x4f: {  	_ =	shalt  }
0x50: {  	_ =	shalt  }
0x51: {  	_ =	shalt  }
0x52: {  	_ =	shalt  }
0x53: {  	_ =	shalt  }
0x54: {  	_ =	shalt  }
0x55: {  	_ =	shalt  }
0x56: {  	_ =	shalt  }
0x57: {  	_ =	shalt  }
0x58: {  	_ =	shalt  }
0x59: {  	_ =	shalt  }
0x5a: {  	_ =	shalt  }
0x5b: {  	_ =	shalt  }
0x5c: {  	_ =	shalt  }
0x5d: {  	_ =	shalt  }
0x5e: {  	_ =	shalt  }
0x5f: {  	_ =	shalt  }
0x60: {  	_ =	shalt  }
0x61: {  	_ =	shalt  }
0x62: {  	_ =	shalt  }
0x63: {  	_ =	shalt  }
0x64: {  	_ =	shalt  }
0x65: {  	_ =	shalt  }
0x66: {  	_ =	shalt  }
0x67: {  	_ =	shalt  }
0x68: {  	_ =	shalt  }
0x69: {  	_ =	shalt  }
0x6a: {  	_ =	shalt  }
0x6b: {  	_ =	shalt  }
0x6c: {  	_ =	shalt  }
0x6d: {  	_ =	shalt  }
0x6e: {  	_ =	shalt  }
0x6f: {  	_ =	shalt  }
0x70: {  	_ =	shalt  }
0x71: {  	_ =	shalt  }
0x72: {  	_ =	shalt  }
0x73: {  	_ =	shalt  }
0x74: {  	_ =	shalt  }
0x75: {  	_ =	shalt  }
0x76: {  	_ =	shalt  }
0x77: {  	_ =	shalt  }
0x78: {  	_ =	shalt  }
0x79: {  	_ =	shalt  }
0x7a: {  	_ =	shalt  }
0x7b: {  	_ =	shalt  }
0x7c: {  	_ =	shalt  }
0x7d: {  	_ =	shalt  }
0x7e: {  	_ =	shalt  }
0x7f: {  	_ =	shalt  }
0x80: {  	_ =	shalt  }
0x81: {  	_ =	shalt  }
0x82: {  	_ =	shalt  }
0x83: {  	_ =	shalt  }
0x84: {  	_ =	shalt  }
0x85: {  	_ =	shalt  }
0x86: {  	_ =	shalt  }
0x87: {  	_ =	shalt  }
.Lfunc_end0:
.L_simem_size_0:
called_computation.2_lowered:
.L_overlay_start_0:
0x88: {  	s2 =	sld [smem:$0x3FD9]  }
0x89: {  	s3 =	sld [smem:$0x3FFE];
	_ =	sdelay $0x1  }
0x8a: {  	s1 =	srdreg.scid  }
0x8b: {  	s0 =	sand.u32 $0x1, s1  }
0x8c: {  	s17 =	sshll.u32 s0, $0xA;
	s2 =	sadd.s32 s3, s2  }
0x8d: {  	s2 =	sadd.s32 s2, s17  }
0x8e: {  	[smem:$0x3FBE] =	sst s2  }
0x8f: {  	_ = 	snop  }
0x90: {  	s2 =	sld [smem:$0x3FD0];
	(tm) =	ssettm $0x1  }
0x91: {  	s18 =	sld [smem:$0x3FFB];
	_ =	sdelay $0x3  }
0x92: {  	_ =	strace s18  }
0x93: {  	s3 =	sld [smem:$0x3FFC];
	_ =	sdelay $0x3  }
0x94: {  	_ =	strace s3  }
0x95: {  	s3 =	sld [smem:$0x3FFD];
	_ =	sdelay $0x3  }
0x96: {  	_ =	strace s3  }
0x97: {  	_ =	strace $0x8FFFFFFF  }
0x98: {  	s19 =	sld [smem:$0x3FDB];
	_ =	sdelay $0x1  }
0x99: {  	s4 =	simm.s32 $_scs_section_size  }
0x9a: {  	s5 =	simm.s32 $_size__tile_overlayer_lowered;
	s6 =	simm.s32 $_tile_overlayer_lowered  }
0x9b: {  	s22 =	simm.s32 $0x1BFF;
	s21 =	sshll.u32 s6, $0x1;
	s3 =	sadd.s32 s4, s19  }
0x9c: {  	s7 =	simm.s32 $0x0;
	s20 =	sshll.u32 s5, $0x1;
	s5 =	sadd.s32 s21, s3  }
0x9d: {  	[timem:s7], [sflag:s22] =	dma.local [hbm:s5], s20  }
0x9e: {  	_ =	swait.ge [sflag:s22], s20  }
0x9f: {  	s4 =	ssub.s32 $0x0, s20;
	[sflag:s22] =	ssyncset.done $0x0  }
0xa0: {  	[sflag:s22] =	ssyncadd.s32 s4;
	_ =	sdelay $0x1  }
0xa1: {  	s23 =	simm.s32 $0x1B8B  }
0xa2: {  	_ =	swait.ge [sflag:s23], $0x1  }
0xa3: {  	[sflag:s23] =	ssyncset.done $0x0  }
0xa4: {  	s25 =	simm.s32 $0x1B8E;
	s24 =	sld [smem:$0x3FFE];
	[sflag:s23] =	ssyncadd.s32 $0xFFFFFFFF  }
0xa5: {  	s26 =	simm.s32 $execute0_lowered;
	[smem:$0x3FD2] =	sst s25  }
0xa6: {  	s5 =	sshll.u32 s26, $0x1;
	_ =	strace $0x8000004C;
	[dreg:$0x1] =	wrdreg $0xFFFFFFFF  }
0xa7: {  	s28 =	simm.s32 $_size_execute0_lowered;
	s3 =	sadd.s32 s3, s5;
	[dreg:$0x0] =	wrdreg $0x0  }
0xa8: {  	s5 =	sshll.u32 s28, $0x1;
	[dreg:$0x2] =	wrdreg s3  }
0xa9: {  	[dreg:$0x3] =	wrdreg s5  }
0xaa: {  	[dreg:$0x4] =	wrdreg $0xC0  }
0xab: {  	_ =	task [dreg:s7], $0x5FFFF  }
0xac: {  	[dreg:$0x1] =	wrdreg $0xFFFFFFFF  }
0xad: {  	[dreg:$0x0] =	wrdreg $0x60  }
0xae: {  	[dreg:$0x2] =	wrdreg s24  }
0xaf: {  	[dreg:$0x3] =	wrdreg s2  }
0xb0: {  	[dreg:$0x4] =	wrdreg $0x90000  }
0xb1: {  	[dreg:$0x5] =	wrdreg $0x9  }
0xb2: {  	_ =	task.clear_ibuf [dreg:s7], $0x6FFFF;
	_ =	strace $0x9000004C  }
0xb3: {  	s29 =	simm.s32 $0x9;
	_ =	strace $0x8000004E  }
0xb4: {  	_ =	swait.ge [sflag:s29], $0x1  }
0xb5: {  	[sflag:s29] =	ssyncadd.s32 $0xFFFFFFFF  }
0xb6: {  	_ =	strace $0x9000004E  }
0xb7: {  	_ =	sfence  }
0xb8: {  	s30 =	sld [smem:$0x0];
	_ =	sdelay $0x2  }
0xb9: {  	s31 =	sshll.u32 s1, $0xD;
	s1 =	sshrl.u32 s1, $0x2  }
0xba: {  	s3 =	sand.u32 $0x4000, s31;
	s1 =	sadd.s32 s1, s30  }
0xbb: {  	s0 =	sor.u32 s3, s0;
	s1 =	sshll.u32 s1, $0x11  }
0xbc: {  	s0 =	sor.u32 s1, s0  }
0xbd: {  	s0 =	sadd.s32 $0x8F2B, s0  }
0xbe: {  	[sflag:s0] =	ssyncadd.remote.s32 $0x1  }
0xbf: {  	_ =	sfence.sel $0xFFFF  }
0xc0: {  	[dreg:$0x0] =	wrdreg $0xFFFFFFFF;
	(pc) =	sbr.abs _section_cstart, $3  }
0xc1: {  	[dreg:$0x1] =	wrdreg $0xFFFFFFFF  }
0xc2: {  	_ =	task.clear_ibuf [dreg:s7], $0x2FFFF;
	_ =	strace $0x9FFFFFFF  }
0xc3: {  	(tm) =	ssettm $0x7FFFFFFF  }
tec
execute0_lowered:
.L_overlay_start_1:
0x0: {  	(tag) =	ssettag $0x1  }
0x1: {  	s0 =	rddreg [dreg:$0x0]  }
0x2: {  	s3 =	rddreg [dreg:$0x1]  }
0x3: {  	s1 =	rddreg [dreg:$0x2]  }
0x4: {  	s2 =	simm.s32 $0x0;
	s5 =	srdreg.scid;
	s14 =	stileid.u32  }
0x5: {  	s18 =	simm.s32 $0x100;
	s20 =	simm.s32 $0x80;
	s21 =	simm.s32 $0x200  }
0x6: {  	s22 =	simm.s32 $0x180;
	s24 =	simm.s32 $0x300;
	s28 =	simm.s32 $0xB80  }
0x7: {  	s29 =	simm.s32 $0xD00;
	s30 =	simm.s32 $0xC80;
	s31 =	simm.s32 $0xE00  }
0x8: {  	[smem:$0x7FF] =	sst s2;
	s4 =	sadd.s32 $0x5AE00, s0;
	s6 =	sand.u32 $0x1, s5  }
0x9: {  	s5 =	sadd.s32 $0x6EE00, s0;
	s8 =	smul.u32 $0x4E000, s14;
	s0 =	sadd.s32 $0x96000, s0  }
0xa: {  	s11 =	smul.u32 $0x13800, s14;
	_ =	strace $0x8000004D;
	[dreg:$0x5] =	wrdreg s18  }
0xb: {  	s12 =	sshll.u32 s14, $0x6;
	p0 =	sne.s32 s14, $0xF;
	[dreg:$0x6] =	wrdreg s20  }
0xc: {  	s7 =	ssub.s32 $0x2, s6;
	s13 =	smul.u32 $0x138800, s6;
	[dreg:$0x7] =	wrdreg s21  }
0xd: {  	s10 =	sshll.u32 s6, $0x4;
	s23 =	smul.u32 $0x50000, s6;
	[dreg:$0x8] =	wrdreg s22  }
0xe: {  	[dreg:$0x9] =	wrdreg s24;
	s18 =	simm.s32 $0x700;
	s20 =	simm.s32 $0x780  }
0xf: {  	s21 =	simm.s32 $0x900;
	s22 =	simm.s32 $0x880;
	s24 =	simm.s32 $0x980  }
0x10: {  	s6 =	simm.s32 $0xE80;
	s9 =	sshrl.u32 s7, $0x1;
	[dreg:$0x11] =	wrdreg s18  }
0x11: {  	s10 =	sor.u32 s14, s10;
	s8 =	sshrl.u32 s8, $0x2;
	[dreg:$0x13] =	wrdreg s20  }
0x12: {  	s25 =	sshrl.u32 s11, $0x3;
	s18 =	simm.s32 $0x7D;
	[dreg:$0x14] =	wrdreg s21  }
0x13: {  	[dreg:$0x15] =	wrdreg s22;
	s20 =	simm.s32 $0x5000;
	s21 =	simm.s32 $0x1  }
0x14: {  	[dreg:$0x17] =	wrdreg s24;
	s22 =	simm.s32 $0x3;
	s24 =	simm.s32 $0x4  }
0x15: {  	s9 =	ssub.s32 s7, s9;
	s8 =	sadd.s32 s8, s1;
	s7 =	sadd.s32 s3, s25  }
0x16: {  	s3 =	sadd.s32 $0x27000, s3;
	s11 =	sadd.s32 s11, s13;
	[dreg:$0x1a] =	wrdreg s7  }
0x17: {  	s19 =	sshrl.u32 s13, $0x3;
	s13 =	simm.s32 $0x500;
	[dreg:$0x1b] =	wrdreg s3  }
0x18: {  	s10 =	smul.u32 $0x5000, s10;
	s9 =	smax.u32 s9, $0x1;
	[dreg:$0xd] =	wrdreg s13  }
0x19: {  	s16 =	sshrl.u32 s11, $0x3;
	s11 =	simm.s32 $0x380;
	[dreg:$0x1f] =	wrdreg s9  }
0x1a: {  	s25 =	smul.u32 $0x5000, s14;
	s15 =	sadd.s32 $0x1000, s10;
	[dreg:$0xc] =	wrdreg s11  }
0x1b: {  	s7 =	sor.u32 $0x1C07, s12;
	s17 =	sadd.s32 s0, s16;
	[dreg:$0x4] =	wrdreg s15  }
0x1c: {  	s26 =	sshrl.u32 s10, $0x3;
	s10 =	simm.s32 $0x400;
	[dreg:$0x1d] =	wrdreg s17  }
0x1d: {  	s12 =	sadd.s32 $0x138000, s1;
	s16 =	simm.s32 $0x600;
	[dreg:$0xb] =	wrdreg s10  }
0x1e: {  	s0 =	sadd.s32 s0, s19;
	s19 =	simm.s32 $0x680;
	[dreg:$0xf] =	wrdreg s16  }
0x1f: {  	s13 =	sshrl.u32 s8, $0x3;
	s14 =	sshrl.u32 @!p0 s12, $0x3;
	[dreg:$0x12] =	wrdreg s19  }
0x20: {  	s8 =	simm.s32 $0xF80;
	s3 =	sadd.s32 s4, s26;
	[smem:$0x7FD] =	sst s14  }
0x21: {  	s9 =	simm.s32 $0x5;
	s0 =	sadd.s32 $0x27000, s0;
	[dreg:$0x1c] =	wrdreg s3  }
0x22: {  	s26 =	simm.s32 $0x280;
	s15 =	simm.s32 $0x480;
	[dreg:$0x1e] =	wrdreg s0  }
0x23: {  	s17 =	simm.s32 $0x580;
	s19 =	simm.s32 $0x1000;
	[dreg:$0xa] =	wrdreg s26  }
0x24: {  	s10 =	simm.s32 $0x0;
	s3 =	sadd.s32 s25, s23;
	[dreg:$0xe] =	wrdreg s15  }
0x25: {  	[dreg:$0x10] =	wrdreg s17;
	s15 =	simm.s32 $0x7;
	s17 =	simm.s32 $0x800  }
0x26: {  	s23 =	simm.s32 $0xA00;
	s25 =	simm.s32 $0xB00;
	s26 =	simm.s32 $0xA80  }
0x27: {  	s0 =	simm.s32 $0xD80;
	s3 =	sor.u32 $0x800, s3;
	[dreg:$0x16] =	wrdreg s23  }
0x28: {  	[dreg:$0x18] =	wrdreg s25;
	s23 =	simm.s32 $0x2;
	s3 =	sshrl.u32 s3, $0x3  }
0x29: {  	[dreg:$0x19] =	wrdreg s26;
	s25 =	simm.s32 $0x6;
	s3 =	sadd.s32 s3, s4  }
0x2a: {  	s26 =	simm.s32 $0xC00;
	[smem:$0x7FC] =	sst s3;
	s3 =	simm.s32 $0xF00  }
.LBB2_1:
0x2b: {  	s11 =	rddreg [dreg:$0x1a]  }
0x2c: {  	[spmem:s13], [sflag:s7] =	dma.local [hbm:s11], $0x2700  }
0x2d: {  	_ =	swait.ge [sflag:s15], $0x2700  }
0x2e: {  	[sflag:s15] =	ssyncset.done $0x0  }
0x2f: {  	s11 =	rddreg [dreg:$0x1b];
	[sflag:s15] =	ssyncadd.s32 $0xFFFFD900  }
0x30: {  	[spmem:s14], [sflag:s7] =	dma.local @!p0 [hbm:s11], $0x100  }
0x31: {  	s11 =	simm.s32 @!p0 $0x7  }
0x32: {  	_ =	swait.ge @!p0 [sflag:s11], $0x100  }
0x33: {  	[sflag:s11] =	ssyncset.done @!p0 $0x0  }
0x34: {  	s14 =	rddreg [dreg:$0x1c];
	[sflag:s11] =	ssyncadd.s32 @!p0 $0xFFFFFF00  }
0x35: {  	[tilespmem:s2], [sflag:$0x7] =	stream.linear.gather [hbm4b:s14+s2], $0x800, $0x38;
	[tilespmem:$0x1C880] =	vst v63  }
0x36: {  	_ =	swait.ge [sflag:s15], $0x800  }
0x37: {  	[sflag:s15] =	ssyncset.done $0x0  }
0x38: {  	[sflag:s15] =	ssyncadd.s32 $0xFFFFF800  }
0x39: {  	[bflag:$0x0] =	sbarrier.arrive $0xFFFF  }
0x3a: {  	s16 =	smov.u32 s13;
	s13 =	sld [smem:$0x7FC];
	_ =	sdelay $0x2  }
0x3b: {  	[tilespmem:s17], [sflag:$0x6] =	stream.linear.gather [hbm4b:s13+s2], $0x800, $0x38;
	[tilespmem:$0x1C880] =	vst v63  }
0x3c: {  	_ = 	snop  }
0x3d: {  	[tilespmem:s19], [sflag:$0x1] =	stream.indirect.gather [hbm4b:s5+s18], $0x80, s2, s18, $0xb8;
	[tilespmem:$0x1C880] =	vst v63  }
0x3e: {  	s12 =	rddreg [dreg:$0x5]  }
0x3f: {  	[tilespmem:s20], [sflag:$0x2] =	stream.indirect.gather [hbm4b:s5+s18], $0x80, s12, s18, $0xb8;
	[tilespmem:$0x1C880] =	vst v63  }
0x40: {  	_ =	swait.ge [sflag:s21], $0x3E80  }
0x41: {  	[sflag:s21] =	ssyncset.done $0x0  }
0x42: {  	s14 =	rddreg [dreg:$0x6];
	[sflag:s21] =	ssyncadd.s32 $0xFFFFC180  }
0x43: {  	[spmem:s1] =	stream.indirect.scatter.add.f32 [tilespmem:s19], [sflag:$0x3], $0x80, s14, s18, $0xb8;
	[tilespmem:$0x1C880] =	vst v63  }
0x44: {  	_ =	swait.ge [sflag:s22], $0x3E80  }
0x45: {  	[sflag:s22] =	ssyncset.done $0x0  }
0x46: {  	s12 =	rddreg [dreg:$0x7];
	[sflag:s22] =	ssyncadd.s32 $0xFFFFC180  }
0x47: {  	[tilespmem:s19], [sflag:$0x1] =	stream.indirect.gather [hbm4b:s5+s18], $0x80, s12, s18, $0xb8;
	[tilespmem:$0x1C880] =	vst v63  }
0x48: {  	_ =	swait.ge [sflag:s23], $0x3E80  }
0x49: {  	[sflag:s23] =	ssyncset.done $0x0  }
0x4a: {  	s14 =	rddreg [dreg:$0x8];
	[sflag:s23] =	ssyncadd.s32 $0xFFFFC180  }
0x4b: {  	[spmem:s1] =	stream.indirect.scatter.add.f32 [tilespmem:s20], [sflag:$0x4], $0x80, s14, s18, $0xb8;
	[tilespmem:$0x1C880] =	vst v63  }
0x4c: {  	_ =	swait.ge [sflag:s24], $0x3E80  }
0x4d: {  	[sflag:s24] =	ssyncset.done $0x0  }
0x4e: {  	s12 =	rddreg [dreg:$0x9];
	[sflag:s24] =	ssyncadd.s32 $0xFFFFC180  }
0x4f: {  	[tilespmem:s20], [sflag:$0x2] =	stream.indirect.gather [hbm4b:s5+s18], $0x80, s12, s18, $0xb8;
	[tilespmem:$0x1C880] =	vst v63  }
0x50: {  	_ =	swait.ge [sflag:s21], $0x3E80  }
0x51: {  	[sflag:s21] =	ssyncset.done $0x0  }
0x52: {  	s14 =	rddreg [dreg:$0xa];
	[sflag:s21] =	ssyncadd.s32 $0xFFFFC180  }
0x53: {  	[spmem:s1] =	stream.indirect.scatter.add.f32 [tilespmem:s19], [sflag:$0x3], $0x80, s14, s18, $0xb8;
	[tilespmem:$0x1C880] =	vst v63  }
0x54: {  	_ =	swait.ge [sflag:s22], $0x3E80  }
0x55: {  	[sflag:s22] =	ssyncset.done $0x0  }
0x56: {  	s12 =	rddreg [dreg:$0xb];
	[sflag:s22] =	ssyncadd.s32 $0xFFFFC180  }
0x57: {  	[tilespmem:s19], [sflag:$0x1] =	stream.indirect.gather [hbm4b:s5+s18], $0x80, s12, s18, $0xb8;
	[tilespmem:$0x1C880] =	vst v63  }
0x58: {  	_ =	swait.ge [sflag:s23], $0x3E80  }
0x59: {  	[sflag:s23] =	ssyncset.done $0x0  }
0x5a: {  	s14 =	rddreg [dreg:$0xc];
	[sflag:s23] =	ssyncadd.s32 $0xFFFFC180  }
0x5b: {  	[spmem:s1] =	stream.indirect.scatter.add.f32 [tilespmem:s20], [sflag:$0x4], $0x80, s14, s18, $0xb8;
	[tilespmem:$0x1C880] =	vst v63  }
0x5c: {  	_ =	swait.ge [sflag:s24], $0x3E80  }
0x5d: {  	[sflag:s24] =	ssyncset.done $0x0  }
0x5e: {  	s12 =	rddreg [dreg:$0xd];
	[sflag:s24] =	ssyncadd.s32 $0xFFFFC180  }
0x5f: {  	[tilespmem:s20], [sflag:$0x2] =	stream.indirect.gather [hbm4b:s5+s18], $0x80, s12, s18, $0xb8;
	[tilespmem:$0x1C880] =	vst v63  }
0x60: {  	_ =	swait.ge [sflag:s21], $0x3E80  }
0x61: {  	[sflag:s21] =	ssyncset.done $0x0  }
0x62: {  	s14 =	rddreg [dreg:$0xe];
	[sflag:s21] =	ssyncadd.s32 $0xFFFFC180  }
0x63: {  	[spmem:s1] =	stream.indirect.scatter.add.f32 [tilespmem:s19], [sflag:$0x3], $0x80, s14, s18, $0xb8;
	[tilespmem:$0x1C880] =	vst v63  }
0x64: {  	_ =	swait.ge [sflag:s22], $0x3E80  }
0x65: {  	[sflag:s22] =	ssyncset.done $0x0  }
0x66: {  	s12 =	rddreg [dreg:$0xf];
	[sflag:s22] =	ssyncadd.s32 $0xFFFFC180  }
0x67: {  	[tilespmem:s19], [sflag:$0x1] =	stream.indirect.gather [hbm4b:s5+s18], $0x80, s12, s18, $0xb8;
	[tilespmem:$0x1C880] =	vst v63  }
0x68: {  	_ =	swait.ge [sflag:s23], $0x3E80  }
0x69: {  	[sflag:s23] =	ssyncset.done $0x0  }
0x6a: {  	s14 =	rddreg [dreg:$0x10];
	[sflag:s23] =	ssyncadd.s32 $0xFFFFC180  }
0x6b: {  	[spmem:s1] =	stream.indirect.scatter.add.f32 [tilespmem:s20], [sflag:$0x4], $0x80, s14, s18, $0xb8;
	[tilespmem:$0x1C880] =	vst v63  }
0x6c: {  	_ =	swait.ge [sflag:s24], $0x3E80  }
0x6d: {  	[sflag:s24] =	ssyncset.done $0x0  }
0x6e: {  	s12 =	rddreg [dreg:$0x11];
	[sflag:s24] =	ssyncadd.s32 $0xFFFFC180  }
0x6f: {  	[tilespmem:s20], [sflag:$0x2] =	stream.indirect.gather [hbm4b:s5+s18], $0x80, s12, s18, $0xb8;
	[tilespmem:$0x1C880] =	vst v63  }
0x70: {  	_ =	swait.ge [sflag:s21], $0x3E80  }
0x71: {  	[sflag:s21] =	ssyncset.done $0x0  }
0x72: {  	s14 =	rddreg [dreg:$0x12];
	[sflag:s21] =	ssyncadd.s32 $0xFFFFC180  }
0x73: {  	[spmem:s1] =	stream.indirect.scatter.add.f32 [tilespmem:s19], [sflag:$0x3], $0x80, s14, s18, $0xb8;
	[tilespmem:$0x1C880] =	vst v63  }
0x74: {  	_ =	swait.ge [sflag:s23], $0x3E80  }
0x75: {  	[sflag:s23] =	ssyncset.done $0x0  }
0x76: {  	s12 =	rddreg [dreg:$0x13];
	[sflag:s23] =	ssyncadd.s32 $0xFFFFC180  }
0x77: {  	[spmem:s1] =	stream.indirect.scatter.add.f32 [tilespmem:s20], [sflag:$0x4], $0x80, s12, s18, $0xb8;
	[tilespmem:$0x1C880] =	vst v63  }
0x78: {  	_ =	swait.ge [sflag:s22], $0x3E80  }
0x79: {  	[sflag:s22] =	ssyncset.done $0x0  }
0x7a: {  	[sflag:s22] =	ssyncadd.s32 $0xFFFFC180  }
0x7b: {  	_ =	swait.ge [sflag:s24], $0x3E80  }
0x7c: {  	[sflag:s24] =	ssyncset.done $0x0  }
0x7d: {  	[sflag:s24] =	ssyncadd.s32 $0xFFFFC180  }
0x7e: {  	s12 =	smin.u32 s2, $0x7;
	_ =	swait.ge [sflag:s25], $0x800  }
0x7f: {  	s12 =	sshll.u32 s12, $0xB;
	s14 =	rddreg [dreg:$0x4]  }
0x80: {  	s11 =	sadd.s32 s12, s14  }
0x81: {  	[sflag:s25] =	ssyncset.done $0x0;
	s11 =	sshrl.u32 s11, $0x3  }
0x82: {  	[sflag:s25] =	ssyncadd.s32 $0xFFFFF800;
	s11 =	sadd.s32 s4, s11  }
0x83: {  	[tilespmem:s2], [sflag:$0x5] =	stream.linear.gather [hbm4b:s11+s2], $0x800, $0x38;
	[tilespmem:$0x1C880] =	vst v63  }
0x84: {  	_ = 	snop  }
0x85: {  	[tilespmem:s19], [sflag:$0x1] =	stream.indirect.gather [hbm4b:s5+s18], $0x80, s17, s18, $0xb8;
	[tilespmem:$0x1C880] =	vst v63  }
0x86: {  	s12 =	rddreg [dreg:$0x14]  }
0x87: {  	[tilespmem:s20], [sflag:$0x2] =	stream.indirect.gather [hbm4b:s5+s18], $0x80, s12, s18, $0xb8;
	[tilespmem:$0x1C880] =	vst v63  }
0x88: {  	_ =	swait.ge [sflag:s21], $0x3E80  }
0x89: {  	[sflag:s21] =	ssyncset.done $0x0  }
0x8a: {  	s14 =	rddreg [dreg:$0x15];
	[sflag:s21] =	ssyncadd.s32 $0xFFFFC180  }
0x8b: {  	[spmem:s1] =	stream.indirect.scatter.add.f32 [tilespmem:s19], [sflag:$0x3], $0x80, s14, s18, $0xb8;
	[tilespmem:$0x1C880] =	vst v63  }
0x8c: {  	_ =	swait.ge [sflag:s22], $0x3E80  }
0x8d: {  	[sflag:s22] =	ssyncset.done $0x0  }
0x8e: {  	s12 =	rddreg [dreg:$0x16];
	[sflag:s22] =	ssyncadd.s32 $0xFFFFC180  }
0x8f: {  	[tilespmem:s19], [sflag:$0x1] =	stream.indirect.gather [hbm4b:s5+s18], $0x80, s12, s18, $0xb8;
	[tilespmem:$0x1C880] =	vst v63  }
0x90: {  	_ =	swait.ge [sflag:s23], $0x3E80  }
0x91: {  	[sflag:s23] =	ssyncset.done $0x0  }
0x92: {  	s14 =	rddreg [dreg:$0x17];
	[sflag:s23] =	ssyncadd.s32 $0xFFFFC180  }
0x93: {  	[spmem:s1] =	stream.indirect.scatter.add.f32 [tilespmem:s20], [sflag:$0x4], $0x80, s14, s18, $0xb8;
	[tilespmem:$0x1C880] =	vst v63  }
0x94: {  	_ =	swait.ge [sflag:s24], $0x3E80  }
0x95: {  	[sflag:s24] =	ssyncset.done $0x0  }
0x96: {  	s12 =	rddreg [dreg:$0x18];
	[sflag:s24] =	ssyncadd.s32 $0xFFFFC180  }
0x97: {  	[tilespmem:s20], [sflag:$0x2] =	stream.indirect.gather [hbm4b:s5+s18], $0x80, s12, s18, $0xb8;
	[tilespmem:$0x1C880] =	vst v63  }
0x98: {  	_ =	swait.ge [sflag:s21], $0x3E80  }
0x99: {  	[sflag:s21] =	ssyncset.done $0x0  }
0x9a: {  	s14 =	rddreg [dreg:$0x19];
	[sflag:s21] =	ssyncadd.s32 $0xFFFFC180  }
0x9b: {  	[spmem:s1] =	stream.indirect.scatter.add.f32 [tilespmem:s19], [sflag:$0x3], $0x80, s14, s18, $0xb8;
	[tilespmem:$0x1C880] =	vst v63  }
0x9c: {  	_ =	swait.ge [sflag:s22], $0x3E80  }
0x9d: {  	[sflag:s22] =	ssyncset.done $0x0  }
0x9e: {  	[sflag:s22] =	ssyncadd.s32 $0xFFFFC180  }
0x9f: {  	[tilespmem:s19], [sflag:$0x1] =	stream.indirect.gather [hbm4b:s5+s18], $0x80, s26, s18, $0xb8;
	[tilespmem:$0x1C880] =	vst v63  }
0xa0: {  	_ =	swait.ge [sflag:s23], $0x3E80  }
0xa1: {  	[sflag:s23] =	ssyncset.done $0x0  }
0xa2: {  	[sflag:s23] =	ssyncadd.s32 $0xFFFFC180  }
0xa3: {  	[spmem:s1] =	stream.indirect.scatter.add.f32 [tilespmem:s20], [sflag:$0x4], $0x80, s28, s18, $0xb8;
	[tilespmem:$0x1C880] =	vst v63  }
0xa4: {  	_ =	swait.ge [sflag:s24], $0x3E80  }
0xa5: {  	[sflag:s24] =	ssyncset.done $0x0  }
0xa6: {  	[sflag:s24] =	ssyncadd.s32 $0xFFFFC180  }
0xa7: {  	[tilespmem:s20], [sflag:$0x2] =	stream.indirect.gather [hbm4b:s5+s18], $0x80, s29, s18, $0xb8;
	[tilespmem:$0x1C880] =	vst v63  }
0xa8: {  	_ =	swait.ge [sflag:s21], $0x3E80  }
0xa9: {  	[sflag:s21] =	ssyncset.done $0x0  }
0xaa: {  	[sflag:s21] =	ssyncadd.s32 $0xFFFFC180  }
0xab: {  	[spmem:s1] =	stream.indirect.scatter.add.f32 [tilespmem:s19], [sflag:$0x3], $0x80, s30, s18, $0xb8;
	[tilespmem:$0x1C880] =	vst v63  }
0xac: {  	_ =	swait.ge [sflag:s22], $0x3E80  }
0xad: {  	[sflag:s22] =	ssyncset.done $0x0  }
0xae: {  	[sflag:s22] =	ssyncadd.s32 $0xFFFFC180  }
0xaf: {  	[tilespmem:s19], [sflag:$0x1] =	stream.indirect.gather [hbm4b:s5+s18], $0x80, s31, s18, $0xb8;
	[tilespmem:$0x1C880] =	vst v63  }
0xb0: {  	_ =	swait.ge [sflag:s23], $0x3E80  }
0xb1: {  	[sflag:s23] =	ssyncset.done $0x0  }
0xb2: {  	[sflag:s23] =	ssyncadd.s32 $0xFFFFC180  }
0xb3: {  	[spmem:s1] =	stream.indirect.scatter.add.f32 [tilespmem:s20], [sflag:$0x4], $0x80, s0, s18, $0xb8;
	[tilespmem:$0x1C880] =	vst v63  }
0xb4: {  	_ =	swait.ge [sflag:s24], $0x3E80  }
0xb5: {  	[sflag:s24] =	ssyncset.done $0x0  }
0xb6: {  	[sflag:s24] =	ssyncadd.s32 $0xFFFFC180  }
0xb7: {  	[tilespmem:s20], [sflag:$0x2] =	stream.indirect.gather [hbm4b:s5+s18], $0x80, s3, s18, $0xb8;
	[tilespmem:$0x1C880] =	vst v63  }
0xb8: {  	_ =	swait.ge [sflag:s21], $0x3E80  }
0xb9: {  	[sflag:s21] =	ssyncset.done $0x0  }
0xba: {  	[sflag:s21] =	ssyncadd.s32 $0xFFFFC180  }
0xbb: {  	[spmem:s1] =	stream.indirect.scatter.add.f32 [tilespmem:s19], [sflag:$0x3], $0x80, s6, s18, $0xb8;
	[tilespmem:$0x1C880] =	vst v63  }
0xbc: {  	_ =	swait.ge [sflag:s23], $0x3E80  }
0xbd: {  	[sflag:s23] =	ssyncset.done $0x0  }
0xbe: {  	[sflag:s23] =	ssyncadd.s32 $0xFFFFC180  }
0xbf: {  	[spmem:s1] =	stream.indirect.scatter.add.f32 [tilespmem:s20], [sflag:$0x4], $0x80, s8, s18, $0xb8;
	[tilespmem:$0x1C880] =	vst v63  }
0xc0: {  	_ =	swait.ge [sflag:s22], $0x3E80  }
0xc1: {  	[sflag:s22] =	ssyncset.done $0x0  }
0xc2: {  	[sflag:s22] =	ssyncadd.s32 $0xFFFFC180  }
0xc3: {  	_ =	swait.ge [sflag:s24], $0x3E80  }
0xc4: {  	[sflag:s24] =	ssyncset.done $0x0  }
0xc5: {  	[sflag:s24] =	ssyncadd.s32 $0xFFFFC180  }
0xc6: {  	_ =	swait.ge [sflag:s9], $0x800  }
0xc7: {  	s11 =	simm.s32 $0x2;
	[sflag:s9] =	ssyncset.done $0x0  }
.LBB2_2:
0xc8: {  	[sflag:s9] =	ssyncadd.s32 $0xFFFFF800;
	s13 =	sadd.s32 $0x200, s13  }
0xc9: {  	[tilespmem:s17], [sflag:$0x6] =	stream.linear.gather [hbm4b:s13+s2], $0x800, $0x38;
	[tilespmem:$0x1C880] =	vst v63  }
0xca: {  	_ = 	snop  }
0xcb: {  	[tilespmem:s19], [sflag:$0x1] =	stream.indirect.gather [hbm4b:s5+s18], $0x80, s2, s18, $0xb8;
	[tilespmem:$0x1C880] =	vst v63  }
0xcc: {  	s14 =	rddreg [dreg:$0x5]  }
0xcd: {  	[tilespmem:s20], [sflag:$0x2] =	stream.indirect.gather [hbm4b:s5+s18], $0x80, s14, s18, $0xb8;
	[tilespmem:$0x1C880] =	vst v63  }
0xce: {  	_ =	swait.ge [sflag:s21], $0x3E80  }
0xcf: {  	[sflag:s21] =	ssyncset.done $0x0  }
0xd0: {  	s14 =	rddreg [dreg:$0x6];
	[sflag:s21] =	ssyncadd.s32 $0xFFFFC180  }
0xd1: {  	[spmem:s1] =	stream.indirect.scatter.add.f32 [tilespmem:s19], [sflag:$0x3], $0x80, s14, s18, $0xb8;
	[tilespmem:$0x1C880] =	vst v63  }
0xd2: {  	_ =	swait.ge [sflag:s22], $0x3E80  }
0xd3: {  	[sflag:s22] =	ssyncset.done $0x0  }
0xd4: {  	s14 =	rddreg [dreg:$0x7];
	[sflag:s22] =	ssyncadd.s32 $0xFFFFC180  }
0xd5: {  	[tilespmem:s19], [sflag:$0x1] =	stream.indirect.gather [hbm4b:s5+s18], $0x80, s14, s18, $0xb8;
	[tilespmem:$0x1C880] =	vst v63  }
0xd6: {  	_ =	swait.ge [sflag:s23], $0x3E80  }
0xd7: {  	[sflag:s23] =	ssyncset.done $0x0  }
0xd8: {  	s14 =	rddreg [dreg:$0x8];
	[sflag:s23] =	ssyncadd.s32 $0xFFFFC180  }
0xd9: {  	[spmem:s1] =	stream.indirect.scatter.add.f32 [tilespmem:s20], [sflag:$0x4], $0x80, s14, s18, $0xb8;
	[tilespmem:$0x1C880] =	vst v63  }
0xda: {  	_ =	swait.ge [sflag:s24], $0x3E80  }
0xdb: {  	[sflag:s24] =	ssyncset.done $0x0  }
0xdc: {  	s14 =	rddreg [dreg:$0x9];
	[sflag:s24] =	ssyncadd.s32 $0xFFFFC180  }
0xdd: {  	[tilespmem:s20], [sflag:$0x2] =	stream.indirect.gather [hbm4b:s5+s18], $0x80, s14, s18, $0xb8;
	[tilespmem:$0x1C880] =	vst v63  }
0xde: {  	_ =	swait.ge [sflag:s21], $0x3E80  }
0xdf: {  	[sflag:s21] =	ssyncset.done $0x0  }
0xe0: {  	s14 =	rddreg [dreg:$0xa];
	[sflag:s21] =	ssyncadd.s32 $0xFFFFC180  }
0xe1: {  	[spmem:s1] =	stream.indirect.scatter.add.f32 [tilespmem:s19], [sflag:$0x3], $0x80, s14, s18, $0xb8;
	[tilespmem:$0x1C880] =	vst v63  }
0xe2: {  	_ =	swait.ge [sflag:s22], $0x3E80  }
0xe3: {  	[sflag:s22] =	ssyncset.done $0x0  }
0xe4: {  	s14 =	rddreg [dreg:$0xb];
	[sflag:s22] =	ssyncadd.s32 $0xFFFFC180  }
0xe5: {  	[tilespmem:s19], [sflag:$0x1] =	stream.indirect.gather [hbm4b:s5+s18], $0x80, s14, s18, $0xb8;
	[tilespmem:$0x1C880] =	vst v63  }
0xe6: {  	_ =	swait.ge [sflag:s23], $0x3E80  }
0xe7: {  	[sflag:s23] =	ssyncset.done $0x0  }
0xe8: {  	s14 =	rddreg [dreg:$0xc];
	[sflag:s23] =	ssyncadd.s32 $0xFFFFC180  }
0xe9: {  	[spmem:s1] =	stream.indirect.scatter.add.f32 [tilespmem:s20], [sflag:$0x4], $0x80, s14, s18, $0xb8;
	[tilespmem:$0x1C880] =	vst v63  }
0xea: {  	_ =	swait.ge [sflag:s24], $0x3E80  }
0xeb: {  	[sflag:s24] =	ssyncset.done $0x0  }
0xec: {  	s14 =	rddreg [dreg:$0xd];
	[sflag:s24] =	ssyncadd.s32 $0xFFFFC180  }
0xed: {  	[tilespmem:s20], [sflag:$0x2] =	stream.indirect.gather [hbm4b:s5+s18], $0x80, s14, s18, $0xb8;
	[tilespmem:$0x1C880] =	vst v63  }
0xee: {  	_ =	swait.ge [sflag:s21], $0x3E80  }
0xef: {  	[sflag:s21] =	ssyncset.done $0x0  }
0xf0: {  	s14 =	rddreg [dreg:$0xe];
	[sflag:s21] =	ssyncadd.s32 $0xFFFFC180  }
0xf1: {  	[spmem:s1] =	stream.indirect.scatter.add.f32 [tilespmem:s19], [sflag:$0x3], $0x80, s14, s18, $0xb8;
	[tilespmem:$0x1C880] =	vst v63  }
0xf2: {  	_ =	swait.ge [sflag:s22], $0x3E80  }
0xf3: {  	[sflag:s22] =	ssyncset.done $0x0  }
0xf4: {  	s14 =	rddreg [dreg:$0xf];
	[sflag:s22] =	ssyncadd.s32 $0xFFFFC180  }
0xf5: {  	[tilespmem:s19], [sflag:$0x1] =	stream.indirect.gather [hbm4b:s5+s18], $0x80, s14, s18, $0xb8;
	[tilespmem:$0x1C880] =	vst v63  }
0xf6: {  	_ =	swait.ge [sflag:s23], $0x3E80  }
0xf7: {  	[sflag:s23] =	ssyncset.done $0x0  }
0xf8: {  	s14 =	rddreg [dreg:$0x10];
	[sflag:s23] =	ssyncadd.s32 $0xFFFFC180  }
0xf9: {  	[spmem:s1] =	stream.indirect.scatter.add.f32 [tilespmem:s20], [sflag:$0x4], $0x80, s14, s18, $0xb8;
	[tilespmem:$0x1C880] =	vst v63  }
0xfa: {  	_ =	swait.ge [sflag:s24], $0x3E80  }
0xfb: {  	[sflag:s24] =	ssyncset.done $0x0  }
0xfc: {  	s14 =	rddreg [dreg:$0x11];
	[sflag:s24] =	ssyncadd.s32 $0xFFFFC180  }
0xfd: {  	[tilespmem:s20], [sflag:$0x2] =	stream.indirect.gather [hbm4b:s5+s18], $0x80, s14, s18, $0xb8;
	[tilespmem:$0x1C880] =	vst v63  }
0xfe: {  	_ =	swait.ge [sflag:s21], $0x3E80  }
0xff: {  	[sflag:s21] =	ssyncset.done $0x0  }
0x100: {  	s14 =	rddreg [dreg:$0x12];
	[sflag:s21] =	ssyncadd.s32 $0xFFFFC180  }
0x101: {  	[spmem:s1] =	stream.indirect.scatter.add.f32 [tilespmem:s19], [sflag:$0x3], $0x80, s14, s18, $0xb8;
	[tilespmem:$0x1C880] =	vst v63  }
0x102: {  	_ =	swait.ge [sflag:s23], $0x3E80  }
0x103: {  	[sflag:s23] =	ssyncset.done $0x0  }
0x104: {  	s14 =	rddreg [dreg:$0x13];
	[sflag:s23] =	ssyncadd.s32 $0xFFFFC180  }
0x105: {  	[spmem:s1] =	stream.indirect.scatter.add.f32 [tilespmem:s20], [sflag:$0x4], $0x80, s14, s18, $0xb8;
	[tilespmem:$0x1C880] =	vst v63  }
0x106: {  	_ =	swait.ge [sflag:s22], $0x3E80  }
0x107: {  	[sflag:s22] =	ssyncset.done $0x0  }
0x108: {  	[sflag:s22] =	ssyncadd.s32 $0xFFFFC180  }
0x109: {  	_ =	swait.ge [sflag:s24], $0x3E80  }
0x10a: {  	[sflag:s24] =	ssyncset.done $0x0  }
0x10b: {  	s12 =	smov.u32 s11;
	[sflag:s24] =	ssyncadd.s32 $0xFFFFC180  }
0x10c: {  	s12 =	smin.u32 s12, $0x7;
	_ =	swait.ge [sflag:s25], $0x800  }
0x10d: {  	s12 =	sshll.u32 s12, $0xB;
	s14 =	rddreg [dreg:$0x4]  }
0x10e: {  	s12 =	sadd.s32 s12, s14  }
0x10f: {  	[sflag:s25] =	ssyncset.done $0x0;
	s12 =	sshrl.u32 s12, $0x3  }
0x110: {  	[sflag:s25] =	ssyncadd.s32 $0xFFFFF800;
	s12 =	sadd.s32 s4, s12  }
0x111: {  	[tilespmem:s2], [sflag:$0x5] =	stream.linear.gather [hbm4b:s12+s2], $0x800, $0x38;
	[tilespmem:$0x1C880] =	vst v63  }
0x112: {  	_ = 	snop  }
0x113: {  	[tilespmem:s19], [sflag:$0x1] =	stream.indirect.gather [hbm4b:s5+s18], $0x80, s17, s18, $0xb8;
	[tilespmem:$0x1C880] =	vst v63  }
0x114: {  	s14 =	rddreg [dreg:$0x14]  }
0x115: {  	[tilespmem:s20], [sflag:$0x2] =	stream.indirect.gather [hbm4b:s5+s18], $0x80, s14, s18, $0xb8;
	[tilespmem:$0x1C880] =	vst v63  }
0x116: {  	_ =	swait.ge [sflag:s21], $0x3E80  }
0x117: {  	[sflag:s21] =	ssyncset.done $0x0  }
0x118: {  	s14 =	rddreg [dreg:$0x15];
	[sflag:s21] =	ssyncadd.s32 $0xFFFFC180  }
0x119: {  	[spmem:s1] =	stream.indirect.scatter.add.f32 [tilespmem:s19], [sflag:$0x3], $0x80, s14, s18, $0xb8;
	[tilespmem:$0x1C880] =	vst v63  }
0x11a: {  	_ =	swait.ge [sflag:s22], $0x3E80  }
0x11b: {  	[sflag:s22] =	ssyncset.done $0x0  }
0x11c: {  	s14 =	rddreg [dreg:$0x16];
	[sflag:s22] =	ssyncadd.s32 $0xFFFFC180  }
0x11d: {  	[tilespmem:s19], [sflag:$0x1] =	stream.indirect.gather [hbm4b:s5+s18], $0x80, s14, s18, $0xb8;
	[tilespmem:$0x1C880] =	vst v63  }
0x11e: {  	_ =	swait.ge [sflag:s23], $0x3E80  }
0x11f: {  	[sflag:s23] =	ssyncset.done $0x0  }
0x120: {  	s14 =	rddreg [dreg:$0x17];
	[sflag:s23] =	ssyncadd.s32 $0xFFFFC180  }
0x121: {  	[spmem:s1] =	stream.indirect.scatter.add.f32 [tilespmem:s20], [sflag:$0x4], $0x80, s14, s18, $0xb8;
	[tilespmem:$0x1C880] =	vst v63  }
0x122: {  	_ =	swait.ge [sflag:s24], $0x3E80  }
0x123: {  	[sflag:s24] =	ssyncset.done $0x0  }
0x124: {  	s14 =	rddreg [dreg:$0x18];
	[sflag:s24] =	ssyncadd.s32 $0xFFFFC180  }
0x125: {  	[tilespmem:s20], [sflag:$0x2] =	stream.indirect.gather [hbm4b:s5+s18], $0x80, s14, s18, $0xb8;
	[tilespmem:$0x1C880] =	vst v63  }
0x126: {  	_ =	swait.ge [sflag:s21], $0x3E80  }
0x127: {  	[sflag:s21] =	ssyncset.done $0x0  }
0x128: {  	s14 =	rddreg [dreg:$0x19];
	[sflag:s21] =	ssyncadd.s32 $0xFFFFC180  }
0x129: {  	[spmem:s1] =	stream.indirect.scatter.add.f32 [tilespmem:s19], [sflag:$0x3], $0x80, s14, s18, $0xb8;
	[tilespmem:$0x1C880] =	vst v63  }
0x12a: {  	_ =	swait.ge [sflag:s22], $0x3E80  }
0x12b: {  	[sflag:s22] =	ssyncset.done $0x0  }
0x12c: {  	[sflag:s22] =	ssyncadd.s32 $0xFFFFC180  }
0x12d: {  	[tilespmem:s19], [sflag:$0x1] =	stream.indirect.gather [hbm4b:s5+s18], $0x80, s26, s18, $0xb8;
	[tilespmem:$0x1C880] =	vst v63  }
0x12e: {  	_ =	swait.ge [sflag:s23], $0x3E80  }
0x12f: {  	[sflag:s23] =	ssyncset.done $0x0  }
0x130: {  	[sflag:s23] =	ssyncadd.s32 $0xFFFFC180  }
0x131: {  	[spmem:s1] =	stream.indirect.scatter.add.f32 [tilespmem:s20], [sflag:$0x4], $0x80, s28, s18, $0xb8;
	[tilespmem:$0x1C880] =	vst v63  }
0x132: {  	_ =	swait.ge [sflag:s24], $0x3E80  }
0x133: {  	[sflag:s24] =	ssyncset.done $0x0  }
0x134: {  	[sflag:s24] =	ssyncadd.s32 $0xFFFFC180  }
0x135: {  	[tilespmem:s20], [sflag:$0x2] =	stream.indirect.gather [hbm4b:s5+s18], $0x80, s29, s18, $0xb8;
	[tilespmem:$0x1C880] =	vst v63  }
0x136: {  	_ =	swait.ge [sflag:s21], $0x3E80  }
0x137: {  	[sflag:s21] =	ssyncset.done $0x0  }
0x138: {  	[sflag:s21] =	ssyncadd.s32 $0xFFFFC180  }
0x139: {  	[spmem:s1] =	stream.indirect.scatter.add.f32 [tilespmem:s19], [sflag:$0x3], $0x80, s30, s18, $0xb8;
	[tilespmem:$0x1C880] =	vst v63  }
0x13a: {  	_ =	swait.ge [sflag:s22], $0x3E80  }
0x13b: {  	[sflag:s22] =	ssyncset.done $0x0  }
0x13c: {  	[sflag:s22] =	ssyncadd.s32 $0xFFFFC180  }
0x13d: {  	[tilespmem:s19], [sflag:$0x1] =	stream.indirect.gather [hbm4b:s5+s18], $0x80, s31, s18, $0xb8;
	[tilespmem:$0x1C880] =	vst v63  }
0x13e: {  	_ =	swait.ge [sflag:s23], $0x3E80  }
0x13f: {  	[sflag:s23] =	ssyncset.done $0x0  }
0x140: {  	[sflag:s23] =	ssyncadd.s32 $0xFFFFC180  }
0x141: {  	[spmem:s1] =	stream.indirect.scatter.add.f32 [tilespmem:s20], [sflag:$0x4], $0x80, s0, s18, $0xb8;
	[tilespmem:$0x1C880] =	vst v63  }
0x142: {  	_ =	swait.ge [sflag:s24], $0x3E80  }
0x143: {  	[sflag:s24] =	ssyncset.done $0x0  }
0x144: {  	[sflag:s24] =	ssyncadd.s32 $0xFFFFC180  }
0x145: {  	[tilespmem:s20], [sflag:$0x2] =	stream.indirect.gather [hbm4b:s5+s18], $0x80, s3, s18, $0xb8;
	[tilespmem:$0x1C880] =	vst v63  }
0x146: {  	_ =	swait.ge [sflag:s21], $0x3E80  }
0x147: {  	[sflag:s21] =	ssyncset.done $0x0  }
0x148: {  	[sflag:s21] =	ssyncadd.s32 $0xFFFFC180  }
0x149: {  	[spmem:s1] =	stream.indirect.scatter.add.f32 [tilespmem:s19], [sflag:$0x3], $0x80, s6, s18, $0xb8;
	[tilespmem:$0x1C880] =	vst v63  }
0x14a: {  	_ =	swait.ge [sflag:s23], $0x3E80  }
0x14b: {  	[sflag:s23] =	ssyncset.done $0x0  }
0x14c: {  	[sflag:s23] =	ssyncadd.s32 $0xFFFFC180  }
0x14d: {  	[spmem:s1] =	stream.indirect.scatter.add.f32 [tilespmem:s20], [sflag:$0x4], $0x80, s8, s18, $0xb8;
	[tilespmem:$0x1C880] =	vst v63  }
0x14e: {  	_ =	swait.ge [sflag:s22], $0x3E80  }
0x14f: {  	[sflag:s22] =	ssyncset.done $0x0  }
0x150: {  	p1 =	sne.s32 s11, $0x8;
	[sflag:s22] =	ssyncadd.s32 $0xFFFFC180  }
.Ltmp0:
0x151: {  	_ =	swait.ge [sflag:s24], $0x3E80;
	(pc) =	sbr.rel @p1 .LBB2_2-.Ltmp0, $4  }
0x152: {  	[sflag:s24] =	ssyncset.done $0x0  }
0x153: {  	[sflag:s24] =	ssyncadd.s32 $0xFFFFC180  }
0x154: {  	_ =	swait.ge [sflag:s9], $0x800  }
0x155: {  	s11 =	sadd.s32 $0x2, s11;
	[sflag:s9] =	ssyncset.done $0x0  }
0x156: {  	[sflag:s9] =	ssyncadd.s32 $0xFFFFF800  }
0x157: {  	[bflag:$0x0] =	sbarrier.arrive $0xFFFF  }
0x158: {  	s11 =	rddreg [dreg:$0x1d]  }
0x159: {  	[hbm:s11], [sflag:s7] =	dma.local [spmem:s16], $0x2700  }
0x15a: {  	_ =	swait.ge [sflag:s15], $0x2700  }
0x15b: {  	s14 =	sld [smem:$0x7FD]  }
0x15c: {  	[sflag:s15] =	ssyncset.done $0x0  }
0x15d: {  	s11 =	rddreg [dreg:$0x1e];
	[sflag:s15] =	ssyncadd.s32 $0xFFFFD900  }
0x15e: {  	[hbm:s11], [sflag:s7] =	dma.local @!p0 [spmem:s14], $0x100  }
0x15f: {  	s11 =	simm.s32 @!p0 $0x7  }
0x160: {  	_ =	swait.ge @!p0 [sflag:s11], $0x100  }
0x161: {  	s10 =	sadd.s32 $0x1, s10;
	s12 =	rddreg [dreg:$0x1f]  }
0x162: {  	p1 =	sne.s32 s10, s12  }
.Ltmp1:
0x163: {  	_ = 	snop;
	(pc) =	sbr.rel @p1 .LBB2_1-.Ltmp1, $3  }
0x164: {  	_ =	sdelay $0x1  }
0x165: {  	[sflag:s11] =	ssyncset.done @!p0 $0x0  }
0x166: {  	s13 =	smov.u32 s16;
	[sflag:s11] =	ssyncadd.s32 @!p0 $0xFFFFFF00  }
0x167: {  	_ =	sfence.sel $0x180000  }
0x168: {  	[bflag:$0x0] =	sbarrier.arrive $0xFFFF  }
0x169: {  	_ =	strace $0x9000004D  }
0x16a: {  	s0 =	stileid.u32;
	[bflag:$0x2] =	sbarrier.arrive $0xFFFF  }
0x16b: {  	p0 =	sne.s32 s0, $0x0;
	s0 =	rddreg [dreg:$0x3]  }
0x16c: {  	s0 =	sadd.s32 @!p0 $0x100000, s0  }
0x16d: {  	[sflag:s0] =	ssyncadd.tile.s32 @!p0 $0x1;
	_ =	shalt  }
.Lfunc_end2:
_tile_overlayer_lowered:
.L_overlay_start_2:
0x16e: {  	(tag) =	ssettag $0x2  }
0x16f: {  	s0 =	rddreg [dreg:$0x0];
	s2 =	stileid.u32  }
0x170: {  	s1 =	rddreg [dreg:$0x1];
	p0 =	sne.s32 s2, $0x0  }
0x171: {  	s3 =	rddreg [dreg:$0x2];
	[bflag:$0x3] =	sbarrier.arrive $0xFFFF;
	s2 =	simm.s32 @!p0 $0x1C07  }
0x172: {  	[timem:s3], [sflag:s2] =	dma.local @!p0 [hbm:s0], s1  }
0x173: {  	s0 =	simm.s32 @!p0 $0x7  }
0x174: {  	_ =	swait.ge @!p0 [sflag:s0], s1  }
0x175: {  	s1 =	ssub.s32 @!p0 $0x0, s1;
	[sflag:s0] =	ssyncset.done @!p0 $0x0  }
0x176: {  	[sflag:s0] =	ssyncadd.s32 @!p0 s1  }
0x177: {  	[bflag:$0x3] =	sbarrier.arrive $0xFFFF  }
0x178: {  	_ =	shalt  }

// kernel: kernel.7.cloned.1.call-start
scs
__scs_entry_jumppad:
0x0: {  	(pc) =	sbr.rel $0x88, $3  }
0x1: {  	(tag) =	ssettag $0x0;
	lr =	simm.s32 $0x1  }
0x2: {  	[smem:$0x3F97] =	sst lr;
	_ =	strace $0xD0000000  }
0x3: {  	_ = 	snop  }
0x4: {  	_ = 	snop  }
0x5: {  	_ = 	snop  }
0x6: {  	_ = 	snop  }
0x7: {  	_ = 	snop  }
__scs_overlays_trampoline_lowered:
0x8: {  	[smem:$0x3FA6] =	sst s0  }
0x9: {  	[smem:$0x3FA7] =	sst s1  }
0xa: {  	[smem:$0x3FA8] =	sst s2  }
0xb: {  	[smem:$0x3FA9] =	sst s3  }
0xc: {  	[smem:$0x3FAA] =	sst s4  }
0xd: {  	[smem:$0x3FAB] =	sst s5  }
0xe: {  	[smem:$0x3FAC] =	sst s6  }
0xf: {  	[smem:$0x3FAD] =	sst s7  }
0x10: {  	[smem:$0x3FAE] =	sst s8  }
0x11: {  	[smem:$0x3FAF] =	sst s9;
	s0 =	simm.s32 @!p0 $0x0  }
0x12: {  	s1 =	sld [smem:$0x3F95];
	s0 =	simm.s32 @p0 $0x1  }
0x13: {  	[smem:$0x3FB0] =	sst s0;
	s0 =	simm.s32 @!p1 $0x0  }
0x14: {  	s2 =	sld [smem:$0x3F94];
	s0 =	simm.s32 @p1 $0x1  }
0x15: {  	[smem:$0x3FB1] =	sst s0;
	s0 =	simm.s32 @!p2 $0x0  }
0x16: {  	s3 =	sld [smem:$0x3FDB];
	s0 =	simm.s32 @p2 $0x1  }
0x17: {  	s4 =	simm.s32 $0x1BF5;
	[smem:$0x3FB3] =	sst s0  }
0x18: {  	s0 =	sld [smem:$0x3F96];
	_ =	swait.ge [sflag:s4], $0x0  }
0x19: {  	s7 =	sld [smem:$0x3F97]  }
0x1a: {  	s8 =	sadd.s32 $0xFFFFE003, lr  }
0x1b: {  	s9 =	sadd.s32 $0xFFFFFEF7, lr;
	s5 =	simm.s32 $0xFFFFFFFF;
	p2 =	slt.u32 s8, $0xFFFFF086  }
0x1c: {  	p1 =	slt.u32 s9, $0xF7A;
	s5 =	simm.s32 @!p2 $0x0  }
0x1d: {  	s5 =	simm.s32 @p1 $0x1;
	p0 =	seq.s32 s7, s2  }
0x1e: {  	s7 =	smul.u32 @!p0 $0xF7A, s2;
	p2 =	seq.s32 @!p0 s5, $0x0  }
0x1f: {  	s9 =	smul.u32 $0xF7A, s1;
	s8 =	simm.s32 @!p0 $0x1BF5;
	p2 =	por !p2, p0  }
0x20: {  	[sflag:s8] =	ssyncset.s32 @!p0 $0xFFFFF086;
	s6 =	sadd.s32 @!p0 s3, s7;
	s7 =	simm.s32 @!p0 $0x108  }
0x21: {  	s3 =	sadd.s32 s3, s9;
	s6 =	sadd.s32 @!p0 $0x88, s6;
	s7 =	simm.s32 @p2 $0x1082  }
0x22: {  	[simem:s7], [sflag:s8] =	dma.local @!p0 [hbm:s6], $0xF7A  }
0x23: {  	s9 =	sor.u32 $0xD0000000, s2;
	s6 =	simm.s32 $0x108;
	_ =	swait.ge @!p0 [sflag:s8], $0x0  }
0x24: {  	s3 =	sadd.s32 $0x88, s3;
	s6 =	simm.s32 @!p1 $0x1082;
	[sflag:s4] =	ssyncset.s32 $0xFFFFF086  }
0x25: {  	[simem:s6], [sflag:s4] =	dma.local [hbm:s3], $0xF7A  }
0x26: {  	[smem:$0x3F97] =	sst s1;
	(tag) =	ssettag s2;
	_ =	strace s9  }
0x27: {  	s1 =	sld [smem:$0x3FA7]  }
0x28: {  	s2 =	sld [smem:$0x3FA8]  }
0x29: {  	s4 =	sld [smem:$0x3FAA]  }
0x2a: {  	p0 =	seq.s32 s5, $0x0;
	s5 =	sld [smem:$0x3FAB]  }
0x2b: {  	s6 =	sld [smem:$0x3FAC]  }
0x2c: {  	s7 =	sld [smem:$0x3FAD]  }
0x2d: {  	s3 =	simm.s32 $0x108;
	s8 =	sld [smem:$0x3FAE]  }
0x2e: {  	s3 =	simm.s32 @!p0 $0x1082;
	s9 =	sld [smem:$0x3FAF]  }
0x2f: {  	lr =	sadd.s32 s0, s3;
	s0 =	sld [smem:$0x3FA6]  }
0x30: {  	s3 =	sld [smem:$0x3FA9]  }
0x31: {  	[smem:$0x3FB2] =	sst s10  }
0x32: {  	s10 =	sld [smem:$0x3FB0];
	_ =	sdelay $0x3  }
0x33: {  	p0 =	seq.s32 s10, $0x1;
	s10 =	sld [smem:$0x3FB2];
	_ =	sdelay $0x3  }
0x34: {  	[smem:$0x3FB2] =	sst s10  }
0x35: {  	s10 =	sld [smem:$0x3FB1];
	_ =	sdelay $0x3  }
0x36: {  	p1 =	seq.s32 s10, $0x1;
	s10 =	sld [smem:$0x3FB2];
	_ =	sdelay $0x3  }
0x37: {  	[smem:$0x3FB2] =	sst s10  }
0x38: {  	s10 =	sld [smem:$0x3FB3]  }
0x39: {  	_ = 	snop;
	(pc) =	sbr.ind lr, $3  }
0x3a: {  	_ = 	snop  }
0x3b: {  	_ = 	snop  }
0x3c: {  	p2 =	seq.s32 s10, $0x1;
	s10 =	sld [smem:$0x3FB2]  }
0x3d: {  	_ =	shalt  }
0x3e: {  	_ =	shalt  }
0x3f: {  	_ =	shalt  }
0x40: {  	_ =	shalt  }
0x41: {  	_ =	shalt  }
0x42: {  	_ =	shalt  }
0x43: {  	_ =	shalt  }
0x44: {  	_ =	shalt  }
0x45: {  	_ =	shalt  }
0x46: {  	_ =	shalt  }
0x47: {  	_ =	shalt  }
0x48: {  	_ =	shalt  }
0x49: {  	_ =	shalt  }
0x4a: {  	_ =	shalt  }
0x4b: {  	_ =	shalt  }
0x4c: {  	_ =	shalt  }
0x4d: {  	_ =	shalt  }
0x4e: {  	_ =	shalt  }
0x4f: {  	_ =	shalt  }
0x50: {  	_ =	shalt  }
0x51: {  	_ =	shalt  }
0x52: {  	_ =	shalt  }
0x53: {  	_ =	shalt  }
0x54: {  	_ =	shalt  }
0x55: {  	_ =	shalt  }
0x56: {  	_ =	shalt  }
0x57: {  	_ =	shalt  }
0x58: {  	_ =	shalt  }
0x59: {  	_ =	shalt  }
0x5a: {  	_ =	shalt  }
0x5b: {  	_ =	shalt  }
0x5c: {  	_ =	shalt  }
0x5d: {  	_ =	shalt  }
0x5e: {  	_ =	shalt  }
0x5f: {  	_ =	shalt  }
0x60: {  	_ =	shalt  }
0x61: {  	_ =	shalt  }
0x62: {  	_ =	shalt  }
0x63: {  	_ =	shalt  }
0x64: {  	_ =	shalt  }
0x65: {  	_ =	shalt  }
0x66: {  	_ =	shalt  }
0x67: {  	_ =	shalt  }
0x68: {  	_ =	shalt  }
0x69: {  	_ =	shalt  }
0x6a: {  	_ =	shalt  }
0x6b: {  	_ =	shalt  }
0x6c: {  	_ =	shalt  }
0x6d: {  	_ =	shalt  }
0x6e: {  	_ =	shalt  }
0x6f: {  	_ =	shalt  }
0x70: {  	_ =	shalt  }
0x71: {  	_ =	shalt  }
0x72: {  	_ =	shalt  }
0x73: {  	_ =	shalt  }
0x74: {  	_ =	shalt  }
0x75: {  	_ =	shalt  }
0x76: {  	_ =	shalt  }
0x77: {  	_ =	shalt  }
0x78: {  	_ =	shalt  }
0x79: {  	_ =	shalt  }
0x7a: {  	_ =	shalt  }
0x7b: {  	_ =	shalt  }
0x7c: {  	_ =	shalt  }
0x7d: {  	_ =	shalt  }
0x7e: {  	_ =	shalt  }
0x7f: {  	_ =	shalt  }
0x80: {  	_ =	shalt  }
0x81: {  	_ =	shalt  }
0x82: {  	_ =	shalt  }
0x83: {  	_ =	shalt  }
0x84: {  	_ =	shalt  }
0x85: {  	_ =	shalt  }
0x86: {  	_ =	shalt  }
0x87: {  	_ =	shalt  }
.Lfunc_end0:
.L_simem_size_0:
called_computation_lowered:
.L_overlay_start_0:
0x88: {  	s2 =	sld [smem:$0x3FD9]  }
0x89: {  	s3 =	sld [smem:$0x3FFE];
	_ =	sdelay $0x1  }
0x8a: {  	s1 =	srdreg.scid  }
0x8b: {  	s0 =	sand.u32 $0x1, s1  }
0x8c: {  	s17 =	sshll.u32 s0, $0xA;
	s2 =	sadd.s32 s3, s2  }
0x8d: {  	s2 =	sadd.s32 s2, s17  }
0x8e: {  	[smem:$0x3FBE] =	sst s2  }
0x8f: {  	_ = 	snop  }
0x90: {  	s2 =	sld [smem:$0x3FD0];
	(tm) =	ssettm $0x1  }
0x91: {  	s18 =	sld [smem:$0x3FFB];
	_ =	sdelay $0x3  }
0x92: {  	_ =	strace s18  }
0x93: {  	s3 =	sld [smem:$0x3FFC];
	_ =	sdelay $0x3  }
0x94: {  	_ =	strace s3  }
0x95: {  	s3 =	sld [smem:$0x3FFD];
	_ =	sdelay $0x3  }
0x96: {  	_ =	strace s3  }
0x97: {  	_ =	strace $0x8FFFFFFF  }
0x98: {  	s19 =	sld [smem:$0x3FDB];
	_ =	sdelay $0x1  }
0x99: {  	s4 =	simm.s32 $_scs_section_size  }
0x9a: {  	s5 =	simm.s32 $_size__tile_overlayer_lowered;
	s6 =	simm.s32 $_tile_overlayer_lowered  }
0x9b: {  	s22 =	simm.s32 $0x1BFF;
	s21 =	sshll.u32 s6, $0x1;
	s3 =	sadd.s32 s4, s19  }
0x9c: {  	s7 =	simm.s32 $0x0;
	s20 =	sshll.u32 s5, $0x1;
	s5 =	sadd.s32 s21, s3  }
0x9d: {  	[timem:s7], [sflag:s22] =	dma.local [hbm:s5], s20  }
0x9e: {  	_ =	swait.ge [sflag:s22], s20  }
0x9f: {  	s4 =	ssub.s32 $0x0, s20;
	[sflag:s22] =	ssyncset.done $0x0  }
0xa0: {  	[sflag:s22] =	ssyncadd.s32 s4;
	_ =	sdelay $0x1  }
0xa1: {  	s23 =	simm.s32 $0x1B8B  }
0xa2: {  	_ =	swait.ge [sflag:s23], $0x1  }
0xa3: {  	[sflag:s23] =	ssyncset.done $0x0  }
0xa4: {  	s25 =	simm.s32 $0x1B8E;
	s24 =	sld [smem:$0x3FFE];
	[sflag:s23] =	ssyncadd.s32 $0xFFFFFFFF  }
0xa5: {  	s26 =	simm.s32 $execute0_lowered;
	[smem:$0x3FD2] =	sst s25  }
0xa6: {  	s5 =	sshll.u32 s26, $0x1;
	_ =	strace $0x80000046;
	[dreg:$0x1] =	wrdreg $0xFFFFFFFF  }
0xa7: {  	s28 =	simm.s32 $_size_execute0_lowered;
	s3 =	sadd.s32 s3, s5;
	[dreg:$0x0] =	wrdreg $0x0  }
0xa8: {  	s5 =	sshll.u32 s28, $0x1;
	[dreg:$0x2] =	wrdreg s3  }
0xa9: {  	[dreg:$0x3] =	wrdreg s5  }
0xaa: {  	[dreg:$0x4] =	wrdreg $0xC0  }
0xab: {  	_ =	task [dreg:s7], $0x5FFFF  }
0xac: {  	[dreg:$0x1] =	wrdreg $0xFFFFFFFF  }
0xad: {  	[dreg:$0x0] =	wrdreg $0x60  }
0xae: {  	[dreg:$0x2] =	wrdreg s24  }
0xaf: {  	[dreg:$0x3] =	wrdreg s2  }
0xb0: {  	[dreg:$0x4] =	wrdreg $0x48000  }
0xb1: {  	[dreg:$0x5] =	wrdreg $0x9  }
0xb2: {  	_ =	task.clear_ibuf [dreg:s7], $0x6FFFF;
	_ =	strace $0x90000046  }
0xb3: {  	s29 =	simm.s32 $0x9;
	_ =	strace $0x80000048  }
0xb4: {  	_ =	swait.ge [sflag:s29], $0x1  }
0xb5: {  	[sflag:s29] =	ssyncadd.s32 $0xFFFFFFFF  }
0xb6: {  	_ =	strace $0x90000048  }
0xb7: {  	_ =	sfence  }
0xb8: {  	s30 =	sld [smem:$0x0];
	_ =	sdelay $0x2  }
0xb9: {  	s31 =	sshll.u32 s1, $0xD;
	s1 =	sshrl.u32 s1, $0x2  }
0xba: {  	s3 =	sand.u32 $0x4000, s31;
	s1 =	sadd.s32 s1, s30  }
0xbb: {  	s0 =	sor.u32 s3, s0;
	s1 =	sshll.u32 s1, $0x11  }
0xbc: {  	s0 =	sor.u32 s1, s0  }
0xbd: {  	s0 =	sadd.s32 $0x8F2B, s0  }
0xbe: {  	[sflag:s0] =	ssyncadd.remote.s32 $0x1  }
0xbf: {  	_ =	sfence.sel $0xFFFF  }
0xc0: {  	[dreg:$0x0] =	wrdreg $0xFFFFFFFF;
	(pc) =	sbr.abs _section_cstart, $3  }
0xc1: {  	[dreg:$0x1] =	wrdreg $0xFFFFFFFF  }
0xc2: {  	_ =	task.clear_ibuf [dreg:s7], $0x2FFFF;
	_ =	strace $0x9FFFFFFF  }
0xc3: {  	(tm) =	ssettm $0x7FFFFFFF  }
tec
execute0_lowered:
.L_overlay_start_1:
0x0: {  	(tag) =	ssettag $0x1  }
0x1: {  	s0 =	rddreg [dreg:$0x0]  }
0x2: {  	s3 =	rddreg [dreg:$0x1]  }
0x3: {  	s1 =	rddreg [dreg:$0x2];
	s2 =	simm.s32 $0x0;
	s5 =	srdreg.scid  }
0x4: {  	s15 =	stileid.u32;
	s28 =	simm.s32 $0x1;
	s29 =	simm.s32 $0x3  }
0x5: {  	s30 =	simm.s32 $0x480;
	s31 =	simm.s32 $0x500;
	[smem:$0x7FF] =	sst s2  }
0x6: {  	s4 =	sadd.s32 $0x2400, s0;
	s6 =	sadd.s32 $0xC400, s0;
	s7 =	smul.u32 $0x4E000, s15  }
0x7: {  	s5 =	sand.u32 $0x1, s5;
	s0 =	sadd.s32 $0xCC00, s0;
	s10 =	smul.u32 $0x13800, s15  }
0x8: {  	s20 =	sshll.u32 s15, $0x6;
	s13 =	sadd.s32 $0x138000, s1;
	s14 =	smul.u32 $0x2800, s15  }
0x9: {  	p0 =	sne.s32 s15, $0xF;
	_ =	strace $0x80000047;
	[dreg:$0x5] =	wrdreg s6  }
0xa: {  	s16 =	ssub.s32 $0x2, s5;
	s9 =	sshll.u32 s5, $0x4;
	s11 =	smul.u32 $0x138800, s5  }
0xb: {  	s5 =	smul.u32 $0x28000, s5;
	s13 =	sshrl.u32 @!p0 s13, $0x3;
	s8 =	sshrl.u32 s16, $0x1  }
0xc: {  	s17 =	sor.u32 s15, s9;
	s7 =	sshrl.u32 s7, $0x2;
	s19 =	sshrl.u32 s10, $0x3  }
0xd: {  	s15 =	simm.s32 $0x4;
	s9 =	simm.s32 $0x2;
	[dreg:$0xd] =	wrdreg s13  }
0xe: {  	s6 =	ssub.s32 s16, s8;
	s18 =	sadd.s32 s7, s1;
	s8 =	smul.u32 $0x2800, s17  }
0xf: {  	s7 =	sadd.s32 s3, s19;
	s3 =	sadd.s32 $0x27000, s3;
	s22 =	sadd.s32 s10, s11  }
0x10: {  	s23 =	sshrl.u32 s11, $0x3;
	s5 =	sadd.s32 s14, s5;
	s17 =	simm.s32 $0x800  }
0x11: {  	s19 =	simm.s32 $0x7D;
	s10 =	simm.s32 $0x0;
	[dreg:$0x6] =	wrdreg s7  }
0x12: {  	s7 =	sor.u32 $0x1C04, s20;
	[dreg:$0x7] =	wrdreg s3;
	s3 =	sshrl.u32 s22, $0x3  }
0x13: {  	s5 =	sor.u32 $0x400, s5;
	s26 =	smax.u32 s6, $0x1;
	s14 =	sshrl.u32 s18, $0x3  }
0x14: {  	s18 =	simm.s32 $0x400;
	s20 =	simm.s32 $0x80;
	s22 =	simm.s32 $0x180  }
0x15: {  	s6 =	simm.s32 $0x700;
	s12 =	sshrl.u32 s8, $0x3;
	s8 =	sadd.s32 $0x800, s8  }
0x16: {  	s25 =	sshrl.u32 s5, $0x3;
	[dreg:$0xb] =	wrdreg s26;
	s26 =	simm.s32 $0x380  }
0x17: {  	s5 =	simm.s32 $0x680;
	s21 =	sadd.s32 s4, s12;
	[dreg:$0x4] =	wrdreg s8  }
0x18: {  	s8 =	sadd.s32 s0, s23;
	s0 =	sadd.s32 s0, s3;
	[dreg:$0x8] =	wrdreg s21  }
0x19: {  	s23 =	simm.s32 $0x200;
	s3 =	simm.s32 $0x600;
	[dreg:$0x9] =	wrdreg s0  }
0x1a: {  	s24 =	sadd.s32 $0x27000, s8;
	s0 =	sadd.s32 s25, s4;
	s21 =	simm.s32 $0x100  }
0x1b: {  	s25 =	simm.s32 $0x300;
	s8 =	simm.s32 $0x780;
	[dreg:$0xa] =	wrdreg s24  }
0x1c: {  	[dreg:$0xc] =	wrdreg s0;
	s24 =	simm.s32 $0x280;
	s0 =	simm.s32 $0x580  }
.LBB2_1:
0x1d: {  	s11 =	rddreg [dreg:$0x6]  }
0x1e: {  	[spmem:s14], [sflag:s7] =	dma.local [hbm:s11], $0x2700  }
0x1f: {  	_ =	swait.ge [sflag:s15], $0x2700  }
0x20: {  	[sflag:s15] =	ssyncset.done $0x0  }
0x21: {  	s11 =	rddreg [dreg:$0x7];
	[sflag:s15] =	ssyncadd.s32 $0xFFFFD900  }
0x22: {  	[spmem:s13], [sflag:s7] =	dma.local @!p0 [hbm:s11], $0x100  }
0x23: {  	s11 =	simm.s32 @!p0 $0x4  }
0x24: {  	_ =	swait.ge @!p0 [sflag:s11], $0x100  }
0x25: {  	[sflag:s11] =	ssyncset.done @!p0 $0x0  }
0x26: {  	s12 =	rddreg [dreg:$0x5];
	[sflag:s11] =	ssyncadd.s32 @!p0 $0xFFFFFF00  }
0x27: {  	[tilespmem:s17], [sflag:$0x4] =	stream.linear.gather [hbm4b:s12+s2], $0x3E80, $0x38;
	[tilespmem:$0x18080] =	vst v63  }
0x28: {  	_ =	swait.ge [sflag:s15], $0x3E80  }
0x29: {  	[sflag:s15] =	ssyncset.done $0x0  }
0x2a: {  	s13 =	rddreg [dreg:$0x8];
	[sflag:s15] =	ssyncadd.s32 $0xFFFFC180  }
0x2b: {  	[tilespmem:s2], [sflag:$0x4] =	stream.linear.gather [hbm4b:s13+s2], $0x400, $0x38;
	[tilespmem:$0x18080] =	vst v63  }
0x2c: {  	_ =	swait.ge [sflag:s15], $0x400  }
0x2d: {  	[sflag:s15] =	ssyncset.done $0x0  }
0x2e: {  	[sflag:s15] =	ssyncadd.s32 $0xFFFFFC00  }
0x2f: {  	[bflag:$0x0] =	sbarrier.arrive $0xFFFF  }
0x30: {  	s12 =	rddreg [dreg:$0xc]  }
0x31: {  	[tilespmem:s18], [sflag:$0x3] =	stream.linear.gather [hbm4b:s12+s2], $0x400, $0x38;
	[tilespmem:$0x18080] =	vst v63  }
0x32: {  	_ = 	snop  }
0x33: {  	[spmem:s1] =	stream.indirect.scatter.add.f32 [tilespmem:s17], [sflag:$0x1], $0x80, s2, s19, $0xb8;
	[tilespmem:$0x18080] =	vst v63  }
0x34: {  	_ = 	snop  }
0x35: {  	[spmem:s1] =	stream.indirect.scatter.add.f32 [tilespmem:s17], [sflag:$0x1], $0x80, s20, s19, $0xb8;
	[tilespmem:$0x18080] =	vst v63  }
0x36: {  	_ = 	snop  }
0x37: {  	[spmem:s1] =	stream.indirect.scatter.add.f32 [tilespmem:s17], [sflag:$0x1], $0x80, s21, s19, $0xb8;
	[tilespmem:$0x18080] =	vst v63  }
0x38: {  	_ = 	snop  }
0x39: {  	[spmem:s1] =	stream.indirect.scatter.add.f32 [tilespmem:s17], [sflag:$0x1], $0x80, s22, s19, $0xb8;
	[tilespmem:$0x18080] =	vst v63  }
0x3a: {  	_ = 	snop  }
0x3b: {  	[spmem:s1] =	stream.indirect.scatter.add.f32 [tilespmem:s17], [sflag:$0x1], $0x80, s23, s19, $0xb8;
	[tilespmem:$0x18080] =	vst v63  }
0x3c: {  	_ = 	snop  }
0x3d: {  	[spmem:s1] =	stream.indirect.scatter.add.f32 [tilespmem:s17], [sflag:$0x1], $0x80, s24, s19, $0xb8;
	[tilespmem:$0x18080] =	vst v63  }
0x3e: {  	_ = 	snop  }
0x3f: {  	[spmem:s1] =	stream.indirect.scatter.add.f32 [tilespmem:s17], [sflag:$0x1], $0x80, s25, s19, $0xb8;
	[tilespmem:$0x18080] =	vst v63  }
0x40: {  	_ = 	snop  }
0x41: {  	[spmem:s1] =	stream.indirect.scatter.add.f32 [tilespmem:s17], [sflag:$0x1], $0x80, s26, s19, $0xb8;
	[tilespmem:$0x18080] =	vst v63  }
0x42: {  	_ =	swait.ge [sflag:s28], $0x3E80  }
0x43: {  	[sflag:s28] =	ssyncset.done $0x0  }
0x44: {  	[sflag:s28] =	ssyncadd.s32 $0xFFFFC180  }
0x45: {  	_ =	swait.ge [sflag:s28], $0x3E80  }
0x46: {  	[sflag:s28] =	ssyncset.done $0x0  }
0x47: {  	[sflag:s28] =	ssyncadd.s32 $0xFFFFC180  }
0x48: {  	_ =	swait.ge [sflag:s28], $0x3E80  }
0x49: {  	[sflag:s28] =	ssyncset.done $0x0  }
0x4a: {  	[sflag:s28] =	ssyncadd.s32 $0xFFFFC180  }
0x4b: {  	_ =	swait.ge [sflag:s28], $0x3E80  }
0x4c: {  	[sflag:s28] =	ssyncset.done $0x0  }
0x4d: {  	[sflag:s28] =	ssyncadd.s32 $0xFFFFC180  }
0x4e: {  	_ =	swait.ge [sflag:s28], $0x3E80  }
0x4f: {  	[sflag:s28] =	ssyncset.done $0x0  }
0x50: {  	[sflag:s28] =	ssyncadd.s32 $0xFFFFC180  }
0x51: {  	_ =	swait.ge [sflag:s28], $0x3E80  }
0x52: {  	[sflag:s28] =	ssyncset.done $0x0  }
0x53: {  	[sflag:s28] =	ssyncadd.s32 $0xFFFFC180  }
0x54: {  	_ =	swait.ge [sflag:s28], $0x3E80  }
0x55: {  	[sflag:s28] =	ssyncset.done $0x0  }
0x56: {  	[sflag:s28] =	ssyncadd.s32 $0xFFFFC180  }
0x57: {  	_ =	swait.ge [sflag:s28], $0x3E80  }
0x58: {  	[sflag:s28] =	ssyncset.done $0x0  }
0x59: {  	[sflag:s28] =	ssyncadd.s32 $0xFFFFC180  }
0x5a: {  	s16 =	smov.u32 s14;
	s14 =	smin.u32 s2, $0x7;
	_ =	swait.ge [sflag:s29], $0x400  }
0x5b: {  	s13 =	sshll.u32 s14, $0xA;
	s11 =	rddreg [dreg:$0x4]  }
0x5c: {  	s11 =	sadd.s32 s13, s11  }
0x5d: {  	[sflag:s29] =	ssyncset.done $0x0;
	s11 =	sshrl.u32 s11, $0x3  }
0x5e: {  	[sflag:s29] =	ssyncadd.s32 $0xFFFFFC00;
	s11 =	sadd.s32 s4, s11  }
0x5f: {  	[tilespmem:s2], [sflag:$0x2] =	stream.linear.gather [hbm4b:s11+s2], $0x400, $0x38;
	[tilespmem:$0x18080] =	vst v63  }
0x60: {  	_ = 	snop  }
0x61: {  	[spmem:s1] =	stream.indirect.scatter.add.f32 [tilespmem:s17], [sflag:$0x1], $0x80, s18, s19, $0xb8;
	[tilespmem:$0x18080] =	vst v63  }
0x62: {  	_ = 	snop  }
0x63: {  	[spmem:s1] =	stream.indirect.scatter.add.f32 [tilespmem:s17], [sflag:$0x1], $0x80, s30, s19, $0xb8;
	[tilespmem:$0x18080] =	vst v63  }
0x64: {  	_ = 	snop  }
0x65: {  	[spmem:s1] =	stream.indirect.scatter.add.f32 [tilespmem:s17], [sflag:$0x1], $0x80, s31, s19, $0xb8;
	[tilespmem:$0x18080] =	vst v63  }
0x66: {  	_ = 	snop  }
0x67: {  	[spmem:s1] =	stream.indirect.scatter.add.f32 [tilespmem:s17], [sflag:$0x1], $0x80, s0, s19, $0xb8;
	[tilespmem:$0x18080] =	vst v63  }
0x68: {  	_ = 	snop  }
0x69: {  	[spmem:s1] =	stream.indirect.scatter.add.f32 [tilespmem:s17], [sflag:$0x1], $0x80, s3, s19, $0xb8;
	[tilespmem:$0x18080] =	vst v63  }
0x6a: {  	_ = 	snop  }
0x6b: {  	[spmem:s1] =	stream.indirect.scatter.add.f32 [tilespmem:s17], [sflag:$0x1], $0x80, s5, s19, $0xb8;
	[tilespmem:$0x18080] =	vst v63  }
0x6c: {  	_ = 	snop  }
0x6d: {  	[spmem:s1] =	stream.indirect.scatter.add.f32 [tilespmem:s17], [sflag:$0x1], $0x80, s6, s19, $0xb8;
	[tilespmem:$0x18080] =	vst v63  }
0x6e: {  	_ = 	snop  }
0x6f: {  	[spmem:s1] =	stream.indirect.scatter.add.f32 [tilespmem:s17], [sflag:$0x1], $0x80, s8, s19, $0xb8;
	[tilespmem:$0x18080] =	vst v63  }
0x70: {  	_ =	swait.ge [sflag:s28], $0x3E80  }
0x71: {  	[sflag:s28] =	ssyncset.done $0x0  }
0x72: {  	[sflag:s28] =	ssyncadd.s32 $0xFFFFC180  }
0x73: {  	_ =	swait.ge [sflag:s28], $0x3E80  }
0x74: {  	[sflag:s28] =	ssyncset.done $0x0  }
0x75: {  	[sflag:s28] =	ssyncadd.s32 $0xFFFFC180  }
0x76: {  	_ =	swait.ge [sflag:s28], $0x3E80  }
0x77: {  	[sflag:s28] =	ssyncset.done $0x0  }
0x78: {  	[sflag:s28] =	ssyncadd.s32 $0xFFFFC180  }
0x79: {  	_ =	swait.ge [sflag:s28], $0x3E80  }
0x7a: {  	[sflag:s28] =	ssyncset.done $0x0  }
0x7b: {  	[sflag:s28] =	ssyncadd.s32 $0xFFFFC180  }
0x7c: {  	_ =	swait.ge [sflag:s28], $0x3E80  }
0x7d: {  	[sflag:s28] =	ssyncset.done $0x0  }
0x7e: {  	[sflag:s28] =	ssyncadd.s32 $0xFFFFC180  }
0x7f: {  	_ =	swait.ge [sflag:s28], $0x3E80  }
0x80: {  	[sflag:s28] =	ssyncset.done $0x0  }
0x81: {  	[sflag:s28] =	ssyncadd.s32 $0xFFFFC180  }
0x82: {  	_ =	swait.ge [sflag:s28], $0x3E80  }
0x83: {  	[sflag:s28] =	ssyncset.done $0x0  }
0x84: {  	[sflag:s28] =	ssyncadd.s32 $0xFFFFC180  }
0x85: {  	_ =	swait.ge [sflag:s28], $0x3E80  }
0x86: {  	[sflag:s28] =	ssyncset.done $0x0  }
0x87: {  	[sflag:s28] =	ssyncadd.s32 $0xFFFFC180  }
0x88: {  	_ =	swait.ge [sflag:s9], $0x400  }
0x89: {  	s13 =	smov.u32 s12;
	s11 =	simm.s32 $0x2;
	[sflag:s9] =	ssyncset.done $0x0  }
.LBB2_2:
0x8a: {  	[sflag:s9] =	ssyncadd.s32 $0xFFFFFC00;
	s13 =	sadd.s32 $0x100, s13  }
0x8b: {  	[tilespmem:s18], [sflag:$0x3] =	stream.linear.gather [hbm4b:s13+s2], $0x400, $0x38;
	[tilespmem:$0x18080] =	vst v63  }
0x8c: {  	_ = 	snop  }
0x8d: {  	[spmem:s1] =	stream.indirect.scatter.add.f32 [tilespmem:s17], [sflag:$0x1], $0x80, s2, s19, $0xb8;
	[tilespmem:$0x18080] =	vst v63  }
0x8e: {  	_ = 	snop  }
0x8f: {  	[spmem:s1] =	stream.indirect.scatter.add.f32 [tilespmem:s17], [sflag:$0x1], $0x80, s20, s19, $0xb8;
	[tilespmem:$0x18080] =	vst v63  }
0x90: {  	_ = 	snop  }
0x91: {  	[spmem:s1] =	stream.indirect.scatter.add.f32 [tilespmem:s17], [sflag:$0x1], $0x80, s21, s19, $0xb8;
	[tilespmem:$0x18080] =	vst v63  }
0x92: {  	_ = 	snop  }
0x93: {  	[spmem:s1] =	stream.indirect.scatter.add.f32 [tilespmem:s17], [sflag:$0x1], $0x80, s22, s19, $0xb8;
	[tilespmem:$0x18080] =	vst v63  }
0x94: {  	_ = 	snop  }
0x95: {  	[spmem:s1] =	stream.indirect.scatter.add.f32 [tilespmem:s17], [sflag:$0x1], $0x80, s23, s19, $0xb8;
	[tilespmem:$0x18080] =	vst v63  }
0x96: {  	_ = 	snop  }
0x97: {  	[spmem:s1] =	stream.indirect.scatter.add.f32 [tilespmem:s17], [sflag:$0x1], $0x80, s24, s19, $0xb8;
	[tilespmem:$0x18080] =	vst v63  }
0x98: {  	_ = 	snop  }
0x99: {  	[spmem:s1] =	stream.indirect.scatter.add.f32 [tilespmem:s17], [sflag:$0x1], $0x80, s25, s19, $0xb8;
	[tilespmem:$0x18080] =	vst v63  }
0x9a: {  	_ = 	snop  }
0x9b: {  	[spmem:s1] =	stream.indirect.scatter.add.f32 [tilespmem:s17], [sflag:$0x1], $0x80, s26, s19, $0xb8;
	[tilespmem:$0x18080] =	vst v63  }
0x9c: {  	_ =	swait.ge [sflag:s28], $0x3E80  }
0x9d: {  	[sflag:s28] =	ssyncset.done $0x0  }
0x9e: {  	[sflag:s28] =	ssyncadd.s32 $0xFFFFC180  }
0x9f: {  	_ =	swait.ge [sflag:s28], $0x3E80  }
0xa0: {  	[sflag:s28] =	ssyncset.done $0x0  }
0xa1: {  	[sflag:s28] =	ssyncadd.s32 $0xFFFFC180  }
0xa2: {  	_ =	swait.ge [sflag:s28], $0x3E80  }
0xa3: {  	[sflag:s28] =	ssyncset.done $0x0  }
0xa4: {  	[sflag:s28] =	ssyncadd.s32 $0xFFFFC180  }
0xa5: {  	_ =	swait.ge [sflag:s28], $0x3E80  }
0xa6: {  	[sflag:s28] =	ssyncset.done $0x0  }
0xa7: {  	[sflag:s28] =	ssyncadd.s32 $0xFFFFC180  }
0xa8: {  	_ =	swait.ge [sflag:s28], $0x3E80  }
0xa9: {  	[sflag:s28] =	ssyncset.done $0x0  }
0xaa: {  	[sflag:s28] =	ssyncadd.s32 $0xFFFFC180  }
0xab: {  	_ =	swait.ge [sflag:s28], $0x3E80  }
0xac: {  	[sflag:s28] =	ssyncset.done $0x0  }
0xad: {  	[sflag:s28] =	ssyncadd.s32 $0xFFFFC180  }
0xae: {  	_ =	swait.ge [sflag:s28], $0x3E80  }
0xaf: {  	[sflag:s28] =	ssyncset.done $0x0  }
0xb0: {  	[sflag:s28] =	ssyncadd.s32 $0xFFFFC180  }
0xb1: {  	_ =	swait.ge [sflag:s28], $0x3E80  }
0xb2: {  	[sflag:s28] =	ssyncset.done $0x0  }
0xb3: {  	s14 =	smov.u32 s11;
	[sflag:s28] =	ssyncadd.s32 $0xFFFFC180  }
0xb4: {  	s14 =	smin.u32 s14, $0x7;
	_ =	swait.ge [sflag:s29], $0x400  }
0xb5: {  	s14 =	sshll.u32 s14, $0xA;
	s12 =	rddreg [dreg:$0x4]  }
0xb6: {  	s12 =	sadd.s32 s14, s12  }
0xb7: {  	[sflag:s29] =	ssyncset.done $0x0;
	s12 =	sshrl.u32 s12, $0x3  }
0xb8: {  	[sflag:s29] =	ssyncadd.s32 $0xFFFFFC00;
	s12 =	sadd.s32 s4, s12  }
0xb9: {  	[tilespmem:s2], [sflag:$0x2] =	stream.linear.gather [hbm4b:s12+s2], $0x400, $0x38;
	[tilespmem:$0x18080] =	vst v63  }
0xba: {  	_ = 	snop  }
0xbb: {  	[spmem:s1] =	stream.indirect.scatter.add.f32 [tilespmem:s17], [sflag:$0x1], $0x80, s18, s19, $0xb8;
	[tilespmem:$0x18080] =	vst v63  }
0xbc: {  	_ = 	snop  }
0xbd: {  	[spmem:s1] =	stream.indirect.scatter.add.f32 [tilespmem:s17], [sflag:$0x1], $0x80, s30, s19, $0xb8;
	[tilespmem:$0x18080] =	vst v63  }
0xbe: {  	_ = 	snop  }
0xbf: {  	[spmem:s1] =	stream.indirect.scatter.add.f32 [tilespmem:s17], [sflag:$0x1], $0x80, s31, s19, $0xb8;
	[tilespmem:$0x18080] =	vst v63  }
0xc0: {  	_ = 	snop  }
0xc1: {  	[spmem:s1] =	stream.indirect.scatter.add.f32 [tilespmem:s17], [sflag:$0x1], $0x80, s0, s19, $0xb8;
	[tilespmem:$0x18080] =	vst v63  }
0xc2: {  	_ = 	snop  }
0xc3: {  	[spmem:s1] =	stream.indirect.scatter.add.f32 [tilespmem:s17], [sflag:$0x1], $0x80, s3, s19, $0xb8;
	[tilespmem:$0x18080] =	vst v63  }
0xc4: {  	_ = 	snop  }
0xc5: {  	[spmem:s1] =	stream.indirect.scatter.add.f32 [tilespmem:s17], [sflag:$0x1], $0x80, s5, s19, $0xb8;
	[tilespmem:$0x18080] =	vst v63  }
0xc6: {  	_ = 	snop  }
0xc7: {  	[spmem:s1] =	stream.indirect.scatter.add.f32 [tilespmem:s17], [sflag:$0x1], $0x80, s6, s19, $0xb8;
	[tilespmem:$0x18080] =	vst v63  }
0xc8: {  	_ = 	snop  }
0xc9: {  	[spmem:s1] =	stream.indirect.scatter.add.f32 [tilespmem:s17], [sflag:$0x1], $0x80, s8, s19, $0xb8;
	[tilespmem:$0x18080] =	vst v63  }
0xca: {  	_ =	swait.ge [sflag:s28], $0x3E80  }
0xcb: {  	[sflag:s28] =	ssyncset.done $0x0  }
0xcc: {  	[sflag:s28] =	ssyncadd.s32 $0xFFFFC180  }
0xcd: {  	_ =	swait.ge [sflag:s28], $0x3E80  }
0xce: {  	[sflag:s28] =	ssyncset.done $0x0  }
0xcf: {  	[sflag:s28] =	ssyncadd.s32 $0xFFFFC180  }
0xd0: {  	_ =	swait.ge [sflag:s28], $0x3E80  }
0xd1: {  	[sflag:s28] =	ssyncset.done $0x0  }
0xd2: {  	[sflag:s28] =	ssyncadd.s32 $0xFFFFC180  }
0xd3: {  	_ =	swait.ge [sflag:s28], $0x3E80  }
0xd4: {  	[sflag:s28] =	ssyncset.done $0x0  }
0xd5: {  	[sflag:s28] =	ssyncadd.s32 $0xFFFFC180  }
0xd6: {  	_ =	swait.ge [sflag:s28], $0x3E80  }
0xd7: {  	[sflag:s28] =	ssyncset.done $0x0  }
0xd8: {  	[sflag:s28] =	ssyncadd.s32 $0xFFFFC180  }
0xd9: {  	_ =	swait.ge [sflag:s28], $0x3E80  }
0xda: {  	[sflag:s28] =	ssyncset.done $0x0  }
0xdb: {  	[sflag:s28] =	ssyncadd.s32 $0xFFFFC180  }
0xdc: {  	_ =	swait.ge [sflag:s28], $0x3E80  }
0xdd: {  	[sflag:s28] =	ssyncset.done $0x0  }
0xde: {  	p1 =	sne.s32 s11, $0x8;
	[sflag:s28] =	ssyncadd.s32 $0xFFFFC180  }
.Ltmp0:
0xdf: {  	_ =	swait.ge [sflag:s28], $0x3E80;
	(pc) =	sbr.rel @p1 .LBB2_2-.Ltmp0, $4  }
0xe0: {  	[sflag:s28] =	ssyncset.done $0x0  }
0xe1: {  	[sflag:s28] =	ssyncadd.s32 $0xFFFFC180  }
0xe2: {  	_ =	swait.ge [sflag:s9], $0x400  }
0xe3: {  	s11 =	sadd.s32 $0x2, s11;
	[sflag:s9] =	ssyncset.done $0x0  }
0xe4: {  	[sflag:s9] =	ssyncadd.s32 $0xFFFFFC00  }
0xe5: {  	[bflag:$0x0] =	sbarrier.arrive $0xFFFF  }
0xe6: {  	s11 =	rddreg [dreg:$0x9]  }
0xe7: {  	[hbm:s11], [sflag:s7] =	dma.local [spmem:s16], $0x2700  }
0xe8: {  	_ =	swait.ge [sflag:s15], $0x2700  }
0xe9: {  	[sflag:s15] =	ssyncset.done $0x0;
	s11 =	rddreg [dreg:$0xa]  }
0xea: {  	s13 =	rddreg [dreg:$0xd];
	[sflag:s15] =	ssyncadd.s32 $0xFFFFD900  }
0xeb: {  	[hbm:s11], [sflag:s7] =	dma.local @!p0 [spmem:s13], $0x100  }
0xec: {  	s11 =	simm.s32 @!p0 $0x4  }
0xed: {  	_ =	swait.ge @!p0 [sflag:s11], $0x100  }
0xee: {  	s10 =	sadd.s32 $0x1, s10;
	s12 =	rddreg [dreg:$0xb]  }
0xef: {  	p1 =	sne.s32 s10, s12  }
.Ltmp1:
0xf0: {  	_ = 	snop;
	(pc) =	sbr.rel @p1 .LBB2_1-.Ltmp1, $3  }
0xf1: {  	_ =	sdelay $0x1  }
0xf2: {  	[sflag:s11] =	ssyncset.done @!p0 $0x0  }
0xf3: {  	s14 =	smov.u32 s16;
	[sflag:s11] =	ssyncadd.s32 @!p0 $0xFFFFFF00  }
0xf4: {  	_ =	sfence.sel $0x180000  }
0xf5: {  	[bflag:$0x0] =	sbarrier.arrive $0xFFFF  }
0xf6: {  	_ =	strace $0x90000047  }
0xf7: {  	s0 =	stileid.u32;
	[bflag:$0x2] =	sbarrier.arrive $0xFFFF  }
0xf8: {  	p0 =	sne.s32 s0, $0x0;
	s0 =	rddreg [dreg:$0x3]  }
0xf9: {  	s0 =	sadd.s32 @!p0 $0x100000, s0  }
0xfa: {  	[sflag:s0] =	ssyncadd.tile.s32 @!p0 $0x1;
	_ =	shalt  }
.Lfunc_end2:
_tile_overlayer_lowered:
.L_overlay_start_2:
0xfb: {  	(tag) =	ssettag $0x2  }
0xfc: {  	s0 =	rddreg [dreg:$0x0];
	s2 =	stileid.u32  }
0xfd: {  	s1 =	rddreg [dreg:$0x1];
	p0 =	sne.s32 s2, $0x0  }
0xfe: {  	s3 =	rddreg [dreg:$0x2];
	[bflag:$0x3] =	sbarrier.arrive $0xFFFF;
	s2 =	simm.s32 @!p0 $0x1C04  }
0xff: {  	[timem:s3], [sflag:s2] =	dma.local @!p0 [hbm:s0], s1  }
0x100: {  	s0 =	simm.s32 @!p0 $0x4  }
0x101: {  	_ =	swait.ge @!p0 [sflag:s0], s1  }
0x102: {  	s1 =	ssub.s32 @!p0 $0x0, s1;
	[sflag:s0] =	ssyncset.done @!p0 $0x0  }
0x103: {  	[sflag:s0] =	ssyncadd.s32 @!p0 s1  }
0x104: {  	[bflag:$0x3] =	sbarrier.arrive $0xFFFF  }
0x105: {  	_ =	shalt  }

</sc_bundles>
